<compile_context>
chip_gen: v7x
topology: tpu7x:2x2x1
jax: 0.10.2.dev20260603
libtpu: 0.0.44.dev20260713+nightly
codegen_flags: <defaults>
</compile_context>

<pallas_src>
import functools

import jax
import jax.numpy as jnp
from jax import lax
from jax.experimental import pallas as pl
from jax.experimental.pallas import tpu as pltpu
from jax.experimental.pallas import tpu_sc as plsc

_D = 768
_GRID = 32
_LANES = 16
_NCHUNK = _D // _LANES
_NW = 32
_GROUP = 16
_TMAX = 33
_HB = 32


def _dembed_body(xP_hbm, tok_hbm, col_hbm, row_hbm, ext_hbm, out_hbm,
                 idxall_v, oidx_v, cbuf_v, rowrow_v, pos_v, rows_v,
                 gsem, ssem, csem):
    NWK, U2, HB = xP_hbm.shape
    TMAX = U2 // 2
    N = NWK * (TMAX - 1) + 1
    wid = lax.axis_index("s") * 2 + lax.axis_index("c")
    trips = jnp.where(wid == 0, TMAX, TMAX - 1)
    U = 2 * trips

    def gather_desc(u):
        s = lax.rem(u, 4)
        return pltpu.make_async_copy(
            tok_hbm.at[idxall_v.at[u]],
            rows_v.at[s], gsem.at[s])

    def scatter_descs(s):
        return [pltpu.make_async_copy(
                    rows_v.at[s, :, pl.ds(128 * c, 128)],
                    out_hbm.at[oidx_v.at[s, c]], ssem.at[s])
                for c in range(6)]

    def scatter_start(s):
        for d in scatter_descs(s):
            d.start()

    def scatter_wait(s):
        for d in scatter_descs(s):
            d.wait()

    def cidx_of(t):
        return jnp.where(wid == 0, t - 1, t)

    pltpu.sync_copy(xP_hbm.at[wid], idxall_v)
    gather_desc(0).start()
    gather_desc(1).start()
    pltpu.sync_copy(row_hbm.at[lax.rem(wid + _GRID - 1, _GRID)], rowrow_v)

    @pl.when(wid > 0)
    def _():
        pltpu.sync_copy(col_hbm.at[cidx_of(0)], cbuf_v.at[0])

    def body(u, carry):
        t, h, s = u // 2, lax.rem(u, 2), lax.rem(u, 4)
        n = wid + _NW * t
        cp = lax.rem(t, 2)

        @pl.when(u + 2 < U)
        def _():
            @pl.when(u >= 2)
            def _():
                scatter_wait(lax.rem(u + 2, 4))

            gather_desc(u + 2).start()

        gather_desc(u).wait()

        @pl.when(h == 0)
        def _():
            @pl.when(t + 1 < trips)
            def _():
                pltpu.async_copy(col_hbm.at[cidx_of(t + 1)],
                                 cbuf_v.at[1 - cp], csem.at[1 - cp])

            @pl.when(t >= 1)
            def _():
                pltpu.make_async_copy(col_hbm.at[0], cbuf_v.at[cp],
                                      csem.at[cp]).wait()

            @pl.when(n == 0)
            def _():
                pltpu.sync_copy(ext_hbm.at[0], pos_v)

            @pl.when(n > 0)
            def _():
                for j in range(_NCHUNK):
                    ds = pl.ds(_LANES * j, _LANES)
                    pos_v[ds] = cbuf_v[cp, ds] + rowrow_v[ds]

        io = lax.iota(jnp.int32, _LANES)
        hi48 = jnp.where(io >= 8, io + 40, io)
        for c in range(6):
            for k in range(_HB // _LANES):
                oidx_v[s, c, pl.ds(_LANES * k, _LANES)] = (
                    384 * n + 192 * h + 96 * k + 8 * c) + hi48

        for g in range(_NCHUNK // _GROUP):
            base = g * _GROUP * _LANES
            pvs = tuple(pos_v[pl.ds(base + _LANES * j, _LANES)]
                        for j in range(_GROUP))

            @plsc.parallel_loop(0, _HB, carry=pvs)
            def rowbody(b, pv, base=base):
                for j in range(_GROUP):
                    ds = pl.ds(base + _LANES * j, _LANES)
                    rows_v[s, b, ds] = rows_v[s, b, ds] + pv[j]
                return pv

        scatter_start(s)
        return carry

    lax.fori_loop(0, U, body, 0)

    for d in range(4):
        scatter_wait(lax.rem(U - 4 + d, 4))


def kernel(x, tok_table, col_table, row_table, ext_table):
    B, N = x.shape
    xT = x.T
    xP = jnp.concatenate(
        [xT[: _NW * (_TMAX - 1)].reshape(_TMAX - 1, _NW, B).transpose(1, 0, 2),
         jnp.broadcast_to(xT[_NW * (_TMAX - 1):], (_NW, 1, B))], axis=1)
    xP = xP.reshape(_NW, 2 * _TMAX, _HB)

    mesh = plsc.VectorSubcoreMesh(core_axis_name="c", subcore_axis_name="s")
    run = functools.partial(
        pl.kernel,
        out_type=jax.ShapeDtypeStruct((B * N * 6, 128), jnp.float32),
        mesh=mesh,
        scratch_types=[
            pltpu.VMEM((2 * _TMAX, _HB), jnp.int32),
            pltpu.VMEM((4, 6, _HB), jnp.int32),
            pltpu.VMEM((2, _D), jnp.float32),
            pltpu.VMEM((_D,), jnp.float32),
            pltpu.VMEM((_D,), jnp.float32),
            pltpu.VMEM((4, _HB, _D), jnp.float32),
            pltpu.SemaphoreType.DMA((4,)),
            pltpu.SemaphoreType.DMA((4,)),
            pltpu.SemaphoreType.DMA((2,)),
        ],
    )(_dembed_body)
    out = run(xP, tok_table, col_table, row_table, ext_table)
    out = out.reshape(N, B // 8, 6, 8, 128)
    out = out.transpose(1, 3, 0, 2, 4)
    return out.reshape(B, N, _D)

# --- scband reference (transcript-rebuilt; emitter-appended) ---
"""Pipeline reference for scband-hard2-dembedder-53369263620309 (READ-ONLY COPY).

The authoritative reference and input builder live on the scoring server;
editing this copy changes nothing except your own understanding.
"""

import jax, jax.numpy as jnp
import numpy as np

NUM_TOKEN = 8192
EMBED_DIM = 768
GRID = 32
OFFSET = 1


def setup_inputs(seed: int = 0) -> dict:
    key = jax.random.key(seed)
    k1, k2, k3, k4, k5 = jax.random.split(key, 5)
    x = jax.random.randint(k1, (64, OFFSET + GRID * GRID), 0, NUM_TOKEN, dtype=jnp.int64 if jax.config.jax_enable_x64 else jnp.int32).astype(jnp.int32)
    tok_table = jax.random.normal(k2, (NUM_TOKEN, EMBED_DIM), dtype=jnp.float32)
    col_table = jax.random.normal(k3, (GRID, EMBED_DIM), dtype=jnp.float32)
    row_table = jax.random.normal(k4, (GRID, EMBED_DIM), dtype=jnp.float32)
    ext_table = jax.random.normal(k5, (OFFSET, EMBED_DIM), dtype=jnp.float32)
    return {"x": x, "tok_table": tok_table, "col_table": col_table, "row_table": row_table, "ext_table": ext_table}


def reference(x, tok_table, col_table, row_table, ext_table):
    B, N = x.shape
    L = N - OFFSET
    H = int(L ** 0.5)
    pos_indice = jnp.arange(H)
    # col_embed(pos).unsqueeze(1): [H, 1, D]
    col = jnp.take(col_table, pos_indice, axis=0)[:, None, :]
    # row_embed(pos).unsqueeze(0): [1, H, D]
    row = jnp.take(row_table, pos_indice, axis=0)[None, :, :]
    pos = (row + col).reshape(-1, EMBED_DIM)  # [H*H, D]
    if OFFSET > 0:
        ext = jnp.take(ext_table, jnp.arange(OFFSET), axis=0)  # [OFFSET, D]
        # ext.dim() == pos.dim() (both 2), so no expand; cat along dim=-2
        pos = jnp.concatenate([ext, pos], axis=-2)  # [N, D]
    tok = jnp.take(tok_table, x, axis=0)  # [B, N, D]
    return tok + pos[None, :, :]

if __name__ == "__main__":
    import jax
    _d = setup_inputs()
    print(jax.jit(kernel)(*tuple(_d.values())))

</pallas_src>

<mosaic_0001>
#map = affine_map<(d0, d1) -> (0, 0, 0)>
#map1 = affine_map<(d0, d1) -> (0, 0)>
module attributes {stable_mosaic.version = 14 : i64} {
  func.func @_dembed_body(%arg0: i32, %arg1: i32, %arg2: memref<32x66x32xi32, #tpu.memory_space<hbm>>, %arg3: memref<8192x768xf32, #tpu.memory_space<hbm>>, %arg4: memref<32x768xf32, #tpu.memory_space<hbm>>, %arg5: memref<32x768xf32, #tpu.memory_space<hbm>>, %arg6: memref<1x768xf32, #tpu.memory_space<hbm>>, %arg7: memref<393600x128xf32, #tpu.memory_space<hbm>>, %arg8: memref<66x32xi32, #tpu.memory_space<vmem>>, %arg9: memref<4x6x32xi32, #tpu.memory_space<vmem>>, %arg10: memref<2x768xf32, #tpu.memory_space<vmem>>, %arg11: memref<768xf32, #tpu.memory_space<vmem>>, %arg12: memref<768xf32, #tpu.memory_space<vmem>>, %arg13: memref<4x32x768xf32, #tpu.memory_space<vmem>>, %arg14: memref<4x!tpu.dma_semaphore, #tpu.memory_space<semaphore_mem>>, %arg15: memref<4x!tpu.dma_semaphore, #tpu.memory_space<semaphore_mem>>, %arg16: memref<2x!tpu.dma_semaphore, #tpu.memory_space<semaphore_mem>>) attributes {dimension_semantics = [#tpu.dimension_semantics<core_parallel>, #tpu.dimension_semantics<subcore_parallel>], iteration_bounds = array<i64: 2, 16>, scalar_prefetch = 0 : i64, scratch_operands = 9 : i64, tpu.core_type = #tpu.core_type<sc_vector_subcore>, window_params = [{transform_indices = #map}, {transform_indices = #map1}, {transform_indices = #map1}, {transform_indices = #map1}, {transform_indices = #map1}, {transform_indices = #map1}]} {
    %mul3A = arith.constant 2 : i32
    %mul3A_0 = arith.muli %arg1, %mul3A : i32
    %add3A = arith.addi %mul3A_0, %arg0 : i32
    %eq3A = arith.constant 0 : i32
    %eq3A_1 = arith.cmpi eq, %add3A, %eq3A : i32
    %jit3A = arith.constant 33 : i32
    %jit3A_2 = arith.constant 32 : i32
    %select_n3A = arith.select %eq3A_1, %jit3A, %jit3A_2 : i32
    %mul3A_3 = arith.constant 2 : i32
    %mul3A_4 = arith.muli %mul3A_3, %select_n3A : i32
    "tpu.region"() ({
      %run_scoped3A = tpu.sem_alloc : memref<!tpu.dma_semaphore, #tpu.memory_space<semaphore_mem>>
      %dma_start3A_386 = arith.constant 0 : i32
      %dma_start3A_387 = arith.constant 0 : i32
      %dma_start3A_388 = tpu.memref_slice %arg2[%add3A, %dma_start3A_386, %dma_start3A_387] : memref<32x66x32xi32, #tpu.memory_space<hbm>> -> memref<1x66x32xi32, #tpu.memory_space<hbm>>
      %dma_start3A_389 = tpu.memref_squeeze %dma_start3A_388 : memref<1x66x32xi32, #tpu.memory_space<hbm>> -> memref<66x32xi32, #tpu.memory_space<hbm>>
      %dma_start3A_390 = arith.constant 0 : i32
      %dma_start3A_391 = arith.constant 0 : i32
      %dma_start3A_392 = tpu.memref_slice %arg2[%add3A, %dma_start3A_390, %dma_start3A_391] : memref<32x66x32xi32, #tpu.memory_space<hbm>> -> memref<1x66x32xi32, #tpu.memory_space<hbm>>
      %dma_start3A_393 = tpu.memref_squeeze %dma_start3A_392 : memref<1x66x32xi32, #tpu.memory_space<hbm>> -> memref<66x32xi32, #tpu.memory_space<hbm>>
      tpu.enqueue_dma source(%dma_start3A_393 : memref<66x32xi32, #tpu.memory_space<hbm>>) target(%arg8 : memref<66x32xi32, #tpu.memory_space<vmem>>) target_semaphore(%run_scoped3A : memref<!tpu.dma_semaphore, #tpu.memory_space<semaphore_mem>>)
      %dma_wait3A_394 = arith.constant 0 : i32
      %dma_wait3A_395 = arith.constant 0 : i32
      %dma_wait3A_396 = tpu.memref_slice %arg2[%add3A, %dma_wait3A_394, %dma_wait3A_395] : memref<32x66x32xi32, #tpu.memory_space<hbm>> -> memref<1x66x32xi32, #tpu.memory_space<hbm>>
      %dma_wait3A_397 = tpu.memref_squeeze %dma_wait3A_396 : memref<1x66x32xi32, #tpu.memory_space<hbm>> -> memref<66x32xi32, #tpu.memory_space<hbm>>
      %dma_wait3A_398 = arith.constant 0 : i32
      %dma_wait3A_399 = arith.constant 0 : i32
      %dma_wait3A_400 = tpu.memref_slice %arg2[%add3A, %dma_wait3A_398, %dma_wait3A_399] : memref<32x66x32xi32, #tpu.memory_space<hbm>> -> memref<1x66x32xi32, #tpu.memory_space<hbm>>
      %dma_wait3A_401 = tpu.memref_squeeze %dma_wait3A_400 : memref<1x66x32xi32, #tpu.memory_space<hbm>> -> memref<66x32xi32, #tpu.memory_space<hbm>>
      tpu.wait_dma2 semaphore(%run_scoped3A : memref<!tpu.dma_semaphore, #tpu.memory_space<semaphore_mem>>) src(%dma_wait3A_401 : memref<66x32xi32, #tpu.memory_space<hbm>>) dst(%arg8 : memref<66x32xi32, #tpu.memory_space<vmem>>)
      tpu.yield
    }) : () -> ()
    %rem3A = arith.constant 0 : i32
    %rem3A_5 = arith.constant 4 : i32
    %rem3A_6 = arith.remsi %rem3A, %rem3A_5 : i32
    %dma_start3A = arith.constant 0 : i32
    %dma_start3A_7 = arith.constant 0 : i32
    %dma_start3A_8 = arith.constant 0 : i32
    %dma_start3A_9 = tpu.memref_slice %arg13[%rem3A_6, %dma_start3A_7, %dma_start3A_8] : memref<4x32x768xf32, #tpu.memory_space<vmem>> -> memref<1x32x768xf32, #tpu.memory_space<vmem>>
    %dma_start3A_10 = tpu.memref_squeeze %dma_start3A_9 : memref<1x32x768xf32, #tpu.memory_space<vmem>> -> memref<32x768xf32, #tpu.memory_space<vmem>>
    %dma_start3A_11 = arith.constant 0 : i32
    %dma_start3A_12 = tpu.memref_slice %arg8[%dma_start3A, %dma_start3A_11] : memref<66x32xi32, #tpu.memory_space<vmem>> -> memref<1x32xi32, #tpu.memory_space<vmem>>
    %dma_start3A_13 = tpu.memref_squeeze %dma_start3A_12 : memref<1x32xi32, #tpu.memory_space<vmem>> -> memref<32xi32, #tpu.memory_space<vmem>>
    %dma_start3A_14 = arith.constant 0 : i32
    %dma_start3A_15 = arith.constant 0 : i32
    %dma_start3A_16 = tpu.memref_slice %arg3[%dma_start3A_14, %dma_start3A_15] : memref<8192x768xf32, #tpu.memory_space<hbm>> -> memref<8192x768xf32, #tpu.memory_space<hbm>>
    %dma_start3A_17 = tpu.memref_slice %arg14[%rem3A_6] : memref<4x!tpu.dma_semaphore, #tpu.memory_space<semaphore_mem>> -> memref<1x!tpu.dma_semaphore, #tpu.memory_space<semaphore_mem>>
    %dma_start3A_18 = tpu.memref_squeeze %dma_start3A_17 : memref<1x!tpu.dma_semaphore, #tpu.memory_space<semaphore_mem>> -> memref<!tpu.dma_semaphore, #tpu.memory_space<semaphore_mem>>
    tpu.enqueue_indirect_dma source(%dma_start3A_16 : memref<8192x768xf32, #tpu.memory_space<hbm>>) target(%dma_start3A_10 : memref<32x768xf32, #tpu.memory_space<vmem>>) offsets(%dma_start3A_13 : memref<32xi32, #tpu.memory_space<vmem>>) semaphore(%dma_start3A_18 : memref<!tpu.dma_semaphore, #tpu.memory_space<semaphore_mem>>)
    %rem3A_19 = arith.constant 1 : i32
    %rem3A_20 = arith.constant 4 : i32
    %rem3A_21 = arith.remsi %rem3A_19, %rem3A_20 : i32
    %dma_start3A_22 = arith.constant 1 : i32
    %dma_start3A_23 = arith.constant 0 : i32
    %dma_start3A_24 = arith.constant 0 : i32
    %dma_start3A_25 = tpu.memref_slice %arg13[%rem3A_21, %dma_start3A_23, %dma_start3A_24] : memref<4x32x768xf32, #tpu.memory_space<vmem>> -> memref<1x32x768xf32, #tpu.memory_space<vmem>>
    %dma_start3A_26 = tpu.memref_squeeze %dma_start3A_25 : memref<1x32x768xf32, #tpu.memory_space<vmem>> -> memref<32x768xf32, #tpu.memory_space<vmem>>
    %dma_start3A_27 = arith.constant 0 : i32
    %dma_start3A_28 = tpu.memref_slice %arg8[%dma_start3A_22, %dma_start3A_27] : memref<66x32xi32, #tpu.memory_space<vmem>> -> memref<1x32xi32, #tpu.memory_space<vmem>>
    %dma_start3A_29 = tpu.memref_squeeze %dma_start3A_28 : memref<1x32xi32, #tpu.memory_space<vmem>> -> memref<32xi32, #tpu.memory_space<vmem>>
    %dma_start3A_30 = arith.constant 0 : i32
    %dma_start3A_31 = arith.constant 0 : i32
    %dma_start3A_32 = tpu.memref_slice %arg3[%dma_start3A_30, %dma_start3A_31] : memref<8192x768xf32, #tpu.memory_space<hbm>> -> memref<8192x768xf32, #tpu.memory_space<hbm>>
    %dma_start3A_33 = tpu.memref_slice %arg14[%rem3A_21] : memref<4x!tpu.dma_semaphore, #tpu.memory_space<semaphore_mem>> -> memref<1x!tpu.dma_semaphore, #tpu.memory_space<semaphore_mem>>
    %dma_start3A_34 = tpu.memref_squeeze %dma_start3A_33 : memref<1x!tpu.dma_semaphore, #tpu.memory_space<semaphore_mem>> -> memref<!tpu.dma_semaphore, #tpu.memory_space<semaphore_mem>>
    tpu.enqueue_indirect_dma source(%dma_start3A_32 : memref<8192x768xf32, #tpu.memory_space<hbm>>) target(%dma_start3A_26 : memref<32x768xf32, #tpu.memory_space<vmem>>) offsets(%dma_start3A_29 : memref<32xi32, #tpu.memory_space<vmem>>) semaphore(%dma_start3A_34 : memref<!tpu.dma_semaphore, #tpu.memory_space<semaphore_mem>>)
    %add3A_35 = arith.constant 32 : i32
    %add3A_36 = arith.addi %add3A, %add3A_35 : i32
    %sub3A = arith.constant 1 : i32
    %sub3A_37 = arith.subi %add3A_36, %sub3A : i32
    %rem3A_38 = arith.constant 32 : i32
    %rem3A_39 = arith.remsi %sub3A_37, %rem3A_38 : i32
    "tpu.region"() ({
      %run_scoped3A = tpu.sem_alloc : memref<!tpu.dma_semaphore, #tpu.memory_space<semaphore_mem>>
      %dma_start3A_386 = arith.constant 0 : i32
      %dma_start3A_387 = tpu.memref_slice %arg5[%rem3A_39, %dma_start3A_386] : memref<32x768xf32, #tpu.memory_space<hbm>> -> memref<1x768xf32, #tpu.memory_space<hbm>>
      %dma_start3A_388 = tpu.memref_squeeze %dma_start3A_387 : memref<1x768xf32, #tpu.memory_space<hbm>> -> memref<768xf32, #tpu.memory_space<hbm>>
      %dma_start3A_389 = arith.constant 0 : i32
      %dma_start3A_390 = tpu.memref_slice %arg5[%rem3A_39, %dma_start3A_389] : memref<32x768xf32, #tpu.memory_space<hbm>> -> memref<1x768xf32, #tpu.memory_space<hbm>>
      %dma_start3A_391 = tpu.memref_squeeze %dma_start3A_390 : memref<1x768xf32, #tpu.memory_space<hbm>> -> memref<768xf32, #tpu.memory_space<hbm>>
      tpu.enqueue_dma source(%dma_start3A_391 : memref<768xf32, #tpu.memory_space<hbm>>) target(%arg11 : memref<768xf32, #tpu.memory_space<vmem>>) target_semaphore(%run_scoped3A : memref<!tpu.dma_semaphore, #tpu.memory_space<semaphore_mem>>)
      %dma_wait3A_392 = arith.constant 0 : i32
      %dma_wait3A_393 = tpu.memref_slice %arg5[%rem3A_39, %dma_wait3A_392] : memref<32x768xf32, #tpu.memory_space<hbm>> -> memref<1x768xf32, #tpu.memory_space<hbm>>
      %dma_wait3A_394 = tpu.memref_squeeze %dma_wait3A_393 : memref<1x768xf32, #tpu.memory_space<hbm>> -> memref<768xf32, #tpu.memory_space<hbm>>
      %dma_wait3A_395 = arith.constant 0 : i32
      %dma_wait3A_396 = tpu.memref_slice %arg5[%rem3A_39, %dma_wait3A_395] : memref<32x768xf32, #tpu.memory_space<hbm>> -> memref<1x768xf32, #tpu.memory_space<hbm>>
      %dma_wait3A_397 = tpu.memref_squeeze %dma_wait3A_396 : memref<1x768xf32, #tpu.memory_space<hbm>> -> memref<768xf32, #tpu.memory_space<hbm>>
      tpu.wait_dma2 semaphore(%run_scoped3A : memref<!tpu.dma_semaphore, #tpu.memory_space<semaphore_mem>>) src(%dma_wait3A_397 : memref<768xf32, #tpu.memory_space<hbm>>) dst(%arg11 : memref<768xf32, #tpu.memory_space<vmem>>)
      tpu.yield
    }) : () -> ()
    %gt3A = arith.constant 0 : i32
    %gt3A_40 = arith.cmpi sgt, %add3A, %gt3A : i32
    %convert_element_type3A = arith.extui %gt3A_40 : i1 to i32
    %cond3A = arith.constant 0 : i32
    %cond3A_41 = arith.cmpi ne, %convert_element_type3A, %cond3A : i32
    scf.if %cond3A_41 {
      %eq3A_386 = arith.constant 0 : i32
      %eq3A_387 = arith.cmpi eq, %add3A, %eq3A_386 : i32
      %jit3A_388 = arith.constant -1 : i32
      %jit3A_389 = arith.constant 0 : i32
      %select_n3A_390 = arith.select %eq3A_387, %jit3A_388, %jit3A_389 : i32
      %run_scoped3A = arith.constant 0 : i32
      "tpu.region"() ({
        %run_scoped3A_391 = tpu.sem_alloc : memref<!tpu.dma_semaphore, #tpu.memory_space<semaphore_mem>>
        %dma_start3A_392 = arith.constant 0 : i32
        %dma_start3A_393 = tpu.memref_slice %arg10[%run_scoped3A, %dma_start3A_392] : memref<2x768xf32, #tpu.memory_space<vmem>> -> memref<1x768xf32, #tpu.memory_space<vmem>>
        %dma_start3A_394 = tpu.memref_squeeze %dma_start3A_393 : memref<1x768xf32, #tpu.memory_space<vmem>> -> memref<768xf32, #tpu.memory_space<vmem>>
        %dma_start3A_395 = arith.constant 0 : i32
        %dma_start3A_396 = tpu.memref_slice %arg4[%select_n3A_390, %dma_start3A_395] : memref<32x768xf32, #tpu.memory_space<hbm>> -> memref<1x768xf32, #tpu.memory_space<hbm>>
        %dma_start3A_397 = tpu.memref_squeeze %dma_start3A_396 : memref<1x768xf32, #tpu.memory_space<hbm>> -> memref<768xf32, #tpu.memory_space<hbm>>
        %dma_start3A_398 = arith.constant 0 : i32
        %dma_start3A_399 = tpu.memref_slice %arg10[%run_scoped3A, %dma_start3A_398] : memref<2x768xf32, #tpu.memory_space<vmem>> -> memref<1x768xf32, #tpu.memory_space<vmem>>
        %dma_start3A_400 = tpu.memref_squeeze %dma_start3A_399 : memref<1x768xf32, #tpu.memory_space<vmem>> -> memref<768xf32, #tpu.memory_space<vmem>>
        %dma_start3A_401 = arith.constant 0 : i32
        %dma_start3A_402 = tpu.memref_slice %arg4[%select_n3A_390, %dma_start3A_401] : memref<32x768xf32, #tpu.memory_space<hbm>> -> memref<1x768xf32, #tpu.memory_space<hbm>>
        %dma_start3A_403 = tpu.memref_squeeze %dma_start3A_402 : memref<1x768xf32, #tpu.memory_space<hbm>> -> memref<768xf32, #tpu.memory_space<hbm>>
        tpu.enqueue_dma source(%dma_start3A_403 : memref<768xf32, #tpu.memory_space<hbm>>) target(%dma_start3A_400 : memref<768xf32, #tpu.memory_space<vmem>>) target_semaphore(%run_scoped3A_391 : memref<!tpu.dma_semaphore, #tpu.memory_space<semaphore_mem>>)
        %dma_wait3A_404 = arith.constant 0 : i32
        %dma_wait3A_405 = tpu.memref_slice %arg10[%run_scoped3A, %dma_wait3A_404] : memref<2x768xf32, #tpu.memory_space<vmem>> -> memref<1x768xf32, #tpu.memory_space<vmem>>
        %dma_wait3A_406 = tpu.memref_squeeze %dma_wait3A_405 : memref<1x768xf32, #tpu.memory_space<vmem>> -> memref<768xf32, #tpu.memory_space<vmem>>
        %dma_wait3A_407 = arith.constant 0 : i32
        %dma_wait3A_408 = tpu.memref_slice %arg4[%select_n3A_390, %dma_wait3A_407] : memref<32x768xf32, #tpu.memory_space<hbm>> -> memref<1x768xf32, #tpu.memory_space<hbm>>
        %dma_wait3A_409 = tpu.memref_squeeze %dma_wait3A_408 : memref<1x768xf32, #tpu.memory_space<hbm>> -> memref<768xf32, #tpu.memory_space<hbm>>
        %dma_wait3A_410 = arith.constant 0 : i32
        %dma_wait3A_411 = tpu.memref_slice %arg10[%run_scoped3A, %dma_wait3A_410] : memref<2x768xf32, #tpu.memory_space<vmem>> -> memref<1x768xf32, #tpu.memory_space<vmem>>
        %dma_wait3A_412 = tpu.memref_squeeze %dma_wait3A_411 : memref<1x768xf32, #tpu.memory_space<vmem>> -> memref<768xf32, #tpu.memory_space<vmem>>
        %dma_wait3A_413 = arith.constant 0 : i32
        %dma_wait3A_414 = tpu.memref_slice %arg4[%select_n3A_390, %dma_wait3A_413] : memref<32x768xf32, #tpu.memory_space<hbm>> -> memref<1x768xf32, #tpu.memory_space<hbm>>
        %dma_wait3A_415 = tpu.memref_squeeze %dma_wait3A_414 : memref<1x768xf32, #tpu.memory_space<hbm>> -> memref<768xf32, #tpu.memory_space<hbm>>
        tpu.wait_dma2 semaphore(%run_scoped3A_391 : memref<!tpu.dma_semaphore, #tpu.memory_space<semaphore_mem>>) src(%dma_wait3A_415 : memref<768xf32, #tpu.memory_space<hbm>>) dst(%dma_wait3A_412 : memref<768xf32, #tpu.memory_space<vmem>>)
        tpu.yield
      }) : () -> ()
    } else {
    }
    %while3A = arith.constant 0 : i32
    %while3A_42 = arith.constant 0 : i32
    %while3A_43 = arith.subi %mul3A_4, %while3A_42 : i32
    %while3A_44 = arith.addi %while3A_42, %while3A_43 : i32
    %while3A_45 = arith.constant 1 : i32
    %while3A_46 = arith.divsi %while3A_43, %while3A_45 : i32
    %while3A_47 = arith.muli %while3A_46, %while3A_45 : i32
    %while3A_48 = arith.addi %while3A_42, %while3A_47 : i32
    %while3A_49 = arith.constant 1 : i32
    scf.for %while3A_386 = %while3A_42 to %while3A_48 step %while3A_49  : i32 {
      %jit3A_387 = arith.constant 2 : i32
      %div3A = arith.divsi %while3A_386, %jit3A_387 : i32
      %sign3A = arith.constant 0 : i32
      %sign3A_388 = arith.cmpi sgt, %while3A_386, %sign3A : i32
      %sign3A_389 = arith.extui %sign3A_388 : i1 to i32
      %sign3A_390 = arith.constant 0 : i32
      %sign3A_391 = arith.cmpi slt, %while3A_386, %sign3A_390 : i32
      %sign3A_392 = arith.extui %sign3A_391 : i1 to i32
      %sign3A_393 = arith.subi %sign3A_389, %sign3A_392 : i32
      %sign3A_394 = arith.constant 0 : i32
      %sign3A_395 = arith.cmpi sgt, %jit3A_387, %sign3A_394 : i32
      %sign3A_396 = arith.extui %sign3A_395 : i1 to i32
      %sign3A_397 = arith.constant 0 : i32
      %sign3A_398 = arith.cmpi slt, %jit3A_387, %sign3A_397 : i32
      %sign3A_399 = arith.extui %sign3A_398 : i1 to i32
      %sign3A_400 = arith.subi %sign3A_396, %sign3A_399 : i32
      %ne3A = arith.cmpi ne, %sign3A_393, %sign3A_400 : i32
      %rem3A_401 = arith.remsi %while3A_386, %jit3A_387 : i32
      %ne3A_402 = arith.constant 0 : i32
      %ne3A_403 = arith.cmpi ne, %rem3A_401, %ne3A_402 : i32
      %and3A = arith.andi %ne3A, %ne3A_403 : i1
      %sub3A_404 = arith.constant 1 : i32
      %sub3A_405 = arith.subi %div3A, %sub3A_404 : i32
      %select_n3A_406 = arith.select %and3A, %sub3A_405, %div3A : i32
      %rem3A_407 = arith.constant 2 : i32
      %rem3A_408 = arith.remsi %while3A_386, %rem3A_407 : i32
      %rem3A_409 = arith.constant 4 : i32
      %rem3A_410 = arith.remsi %while3A_386, %rem3A_409 : i32
      %mul3A_411 = arith.constant 32 : i32
      %mul3A_412 = arith.muli %mul3A_411, %select_n3A_406 : i32
      %add3A_413 = arith.addi %add3A, %mul3A_412 : i32
      %rem3A_414 = arith.constant 2 : i32
      %rem3A_415 = arith.remsi %select_n3A_406, %rem3A_414 : i32
      %add3A_416 = arith.constant 2 : i32
      %add3A_417 = arith.addi %while3A_386, %add3A_416 : i32
      %lt3A = arith.cmpi slt, %add3A_417, %mul3A_4 : i32
      %convert_element_type3A_418 = arith.extui %lt3A : i1 to i32
      %cond3A_419 = arith.constant 0 : i32
      %cond3A_420 = arith.cmpi ne, %convert_element_type3A_418, %cond3A_419 : i32
      scf.if %cond3A_420 {
        %ge3A_893 = arith.constant 2 : i32
        %ge3A_894 = arith.cmpi sge, %while3A_386, %ge3A_893 : i32
        %convert_element_type3A_895 = arith.extui %ge3A_894 : i1 to i32
        %cond3A_896 = arith.constant 0 : i32
        %cond3A_897 = arith.cmpi ne, %convert_element_type3A_895, %cond3A_896 : i32
        scf.if %cond3A_897 {
          %add3A_914 = arith.constant 2 : i32
          %add3A_915 = arith.addi %while3A_386, %add3A_914 : i32
          %rem3A_916 = arith.constant 4 : i32
          %rem3A_917 = arith.remsi %add3A_915, %rem3A_916 : i32
          %dma_wait3A_918 = arith.constant 0 : i32
          %dma_wait3A_919 = arith.constant 0 : i32
          %dma_wait3A_920 = arith.constant 0 : i32
          %dma_wait3A_921 = tpu.memref_slice %arg13[%rem3A_917, %dma_wait3A_919, %dma_wait3A_920] : memref<4x32x768xf32, #tpu.memory_space<vmem>> -> memref<1x32x128xf32, #tpu.memory_space<vmem>>
          %dma_wait3A_922 = tpu.memref_squeeze %dma_wait3A_921 : memref<1x32x128xf32, #tpu.memory_space<vmem>> -> memref<32x128xf32, #tpu.memory_space<vmem>>
          %dma_wait3A_923 = arith.constant 0 : i32
          %dma_wait3A_924 = tpu.memref_slice %arg9[%rem3A_917, %dma_wait3A_918, %dma_wait3A_923] : memref<4x6x32xi32, #tpu.memory_space<vmem>> -> memref<1x1x32xi32, #tpu.memory_space<vmem>>
          %dma_wait3A_925 = tpu.memref_squeeze %dma_wait3A_924 : memref<1x1x32xi32, #tpu.memory_space<vmem>> -> memref<32xi32, #tpu.memory_space<vmem>>
          %dma_wait3A_926 = arith.constant 0 : i32
          %dma_wait3A_927 = arith.constant 0 : i32
          %dma_wait3A_928 = tpu.memref_slice %arg7[%dma_wait3A_926, %dma_wait3A_927] : memref<393600x128xf32, #tpu.memory_space<hbm>> -> memref<393600x128xf32, #tpu.memory_space<hbm>>
          %dma_wait3A_929 = tpu.memref_slice %arg15[%rem3A_917] : memref<4x!tpu.dma_semaphore, #tpu.memory_space<semaphore_mem>> -> memref<1x!tpu.dma_semaphore, #tpu.memory_space<semaphore_mem>>
          %dma_wait3A_930 = tpu.memref_squeeze %dma_wait3A_929 : memref<1x!tpu.dma_semaphore, #tpu.memory_space<semaphore_mem>> -> memref<!tpu.dma_semaphore, #tpu.memory_space<semaphore_mem>>
          tpu.wait_indirect_dma semaphore(%dma_wait3A_930 : memref<!tpu.dma_semaphore, #tpu.memory_space<semaphore_mem>>) src(%dma_wait3A_922 : memref<32x128xf32, #tpu.memory_space<vmem>>) dst(%dma_wait3A_928 : memref<393600x128xf32, #tpu.memory_space<hbm>>)
          %dma_wait3A_931 = arith.constant 1 : i32
          %dma_wait3A_932 = arith.constant 0 : i32
          %dma_wait3A_933 = arith.constant 128 : i32
          %dma_wait3A_934 = tpu.memref_slice %arg13[%rem3A_917, %dma_wait3A_932, %dma_wait3A_933] : memref<4x32x768xf32, #tpu.memory_space<vmem>> -> memref<1x32x128xf32, #tpu.memory_space<vmem>>
          %dma_wait3A_935 = tpu.memref_squeeze %dma_wait3A_934 : memref<1x32x128xf32, #tpu.memory_space<vmem>> -> memref<32x128xf32, #tpu.memory_space<vmem>>
          %dma_wait3A_936 = arith.constant 0 : i32
          %dma_wait3A_937 = tpu.memref_slice %arg9[%rem3A_917, %dma_wait3A_931, %dma_wait3A_936] : memref<4x6x32xi32, #tpu.memory_space<vmem>> -> memref<1x1x32xi32, #tpu.memory_space<vmem>>
          %dma_wait3A_938 = tpu.memref_squeeze %dma_wait3A_937 : memref<1x1x32xi32, #tpu.memory_space<vmem>> -> memref<32xi32, #tpu.memory_space<vmem>>
          %dma_wait3A_939 = arith.constant 0 : i32
          %dma_wait3A_940 = arith.constant 0 : i32
          %dma_wait3A_941 = tpu.memref_slice %arg7[%dma_wait3A_939, %dma_wait3A_940] : memref<393600x128xf32, #tpu.memory_space<hbm>> -> memref<393600x128xf32, #tpu.memory_space<hbm>>
          %dma_wait3A_942 = tpu.memref_slice %arg15[%rem3A_917] : memref<4x!tpu.dma_semaphore, #tpu.memory_space<semaphore_mem>> -> memref<1x!tpu.dma_semaphore, #tpu.memory_space<semaphore_mem>>
          %dma_wait3A_943 = tpu.memref_squeeze %dma_wait3A_942 : memref<1x!tpu.dma_semaphore, #tpu.memory_space<semaphore_mem>> -> memref<!tpu.dma_semaphore, #tpu.memory_space<semaphore_mem>>
          tpu.wait_indirect_dma semaphore(%dma_wait3A_943 : memref<!tpu.dma_semaphore, #tpu.memory_space<semaphore_mem>>) src(%dma_wait3A_935 : memref<32x128xf32, #tpu.memory_space<vmem>>) dst(%dma_wait3A_941 : memref<393600x128xf32, #tpu.memory_space<hbm>>)
          %dma_wait3A_944 = arith.constant 2 : i32
          %dma_wait3A_945 = arith.constant 0 : i32
          %dma_wait3A_946 = arith.constant 256 : i32
          %dma_wait3A_947 = tpu.memref_slice %arg13[%rem3A_917, %dma_wait3A_945, %dma_wait3A_946] : memref<4x32x768xf32, #tpu.memory_space<vmem>> -> memref<1x32x128xf32, #tpu.memory_space<vmem>>
          %dma_wait3A_948 = tpu.memref_squeeze %dma_wait3A_947 : memref<1x32x128xf32, #tpu.memory_space<vmem>> -> memref<32x128xf32, #tpu.memory_space<vmem>>
          %dma_wait3A_949 = arith.constant 0 : i32
          %dma_wait3A_950 = tpu.memref_slice %arg9[%rem3A_917, %dma_wait3A_944, %dma_wait3A_949] : memref<4x6x32xi32, #tpu.memory_space<vmem>> -> memref<1x1x32xi32, #tpu.memory_space<vmem>>
          %dma_wait3A_951 = tpu.memref_squeeze %dma_wait3A_950 : memref<1x1x32xi32, #tpu.memory_space<vmem>> -> memref<32xi32, #tpu.memory_space<vmem>>
          %dma_wait3A_952 = arith.constant 0 : i32
          %dma_wait3A_953 = arith.constant 0 : i32
          %dma_wait3A_954 = tpu.memref_slice %arg7[%dma_wait3A_952, %dma_wait3A_953] : memref<393600x128xf32, #tpu.memory_space<hbm>> -> memref<393600x128xf32, #tpu.memory_space<hbm>>
          %dma_wait3A_955 = tpu.memref_slice %arg15[%rem3A_917] : memref<4x!tpu.dma_semaphore, #tpu.memory_space<semaphore_mem>> -> memref<1x!tpu.dma_semaphore, #tpu.memory_space<semaphore_mem>>
          %dma_wait3A_956 = tpu.memref_squeeze %dma_wait3A_955 : memref<1x!tpu.dma_semaphore, #tpu.memory_space<semaphore_mem>> -> memref<!tpu.dma_semaphore, #tpu.memory_space<semaphore_mem>>
          tpu.wait_indirect_dma semaphore(%dma_wait3A_956 : memref<!tpu.dma_semaphore, #tpu.memory_space<semaphore_mem>>) src(%dma_wait3A_948 : memref<32x128xf32, #tpu.memory_space<vmem>>) dst(%dma_wait3A_954 : memref<393600x128xf32, #tpu.memory_space<hbm>>)
          %dma_wait3A_957 = arith.constant 3 : i32
          %dma_wait3A_958 = arith.constant 0 : i32
          %dma_wait3A_959 = arith.constant 384 : i32
          %dma_wait3A_960 = tpu.memref_slice %arg13[%rem3A_917, %dma_wait3A_958, %dma_wait3A_959] : memref<4x32x768xf32, #tpu.memory_space<vmem>> -> memref<1x32x128xf32, #tpu.memory_space<vmem>>
          %dma_wait3A_961 = tpu.memref_squeeze %dma_wait3A_960 : memref<1x32x128xf32, #tpu.memory_space<vmem>> -> memref<32x128xf32, #tpu.memory_space<vmem>>
          %dma_wait3A_962 = arith.constant 0 : i32
          %dma_wait3A_963 = tpu.memref_slice %arg9[%rem3A_917, %dma_wait3A_957, %dma_wait3A_962] : memref<4x6x32xi32, #tpu.memory_space<vmem>> -> memref<1x1x32xi32, #tpu.memory_space<vmem>>
          %dma_wait3A_964 = tpu.memref_squeeze %dma_wait3A_963 : memref<1x1x32xi32, #tpu.memory_space<vmem>> -> memref<32xi32, #tpu.memory_space<vmem>>
          %dma_wait3A_965 = arith.constant 0 : i32
          %dma_wait3A_966 = arith.constant 0 : i32
          %dma_wait3A_967 = tpu.memref_slice %arg7[%dma_wait3A_965, %dma_wait3A_966] : memref<393600x128xf32, #tpu.memory_space<hbm>> -> memref<393600x128xf32, #tpu.memory_space<hbm>>
          %dma_wait3A_968 = tpu.memref_slice %arg15[%rem3A_917] : memref<4x!tpu.dma_semaphore, #tpu.memory_space<semaphore_mem>> -> memref<1x!tpu.dma_semaphore, #tpu.memory_space<semaphore_mem>>
          %dma_wait3A_969 = tpu.memref_squeeze %dma_wait3A_968 : memref<1x!tpu.dma_semaphore, #tpu.memory_space<semaphore_mem>> -> memref<!tpu.dma_semaphore, #tpu.memory_space<semaphore_mem>>
          tpu.wait_indirect_dma semaphore(%dma_wait3A_969 : memref<!tpu.dma_semaphore, #tpu.memory_space<semaphore_mem>>) src(%dma_wait3A_961 : memref<32x128xf32, #tpu.memory_space<vmem>>) dst(%dma_wait3A_967 : memref<393600x128xf32, #tpu.memory_space<hbm>>)
          %dma_wait3A_970 = arith.constant 4 : i32
          %dma_wait3A_971 = arith.constant 0 : i32
          %dma_wait3A_972 = arith.constant 512 : i32
          %dma_wait3A_973 = tpu.memref_slice %arg13[%rem3A_917, %dma_wait3A_971, %dma_wait3A_972] : memref<4x32x768xf32, #tpu.memory_space<vmem>> -> memref<1x32x128xf32, #tpu.memory_space<vmem>>
          %dma_wait3A_974 = tpu.memref_squeeze %dma_wait3A_973 : memref<1x32x128xf32, #tpu.memory_space<vmem>> -> memref<32x128xf32, #tpu.memory_space<vmem>>
          %dma_wait3A_975 = arith.constant 0 : i32
          %dma_wait3A_976 = tpu.memref_slice %arg9[%rem3A_917, %dma_wait3A_970, %dma_wait3A_975] : memref<4x6x32xi32, #tpu.memory_space<vmem>> -> memref<1x1x32xi32, #tpu.memory_space<vmem>>
          %dma_wait3A_977 = tpu.memref_squeeze %dma_wait3A_976 : memref<1x1x32xi32, #tpu.memory_space<vmem>> -> memref<32xi32, #tpu.memory_space<vmem>>
          %dma_wait3A_978 = arith.constant 0 : i32
          %dma_wait3A_979 = arith.constant 0 : i32
          %dma_wait3A_980 = tpu.memref_slice %arg7[%dma_wait3A_978, %dma_wait3A_979] : memref<393600x128xf32, #tpu.memory_space<hbm>> -> memref<393600x128xf32, #tpu.memory_space<hbm>>
          %dma_wait3A_981 = tpu.memref_slice %arg15[%rem3A_917] : memref<4x!tpu.dma_semaphore, #tpu.memory_space<semaphore_mem>> -> memref<1x!tpu.dma_semaphore, #tpu.memory_space<semaphore_mem>>
          %dma_wait3A_982 = tpu.memref_squeeze %dma_wait3A_981 : memref<1x!tpu.dma_semaphore, #tpu.memory_space<semaphore_mem>> -> memref<!tpu.dma_semaphore, #tpu.memory_space<semaphore_mem>>
          tpu.wait_indirect_dma semaphore(%dma_wait3A_982 : memref<!tpu.dma_semaphore, #tpu.memory_space<semaphore_mem>>) src(%dma_wait3A_974 : memref<32x128xf32, #tpu.memory_space<vmem>>) dst(%dma_wait3A_980 : memref<393600x128xf32, #tpu.memory_space<hbm>>)
          %dma_wait3A_983 = arith.constant 5 : i32
          %dma_wait3A_984 = arith.constant 0 : i32
          %dma_wait3A_985 = arith.constant 640 : i32
          %dma_wait3A_986 = tpu.memref_slice %arg13[%rem3A_917, %dma_wait3A_984, %dma_wait3A_985] : memref<4x32x768xf32, #tpu.memory_space<vmem>> -> memref<1x32x128xf32, #tpu.memory_space<vmem>>
          %dma_wait3A_987 = tpu.memref_squeeze %dma_wait3A_986 : memref<1x32x128xf32, #tpu.memory_space<vmem>> -> memref<32x128xf32, #tpu.memory_space<vmem>>
          %dma_wait3A_988 = arith.constant 0 : i32
          %dma_wait3A_989 = tpu.memref_slice %arg9[%rem3A_917, %dma_wait3A_983, %dma_wait3A_988] : memref<4x6x32xi32, #tpu.memory_space<vmem>> -> memref<1x1x32xi32, #tpu.memory_space<vmem>>
          %dma_wait3A_990 = tpu.memref_squeeze %dma_wait3A_989 : memref<1x1x32xi32, #tpu.memory_space<vmem>> -> memref<32xi32, #tpu.memory_space<vmem>>
          %dma_wait3A_991 = arith.constant 0 : i32
          %dma_wait3A_992 = arith.constant 0 : i32
          %dma_wait3A_993 = tpu.memref_slice %arg7[%dma_wait3A_991, %dma_wait3A_992] : memref<393600x128xf32, #tpu.memory_space<hbm>> -> memref<393600x128xf32, #tpu.memory_space<hbm>>
          %dma_wait3A_994 = tpu.memref_slice %arg15[%rem3A_917] : memref<4x!tpu.dma_semaphore, #tpu.memory_space<semaphore_mem>> -> memref<1x!tpu.dma_semaphore, #tpu.memory_space<semaphore_mem>>
          %dma_wait3A_995 = tpu.memref_squeeze %dma_wait3A_994 : memref<1x!tpu.dma_semaphore, #tpu.memory_space<semaphore_mem>> -> memref<!tpu.dma_semaphore, #tpu.memory_space<semaphore_mem>>
          tpu.wait_indirect_dma semaphore(%dma_wait3A_995 : memref<!tpu.dma_semaphore, #tpu.memory_space<semaphore_mem>>) src(%dma_wait3A_987 : memref<32x128xf32, #tpu.memory_space<vmem>>) dst(%dma_wait3A_993 : memref<393600x128xf32, #tpu.memory_space<hbm>>)
        } else {
        }
        %add3A_898 = arith.constant 2 : i32
        %add3A_899 = arith.addi %while3A_386, %add3A_898 : i32
        %rem3A_900 = arith.constant 4 : i32
        %rem3A_901 = arith.remsi %add3A_899, %rem3A_900 : i32
        %dma_start3A_902 = arith.constant 0 : i32
        %dma_start3A_903 = arith.constant 0 : i32
        %dma_start3A_904 = tpu.memref_slice %arg13[%rem3A_901, %dma_start3A_902, %dma_start3A_903] : memref<4x32x768xf32, #tpu.memory_space<vmem>> -> memref<1x32x768xf32, #tpu.memory_space<vmem>>
        %dma_start3A_905 = tpu.memref_squeeze %dma_start3A_904 : memref<1x32x768xf32, #tpu.memory_space<vmem>> -> memref<32x768xf32, #tpu.memory_space<vmem>>
        %dma_start3A_906 = arith.constant 0 : i32
        %dma_start3A_907 = tpu.memref_slice %arg8[%add3A_899, %dma_start3A_906] : memref<66x32xi32, #tpu.memory_space<vmem>> -> memref<1x32xi32, #tpu.memory_space<vmem>>
        %dma_start3A_908 = tpu.memref_squeeze %dma_start3A_907 : memref<1x32xi32, #tpu.memory_space<vmem>> -> memref<32xi32, #tpu.memory_space<vmem>>
        %dma_start3A_909 = arith.constant 0 : i32
        %dma_start3A_910 = arith.constant 0 : i32
        %dma_start3A_911 = tpu.memref_slice %arg3[%dma_start3A_909, %dma_start3A_910] : memref<8192x768xf32, #tpu.memory_space<hbm>> -> memref<8192x768xf32, #tpu.memory_space<hbm>>
        %dma_start3A_912 = tpu.memref_slice %arg14[%rem3A_901] : memref<4x!tpu.dma_semaphore, #tpu.memory_space<semaphore_mem>> -> memref<1x!tpu.dma_semaphore, #tpu.memory_space<semaphore_mem>>
        %dma_start3A_913 = tpu.memref_squeeze %dma_start3A_912 : memref<1x!tpu.dma_semaphore, #tpu.memory_space<semaphore_mem>> -> memref<!tpu.dma_semaphore, #tpu.memory_space<semaphore_mem>>
        tpu.enqueue_indirect_dma source(%dma_start3A_911 : memref<8192x768xf32, #tpu.memory_space<hbm>>) target(%dma_start3A_905 : memref<32x768xf32, #tpu.memory_space<vmem>>) offsets(%dma_start3A_908 : memref<32xi32, #tpu.memory_space<vmem>>) semaphore(%dma_start3A_913 : memref<!tpu.dma_semaphore, #tpu.memory_space<semaphore_mem>>)
      } else {
      }
      %rem3A_421 = arith.constant 4 : i32
      %rem3A_422 = arith.remsi %while3A_386, %rem3A_421 : i32
      %dma_wait3A_423 = arith.constant 0 : i32
      %dma_wait3A_424 = arith.constant 0 : i32
      %dma_wait3A_425 = tpu.memref_slice %arg13[%rem3A_422, %dma_wait3A_423, %dma_wait3A_424] : memref<4x32x768xf32, #tpu.memory_space<vmem>> -> memref<1x32x768xf32, #tpu.memory_space<vmem>>
      %dma_wait3A_426 = tpu.memref_squeeze %dma_wait3A_425 : memref<1x32x768xf32, #tpu.memory_space<vmem>> -> memref<32x768xf32, #tpu.memory_space<vmem>>
      %dma_wait3A_427 = arith.constant 0 : i32
      %dma_wait3A_428 = tpu.memref_slice %arg8[%while3A_386, %dma_wait3A_427] : memref<66x32xi32, #tpu.memory_space<vmem>> -> memref<1x32xi32, #tpu.memory_space<vmem>>
      %dma_wait3A_429 = tpu.memref_squeeze %dma_wait3A_428 : memref<1x32xi32, #tpu.memory_space<vmem>> -> memref<32xi32, #tpu.memory_space<vmem>>
      %dma_wait3A_430 = arith.constant 0 : i32
      %dma_wait3A_431 = arith.constant 0 : i32
      %dma_wait3A_432 = tpu.memref_slice %arg3[%dma_wait3A_430, %dma_wait3A_431] : memref<8192x768xf32, #tpu.memory_space<hbm>> -> memref<8192x768xf32, #tpu.memory_space<hbm>>
      %dma_wait3A_433 = tpu.memref_slice %arg14[%rem3A_422] : memref<4x!tpu.dma_semaphore, #tpu.memory_space<semaphore_mem>> -> memref<1x!tpu.dma_semaphore, #tpu.memory_space<semaphore_mem>>
      %dma_wait3A_434 = tpu.memref_squeeze %dma_wait3A_433 : memref<1x!tpu.dma_semaphore, #tpu.memory_space<semaphore_mem>> -> memref<!tpu.dma_semaphore, #tpu.memory_space<semaphore_mem>>
      tpu.wait_indirect_dma semaphore(%dma_wait3A_434 : memref<!tpu.dma_semaphore, #tpu.memory_space<semaphore_mem>>) src(%dma_wait3A_432 : memref<8192x768xf32, #tpu.memory_space<hbm>>) dst(%dma_wait3A_426 : memref<32x768xf32, #tpu.memory_space<vmem>>)
      %eq3A_435 = arith.constant 0 : i32
      %eq3A_436 = arith.cmpi eq, %rem3A_408, %eq3A_435 : i32
      %convert_element_type3A_437 = arith.extui %eq3A_436 : i1 to i32
      %cond3A_438 = arith.constant 0 : i32
      %cond3A_439 = arith.cmpi ne, %convert_element_type3A_437, %cond3A_438 : i32
      scf.if %cond3A_439 {
        %add3A_893 = arith.constant 1 : i32
        %add3A_894 = arith.addi %select_n3A_406, %add3A_893 : i32
        %lt3A_895 = arith.cmpi slt, %add3A_894, %select_n3A : i32
        %convert_element_type3A_896 = arith.extui %lt3A_895 : i1 to i32
        %cond3A_897 = arith.constant 0 : i32
        %cond3A_898 = arith.cmpi ne, %convert_element_type3A_896, %cond3A_897 : i32
        scf.if %cond3A_898 {
          %add3A_914 = arith.constant 1 : i32
          %add3A_915 = arith.addi %select_n3A_406, %add3A_914 : i32
          %eq3A_916 = arith.constant 0 : i32
          %eq3A_917 = arith.cmpi eq, %add3A, %eq3A_916 : i32
          %sub3A_918 = arith.constant 1 : i32
          %sub3A_919 = arith.subi %add3A_915, %sub3A_918 : i32
          %select_n3A_920 = arith.select %eq3A_917, %sub3A_919, %add3A_915 : i32
          %sub3A_921 = arith.constant 1 : i32
          %sub3A_922 = arith.subi %sub3A_921, %rem3A_415 : i32
          %sub3A_923 = arith.constant 1 : i32
          %sub3A_924 = arith.subi %sub3A_923, %rem3A_415 : i32
          %dma_start3A_925 = arith.constant 0 : i32
          %dma_start3A_926 = tpu.memref_slice %arg10[%sub3A_922, %dma_start3A_925] : memref<2x768xf32, #tpu.memory_space<vmem>> -> memref<1x768xf32, #tpu.memory_space<vmem>>
          %dma_start3A_927 = tpu.memref_squeeze %dma_start3A_926 : memref<1x768xf32, #tpu.memory_space<vmem>> -> memref<768xf32, #tpu.memory_space<vmem>>
          %dma_start3A_928 = arith.constant 0 : i32
          %dma_start3A_929 = tpu.memref_slice %arg4[%select_n3A_920, %dma_start3A_928] : memref<32x768xf32, #tpu.memory_space<hbm>> -> memref<1x768xf32, #tpu.memory_space<hbm>>
          %dma_start3A_930 = tpu.memref_squeeze %dma_start3A_929 : memref<1x768xf32, #tpu.memory_space<hbm>> -> memref<768xf32, #tpu.memory_space<hbm>>
          %dma_start3A_931 = tpu.memref_slice %arg16[%sub3A_924] : memref<2x!tpu.dma_semaphore, #tpu.memory_space<semaphore_mem>> -> memref<1x!tpu.dma_semaphore, #tpu.memory_space<semaphore_mem>>
          %dma_start3A_932 = tpu.memref_squeeze %dma_start3A_931 : memref<1x!tpu.dma_semaphore, #tpu.memory_space<semaphore_mem>> -> memref<!tpu.dma_semaphore, #tpu.memory_space<semaphore_mem>>
          %dma_start3A_933 = arith.constant 0 : i32
          %dma_start3A_934 = tpu.memref_slice %arg10[%sub3A_922, %dma_start3A_933] : memref<2x768xf32, #tpu.memory_space<vmem>> -> memref<1x768xf32, #tpu.memory_space<vmem>>
          %dma_start3A_935 = tpu.memref_squeeze %dma_start3A_934 : memref<1x768xf32, #tpu.memory_space<vmem>> -> memref<768xf32, #tpu.memory_space<vmem>>
          %dma_start3A_936 = arith.constant 0 : i32
          %dma_start3A_937 = tpu.memref_slice %arg4[%select_n3A_920, %dma_start3A_936] : memref<32x768xf32, #tpu.memory_space<hbm>> -> memref<1x768xf32, #tpu.memory_space<hbm>>
          %dma_start3A_938 = tpu.memref_squeeze %dma_start3A_937 : memref<1x768xf32, #tpu.memory_space<hbm>> -> memref<768xf32, #tpu.memory_space<hbm>>
          tpu.enqueue_dma source(%dma_start3A_938 : memref<768xf32, #tpu.memory_space<hbm>>) target(%dma_start3A_935 : memref<768xf32, #tpu.memory_space<vmem>>) target_semaphore(%dma_start3A_932 : memref<!tpu.dma_semaphore, #tpu.memory_space<semaphore_mem>>)
        } else {
        }
        %ge3A_899 = arith.constant 1 : i32
        %ge3A_900 = arith.cmpi sge, %select_n3A_406, %ge3A_899 : i32
        %convert_element_type3A_901 = arith.extui %ge3A_900 : i1 to i32
        %cond3A_902 = arith.constant 0 : i32
        %cond3A_903 = arith.cmpi ne, %convert_element_type3A_901, %cond3A_902 : i32
        scf.if %cond3A_903 {
          %dma_wait3A_914 = arith.constant 0 : i32
          %dma_wait3A_915 = arith.constant 0 : i32
          %dma_wait3A_916 = tpu.memref_slice %arg10[%rem3A_415, %dma_wait3A_915] : memref<2x768xf32, #tpu.memory_space<vmem>> -> memref<1x768xf32, #tpu.memory_space<vmem>>
          %dma_wait3A_917 = tpu.memref_squeeze %dma_wait3A_916 : memref<1x768xf32, #tpu.memory_space<vmem>> -> memref<768xf32, #tpu.memory_space<vmem>>
          %dma_wait3A_918 = arith.constant 0 : i32
          %dma_wait3A_919 = tpu.memref_slice %arg4[%dma_wait3A_914, %dma_wait3A_918] : memref<32x768xf32, #tpu.memory_space<hbm>> -> memref<1x768xf32, #tpu.memory_space<hbm>>
          %dma_wait3A_920 = tpu.memref_squeeze %dma_wait3A_919 : memref<1x768xf32, #tpu.memory_space<hbm>> -> memref<768xf32, #tpu.memory_space<hbm>>
          %dma_wait3A_921 = tpu.memref_slice %arg16[%rem3A_415] : memref<2x!tpu.dma_semaphore, #tpu.memory_space<semaphore_mem>> -> memref<1x!tpu.dma_semaphore, #tpu.memory_space<semaphore_mem>>
          %dma_wait3A_922 = tpu.memref_squeeze %dma_wait3A_921 : memref<1x!tpu.dma_semaphore, #tpu.memory_space<semaphore_mem>> -> memref<!tpu.dma_semaphore, #tpu.memory_space<semaphore_mem>>
          %dma_wait3A_923 = arith.constant 0 : i32
          %dma_wait3A_924 = tpu.memref_slice %arg10[%rem3A_415, %dma_wait3A_923] : memref<2x768xf32, #tpu.memory_space<vmem>> -> memref<1x768xf32, #tpu.memory_space<vmem>>
          %dma_wait3A_925 = tpu.memref_squeeze %dma_wait3A_924 : memref<1x768xf32, #tpu.memory_space<vmem>> -> memref<768xf32, #tpu.memory_space<vmem>>
          %dma_wait3A_926 = arith.constant 0 : i32
          %dma_wait3A_927 = tpu.memref_slice %arg4[%dma_wait3A_914, %dma_wait3A_926] : memref<32x768xf32, #tpu.memory_space<hbm>> -> memref<1x768xf32, #tpu.memory_space<hbm>>
          %dma_wait3A_928 = tpu.memref_squeeze %dma_wait3A_927 : memref<1x768xf32, #tpu.memory_space<hbm>> -> memref<768xf32, #tpu.memory_space<hbm>>
          tpu.wait_dma2 semaphore(%dma_wait3A_922 : memref<!tpu.dma_semaphore, #tpu.memory_space<semaphore_mem>>) src(%dma_wait3A_928 : memref<768xf32, #tpu.memory_space<hbm>>) dst(%dma_wait3A_925 : memref<768xf32, #tpu.memory_space<vmem>>)
        } else {
        }
        %eq3A_904 = arith.constant 0 : i32
        %eq3A_905 = arith.cmpi eq, %add3A_413, %eq3A_904 : i32
        %convert_element_type3A_906 = arith.extui %eq3A_905 : i1 to i32
        %cond3A_907 = arith.constant 0 : i32
        %cond3A_908 = arith.cmpi ne, %convert_element_type3A_906, %cond3A_907 : i32
        scf.if %cond3A_908 {
          %run_scoped3A = arith.constant 0 : i32
          "tpu.region"() ({
            %run_scoped3A_914 = tpu.sem_alloc : memref<!tpu.dma_semaphore, #tpu.memory_space<semaphore_mem>>
            %dma_start3A_915 = arith.constant 0 : i32
            %dma_start3A_916 = tpu.memref_slice %arg6[%run_scoped3A, %dma_start3A_915] : memref<1x768xf32, #tpu.memory_space<hbm>> -> memref<1x768xf32, #tpu.memory_space<hbm>>
            %dma_start3A_917 = tpu.memref_squeeze %dma_start3A_916 : memref<1x768xf32, #tpu.memory_space<hbm>> -> memref<768xf32, #tpu.memory_space<hbm>>
            %dma_start3A_918 = arith.constant 0 : i32
            %dma_start3A_919 = tpu.memref_slice %arg6[%run_scoped3A, %dma_start3A_918] : memref<1x768xf32, #tpu.memory_space<hbm>> -> memref<1x768xf32, #tpu.memory_space<hbm>>
            %dma_start3A_920 = tpu.memref_squeeze %dma_start3A_919 : memref<1x768xf32, #tpu.memory_space<hbm>> -> memref<768xf32, #tpu.memory_space<hbm>>
            tpu.enqueue_dma source(%dma_start3A_920 : memref<768xf32, #tpu.memory_space<hbm>>) target(%arg12 : memref<768xf32, #tpu.memory_space<vmem>>) target_semaphore(%run_scoped3A_914 : memref<!tpu.dma_semaphore, #tpu.memory_space<semaphore_mem>>)
            %dma_wait3A_921 = arith.constant 0 : i32
            %dma_wait3A_922 = tpu.memref_slice %arg6[%run_scoped3A, %dma_wait3A_921] : memref<1x768xf32, #tpu.memory_space<hbm>> -> memref<1x768xf32, #tpu.memory_space<hbm>>
            %dma_wait3A_923 = tpu.memref_squeeze %dma_wait3A_922 : memref<1x768xf32, #tpu.memory_space<hbm>> -> memref<768xf32, #tpu.memory_space<hbm>>
            %dma_wait3A_924 = arith.constant 0 : i32
            %dma_wait3A_925 = tpu.memref_slice %arg6[%run_scoped3A, %dma_wait3A_924] : memref<1x768xf32, #tpu.memory_space<hbm>> -> memref<1x768xf32, #tpu.memory_space<hbm>>
            %dma_wait3A_926 = tpu.memref_squeeze %dma_wait3A_925 : memref<1x768xf32, #tpu.memory_space<hbm>> -> memref<768xf32, #tpu.memory_space<hbm>>
            tpu.wait_dma2 semaphore(%run_scoped3A_914 : memref<!tpu.dma_semaphore, #tpu.memory_space<semaphore_mem>>) src(%dma_wait3A_926 : memref<768xf32, #tpu.memory_space<hbm>>) dst(%arg12 : memref<768xf32, #tpu.memory_space<vmem>>)
            tpu.yield
          }) : () -> ()
        } else {
        }
        %gt3A_909 = arith.constant 0 : i32
        %gt3A_910 = arith.cmpi sgt, %add3A_413, %gt3A_909 : i32
        %convert_element_type3A_911 = arith.extui %gt3A_910 : i1 to i32
        %cond3A_912 = arith.constant 0 : i32
        %cond3A_913 = arith.cmpi ne, %convert_element_type3A_911, %cond3A_912 : i32
        scf.if %cond3A_913 {
          %get3A_914 = arith.index_cast %rem3A_415 : i32 to index
          %get3A_915 = arith.constant 0 : index
          %get3A_916 = tpu.vector_load %arg10[%get3A_914, %get3A_915] {strides = array<i32>} : memref<2x768xf32, #tpu.memory_space<vmem>>, vector<1x16xf32>,
          %get3A_917 = vector.shape_cast %get3A_916 : vector<1x16xf32> to vector<16xf32>
          %get3A_918 = arith.constant 0 : index
          %get3A_919 = tpu.vector_load %arg11[%get3A_918] {strides = array<i32>} : memref<768xf32, #tpu.memory_space<vmem>>, vector<16xf32>,
          %get3A_920 = vector.shape_cast %get3A_919 : vector<16xf32> to vector<16xf32>
          %add3A_921 = arith.addf %get3A_917, %get3A_920 : vector<16xf32>
          %swap3A_922 = arith.constant 0 : index
          %swap3A_923 = tpu.vector_load %arg12[%swap3A_922] {strides = array<i32>} : memref<768xf32, #tpu.memory_space<vmem>>, vector<16xf32>,
          %swap3A_924 = vector.shape_cast %swap3A_923 : vector<16xf32> to vector<16xf32>
          %swap3A_925 = vector.shape_cast %add3A_921 : vector<16xf32> to vector<16xf32>
          tpu.vector_store %arg12[%swap3A_922], %swap3A_925 {strides = array<i32>} : memref<768xf32, #tpu.memory_space<vmem>>, vector<16xf32>,
          %get3A_926 = arith.index_cast %rem3A_415 : i32 to index
          %get3A_927 = arith.constant 16 : index
          %get3A_928 = tpu.vector_load %arg10[%get3A_926, %get3A_927] {strides = array<i32>} : memref<2x768xf32, #tpu.memory_space<vmem>>, vector<1x16xf32>,
          %get3A_929 = vector.shape_cast %get3A_928 : vector<1x16xf32> to vector<16xf32>
          %get3A_930 = arith.constant 16 : index
          %get3A_931 = tpu.vector_load %arg11[%get3A_930] {strides = array<i32>} : memref<768xf32, #tpu.memory_space<vmem>>, vector<16xf32>,
          %get3A_932 = vector.shape_cast %get3A_931 : vector<16xf32> to vector<16xf32>
          %add3A_933 = arith.addf %get3A_929, %get3A_932 : vector<16xf32>
          %swap3A_934 = arith.constant 16 : index
          %swap3A_935 = tpu.vector_load %arg12[%swap3A_934] {strides = array<i32>} : memref<768xf32, #tpu.memory_space<vmem>>, vector<16xf32>,
          %swap3A_936 = vector.shape_cast %swap3A_935 : vector<16xf32> to vector<16xf32>
          %swap3A_937 = vector.shape_cast %add3A_933 : vector<16xf32> to vector<16xf32>
          tpu.vector_store %arg12[%swap3A_934], %swap3A_937 {strides = array<i32>} : memref<768xf32, #tpu.memory_space<vmem>>, vector<16xf32>,
          %get3A_938 = arith.index_cast %rem3A_415 : i32 to index
          %get3A_939 = arith.constant 32 : index
          %get3A_940 = tpu.vector_load %arg10[%get3A_938, %get3A_939] {strides = array<i32>} : memref<2x768xf32, #tpu.memory_space<vmem>>, vector<1x16xf32>,
          %get3A_941 = vector.shape_cast %get3A_940 : vector<1x16xf32> to vector<16xf32>
          %get3A_942 = arith.constant 32 : index
          %get3A_943 = tpu.vector_load %arg11[%get3A_942] {strides = array<i32>} : memref<768xf32, #tpu.memory_space<vmem>>, vector<16xf32>,
          %get3A_944 = vector.shape_cast %get3A_943 : vector<16xf32> to vector<16xf32>
          %add3A_945 = arith.addf %get3A_941, %get3A_944 : vector<16xf32>
          %swap3A_946 = arith.constant 32 : index
          %swap3A_947 = tpu.vector_load %arg12[%swap3A_946] {strides = array<i32>} : memref<768xf32, #tpu.memory_space<vmem>>, vector<16xf32>,
          %swap3A_948 = vector.shape_cast %swap3A_947 : vector<16xf32> to vector<16xf32>
          %swap3A_949 = vector.shape_cast %add3A_945 : vector<16xf32> to vector<16xf32>
          tpu.vector_store %arg12[%swap3A_946], %swap3A_949 {strides = array<i32>} : memref<768xf32, #tpu.memory_space<vmem>>, vector<16xf32>,
          %get3A_950 = arith.index_cast %rem3A_415 : i32 to index
          %get3A_951 = arith.constant 48 : index
          %get3A_952 = tpu.vector_load %arg10[%get3A_950, %get3A_951] {strides = array<i32>} : memref<2x768xf32, #tpu.memory_space<vmem>>, vector<1x16xf32>,
          %get3A_953 = vector.shape_cast %get3A_952 : vector<1x16xf32> to vector<16xf32>
          %get3A_954 = arith.constant 48 : index
          %get3A_955 = tpu.vector_load %arg11[%get3A_954] {strides = array<i32>} : memref<768xf32, #tpu.memory_space<vmem>>, vector<16xf32>,
          %get3A_956 = vector.shape_cast %get3A_955 : vector<16xf32> to vector<16xf32>
          %add3A_957 = arith.addf %get3A_953, %get3A_956 : vector<16xf32>
          %swap3A_958 = arith.constant 48 : index
          %swap3A_959 = tpu.vector_load %arg12[%swap3A_958] {strides = array<i32>} : memref<768xf32, #tpu.memory_space<vmem>>, vector<16xf32>,
          %swap3A_960 = vector.shape_cast %swap3A_959 : vector<16xf32> to vector<16xf32>
          %swap3A_961 = vector.shape_cast %add3A_957 : vector<16xf32> to vector<16xf32>
          tpu.vector_store %arg12[%swap3A_958], %swap3A_961 {strides = array<i32>} : memref<768xf32, #tpu.memory_space<vmem>>, vector<16xf32>,
          %get3A_962 = arith.index_cast %rem3A_415 : i32 to index
          %get3A_963 = arith.constant 64 : index
          %get3A_964 = tpu.vector_load %arg10[%get3A_962, %get3A_963] {strides = array<i32>} : memref<2x768xf32, #tpu.memory_space<vmem>>, vector<1x16xf32>,
          %get3A_965 = vector.shape_cast %get3A_964 : vector<1x16xf32> to vector<16xf32>
          %get3A_966 = arith.constant 64 : index
          %get3A_967 = tpu.vector_load %arg11[%get3A_966] {strides = array<i32>} : memref<768xf32, #tpu.memory_space<vmem>>, vector<16xf32>,
          %get3A_968 = vector.shape_cast %get3A_967 : vector<16xf32> to vector<16xf32>
          %add3A_969 = arith.addf %get3A_965, %get3A_968 : vector<16xf32>
          %swap3A_970 = arith.constant 64 : index
          %swap3A_971 = tpu.vector_load %arg12[%swap3A_970] {strides = array<i32>} : memref<768xf32, #tpu.memory_space<vmem>>, vector<16xf32>,
          %swap3A_972 = vector.shape_cast %swap3A_971 : vector<16xf32> to vector<16xf32>
          %swap3A_973 = vector.shape_cast %add3A_969 : vector<16xf32> to vector<16xf32>
          tpu.vector_store %arg12[%swap3A_970], %swap3A_973 {strides = array<i32>} : memref<768xf32, #tpu.memory_space<vmem>>, vector<16xf32>,
          %get3A_974 = arith.index_cast %rem3A_415 : i32 to index
          %get3A_975 = arith.constant 80 : index
          %get3A_976 = tpu.vector_load %arg10[%get3A_974, %get3A_975] {strides = array<i32>} : memref<2x768xf32, #tpu.memory_space<vmem>>, vector<1x16xf32>,
          %get3A_977 = vector.shape_cast %get3A_976 : vector<1x16xf32> to vector<16xf32>
          %get3A_978 = arith.constant 80 : index
          %get3A_979 = tpu.vector_load %arg11[%get3A_978] {strides = array<i32>} : memref<768xf32, #tpu.memory_space<vmem>>, vector<16xf32>,
          %get3A_980 = vector.shape_cast %get3A_979 : vector<16xf32> to vector<16xf32>
          %add3A_981 = arith.addf %get3A_977, %get3A_980 : vector<16xf32>
          %swap3A_982 = arith.constant 80 : index
          %swap3A_983 = tpu.vector_load %arg12[%swap3A_982] {strides = array<i32>} : memref<768xf32, #tpu.memory_space<vmem>>, vector<16xf32>,
          %swap3A_984 = vector.shape_cast %swap3A_983 : vector<16xf32> to vector<16xf32>
          %swap3A_985 = vector.shape_cast %add3A_981 : vector<16xf32> to vector<16xf32>
          tpu.vector_store %arg12[%swap3A_982], %swap3A_985 {strides = array<i32>} : memref<768xf32, #tpu.memory_space<vmem>>, vector<16xf32>,
          %get3A_986 = arith.index_cast %rem3A_415 : i32 to index
          %get3A_987 = arith.constant 96 : index
          %get3A_988 = tpu.vector_load %arg10[%get3A_986, %get3A_987] {strides = array<i32>} : memref<2x768xf32, #tpu.memory_space<vmem>>, vector<1x16xf32>,
          %get3A_989 = vector.shape_cast %get3A_988 : vector<1x16xf32> to vector<16xf32>
          %get3A_990 = arith.constant 96 : index
          %get3A_991 = tpu.vector_load %arg11[%get3A_990] {strides = array<i32>} : memref<768xf32, #tpu.memory_space<vmem>>, vector<16xf32>,
          %get3A_992 = vector.shape_cast %get3A_991 : vector<16xf32> to vector<16xf32>
          %add3A_993 = arith.addf %get3A_989, %get3A_992 : vector<16xf32>
          %swap3A_994 = arith.constant 96 : index
          %swap3A_995 = tpu.vector_load %arg12[%swap3A_994] {strides = array<i32>} : memref<768xf32, #tpu.memory_space<vmem>>, vector<16xf32>,
          %swap3A_996 = vector.shape_cast %swap3A_995 : vector<16xf32> to vector<16xf32>
          %swap3A_997 = vector.shape_cast %add3A_993 : vector<16xf32> to vector<16xf32>
          tpu.vector_store %arg12[%swap3A_994], %swap3A_997 {strides = array<i32>} : memref<768xf32, #tpu.memory_space<vmem>>, vector<16xf32>,
          %get3A_998 = arith.index_cast %rem3A_415 : i32 to index
          %get3A_999 = arith.constant 112 : index
          %get3A_1000 = tpu.vector_load %arg10[%get3A_998, %get3A_999] {strides = array<i32>} : memref<2x768xf32, #tpu.memory_space<vmem>>, vector<1x16xf32>,
          %get3A_1001 = vector.shape_cast %get3A_1000 : vector<1x16xf32> to vector<16xf32>
          %get3A_1002 = arith.constant 112 : index
          %get3A_1003 = tpu.vector_load %arg11[%get3A_1002] {strides = array<i32>} : memref<768xf32, #tpu.memory_space<vmem>>, vector<16xf32>,
          %get3A_1004 = vector.shape_cast %get3A_1003 : vector<16xf32> to vector<16xf32>
          %add3A_1005 = arith.addf %get3A_1001, %get3A_1004 : vector<16xf32>
          %swap3A_1006 = arith.constant 112 : index
          %swap3A_1007 = tpu.vector_load %arg12[%swap3A_1006] {strides = array<i32>} : memref<768xf32, #tpu.memory_space<vmem>>, vector<16xf32>,
          %swap3A_1008 = vector.shape_cast %swap3A_1007 : vector<16xf32> to vector<16xf32>
          %swap3A_1009 = vector.shape_cast %add3A_1005 : vector<16xf32> to vector<16xf32>
          tpu.vector_store %arg12[%swap3A_1006], %swap3A_1009 {strides = array<i32>} : memref<768xf32, #tpu.memory_space<vmem>>, vector<16xf32>,
          %get3A_1010 = arith.index_cast %rem3A_415 : i32 to index
          %get3A_1011 = arith.constant 128 : index
          %get3A_1012 = tpu.vector_load %arg10[%get3A_1010, %get3A_1011] {strides = array<i32>} : memref<2x768xf32, #tpu.memory_space<vmem>>, vector<1x16xf32>,
          %get3A_1013 = vector.shape_cast %get3A_1012 : vector<1x16xf32> to vector<16xf32>
          %get3A_1014 = arith.constant 128 : index
          %get3A_1015 = tpu.vector_load %arg11[%get3A_1014] {strides = array<i32>} : memref<768xf32, #tpu.memory_space<vmem>>, vector<16xf32>,
          %get3A_1016 = vector.shape_cast %get3A_1015 : vector<16xf32> to vector<16xf32>
          %add3A_1017 = arith.addf %get3A_1013, %get3A_1016 : vector<16xf32>
          %swap3A_1018 = arith.constant 128 : index
          %swap3A_1019 = tpu.vector_load %arg12[%swap3A_1018] {strides = array<i32>} : memref<768xf32, #tpu.memory_space<vmem>>, vector<16xf32>,
          %swap3A_1020 = vector.shape_cast %swap3A_1019 : vector<16xf32> to vector<16xf32>
          %swap3A_1021 = vector.shape_cast %add3A_1017 : vector<16xf32> to vector<16xf32>
          tpu.vector_store %arg12[%swap3A_1018], %swap3A_1021 {strides = array<i32>} : memref<768xf32, #tpu.memory_space<vmem>>, vector<16xf32>,
          %get3A_1022 = arith.index_cast %rem3A_415 : i32 to index
          %get3A_1023 = arith.constant 144 : index
          %get3A_1024 = tpu.vector_load %arg10[%get3A_1022, %get3A_1023] {strides = array<i32>} : memref<2x768xf32, #tpu.memory_space<vmem>>, vector<1x16xf32>,
          %get3A_1025 = vector.shape_cast %get3A_1024 : vector<1x16xf32> to vector<16xf32>
          %get3A_1026 = arith.constant 144 : index
          %get3A_1027 = tpu.vector_load %arg11[%get3A_1026] {strides = array<i32>} : memref<768xf32, #tpu.memory_space<vmem>>, vector<16xf32>,
          %get3A_1028 = vector.shape_cast %get3A_1027 : vector<16xf32> to vector<16xf32>
          %add3A_1029 = arith.addf %get3A_1025, %get3A_1028 : vector<16xf32>
          %swap3A_1030 = arith.constant 144 : index
          %swap3A_1031 = tpu.vector_load %arg12[%swap3A_1030] {strides = array<i32>} : memref<768xf32, #tpu.memory_space<vmem>>, vector<16xf32>,
          %swap3A_1032 = vector.shape_cast %swap3A_1031 : vector<16xf32> to vector<16xf32>
          %swap3A_1033 = vector.shape_cast %add3A_1029 : vector<16xf32> to vector<16xf32>
          tpu.vector_store %arg12[%swap3A_1030], %swap3A_1033 {strides = array<i32>} : memref<768xf32, #tpu.memory_space<vmem>>, vector<16xf32>,
          %get3A_1034 = arith.index_cast %rem3A_415 : i32 to index
          %get3A_1035 = arith.constant 160 : index
          %get3A_1036 = tpu.vector_load %arg10[%get3A_1034, %get3A_1035] {strides = array<i32>} : memref<2x768xf32, #tpu.memory_space<vmem>>, vector<1x16xf32>,
          %get3A_1037 = vector.shape_cast %get3A_1036 : vector<1x16xf32> to vector<16xf32>
          %get3A_1038 = arith.constant 160 : index
          %get3A_1039 = tpu.vector_load %arg11[%get3A_1038] {strides = array<i32>} : memref<768xf32, #tpu.memory_space<vmem>>, vector<16xf32>,
          %get3A_1040 = vector.shape_cast %get3A_1039 : vector<16xf32> to vector<16xf32>
          %add3A_1041 = arith.addf %get3A_1037, %get3A_1040 : vector<16xf32>
          %swap3A_1042 = arith.constant 160 : index
          %swap3A_1043 = tpu.vector_load %arg12[%swap3A_1042] {strides = array<i32>} : memref<768xf32, #tpu.memory_space<vmem>>, vector<16xf32>,
          %swap3A_1044 = vector.shape_cast %swap3A_1043 : vector<16xf32> to vector<16xf32>
          %swap3A_1045 = vector.shape_cast %add3A_1041 : vector<16xf32> to vector<16xf32>
          tpu.vector_store %arg12[%swap3A_1042], %swap3A_1045 {strides = array<i32>} : memref<768xf32, #tpu.memory_space<vmem>>, vector<16xf32>,
          %get3A_1046 = arith.index_cast %rem3A_415 : i32 to index
          %get3A_1047 = arith.constant 176 : index
          %get3A_1048 = tpu.vector_load %arg10[%get3A_1046, %get3A_1047] {strides = array<i32>} : memref<2x768xf32, #tpu.memory_space<vmem>>, vector<1x16xf32>,
          %get3A_1049 = vector.shape_cast %get3A_1048 : vector<1x16xf32> to vector<16xf32>
          %get3A_1050 = arith.constant 176 : index
          %get3A_1051 = tpu.vector_load %arg11[%get3A_1050] {strides = array<i32>} : memref<768xf32, #tpu.memory_space<vmem>>, vector<16xf32>,
          %get3A_1052 = vector.shape_cast %get3A_1051 : vector<16xf32> to vector<16xf32>
          %add3A_1053 = arith.addf %get3A_1049, %get3A_1052 : vector<16xf32>
          %swap3A_1054 = arith.constant 176 : index
          %swap3A_1055 = tpu.vector_load %arg12[%swap3A_1054] {strides = array<i32>} : memref<768xf32, #tpu.memory_space<vmem>>, vector<16xf32>,
          %swap3A_1056 = vector.shape_cast %swap3A_1055 : vector<16xf32> to vector<16xf32>
          %swap3A_1057 = vector.shape_cast %add3A_1053 : vector<16xf32> to vector<16xf32>
          tpu.vector_store %arg12[%swap3A_1054], %swap3A_1057 {strides = array<i32>} : memref<768xf32, #tpu.memory_space<vmem>>, vector<16xf32>,
          %get3A_1058 = arith.index_cast %rem3A_415 : i32 to index
          %get3A_1059 = arith.constant 192 : index
          %get3A_1060 = tpu.vector_load %arg10[%get3A_1058, %get3A_1059] {strides = array<i32>} : memref<2x768xf32, #tpu.memory_space<vmem>>, vector<1x16xf32>,
          %get3A_1061 = vector.shape_cast %get3A_1060 : vector<1x16xf32> to vector<16xf32>
          %get3A_1062 = arith.constant 192 : index
          %get3A_1063 = tpu.vector_load %arg11[%get3A_1062] {strides = array<i32>} : memref<768xf32, #tpu.memory_space<vmem>>, vector<16xf32>,
          %get3A_1064 = vector.shape_cast %get3A_1063 : vector<16xf32> to vector<16xf32>
          %add3A_1065 = arith.addf %get3A_1061, %get3A_1064 : vector<16xf32>
          %swap3A_1066 = arith.constant 192 : index
          %swap3A_1067 = tpu.vector_load %arg12[%swap3A_1066] {strides = array<i32>} : memref<768xf32, #tpu.memory_space<vmem>>, vector<16xf32>,
          %swap3A_1068 = vector.shape_cast %swap3A_1067 : vector<16xf32> to vector<16xf32>
          %swap3A_1069 = vector.shape_cast %add3A_1065 : vector<16xf32> to vector<16xf32>
          tpu.vector_store %arg12[%swap3A_1066], %swap3A_1069 {strides = array<i32>} : memref<768xf32, #tpu.memory_space<vmem>>, vector<16xf32>,
          %get3A_1070 = arith.index_cast %rem3A_415 : i32 to index
          %get3A_1071 = arith.constant 208 : index
          %get3A_1072 = tpu.vector_load %arg10[%get3A_1070, %get3A_1071] {strides = array<i32>} : memref<2x768xf32, #tpu.memory_space<vmem>>, vector<1x16xf32>,
          %get3A_1073 = vector.shape_cast %get3A_1072 : vector<1x16xf32> to vector<16xf32>
          %get3A_1074 = arith.constant 208 : index
          %get3A_1075 = tpu.vector_load %arg11[%get3A_1074] {strides = array<i32>} : memref<768xf32, #tpu.memory_space<vmem>>, vector<16xf32>,
          %get3A_1076 = vector.shape_cast %get3A_1075 : vector<16xf32> to vector<16xf32>
          %add3A_1077 = arith.addf %get3A_1073, %get3A_1076 : vector<16xf32>
          %swap3A_1078 = arith.constant 208 : index
          %swap3A_1079 = tpu.vector_load %arg12[%swap3A_1078] {strides = array<i32>} : memref<768xf32, #tpu.memory_space<vmem>>, vector<16xf32>,
          %swap3A_1080 = vector.shape_cast %swap3A_1079 : vector<16xf32> to vector<16xf32>
          %swap3A_1081 = vector.shape_cast %add3A_1077 : vector<16xf32> to vector<16xf32>
          tpu.vector_store %arg12[%swap3A_1078], %swap3A_1081 {strides = array<i32>} : memref<768xf32, #tpu.memory_space<vmem>>, vector<16xf32>,
          %get3A_1082 = arith.index_cast %rem3A_415 : i32 to index
          %get3A_1083 = arith.constant 224 : index
          %get3A_1084 = tpu.vector_load %arg10[%get3A_1082, %get3A_1083] {strides = array<i32>} : memref<2x768xf32, #tpu.memory_space<vmem>>, vector<1x16xf32>,
          %get3A_1085 = vector.shape_cast %get3A_1084 : vector<1x16xf32> to vector<16xf32>
          %get3A_1086 = arith.constant 224 : index
          %get3A_1087 = tpu.vector_load %arg11[%get3A_1086] {strides = array<i32>} : memref<768xf32, #tpu.memory_space<vmem>>, vector<16xf32>,
          %get3A_1088 = vector.shape_cast %get3A_1087 : vector<16xf32> to vector<16xf32>
          %add3A_1089 = arith.addf %get3A_1085, %get3A_1088 : vector<16xf32>
          %swap3A_1090 = arith.constant 224 : index
          %swap3A_1091 = tpu.vector_load %arg12[%swap3A_1090] {strides = array<i32>} : memref<768xf32, #tpu.memory_space<vmem>>, vector<16xf32>,
          %swap3A_1092 = vector.shape_cast %swap3A_1091 : vector<16xf32> to vector<16xf32>
          %swap3A_1093 = vector.shape_cast %add3A_1089 : vector<16xf32> to vector<16xf32>
          tpu.vector_store %arg12[%swap3A_1090], %swap3A_1093 {strides = array<i32>} : memref<768xf32, #tpu.memory_space<vmem>>, vector<16xf32>,
          %get3A_1094 = arith.index_cast %rem3A_415 : i32 to index
          %get3A_1095 = arith.constant 240 : index
          %get3A_1096 = tpu.vector_load %arg10[%get3A_1094, %get3A_1095] {strides = array<i32>} : memref<2x768xf32, #tpu.memory_space<vmem>>, vector<1x16xf32>,
          %get3A_1097 = vector.shape_cast %get3A_1096 : vector<1x16xf32> to vector<16xf32>
          %get3A_1098 = arith.constant 240 : index
          %get3A_1099 = tpu.vector_load %arg11[%get3A_1098] {strides = array<i32>} : memref<768xf32, #tpu.memory_space<vmem>>, vector<16xf32>,
          %get3A_1100 = vector.shape_cast %get3A_1099 : vector<16xf32> to vector<16xf32>
          %add3A_1101 = arith.addf %get3A_1097, %get3A_1100 : vector<16xf32>
          %swap3A_1102 = arith.constant 240 : index
          %swap3A_1103 = tpu.vector_load %arg12[%swap3A_1102] {strides = array<i32>} : memref<768xf32, #tpu.memory_space<vmem>>, vector<16xf32>,
          %swap3A_1104 = vector.shape_cast %swap3A_1103 : vector<16xf32> to vector<16xf32>
          %swap3A_1105 = vector.shape_cast %add3A_1101 : vector<16xf32> to vector<16xf32>
          tpu.vector_store %arg12[%swap3A_1102], %swap3A_1105 {strides = array<i32>} : memref<768xf32, #tpu.memory_space<vmem>>, vector<16xf32>,
          %get3A_1106 = arith.index_cast %rem3A_415 : i32 to index
          %get3A_1107 = arith.constant 256 : index
          %get3A_1108 = tpu.vector_load %arg10[%get3A_1106, %get3A_1107] {strides = array<i32>} : memref<2x768xf32, #tpu.memory_space<vmem>>, vector<1x16xf32>,
          %get3A_1109 = vector.shape_cast %get3A_1108 : vector<1x16xf32> to vector<16xf32>
          %get3A_1110 = arith.constant 256 : index
          %get3A_1111 = tpu.vector_load %arg11[%get3A_1110] {strides = array<i32>} : memref<768xf32, #tpu.memory_space<vmem>>, vector<16xf32>,
          %get3A_1112 = vector.shape_cast %get3A_1111 : vector<16xf32> to vector<16xf32>
          %add3A_1113 = arith.addf %get3A_1109, %get3A_1112 : vector<16xf32>
          %swap3A_1114 = arith.constant 256 : index
          %swap3A_1115 = tpu.vector_load %arg12[%swap3A_1114] {strides = array<i32>} : memref<768xf32, #tpu.memory_space<vmem>>, vector<16xf32>,
          %swap3A_1116 = vector.shape_cast %swap3A_1115 : vector<16xf32> to vector<16xf32>
          %swap3A_1117 = vector.shape_cast %add3A_1113 : vector<16xf32> to vector<16xf32>
          tpu.vector_store %arg12[%swap3A_1114], %swap3A_1117 {strides = array<i32>} : memref<768xf32, #tpu.memory_space<vmem>>, vector<16xf32>,
          %get3A_1118 = arith.index_cast %rem3A_415 : i32 to index
          %get3A_1119 = arith.constant 272 : index
          %get3A_1120 = tpu.vector_load %arg10[%get3A_1118, %get3A_1119] {strides = array<i32>} : memref<2x768xf32, #tpu.memory_space<vmem>>, vector<1x16xf32>,
          %get3A_1121 = vector.shape_cast %get3A_1120 : vector<1x16xf32> to vector<16xf32>
          %get3A_1122 = arith.constant 272 : index
          %get3A_1123 = tpu.vector_load %arg11[%get3A_1122] {strides = array<i32>} : memref<768xf32, #tpu.memory_space<vmem>>, vector<16xf32>,
          %get3A_1124 = vector.shape_cast %get3A_1123 : vector<16xf32> to vector<16xf32>
          %add3A_1125 = arith.addf %get3A_1121, %get3A_1124 : vector<16xf32>
          %swap3A_1126 = arith.constant 272 : index
          %swap3A_1127 = tpu.vector_load %arg12[%swap3A_1126] {strides = array<i32>} : memref<768xf32, #tpu.memory_space<vmem>>, vector<16xf32>,
          %swap3A_1128 = vector.shape_cast %swap3A_1127 : vector<16xf32> to vector<16xf32>
          %swap3A_1129 = vector.shape_cast %add3A_1125 : vector<16xf32> to vector<16xf32>
          tpu.vector_store %arg12[%swap3A_1126], %swap3A_1129 {strides = array<i32>} : memref<768xf32, #tpu.memory_space<vmem>>, vector<16xf32>,
          %get3A_1130 = arith.index_cast %rem3A_415 : i32 to index
          %get3A_1131 = arith.constant 288 : index
          %get3A_1132 = tpu.vector_load %arg10[%get3A_1130, %get3A_1131] {strides = array<i32>} : memref<2x768xf32, #tpu.memory_space<vmem>>, vector<1x16xf32>,
          %get3A_1133 = vector.shape_cast %get3A_1132 : vector<1x16xf32> to vector<16xf32>
          %get3A_1134 = arith.constant 288 : index
          %get3A_1135 = tpu.vector_load %arg11[%get3A_1134] {strides = array<i32>} : memref<768xf32, #tpu.memory_space<vmem>>, vector<16xf32>,
          %get3A_1136 = vector.shape_cast %get3A_1135 : vector<16xf32> to vector<16xf32>
          %add3A_1137 = arith.addf %get3A_1133, %get3A_1136 : vector<16xf32>
          %swap3A_1138 = arith.constant 288 : index
          %swap3A_1139 = tpu.vector_load %arg12[%swap3A_1138] {strides = array<i32>} : memref<768xf32, #tpu.memory_space<vmem>>, vector<16xf32>,
          %swap3A_1140 = vector.shape_cast %swap3A_1139 : vector<16xf32> to vector<16xf32>
          %swap3A_1141 = vector.shape_cast %add3A_1137 : vector<16xf32> to vector<16xf32>
          tpu.vector_store %arg12[%swap3A_1138], %swap3A_1141 {strides = array<i32>} : memref<768xf32, #tpu.memory_space<vmem>>, vector<16xf32>,
          %get3A_1142 = arith.index_cast %rem3A_415 : i32 to index
          %get3A_1143 = arith.constant 304 : index
          %get3A_1144 = tpu.vector_load %arg10[%get3A_1142, %get3A_1143] {strides = array<i32>} : memref<2x768xf32, #tpu.memory_space<vmem>>, vector<1x16xf32>,
          %get3A_1145 = vector.shape_cast %get3A_1144 : vector<1x16xf32> to vector<16xf32>
          %get3A_1146 = arith.constant 304 : index
          %get3A_1147 = tpu.vector_load %arg11[%get3A_1146] {strides = array<i32>} : memref<768xf32, #tpu.memory_space<vmem>>, vector<16xf32>,
          %get3A_1148 = vector.shape_cast %get3A_1147 : vector<16xf32> to vector<16xf32>
          %add3A_1149 = arith.addf %get3A_1145, %get3A_1148 : vector<16xf32>
          %swap3A_1150 = arith.constant 304 : index
          %swap3A_1151 = tpu.vector_load %arg12[%swap3A_1150] {strides = array<i32>} : memref<768xf32, #tpu.memory_space<vmem>>, vector<16xf32>,
          %swap3A_1152 = vector.shape_cast %swap3A_1151 : vector<16xf32> to vector<16xf32>
          %swap3A_1153 = vector.shape_cast %add3A_1149 : vector<16xf32> to vector<16xf32>
          tpu.vector_store %arg12[%swap3A_1150], %swap3A_1153 {strides = array<i32>} : memref<768xf32, #tpu.memory_space<vmem>>, vector<16xf32>,
          %get3A_1154 = arith.index_cast %rem3A_415 : i32 to index
          %get3A_1155 = arith.constant 320 : index
          %get3A_1156 = tpu.vector_load %arg10[%get3A_1154, %get3A_1155] {strides = array<i32>} : memref<2x768xf32, #tpu.memory_space<vmem>>, vector<1x16xf32>,
          %get3A_1157 = vector.shape_cast %get3A_1156 : vector<1x16xf32> to vector<16xf32>
          %get3A_1158 = arith.constant 320 : index
          %get3A_1159 = tpu.vector_load %arg11[%get3A_1158] {strides = array<i32>} : memref<768xf32, #tpu.memory_space<vmem>>, vector<16xf32>,
          %get3A_1160 = vector.shape_cast %get3A_1159 : vector<16xf32> to vector<16xf32>
          %add3A_1161 = arith.addf %get3A_1157, %get3A_1160 : vector<16xf32>
          %swap3A_1162 = arith.constant 320 : index
          %swap3A_1163 = tpu.vector_load %arg12[%swap3A_1162] {strides = array<i32>} : memref<768xf32, #tpu.memory_space<vmem>>, vector<16xf32>,
          %swap3A_1164 = vector.shape_cast %swap3A_1163 : vector<16xf32> to vector<16xf32>
          %swap3A_1165 = vector.shape_cast %add3A_1161 : vector<16xf32> to vector<16xf32>
          tpu.vector_store %arg12[%swap3A_1162], %swap3A_1165 {strides = array<i32>} : memref<768xf32, #tpu.memory_space<vmem>>, vector<16xf32>,
          %get3A_1166 = arith.index_cast %rem3A_415 : i32 to index
          %get3A_1167 = arith.constant 336 : index
          %get3A_1168 = tpu.vector_load %arg10[%get3A_1166, %get3A_1167] {strides = array<i32>} : memref<2x768xf32, #tpu.memory_space<vmem>>, vector<1x16xf32>,
          %get3A_1169 = vector.shape_cast %get3A_1168 : vector<1x16xf32> to vector<16xf32>
          %get3A_1170 = arith.constant 336 : index
          %get3A_1171 = tpu.vector_load %arg11[%get3A_1170] {strides = array<i32>} : memref<768xf32, #tpu.memory_space<vmem>>, vector<16xf32>,
          %get3A_1172 = vector.shape_cast %get3A_1171 : vector<16xf32> to vector<16xf32>
          %add3A_1173 = arith.addf %get3A_1169, %get3A_1172 : vector<16xf32>
          %swap3A_1174 = arith.constant 336 : index
          %swap3A_1175 = tpu.vector_load %arg12[%swap3A_1174] {strides = array<i32>} : memref<768xf32, #tpu.memory_space<vmem>>, vector<16xf32>,
          %swap3A_1176 = vector.shape_cast %swap3A_1175 : vector<16xf32> to vector<16xf32>
          %swap3A_1177 = vector.shape_cast %add3A_1173 : vector<16xf32> to vector<16xf32>
          tpu.vector_store %arg12[%swap3A_1174], %swap3A_1177 {strides = array<i32>} : memref<768xf32, #tpu.memory_space<vmem>>, vector<16xf32>,
          %get3A_1178 = arith.index_cast %rem3A_415 : i32 to index
          %get3A_1179 = arith.constant 352 : index
          %get3A_1180 = tpu.vector_load %arg10[%get3A_1178, %get3A_1179] {strides = array<i32>} : memref<2x768xf32, #tpu.memory_space<vmem>>, vector<1x16xf32>,
          %get3A_1181 = vector.shape_cast %get3A_1180 : vector<1x16xf32> to vector<16xf32>
          %get3A_1182 = arith.constant 352 : index
          %get3A_1183 = tpu.vector_load %arg11[%get3A_1182] {strides = array<i32>} : memref<768xf32, #tpu.memory_space<vmem>>, vector<16xf32>,
          %get3A_1184 = vector.shape_cast %get3A_1183 : vector<16xf32> to vector<16xf32>
          %add3A_1185 = arith.addf %get3A_1181, %get3A_1184 : vector<16xf32>
          %swap3A_1186 = arith.constant 352 : index
          %swap3A_1187 = tpu.vector_load %arg12[%swap3A_1186] {strides = array<i32>} : memref<768xf32, #tpu.memory_space<vmem>>, vector<16xf32>,
          %swap3A_1188 = vector.shape_cast %swap3A_1187 : vector<16xf32> to vector<16xf32>
          %swap3A_1189 = vector.shape_cast %add3A_1185 : vector<16xf32> to vector<16xf32>
          tpu.vector_store %arg12[%swap3A_1186], %swap3A_1189 {strides = array<i32>} : memref<768xf32, #tpu.memory_space<vmem>>, vector<16xf32>,
          %get3A_1190 = arith.index_cast %rem3A_415 : i32 to index
          %get3A_1191 = arith.constant 368 : index
          %get3A_1192 = tpu.vector_load %arg10[%get3A_1190, %get3A_1191] {strides = array<i32>} : memref<2x768xf32, #tpu.memory_space<vmem>>, vector<1x16xf32>,
          %get3A_1193 = vector.shape_cast %get3A_1192 : vector<1x16xf32> to vector<16xf32>
          %get3A_1194 = arith.constant 368 : index
          %get3A_1195 = tpu.vector_load %arg11[%get3A_1194] {strides = array<i32>} : memref<768xf32, #tpu.memory_space<vmem>>, vector<16xf32>,
          %get3A_1196 = vector.shape_cast %get3A_1195 : vector<16xf32> to vector<16xf32>
          %add3A_1197 = arith.addf %get3A_1193, %get3A_1196 : vector<16xf32>
          %swap3A_1198 = arith.constant 368 : index
          %swap3A_1199 = tpu.vector_load %arg12[%swap3A_1198] {strides = array<i32>} : memref<768xf32, #tpu.memory_space<vmem>>, vector<16xf32>,
          %swap3A_1200 = vector.shape_cast %swap3A_1199 : vector<16xf32> to vector<16xf32>
          %swap3A_1201 = vector.shape_cast %add3A_1197 : vector<16xf32> to vector<16xf32>
          tpu.vector_store %arg12[%swap3A_1198], %swap3A_1201 {strides = array<i32>} : memref<768xf32, #tpu.memory_space<vmem>>, vector<16xf32>,
          %get3A_1202 = arith.index_cast %rem3A_415 : i32 to index
          %get3A_1203 = arith.constant 384 : index
          %get3A_1204 = tpu.vector_load %arg10[%get3A_1202, %get3A_1203] {strides = array<i32>} : memref<2x768xf32, #tpu.memory_space<vmem>>, vector<1x16xf32>,
          %get3A_1205 = vector.shape_cast %get3A_1204 : vector<1x16xf32> to vector<16xf32>
          %get3A_1206 = arith.constant 384 : index
          %get3A_1207 = tpu.vector_load %arg11[%get3A_1206] {strides = array<i32>} : memref<768xf32, #tpu.memory_space<vmem>>, vector<16xf32>,
          %get3A_1208 = vector.shape_cast %get3A_1207 : vector<16xf32> to vector<16xf32>
          %add3A_1209 = arith.addf %get3A_1205, %get3A_1208 : vector<16xf32>
          %swap3A_1210 = arith.constant 384 : index
          %swap3A_1211 = tpu.vector_load %arg12[%swap3A_1210] {strides = array<i32>} : memref<768xf32, #tpu.memory_space<vmem>>, vector<16xf32>,
          %swap3A_1212 = vector.shape_cast %swap3A_1211 : vector<16xf32> to vector<16xf32>
          %swap3A_1213 = vector.shape_cast %add3A_1209 : vector<16xf32> to vector<16xf32>
          tpu.vector_store %arg12[%swap3A_1210], %swap3A_1213 {strides = array<i32>} : memref<768xf32, #tpu.memory_space<vmem>>, vector<16xf32>,
          %get3A_1214 = arith.index_cast %rem3A_415 : i32 to index
          %get3A_1215 = arith.constant 400 : index
          %get3A_1216 = tpu.vector_load %arg10[%get3A_1214, %get3A_1215] {strides = array<i32>} : memref<2x768xf32, #tpu.memory_space<vmem>>, vector<1x16xf32>,
          %get3A_1217 = vector.shape_cast %get3A_1216 : vector<1x16xf32> to vector<16xf32>
          %get3A_1218 = arith.constant 400 : index
          %get3A_1219 = tpu.vector_load %arg11[%get3A_1218] {strides = array<i32>} : memref<768xf32, #tpu.memory_space<vmem>>, vector<16xf32>,
          %get3A_1220 = vector.shape_cast %get3A_1219 : vector<16xf32> to vector<16xf32>
          %add3A_1221 = arith.addf %get3A_1217, %get3A_1220 : vector<16xf32>
          %swap3A_1222 = arith.constant 400 : index
          %swap3A_1223 = tpu.vector_load %arg12[%swap3A_1222] {strides = array<i32>} : memref<768xf32, #tpu.memory_space<vmem>>, vector<16xf32>,
          %swap3A_1224 = vector.shape_cast %swap3A_1223 : vector<16xf32> to vector<16xf32>
          %swap3A_1225 = vector.shape_cast %add3A_1221 : vector<16xf32> to vector<16xf32>
          tpu.vector_store %arg12[%swap3A_1222], %swap3A_1225 {strides = array<i32>} : memref<768xf32, #tpu.memory_space<vmem>>, vector<16xf32>,
          %get3A_1226 = arith.index_cast %rem3A_415 : i32 to index
          %get3A_1227 = arith.constant 416 : index
          %get3A_1228 = tpu.vector_load %arg10[%get3A_1226, %get3A_1227] {strides = array<i32>} : memref<2x768xf32, #tpu.memory_space<vmem>>, vector<1x16xf32>,
          %get3A_1229 = vector.shape_cast %get3A_1228 : vector<1x16xf32> to vector<16xf32>
          %get3A_1230 = arith.constant 416 : index
          %get3A_1231 = tpu.vector_load %arg11[%get3A_1230] {strides = array<i32>} : memref<768xf32, #tpu.memory_space<vmem>>, vector<16xf32>,
          %get3A_1232 = vector.shape_cast %get3A_1231 : vector<16xf32> to vector<16xf32>
          %add3A_1233 = arith.addf %get3A_1229, %get3A_1232 : vector<16xf32>
          %swap3A_1234 = arith.constant 416 : index
          %swap3A_1235 = tpu.vector_load %arg12[%swap3A_1234] {strides = array<i32>} : memref<768xf32, #tpu.memory_space<vmem>>, vector<16xf32>,
          %swap3A_1236 = vector.shape_cast %swap3A_1235 : vector<16xf32> to vector<16xf32>
          %swap3A_1237 = vector.shape_cast %add3A_1233 : vector<16xf32> to vector<16xf32>
          tpu.vector_store %arg12[%swap3A_1234], %swap3A_1237 {strides = array<i32>} : memref<768xf32, #tpu.memory_space<vmem>>, vector<16xf32>,
          %get3A_1238 = arith.index_cast %rem3A_415 : i32 to index
          %get3A_1239 = arith.constant 432 : index
          %get3A_1240 = tpu.vector_load %arg10[%get3A_1238, %get3A_1239] {strides = array<i32>} : memref<2x768xf32, #tpu.memory_space<vmem>>, vector<1x16xf32>,
          %get3A_1241 = vector.shape_cast %get3A_1240 : vector<1x16xf32> to vector<16xf32>
          %get3A_1242 = arith.constant 432 : index
          %get3A_1243 = tpu.vector_load %arg11[%get3A_1242] {strides = array<i32>} : memref<768xf32, #tpu.memory_space<vmem>>, vector<16xf32>,
          %get3A_1244 = vector.shape_cast %get3A_1243 : vector<16xf32> to vector<16xf32>
          %add3A_1245 = arith.addf %get3A_1241, %get3A_1244 : vector<16xf32>
          %swap3A_1246 = arith.constant 432 : index
          %swap3A_1247 = tpu.vector_load %arg12[%swap3A_1246] {strides = array<i32>} : memref<768xf32, #tpu.memory_space<vmem>>, vector<16xf32>,
          %swap3A_1248 = vector.shape_cast %swap3A_1247 : vector<16xf32> to vector<16xf32>
          %swap3A_1249 = vector.shape_cast %add3A_1245 : vector<16xf32> to vector<16xf32>
          tpu.vector_store %arg12[%swap3A_1246], %swap3A_1249 {strides = array<i32>} : memref<768xf32, #tpu.memory_space<vmem>>, vector<16xf32>,
          %get3A_1250 = arith.index_cast %rem3A_415 : i32 to index
          %get3A_1251 = arith.constant 448 : index
          %get3A_1252 = tpu.vector_load %arg10[%get3A_1250, %get3A_1251] {strides = array<i32>} : memref<2x768xf32, #tpu.memory_space<vmem>>, vector<1x16xf32>,
          %get3A_1253 = vector.shape_cast %get3A_1252 : vector<1x16xf32> to vector<16xf32>
          %get3A_1254 = arith.constant 448 : index
          %get3A_1255 = tpu.vector_load %arg11[%get3A_1254] {strides = array<i32>} : memref<768xf32, #tpu.memory_space<vmem>>, vector<16xf32>,
          %get3A_1256 = vector.shape_cast %get3A_1255 : vector<16xf32> to vector<16xf32>
          %add3A_1257 = arith.addf %get3A_1253, %get3A_1256 : vector<16xf32>
          %swap3A_1258 = arith.constant 448 : index
          %swap3A_1259 = tpu.vector_load %arg12[%swap3A_1258] {strides = array<i32>} : memref<768xf32, #tpu.memory_space<vmem>>, vector<16xf32>,
          %swap3A_1260 = vector.shape_cast %swap3A_1259 : vector<16xf32> to vector<16xf32>
          %swap3A_1261 = vector.shape_cast %add3A_1257 : vector<16xf32> to vector<16xf32>
          tpu.vector_store %arg12[%swap3A_1258], %swap3A_1261 {strides = array<i32>} : memref<768xf32, #tpu.memory_space<vmem>>, vector<16xf32>,
          %get3A_1262 = arith.index_cast %rem3A_415 : i32 to index
          %get3A_1263 = arith.constant 464 : index
          %get3A_1264 = tpu.vector_load %arg10[%get3A_1262, %get3A_1263] {strides = array<i32>} : memref<2x768xf32, #tpu.memory_space<vmem>>, vector<1x16xf32>,
          %get3A_1265 = vector.shape_cast %get3A_1264 : vector<1x16xf32> to vector<16xf32>
          %get3A_1266 = arith.constant 464 : index
          %get3A_1267 = tpu.vector_load %arg11[%get3A_1266] {strides = array<i32>} : memref<768xf32, #tpu.memory_space<vmem>>, vector<16xf32>,
          %get3A_1268 = vector.shape_cast %get3A_1267 : vector<16xf32> to vector<16xf32>
          %add3A_1269 = arith.addf %get3A_1265, %get3A_1268 : vector<16xf32>
          %swap3A_1270 = arith.constant 464 : index
          %swap3A_1271 = tpu.vector_load %arg12[%swap3A_1270] {strides = array<i32>} : memref<768xf32, #tpu.memory_space<vmem>>, vector<16xf32>,
          %swap3A_1272 = vector.shape_cast %swap3A_1271 : vector<16xf32> to vector<16xf32>
          %swap3A_1273 = vector.shape_cast %add3A_1269 : vector<16xf32> to vector<16xf32>
          tpu.vector_store %arg12[%swap3A_1270], %swap3A_1273 {strides = array<i32>} : memref<768xf32, #tpu.memory_space<vmem>>, vector<16xf32>,
          %get3A_1274 = arith.index_cast %rem3A_415 : i32 to index
          %get3A_1275 = arith.constant 480 : index
          %get3A_1276 = tpu.vector_load %arg10[%get3A_1274, %get3A_1275] {strides = array<i32>} : memref<2x768xf32, #tpu.memory_space<vmem>>, vector<1x16xf32>,
          %get3A_1277 = vector.shape_cast %get3A_1276 : vector<1x16xf32> to vector<16xf32>
          %get3A_1278 = arith.constant 480 : index
          %get3A_1279 = tpu.vector_load %arg11[%get3A_1278] {strides = array<i32>} : memref<768xf32, #tpu.memory_space<vmem>>, vector<16xf32>,
          %get3A_1280 = vector.shape_cast %get3A_1279 : vector<16xf32> to vector<16xf32>
          %add3A_1281 = arith.addf %get3A_1277, %get3A_1280 : vector<16xf32>
          %swap3A_1282 = arith.constant 480 : index
          %swap3A_1283 = tpu.vector_load %arg12[%swap3A_1282] {strides = array<i32>} : memref<768xf32, #tpu.memory_space<vmem>>, vector<16xf32>,
          %swap3A_1284 = vector.shape_cast %swap3A_1283 : vector<16xf32> to vector<16xf32>
          %swap3A_1285 = vector.shape_cast %add3A_1281 : vector<16xf32> to vector<16xf32>
          tpu.vector_store %arg12[%swap3A_1282], %swap3A_1285 {strides = array<i32>} : memref<768xf32, #tpu.memory_space<vmem>>, vector<16xf32>,
          %get3A_1286 = arith.index_cast %rem3A_415 : i32 to index
          %get3A_1287 = arith.constant 496 : index
          %get3A_1288 = tpu.vector_load %arg10[%get3A_1286, %get3A_1287] {strides = array<i32>} : memref<2x768xf32, #tpu.memory_space<vmem>>, vector<1x16xf32>,
          %get3A_1289 = vector.shape_cast %get3A_1288 : vector<1x16xf32> to vector<16xf32>
          %get3A_1290 = arith.constant 496 : index
          %get3A_1291 = tpu.vector_load %arg11[%get3A_1290] {strides = array<i32>} : memref<768xf32, #tpu.memory_space<vmem>>, vector<16xf32>,
          %get3A_1292 = vector.shape_cast %get3A_1291 : vector<16xf32> to vector<16xf32>
          %add3A_1293 = arith.addf %get3A_1289, %get3A_1292 : vector<16xf32>
          %swap3A_1294 = arith.constant 496 : index
          %swap3A_1295 = tpu.vector_load %arg12[%swap3A_1294] {strides = array<i32>} : memref<768xf32, #tpu.memory_space<vmem>>, vector<16xf32>,
          %swap3A_1296 = vector.shape_cast %swap3A_1295 : vector<16xf32> to vector<16xf32>
          %swap3A_1297 = vector.shape_cast %add3A_1293 : vector<16xf32> to vector<16xf32>
          tpu.vector_store %arg12[%swap3A_1294], %swap3A_1297 {strides = array<i32>} : memref<768xf32, #tpu.memory_space<vmem>>, vector<16xf32>,
          %get3A_1298 = arith.index_cast %rem3A_415 : i32 to index
          %get3A_1299 = arith.constant 512 : index
          %get3A_1300 = tpu.vector_load %arg10[%get3A_1298, %get3A_1299] {strides = array<i32>} : memref<2x768xf32, #tpu.memory_space<vmem>>, vector<1x16xf32>,
          %get3A_1301 = vector.shape_cast %get3A_1300 : vector<1x16xf32> to vector<16xf32>
          %get3A_1302 = arith.constant 512 : index
          %get3A_1303 = tpu.vector_load %arg11[%get3A_1302] {strides = array<i32>} : memref<768xf32, #tpu.memory_space<vmem>>, vector<16xf32>,
          %get3A_1304 = vector.shape_cast %get3A_1303 : vector<16xf32> to vector<16xf32>
          %add3A_1305 = arith.addf %get3A_1301, %get3A_1304 : vector<16xf32>
          %swap3A_1306 = arith.constant 512 : index
          %swap3A_1307 = tpu.vector_load %arg12[%swap3A_1306] {strides = array<i32>} : memref<768xf32, #tpu.memory_space<vmem>>, vector<16xf32>,
          %swap3A_1308 = vector.shape_cast %swap3A_1307 : vector<16xf32> to vector<16xf32>
          %swap3A_1309 = vector.shape_cast %add3A_1305 : vector<16xf32> to vector<16xf32>
          tpu.vector_store %arg12[%swap3A_1306], %swap3A_1309 {strides = array<i32>} : memref<768xf32, #tpu.memory_space<vmem>>, vector<16xf32>,
          %get3A_1310 = arith.index_cast %rem3A_415 : i32 to index
          %get3A_1311 = arith.constant 528 : index
          %get3A_1312 = tpu.vector_load %arg10[%get3A_1310, %get3A_1311] {strides = array<i32>} : memref<2x768xf32, #tpu.memory_space<vmem>>, vector<1x16xf32>,
          %get3A_1313 = vector.shape_cast %get3A_1312 : vector<1x16xf32> to vector<16xf32>
          %get3A_1314 = arith.constant 528 : index
          %get3A_1315 = tpu.vector_load %arg11[%get3A_1314] {strides = array<i32>} : memref<768xf32, #tpu.memory_space<vmem>>, vector<16xf32>,
          %get3A_1316 = vector.shape_cast %get3A_1315 : vector<16xf32> to vector<16xf32>
          %add3A_1317 = arith.addf %get3A_1313, %get3A_1316 : vector<16xf32>
          %swap3A_1318 = arith.constant 528 : index
          %swap3A_1319 = tpu.vector_load %arg12[%swap3A_1318] {strides = array<i32>} : memref<768xf32, #tpu.memory_space<vmem>>, vector<16xf32>,
          %swap3A_1320 = vector.shape_cast %swap3A_1319 : vector<16xf32> to vector<16xf32>
          %swap3A_1321 = vector.shape_cast %add3A_1317 : vector<16xf32> to vector<16xf32>
          tpu.vector_store %arg12[%swap3A_1318], %swap3A_1321 {strides = array<i32>} : memref<768xf32, #tpu.memory_space<vmem>>, vector<16xf32>,
          %get3A_1322 = arith.index_cast %rem3A_415 : i32 to index
          %get3A_1323 = arith.constant 544 : index
          %get3A_1324 = tpu.vector_load %arg10[%get3A_1322, %get3A_1323] {strides = array<i32>} : memref<2x768xf32, #tpu.memory_space<vmem>>, vector<1x16xf32>,
          %get3A_1325 = vector.shape_cast %get3A_1324 : vector<1x16xf32> to vector<16xf32>
          %get3A_1326 = arith.constant 544 : index
          %get3A_1327 = tpu.vector_load %arg11[%get3A_1326] {strides = array<i32>} : memref<768xf32, #tpu.memory_space<vmem>>, vector<16xf32>,
          %get3A_1328 = vector.shape_cast %get3A_1327 : vector<16xf32> to vector<16xf32>
          %add3A_1329 = arith.addf %get3A_1325, %get3A_1328 : vector<16xf32>
          %swap3A_1330 = arith.constant 544 : index
          %swap3A_1331 = tpu.vector_load %arg12[%swap3A_1330] {strides = array<i32>} : memref<768xf32, #tpu.memory_space<vmem>>, vector<16xf32>,
          %swap3A_1332 = vector.shape_cast %swap3A_1331 : vector<16xf32> to vector<16xf32>
          %swap3A_1333 = vector.shape_cast %add3A_1329 : vector<16xf32> to vector<16xf32>
          tpu.vector_store %arg12[%swap3A_1330], %swap3A_1333 {strides = array<i32>} : memref<768xf32, #tpu.memory_space<vmem>>, vector<16xf32>,
          %get3A_1334 = arith.index_cast %rem3A_415 : i32 to index
          %get3A_1335 = arith.constant 560 : index
          %get3A_1336 = tpu.vector_load %arg10[%get3A_1334, %get3A_1335] {strides = array<i32>} : memref<2x768xf32, #tpu.memory_space<vmem>>, vector<1x16xf32>,
          %get3A_1337 = vector.shape_cast %get3A_1336 : vector<1x16xf32> to vector<16xf32>
          %get3A_1338 = arith.constant 560 : index
          %get3A_1339 = tpu.vector_load %arg11[%get3A_1338] {strides = array<i32>} : memref<768xf32, #tpu.memory_space<vmem>>, vector<16xf32>,
          %get3A_1340 = vector.shape_cast %get3A_1339 : vector<16xf32> to vector<16xf32>
          %add3A_1341 = arith.addf %get3A_1337, %get3A_1340 : vector<16xf32>
          %swap3A_1342 = arith.constant 560 : index
          %swap3A_1343 = tpu.vector_load %arg12[%swap3A_1342] {strides = array<i32>} : memref<768xf32, #tpu.memory_space<vmem>>, vector<16xf32>,
          %swap3A_1344 = vector.shape_cast %swap3A_1343 : vector<16xf32> to vector<16xf32>
          %swap3A_1345 = vector.shape_cast %add3A_1341 : vector<16xf32> to vector<16xf32>
          tpu.vector_store %arg12[%swap3A_1342], %swap3A_1345 {strides = array<i32>} : memref<768xf32, #tpu.memory_space<vmem>>, vector<16xf32>,
          %get3A_1346 = arith.index_cast %rem3A_415 : i32 to index
          %get3A_1347 = arith.constant 576 : index
          %get3A_1348 = tpu.vector_load %arg10[%get3A_1346, %get3A_1347] {strides = array<i32>} : memref<2x768xf32, #tpu.memory_space<vmem>>, vector<1x16xf32>,
          %get3A_1349 = vector.shape_cast %get3A_1348 : vector<1x16xf32> to vector<16xf32>
          %get3A_1350 = arith.constant 576 : index
          %get3A_1351 = tpu.vector_load %arg11[%get3A_1350] {strides = array<i32>} : memref<768xf32, #tpu.memory_space<vmem>>, vector<16xf32>,
          %get3A_1352 = vector.shape_cast %get3A_1351 : vector<16xf32> to vector<16xf32>
          %add3A_1353 = arith.addf %get3A_1349, %get3A_1352 : vector<16xf32>
          %swap3A_1354 = arith.constant 576 : index
          %swap3A_1355 = tpu.vector_load %arg12[%swap3A_1354] {strides = array<i32>} : memref<768xf32, #tpu.memory_space<vmem>>, vector<16xf32>,
          %swap3A_1356 = vector.shape_cast %swap3A_1355 : vector<16xf32> to vector<16xf32>
          %swap3A_1357 = vector.shape_cast %add3A_1353 : vector<16xf32> to vector<16xf32>
          tpu.vector_store %arg12[%swap3A_1354], %swap3A_1357 {strides = array<i32>} : memref<768xf32, #tpu.memory_space<vmem>>, vector<16xf32>,
          %get3A_1358 = arith.index_cast %rem3A_415 : i32 to index
          %get3A_1359 = arith.constant 592 : index
          %get3A_1360 = tpu.vector_load %arg10[%get3A_1358, %get3A_1359] {strides = array<i32>} : memref<2x768xf32, #tpu.memory_space<vmem>>, vector<1x16xf32>,
          %get3A_1361 = vector.shape_cast %get3A_1360 : vector<1x16xf32> to vector<16xf32>
          %get3A_1362 = arith.constant 592 : index
          %get3A_1363 = tpu.vector_load %arg11[%get3A_1362] {strides = array<i32>} : memref<768xf32, #tpu.memory_space<vmem>>, vector<16xf32>,
          %get3A_1364 = vector.shape_cast %get3A_1363 : vector<16xf32> to vector<16xf32>
          %add3A_1365 = arith.addf %get3A_1361, %get3A_1364 : vector<16xf32>
          %swap3A_1366 = arith.constant 592 : index
          %swap3A_1367 = tpu.vector_load %arg12[%swap3A_1366] {strides = array<i32>} : memref<768xf32, #tpu.memory_space<vmem>>, vector<16xf32>,
          %swap3A_1368 = vector.shape_cast %swap3A_1367 : vector<16xf32> to vector<16xf32>
          %swap3A_1369 = vector.shape_cast %add3A_1365 : vector<16xf32> to vector<16xf32>
          tpu.vector_store %arg12[%swap3A_1366], %swap3A_1369 {strides = array<i32>} : memref<768xf32, #tpu.memory_space<vmem>>, vector<16xf32>,
          %get3A_1370 = arith.index_cast %rem3A_415 : i32 to index
          %get3A_1371 = arith.constant 608 : index
          %get3A_1372 = tpu.vector_load %arg10[%get3A_1370, %get3A_1371] {strides = array<i32>} : memref<2x768xf32, #tpu.memory_space<vmem>>, vector<1x16xf32>,
          %get3A_1373 = vector.shape_cast %get3A_1372 : vector<1x16xf32> to vector<16xf32>
          %get3A_1374 = arith.constant 608 : index
          %get3A_1375 = tpu.vector_load %arg11[%get3A_1374] {strides = array<i32>} : memref<768xf32, #tpu.memory_space<vmem>>, vector<16xf32>,
          %get3A_1376 = vector.shape_cast %get3A_1375 : vector<16xf32> to vector<16xf32>
          %add3A_1377 = arith.addf %get3A_1373, %get3A_1376 : vector<16xf32>
          %swap3A_1378 = arith.constant 608 : index
          %swap3A_1379 = tpu.vector_load %arg12[%swap3A_1378] {strides = array<i32>} : memref<768xf32, #tpu.memory_space<vmem>>, vector<16xf32>,
          %swap3A_1380 = vector.shape_cast %swap3A_1379 : vector<16xf32> to vector<16xf32>
          %swap3A_1381 = vector.shape_cast %add3A_1377 : vector<16xf32> to vector<16xf32>
          tpu.vector_store %arg12[%swap3A_1378], %swap3A_1381 {strides = array<i32>} : memref<768xf32, #tpu.memory_space<vmem>>, vector<16xf32>,
          %get3A_1382 = arith.index_cast %rem3A_415 : i32 to index
          %get3A_1383 = arith.constant 624 : index
          %get3A_1384 = tpu.vector_load %arg10[%get3A_1382, %get3A_1383] {strides = array<i32>} : memref<2x768xf32, #tpu.memory_space<vmem>>, vector<1x16xf32>,
          %get3A_1385 = vector.shape_cast %get3A_1384 : vector<1x16xf32> to vector<16xf32>
          %get3A_1386 = arith.constant 624 : index
          %get3A_1387 = tpu.vector_load %arg11[%get3A_1386] {strides = array<i32>} : memref<768xf32, #tpu.memory_space<vmem>>, vector<16xf32>,
          %get3A_1388 = vector.shape_cast %get3A_1387 : vector<16xf32> to vector<16xf32>
          %add3A_1389 = arith.addf %get3A_1385, %get3A_1388 : vector<16xf32>
          %swap3A_1390 = arith.constant 624 : index
          %swap3A_1391 = tpu.vector_load %arg12[%swap3A_1390] {strides = array<i32>} : memref<768xf32, #tpu.memory_space<vmem>>, vector<16xf32>,
          %swap3A_1392 = vector.shape_cast %swap3A_1391 : vector<16xf32> to vector<16xf32>
          %swap3A_1393 = vector.shape_cast %add3A_1389 : vector<16xf32> to vector<16xf32>
          tpu.vector_store %arg12[%swap3A_1390], %swap3A_1393 {strides = array<i32>} : memref<768xf32, #tpu.memory_space<vmem>>, vector<16xf32>,
          %get3A_1394 = arith.index_cast %rem3A_415 : i32 to index
          %get3A_1395 = arith.constant 640 : index
          %get3A_1396 = tpu.vector_load %arg10[%get3A_1394, %get3A_1395] {strides = array<i32>} : memref<2x768xf32, #tpu.memory_space<vmem>>, vector<1x16xf32>,
          %get3A_1397 = vector.shape_cast %get3A_1396 : vector<1x16xf32> to vector<16xf32>
          %get3A_1398 = arith.constant 640 : index
          %get3A_1399 = tpu.vector_load %arg11[%get3A_1398] {strides = array<i32>} : memref<768xf32, #tpu.memory_space<vmem>>, vector<16xf32>,
          %get3A_1400 = vector.shape_cast %get3A_1399 : vector<16xf32> to vector<16xf32>
          %add3A_1401 = arith.addf %get3A_1397, %get3A_1400 : vector<16xf32>
          %swap3A_1402 = arith.constant 640 : index
          %swap3A_1403 = tpu.vector_load %arg12[%swap3A_1402] {strides = array<i32>} : memref<768xf32, #tpu.memory_space<vmem>>, vector<16xf32>,
          %swap3A_1404 = vector.shape_cast %swap3A_1403 : vector<16xf32> to vector<16xf32>
          %swap3A_1405 = vector.shape_cast %add3A_1401 : vector<16xf32> to vector<16xf32>
          tpu.vector_store %arg12[%swap3A_1402], %swap3A_1405 {strides = array<i32>} : memref<768xf32, #tpu.memory_space<vmem>>, vector<16xf32>,
          %get3A_1406 = arith.index_cast %rem3A_415 : i32 to index
          %get3A_1407 = arith.constant 656 : index
          %get3A_1408 = tpu.vector_load %arg10[%get3A_1406, %get3A_1407] {strides = array<i32>} : memref<2x768xf32, #tpu.memory_space<vmem>>, vector<1x16xf32>,
          %get3A_1409 = vector.shape_cast %get3A_1408 : vector<1x16xf32> to vector<16xf32>
          %get3A_1410 = arith.constant 656 : index
          %get3A_1411 = tpu.vector_load %arg11[%get3A_1410] {strides = array<i32>} : memref<768xf32, #tpu.memory_space<vmem>>, vector<16xf32>,
          %get3A_1412 = vector.shape_cast %get3A_1411 : vector<16xf32> to vector<16xf32>
          %add3A_1413 = arith.addf %get3A_1409, %get3A_1412 : vector<16xf32>
          %swap3A_1414 = arith.constant 656 : index
          %swap3A_1415 = tpu.vector_load %arg12[%swap3A_1414] {strides = array<i32>} : memref<768xf32, #tpu.memory_space<vmem>>, vector<16xf32>,
          %swap3A_1416 = vector.shape_cast %swap3A_1415 : vector<16xf32> to vector<16xf32>
          %swap3A_1417 = vector.shape_cast %add3A_1413 : vector<16xf32> to vector<16xf32>
          tpu.vector_store %arg12[%swap3A_1414], %swap3A_1417 {strides = array<i32>} : memref<768xf32, #tpu.memory_space<vmem>>, vector<16xf32>,
          %get3A_1418 = arith.index_cast %rem3A_415 : i32 to index
          %get3A_1419 = arith.constant 672 : index
          %get3A_1420 = tpu.vector_load %arg10[%get3A_1418, %get3A_1419] {strides = array<i32>} : memref<2x768xf32, #tpu.memory_space<vmem>>, vector<1x16xf32>,
          %get3A_1421 = vector.shape_cast %get3A_1420 : vector<1x16xf32> to vector<16xf32>
          %get3A_1422 = arith.constant 672 : index
          %get3A_1423 = tpu.vector_load %arg11[%get3A_1422] {strides = array<i32>} : memref<768xf32, #tpu.memory_space<vmem>>, vector<16xf32>,
          %get3A_1424 = vector.shape_cast %get3A_1423 : vector<16xf32> to vector<16xf32>
          %add3A_1425 = arith.addf %get3A_1421, %get3A_1424 : vector<16xf32>
          %swap3A_1426 = arith.constant 672 : index
          %swap3A_1427 = tpu.vector_load %arg12[%swap3A_1426] {strides = array<i32>} : memref<768xf32, #tpu.memory_space<vmem>>, vector<16xf32>,
          %swap3A_1428 = vector.shape_cast %swap3A_1427 : vector<16xf32> to vector<16xf32>
          %swap3A_1429 = vector.shape_cast %add3A_1425 : vector<16xf32> to vector<16xf32>
          tpu.vector_store %arg12[%swap3A_1426], %swap3A_1429 {strides = array<i32>} : memref<768xf32, #tpu.memory_space<vmem>>, vector<16xf32>,
          %get3A_1430 = arith.index_cast %rem3A_415 : i32 to index
          %get3A_1431 = arith.constant 688 : index
          %get3A_1432 = tpu.vector_load %arg10[%get3A_1430, %get3A_1431] {strides = array<i32>} : memref<2x768xf32, #tpu.memory_space<vmem>>, vector<1x16xf32>,
          %get3A_1433 = vector.shape_cast %get3A_1432 : vector<1x16xf32> to vector<16xf32>
          %get3A_1434 = arith.constant 688 : index
          %get3A_1435 = tpu.vector_load %arg11[%get3A_1434] {strides = array<i32>} : memref<768xf32, #tpu.memory_space<vmem>>, vector<16xf32>,
          %get3A_1436 = vector.shape_cast %get3A_1435 : vector<16xf32> to vector<16xf32>
          %add3A_1437 = arith.addf %get3A_1433, %get3A_1436 : vector<16xf32>
          %swap3A_1438 = arith.constant 688 : index
          %swap3A_1439 = tpu.vector_load %arg12[%swap3A_1438] {strides = array<i32>} : memref<768xf32, #tpu.memory_space<vmem>>, vector<16xf32>,
          %swap3A_1440 = vector.shape_cast %swap3A_1439 : vector<16xf32> to vector<16xf32>
          %swap3A_1441 = vector.shape_cast %add3A_1437 : vector<16xf32> to vector<16xf32>
          tpu.vector_store %arg12[%swap3A_1438], %swap3A_1441 {strides = array<i32>} : memref<768xf32, #tpu.memory_space<vmem>>, vector<16xf32>,
          %get3A_1442 = arith.index_cast %rem3A_415 : i32 to index
          %get3A_1443 = arith.constant 704 : index
          %get3A_1444 = tpu.vector_load %arg10[%get3A_1442, %get3A_1443] {strides = array<i32>} : memref<2x768xf32, #tpu.memory_space<vmem>>, vector<1x16xf32>,
          %get3A_1445 = vector.shape_cast %get3A_1444 : vector<1x16xf32> to vector<16xf32>
          %get3A_1446 = arith.constant 704 : index
          %get3A_1447 = tpu.vector_load %arg11[%get3A_1446] {strides = array<i32>} : memref<768xf32, #tpu.memory_space<vmem>>, vector<16xf32>,
          %get3A_1448 = vector.shape_cast %get3A_1447 : vector<16xf32> to vector<16xf32>
          %add3A_1449 = arith.addf %get3A_1445, %get3A_1448 : vector<16xf32>
          %swap3A_1450 = arith.constant 704 : index
          %swap3A_1451 = tpu.vector_load %arg12[%swap3A_1450] {strides = array<i32>} : memref<768xf32, #tpu.memory_space<vmem>>, vector<16xf32>,
          %swap3A_1452 = vector.shape_cast %swap3A_1451 : vector<16xf32> to vector<16xf32>
          %swap3A_1453 = vector.shape_cast %add3A_1449 : vector<16xf32> to vector<16xf32>
          tpu.vector_store %arg12[%swap3A_1450], %swap3A_1453 {strides = array<i32>} : memref<768xf32, #tpu.memory_space<vmem>>, vector<16xf32>,
          %get3A_1454 = arith.index_cast %rem3A_415 : i32 to index
          %get3A_1455 = arith.constant 720 : index
          %get3A_1456 = tpu.vector_load %arg10[%get3A_1454, %get3A_1455] {strides = array<i32>} : memref<2x768xf32, #tpu.memory_space<vmem>>, vector<1x16xf32>,
          %get3A_1457 = vector.shape_cast %get3A_1456 : vector<1x16xf32> to vector<16xf32>
          %get3A_1458 = arith.constant 720 : index
          %get3A_1459 = tpu.vector_load %arg11[%get3A_1458] {strides = array<i32>} : memref<768xf32, #tpu.memory_space<vmem>>, vector<16xf32>,
          %get3A_1460 = vector.shape_cast %get3A_1459 : vector<16xf32> to vector<16xf32>
          %add3A_1461 = arith.addf %get3A_1457, %get3A_1460 : vector<16xf32>
          %swap3A_1462 = arith.constant 720 : index
          %swap3A_1463 = tpu.vector_load %arg12[%swap3A_1462] {strides = array<i32>} : memref<768xf32, #tpu.memory_space<vmem>>, vector<16xf32>,
          %swap3A_1464 = vector.shape_cast %swap3A_1463 : vector<16xf32> to vector<16xf32>
          %swap3A_1465 = vector.shape_cast %add3A_1461 : vector<16xf32> to vector<16xf32>
          tpu.vector_store %arg12[%swap3A_1462], %swap3A_1465 {strides = array<i32>} : memref<768xf32, #tpu.memory_space<vmem>>, vector<16xf32>,
          %get3A_1466 = arith.index_cast %rem3A_415 : i32 to index
          %get3A_1467 = arith.constant 736 : index
          %get3A_1468 = tpu.vector_load %arg10[%get3A_1466, %get3A_1467] {strides = array<i32>} : memref<2x768xf32, #tpu.memory_space<vmem>>, vector<1x16xf32>,
          %get3A_1469 = vector.shape_cast %get3A_1468 : vector<1x16xf32> to vector<16xf32>
          %get3A_1470 = arith.constant 736 : index
          %get3A_1471 = tpu.vector_load %arg11[%get3A_1470] {strides = array<i32>} : memref<768xf32, #tpu.memory_space<vmem>>, vector<16xf32>,
          %get3A_1472 = vector.shape_cast %get3A_1471 : vector<16xf32> to vector<16xf32>
          %add3A_1473 = arith.addf %get3A_1469, %get3A_1472 : vector<16xf32>
          %swap3A_1474 = arith.constant 736 : index
          %swap3A_1475 = tpu.vector_load %arg12[%swap3A_1474] {strides = array<i32>} : memref<768xf32, #tpu.memory_space<vmem>>, vector<16xf32>,
          %swap3A_1476 = vector.shape_cast %swap3A_1475 : vector<16xf32> to vector<16xf32>
          %swap3A_1477 = vector.shape_cast %add3A_1473 : vector<16xf32> to vector<16xf32>
          tpu.vector_store %arg12[%swap3A_1474], %swap3A_1477 {strides = array<i32>} : memref<768xf32, #tpu.memory_space<vmem>>, vector<16xf32>,
          %get3A_1478 = arith.index_cast %rem3A_415 : i32 to index
          %get3A_1479 = arith.constant 752 : index
          %get3A_1480 = tpu.vector_load %arg10[%get3A_1478, %get3A_1479] {strides = array<i32>} : memref<2x768xf32, #tpu.memory_space<vmem>>, vector<1x16xf32>,
          %get3A_1481 = vector.shape_cast %get3A_1480 : vector<1x16xf32> to vector<16xf32>
          %get3A_1482 = arith.constant 752 : index
          %get3A_1483 = tpu.vector_load %arg11[%get3A_1482] {strides = array<i32>} : memref<768xf32, #tpu.memory_space<vmem>>, vector<16xf32>,
          %get3A_1484 = vector.shape_cast %get3A_1483 : vector<16xf32> to vector<16xf32>
          %add3A_1485 = arith.addf %get3A_1481, %get3A_1484 : vector<16xf32>
          %swap3A_1486 = arith.constant 752 : index
          %swap3A_1487 = tpu.vector_load %arg12[%swap3A_1486] {strides = array<i32>} : memref<768xf32, #tpu.memory_space<vmem>>, vector<16xf32>,
          %swap3A_1488 = vector.shape_cast %swap3A_1487 : vector<16xf32> to vector<16xf32>
          %swap3A_1489 = vector.shape_cast %add3A_1485 : vector<16xf32> to vector<16xf32>
          tpu.vector_store %arg12[%swap3A_1486], %swap3A_1489 {strides = array<i32>} : memref<768xf32, #tpu.memory_space<vmem>>, vector<16xf32>,
        } else {
        }
      } else {
      }
      %iota3A = tpu.iota {dimensions = array<i32: 0>} : vector<16xi32>
      %ge3A = arith.constant 8 : i32
      %ge3A_440 = vector.broadcast %ge3A : i32 to vector<16xi32>
      %ge3A_441 = arith.cmpi sge, %iota3A, %ge3A_440 : vector<16xi32>
      %add3A_442 = arith.constant 40 : i32
      %add3A_443 = vector.broadcast %add3A_442 : i32 to vector<16xi32>
      %add3A_444 = arith.addi %iota3A, %add3A_443 : vector<16xi32>
      %select_n3A_445 = arith.select %ge3A_441, %add3A_444, %iota3A : vector<16xi1>, vector<16xi32>
      %mul3A_446 = arith.constant 384 : i32
      %mul3A_447 = arith.muli %mul3A_446, %add3A_413 : i32
      %mul3A_448 = arith.constant 192 : i32
      %mul3A_449 = arith.muli %mul3A_448, %rem3A_408 : i32
      %add3A_450 = arith.addi %mul3A_447, %mul3A_449 : i32
      %add3A_451 = arith.constant 0 : i32
      %add3A_452 = arith.addi %add3A_450, %add3A_451 : i32
      %add3A_453 = arith.constant 0 : i32
      %add3A_454 = arith.addi %add3A_452, %add3A_453 : i32
      %add3A_455 = vector.broadcast %add3A_454 : i32 to vector<16xi32>
      %add3A_456 = arith.addi %add3A_455, %select_n3A_445 : vector<16xi32>
      %swap3A = arith.constant 0 : i32
      %swap3A_457 = arith.index_cast %rem3A_410 : i32 to index
      %swap3A_458 = arith.index_cast %swap3A : i32 to index
      %swap3A_459 = arith.constant 0 : index
      %swap3A_460 = tpu.vector_load %arg9[%swap3A_457, %swap3A_458, %swap3A_459] {strides = array<i32>} : memref<4x6x32xi32, #tpu.memory_space<vmem>>, vector<1x1x16xi32>,
      %swap3A_461 = vector.shape_cast %swap3A_460 : vector<1x1x16xi32> to vector<16xi32>
      %swap3A_462 = vector.shape_cast %add3A_456 : vector<16xi32> to vector<1x1x16xi32>
      tpu.vector_store %arg9[%swap3A_457, %swap3A_458, %swap3A_459], %swap3A_462 {strides = array<i32>} : memref<4x6x32xi32, #tpu.memory_space<vmem>>, vector<1x1x16xi32>,
      %mul3A_463 = arith.constant 384 : i32
      %mul3A_464 = arith.muli %mul3A_463, %add3A_413 : i32
      %mul3A_465 = arith.constant 192 : i32
      %mul3A_466 = arith.muli %mul3A_465, %rem3A_408 : i32
      %add3A_467 = arith.addi %mul3A_464, %mul3A_466 : i32
      %add3A_468 = arith.constant 96 : i32
      %add3A_469 = arith.addi %add3A_467, %add3A_468 : i32
      %add3A_470 = arith.constant 0 : i32
      %add3A_471 = arith.addi %add3A_469, %add3A_470 : i32
      %add3A_472 = vector.broadcast %add3A_471 : i32 to vector<16xi32>
      %add3A_473 = arith.addi %add3A_472, %select_n3A_445 : vector<16xi32>
      %swap3A_474 = arith.constant 0 : i32
      %swap3A_475 = arith.index_cast %rem3A_410 : i32 to index
      %swap3A_476 = arith.index_cast %swap3A_474 : i32 to index
      %swap3A_477 = arith.constant 16 : index
      %swap3A_478 = tpu.vector_load %arg9[%swap3A_475, %swap3A_476, %swap3A_477] {strides = array<i32>} : memref<4x6x32xi32, #tpu.memory_space<vmem>>, vector<1x1x16xi32>,
      %swap3A_479 = vector.shape_cast %swap3A_478 : vector<1x1x16xi32> to vector<16xi32>
      %swap3A_480 = vector.shape_cast %add3A_473 : vector<16xi32> to vector<1x1x16xi32>
      tpu.vector_store %arg9[%swap3A_475, %swap3A_476, %swap3A_477], %swap3A_480 {strides = array<i32>} : memref<4x6x32xi32, #tpu.memory_space<vmem>>, vector<1x1x16xi32>,
      %mul3A_481 = arith.constant 384 : i32
      %mul3A_482 = arith.muli %mul3A_481, %add3A_413 : i32
      %mul3A_483 = arith.constant 192 : i32
      %mul3A_484 = arith.muli %mul3A_483, %rem3A_408 : i32
      %add3A_485 = arith.addi %mul3A_482, %mul3A_484 : i32
      %add3A_486 = arith.constant 0 : i32
      %add3A_487 = arith.addi %add3A_485, %add3A_486 : i32
      %add3A_488 = arith.constant 8 : i32
      %add3A_489 = arith.addi %add3A_487, %add3A_488 : i32
      %add3A_490 = vector.broadcast %add3A_489 : i32 to vector<16xi32>
      %add3A_491 = arith.addi %add3A_490, %select_n3A_445 : vector<16xi32>
      %swap3A_492 = arith.constant 1 : i32
      %swap3A_493 = arith.index_cast %rem3A_410 : i32 to index
      %swap3A_494 = arith.index_cast %swap3A_492 : i32 to index
      %swap3A_495 = arith.constant 0 : index
      %swap3A_496 = tpu.vector_load %arg9[%swap3A_493, %swap3A_494, %swap3A_495] {strides = array<i32>} : memref<4x6x32xi32, #tpu.memory_space<vmem>>, vector<1x1x16xi32>,
      %swap3A_497 = vector.shape_cast %swap3A_496 : vector<1x1x16xi32> to vector<16xi32>
      %swap3A_498 = vector.shape_cast %add3A_491 : vector<16xi32> to vector<1x1x16xi32>
      tpu.vector_store %arg9[%swap3A_493, %swap3A_494, %swap3A_495], %swap3A_498 {strides = array<i32>} : memref<4x6x32xi32, #tpu.memory_space<vmem>>, vector<1x1x16xi32>,
      %mul3A_499 = arith.constant 384 : i32
      %mul3A_500 = arith.muli %mul3A_499, %add3A_413 : i32
      %mul3A_501 = arith.constant 192 : i32
      %mul3A_502 = arith.muli %mul3A_501, %rem3A_408 : i32
      %add3A_503 = arith.addi %mul3A_500, %mul3A_502 : i32
      %add3A_504 = arith.constant 96 : i32
      %add3A_505 = arith.addi %add3A_503, %add3A_504 : i32
      %add3A_506 = arith.constant 8 : i32
      %add3A_507 = arith.addi %add3A_505, %add3A_506 : i32
      %add3A_508 = vector.broadcast %add3A_507 : i32 to vector<16xi32>
      %add3A_509 = arith.addi %add3A_508, %select_n3A_445 : vector<16xi32>
      %swap3A_510 = arith.constant 1 : i32
      %swap3A_511 = arith.index_cast %rem3A_410 : i32 to index
      %swap3A_512 = arith.index_cast %swap3A_510 : i32 to index
      %swap3A_513 = arith.constant 16 : index
      %swap3A_514 = tpu.vector_load %arg9[%swap3A_511, %swap3A_512, %swap3A_513] {strides = array<i32>} : memref<4x6x32xi32, #tpu.memory_space<vmem>>, vector<1x1x16xi32>,
      %swap3A_515 = vector.shape_cast %swap3A_514 : vector<1x1x16xi32> to vector<16xi32>
      %swap3A_516 = vector.shape_cast %add3A_509 : vector<16xi32> to vector<1x1x16xi32>
      tpu.vector_store %arg9[%swap3A_511, %swap3A_512, %swap3A_513], %swap3A_516 {strides = array<i32>} : memref<4x6x32xi32, #tpu.memory_space<vmem>>, vector<1x1x16xi32>,
      %mul3A_517 = arith.constant 384 : i32
      %mul3A_518 = arith.muli %mul3A_517, %add3A_413 : i32
      %mul3A_519 = arith.constant 192 : i32
      %mul3A_520 = arith.muli %mul3A_519, %rem3A_408 : i32
      %add3A_521 = arith.addi %mul3A_518, %mul3A_520 : i32
      %add3A_522 = arith.constant 0 : i32
      %add3A_523 = arith.addi %add3A_521, %add3A_522 : i32
      %add3A_524 = arith.constant 16 : i32
      %add3A_525 = arith.addi %add3A_523, %add3A_524 : i32
      %add3A_526 = vector.broadcast %add3A_525 : i32 to vector<16xi32>
      %add3A_527 = arith.addi %add3A_526, %select_n3A_445 : vector<16xi32>
      %swap3A_528 = arith.constant 2 : i32
      %swap3A_529 = arith.index_cast %rem3A_410 : i32 to index
      %swap3A_530 = arith.index_cast %swap3A_528 : i32 to index
      %swap3A_531 = arith.constant 0 : index
      %swap3A_532 = tpu.vector_load %arg9[%swap3A_529, %swap3A_530, %swap3A_531] {strides = array<i32>} : memref<4x6x32xi32, #tpu.memory_space<vmem>>, vector<1x1x16xi32>,
      %swap3A_533 = vector.shape_cast %swap3A_532 : vector<1x1x16xi32> to vector<16xi32>
      %swap3A_534 = vector.shape_cast %add3A_527 : vector<16xi32> to vector<1x1x16xi32>
      tpu.vector_store %arg9[%swap3A_529, %swap3A_530, %swap3A_531], %swap3A_534 {strides = array<i32>} : memref<4x6x32xi32, #tpu.memory_space<vmem>>, vector<1x1x16xi32>,
      %mul3A_535 = arith.constant 384 : i32
      %mul3A_536 = arith.muli %mul3A_535, %add3A_413 : i32
      %mul3A_537 = arith.constant 192 : i32
      %mul3A_538 = arith.muli %mul3A_537, %rem3A_408 : i32
      %add3A_539 = arith.addi %mul3A_536, %mul3A_538 : i32
      %add3A_540 = arith.constant 96 : i32
      %add3A_541 = arith.addi %add3A_539, %add3A_540 : i32
      %add3A_542 = arith.constant 16 : i32
      %add3A_543 = arith.addi %add3A_541, %add3A_542 : i32
      %add3A_544 = vector.broadcast %add3A_543 : i32 to vector<16xi32>
      %add3A_545 = arith.addi %add3A_544, %select_n3A_445 : vector<16xi32>
      %swap3A_546 = arith.constant 2 : i32
      %swap3A_547 = arith.index_cast %rem3A_410 : i32 to index
      %swap3A_548 = arith.index_cast %swap3A_546 : i32 to index
      %swap3A_549 = arith.constant 16 : index
      %swap3A_550 = tpu.vector_load %arg9[%swap3A_547, %swap3A_548, %swap3A_549] {strides = array<i32>} : memref<4x6x32xi32, #tpu.memory_space<vmem>>, vector<1x1x16xi32>,
      %swap3A_551 = vector.shape_cast %swap3A_550 : vector<1x1x16xi32> to vector<16xi32>
      %swap3A_552 = vector.shape_cast %add3A_545 : vector<16xi32> to vector<1x1x16xi32>
      tpu.vector_store %arg9[%swap3A_547, %swap3A_548, %swap3A_549], %swap3A_552 {strides = array<i32>} : memref<4x6x32xi32, #tpu.memory_space<vmem>>, vector<1x1x16xi32>,
      %mul3A_553 = arith.constant 384 : i32
      %mul3A_554 = arith.muli %mul3A_553, %add3A_413 : i32
      %mul3A_555 = arith.constant 192 : i32
      %mul3A_556 = arith.muli %mul3A_555, %rem3A_408 : i32
      %add3A_557 = arith.addi %mul3A_554, %mul3A_556 : i32
      %add3A_558 = arith.constant 0 : i32
      %add3A_559 = arith.addi %add3A_557, %add3A_558 : i32
      %add3A_560 = arith.constant 24 : i32
      %add3A_561 = arith.addi %add3A_559, %add3A_560 : i32
      %add3A_562 = vector.broadcast %add3A_561 : i32 to vector<16xi32>
      %add3A_563 = arith.addi %add3A_562, %select_n3A_445 : vector<16xi32>
      %swap3A_564 = arith.constant 3 : i32
      %swap3A_565 = arith.index_cast %rem3A_410 : i32 to index
      %swap3A_566 = arith.index_cast %swap3A_564 : i32 to index
      %swap3A_567 = arith.constant 0 : index
      %swap3A_568 = tpu.vector_load %arg9[%swap3A_565, %swap3A_566, %swap3A_567] {strides = array<i32>} : memref<4x6x32xi32, #tpu.memory_space<vmem>>, vector<1x1x16xi32>,
      %swap3A_569 = vector.shape_cast %swap3A_568 : vector<1x1x16xi32> to vector<16xi32>
      %swap3A_570 = vector.shape_cast %add3A_563 : vector<16xi32> to vector<1x1x16xi32>
      tpu.vector_store %arg9[%swap3A_565, %swap3A_566, %swap3A_567], %swap3A_570 {strides = array<i32>} : memref<4x6x32xi32, #tpu.memory_space<vmem>>, vector<1x1x16xi32>,
      %mul3A_571 = arith.constant 384 : i32
      %mul3A_572 = arith.muli %mul3A_571, %add3A_413 : i32
      %mul3A_573 = arith.constant 192 : i32
      %mul3A_574 = arith.muli %mul3A_573, %rem3A_408 : i32
      %add3A_575 = arith.addi %mul3A_572, %mul3A_574 : i32
      %add3A_576 = arith.constant 96 : i32
      %add3A_577 = arith.addi %add3A_575, %add3A_576 : i32
      %add3A_578 = arith.constant 24 : i32
      %add3A_579 = arith.addi %add3A_577, %add3A_578 : i32
      %add3A_580 = vector.broadcast %add3A_579 : i32 to vector<16xi32>
      %add3A_581 = arith.addi %add3A_580, %select_n3A_445 : vector<16xi32>
      %swap3A_582 = arith.constant 3 : i32
      %swap3A_583 = arith.index_cast %rem3A_410 : i32 to index
      %swap3A_584 = arith.index_cast %swap3A_582 : i32 to index
      %swap3A_585 = arith.constant 16 : index
      %swap3A_586 = tpu.vector_load %arg9[%swap3A_583, %swap3A_584, %swap3A_585] {strides = array<i32>} : memref<4x6x32xi32, #tpu.memory_space<vmem>>, vector<1x1x16xi32>,
      %swap3A_587 = vector.shape_cast %swap3A_586 : vector<1x1x16xi32> to vector<16xi32>
      %swap3A_588 = vector.shape_cast %add3A_581 : vector<16xi32> to vector<1x1x16xi32>
      tpu.vector_store %arg9[%swap3A_583, %swap3A_584, %swap3A_585], %swap3A_588 {strides = array<i32>} : memref<4x6x32xi32, #tpu.memory_space<vmem>>, vector<1x1x16xi32>,
      %mul3A_589 = arith.constant 384 : i32
      %mul3A_590 = arith.muli %mul3A_589, %add3A_413 : i32
      %mul3A_591 = arith.constant 192 : i32
      %mul3A_592 = arith.muli %mul3A_591, %rem3A_408 : i32
      %add3A_593 = arith.addi %mul3A_590, %mul3A_592 : i32
      %add3A_594 = arith.constant 0 : i32
      %add3A_595 = arith.addi %add3A_593, %add3A_594 : i32
      %add3A_596 = arith.constant 32 : i32
      %add3A_597 = arith.addi %add3A_595, %add3A_596 : i32
      %add3A_598 = vector.broadcast %add3A_597 : i32 to vector<16xi32>
      %add3A_599 = arith.addi %add3A_598, %select_n3A_445 : vector<16xi32>
      %swap3A_600 = arith.constant 4 : i32
      %swap3A_601 = arith.index_cast %rem3A_410 : i32 to index
      %swap3A_602 = arith.index_cast %swap3A_600 : i32 to index
      %swap3A_603 = arith.constant 0 : index
      %swap3A_604 = tpu.vector_load %arg9[%swap3A_601, %swap3A_602, %swap3A_603] {strides = array<i32>} : memref<4x6x32xi32, #tpu.memory_space<vmem>>, vector<1x1x16xi32>,
      %swap3A_605 = vector.shape_cast %swap3A_604 : vector<1x1x16xi32> to vector<16xi32>
      %swap3A_606 = vector.shape_cast %add3A_599 : vector<16xi32> to vector<1x1x16xi32>
      tpu.vector_store %arg9[%swap3A_601, %swap3A_602, %swap3A_603], %swap3A_606 {strides = array<i32>} : memref<4x6x32xi32, #tpu.memory_space<vmem>>, vector<1x1x16xi32>,
      %mul3A_607 = arith.constant 384 : i32
      %mul3A_608 = arith.muli %mul3A_607, %add3A_413 : i32
      %mul3A_609 = arith.constant 192 : i32
      %mul3A_610 = arith.muli %mul3A_609, %rem3A_408 : i32
      %add3A_611 = arith.addi %mul3A_608, %mul3A_610 : i32
      %add3A_612 = arith.constant 96 : i32
      %add3A_613 = arith.addi %add3A_611, %add3A_612 : i32
      %add3A_614 = arith.constant 32 : i32
      %add3A_615 = arith.addi %add3A_613, %add3A_614 : i32
      %add3A_616 = vector.broadcast %add3A_615 : i32 to vector<16xi32>
      %add3A_617 = arith.addi %add3A_616, %select_n3A_445 : vector<16xi32>
      %swap3A_618 = arith.constant 4 : i32
      %swap3A_619 = arith.index_cast %rem3A_410 : i32 to index
      %swap3A_620 = arith.index_cast %swap3A_618 : i32 to index
      %swap3A_621 = arith.constant 16 : index
      %swap3A_622 = tpu.vector_load %arg9[%swap3A_619, %swap3A_620, %swap3A_621] {strides = array<i32>} : memref<4x6x32xi32, #tpu.memory_space<vmem>>, vector<1x1x16xi32>,
      %swap3A_623 = vector.shape_cast %swap3A_622 : vector<1x1x16xi32> to vector<16xi32>
      %swap3A_624 = vector.shape_cast %add3A_617 : vector<16xi32> to vector<1x1x16xi32>
      tpu.vector_store %arg9[%swap3A_619, %swap3A_620, %swap3A_621], %swap3A_624 {strides = array<i32>} : memref<4x6x32xi32, #tpu.memory_space<vmem>>, vector<1x1x16xi32>,
      %mul3A_625 = arith.constant 384 : i32
      %mul3A_626 = arith.muli %mul3A_625, %add3A_413 : i32
      %mul3A_627 = arith.constant 192 : i32
      %mul3A_628 = arith.muli %mul3A_627, %rem3A_408 : i32
      %add3A_629 = arith.addi %mul3A_626, %mul3A_628 : i32
      %add3A_630 = arith.constant 0 : i32
      %add3A_631 = arith.addi %add3A_629, %add3A_630 : i32
      %add3A_632 = arith.constant 40 : i32
      %add3A_633 = arith.addi %add3A_631, %add3A_632 : i32
      %add3A_634 = vector.broadcast %add3A_633 : i32 to vector<16xi32>
      %add3A_635 = arith.addi %add3A_634, %select_n3A_445 : vector<16xi32>
      %swap3A_636 = arith.constant 5 : i32
      %swap3A_637 = arith.index_cast %rem3A_410 : i32 to index
      %swap3A_638 = arith.index_cast %swap3A_636 : i32 to index
      %swap3A_639 = arith.constant 0 : index
      %swap3A_640 = tpu.vector_load %arg9[%swap3A_637, %swap3A_638, %swap3A_639] {strides = array<i32>} : memref<4x6x32xi32, #tpu.memory_space<vmem>>, vector<1x1x16xi32>,
      %swap3A_641 = vector.shape_cast %swap3A_640 : vector<1x1x16xi32> to vector<16xi32>
      %swap3A_642 = vector.shape_cast %add3A_635 : vector<16xi32> to vector<1x1x16xi32>
      tpu.vector_store %arg9[%swap3A_637, %swap3A_638, %swap3A_639], %swap3A_642 {strides = array<i32>} : memref<4x6x32xi32, #tpu.memory_space<vmem>>, vector<1x1x16xi32>,
      %mul3A_643 = arith.constant 384 : i32
      %mul3A_644 = arith.muli %mul3A_643, %add3A_413 : i32
      %mul3A_645 = arith.constant 192 : i32
      %mul3A_646 = arith.muli %mul3A_645, %rem3A_408 : i32
      %add3A_647 = arith.addi %mul3A_644, %mul3A_646 : i32
      %add3A_648 = arith.constant 96 : i32
      %add3A_649 = arith.addi %add3A_647, %add3A_648 : i32
      %add3A_650 = arith.constant 40 : i32
      %add3A_651 = arith.addi %add3A_649, %add3A_650 : i32
      %add3A_652 = vector.broadcast %add3A_651 : i32 to vector<16xi32>
      %add3A_653 = arith.addi %add3A_652, %select_n3A_445 : vector<16xi32>
      %swap3A_654 = arith.constant 5 : i32
      %swap3A_655 = arith.index_cast %rem3A_410 : i32 to index
      %swap3A_656 = arith.index_cast %swap3A_654 : i32 to index
      %swap3A_657 = arith.constant 16 : index
      %swap3A_658 = tpu.vector_load %arg9[%swap3A_655, %swap3A_656, %swap3A_657] {strides = array<i32>} : memref<4x6x32xi32, #tpu.memory_space<vmem>>, vector<1x1x16xi32>,
      %swap3A_659 = vector.shape_cast %swap3A_658 : vector<1x1x16xi32> to vector<16xi32>
      %swap3A_660 = vector.shape_cast %add3A_653 : vector<16xi32> to vector<1x1x16xi32>
      tpu.vector_store %arg9[%swap3A_655, %swap3A_656, %swap3A_657], %swap3A_660 {strides = array<i32>} : memref<4x6x32xi32, #tpu.memory_space<vmem>>, vector<1x1x16xi32>,
      %get3A = arith.constant 0 : index
      %get3A_661 = tpu.vector_load %arg12[%get3A] {strides = array<i32>} : memref<768xf32, #tpu.memory_space<vmem>>, vector<16xf32>,
      %get3A_662 = vector.shape_cast %get3A_661 : vector<16xf32> to vector<16xf32>
      %get3A_663 = arith.constant 16 : index
      %get3A_664 = tpu.vector_load %arg12[%get3A_663] {strides = array<i32>} : memref<768xf32, #tpu.memory_space<vmem>>, vector<16xf32>,
      %get3A_665 = vector.shape_cast %get3A_664 : vector<16xf32> to vector<16xf32>
      %get3A_666 = arith.constant 32 : index
      %get3A_667 = tpu.vector_load %arg12[%get3A_666] {strides = array<i32>} : memref<768xf32, #tpu.memory_space<vmem>>, vector<16xf32>,
      %get3A_668 = vector.shape_cast %get3A_667 : vector<16xf32> to vector<16xf32>
      %get3A_669 = arith.constant 48 : index
      %get3A_670 = tpu.vector_load %arg12[%get3A_669] {strides = array<i32>} : memref<768xf32, #tpu.memory_space<vmem>>, vector<16xf32>,
      %get3A_671 = vector.shape_cast %get3A_670 : vector<16xf32> to vector<16xf32>
      %get3A_672 = arith.constant 64 : index
      %get3A_673 = tpu.vector_load %arg12[%get3A_672] {strides = array<i32>} : memref<768xf32, #tpu.memory_space<vmem>>, vector<16xf32>,
      %get3A_674 = vector.shape_cast %get3A_673 : vector<16xf32> to vector<16xf32>
      %get3A_675 = arith.constant 80 : index
      %get3A_676 = tpu.vector_load %arg12[%get3A_675] {strides = array<i32>} : memref<768xf32, #tpu.memory_space<vmem>>, vector<16xf32>,
      %get3A_677 = vector.shape_cast %get3A_676 : vector<16xf32> to vector<16xf32>
      %get3A_678 = arith.constant 96 : index
      %get3A_679 = tpu.vector_load %arg12[%get3A_678] {strides = array<i32>} : memref<768xf32, #tpu.memory_space<vmem>>, vector<16xf32>,
      %get3A_680 = vector.shape_cast %get3A_679 : vector<16xf32> to vector<16xf32>
      %get3A_681 = arith.constant 112 : index
      %get3A_682 = tpu.vector_load %arg12[%get3A_681] {strides = array<i32>} : memref<768xf32, #tpu.memory_space<vmem>>, vector<16xf32>,
      %get3A_683 = vector.shape_cast %get3A_682 : vector<16xf32> to vector<16xf32>
      %get3A_684 = arith.constant 128 : index
      %get3A_685 = tpu.vector_load %arg12[%get3A_684] {strides = array<i32>} : memref<768xf32, #tpu.memory_space<vmem>>, vector<16xf32>,
      %get3A_686 = vector.shape_cast %get3A_685 : vector<16xf32> to vector<16xf32>
      %get3A_687 = arith.constant 144 : index
      %get3A_688 = tpu.vector_load %arg12[%get3A_687] {strides = array<i32>} : memref<768xf32, #tpu.memory_space<vmem>>, vector<16xf32>,
      %get3A_689 = vector.shape_cast %get3A_688 : vector<16xf32> to vector<16xf32>
      %get3A_690 = arith.constant 160 : index
      %get3A_691 = tpu.vector_load %arg12[%get3A_690] {strides = array<i32>} : memref<768xf32, #tpu.memory_space<vmem>>, vector<16xf32>,
      %get3A_692 = vector.shape_cast %get3A_691 : vector<16xf32> to vector<16xf32>
      %get3A_693 = arith.constant 176 : index
      %get3A_694 = tpu.vector_load %arg12[%get3A_693] {strides = array<i32>} : memref<768xf32, #tpu.memory_space<vmem>>, vector<16xf32>,
      %get3A_695 = vector.shape_cast %get3A_694 : vector<16xf32> to vector<16xf32>
      %get3A_696 = arith.constant 192 : index
      %get3A_697 = tpu.vector_load %arg12[%get3A_696] {strides = array<i32>} : memref<768xf32, #tpu.memory_space<vmem>>, vector<16xf32>,
      %get3A_698 = vector.shape_cast %get3A_697 : vector<16xf32> to vector<16xf32>
      %get3A_699 = arith.constant 208 : index
      %get3A_700 = tpu.vector_load %arg12[%get3A_699] {strides = array<i32>} : memref<768xf32, #tpu.memory_space<vmem>>, vector<16xf32>,
      %get3A_701 = vector.shape_cast %get3A_700 : vector<16xf32> to vector<16xf32>
      %get3A_702 = arith.constant 224 : index
      %get3A_703 = tpu.vector_load %arg12[%get3A_702] {strides = array<i32>} : memref<768xf32, #tpu.memory_space<vmem>>, vector<16xf32>,
      %get3A_704 = vector.shape_cast %get3A_703 : vector<16xf32> to vector<16xf32>
      %get3A_705 = arith.constant 240 : index
      %get3A_706 = tpu.vector_load %arg12[%get3A_705] {strides = array<i32>} : memref<768xf32, #tpu.memory_space<vmem>>, vector<16xf32>,
      %get3A_707 = vector.shape_cast %get3A_706 : vector<16xf32> to vector<16xf32>
      %parallel_loop3A = arith.constant 0 : i32
      %parallel_loop3A_708 = arith.constant 32 : i32
      %parallel_loop3A_709 = arith.constant 1 : i32
      %parallel_loop3A_710:16 = scf.for %parallel_loop3A_893 = %parallel_loop3A to %parallel_loop3A_708 step %parallel_loop3A_709 iter_args(%parallel_loop3A_894 = %get3A_662, %parallel_loop3A_895 = %get3A_665, %parallel_loop3A_896 = %get3A_668, %parallel_loop3A_897 = %get3A_671, %parallel_loop3A_898 = %get3A_674, %parallel_loop3A_899 = %get3A_677, %parallel_loop3A_900 = %get3A_680, %parallel_loop3A_901 = %get3A_683, %parallel_loop3A_902 = %get3A_686, %parallel_loop3A_903 = %get3A_689, %parallel_loop3A_904 = %get3A_692, %parallel_loop3A_905 = %get3A_695, %parallel_loop3A_906 = %get3A_698, %parallel_loop3A_907 = %get3A_701, %parallel_loop3A_908 = %get3A_704, %parallel_loop3A_909 = %get3A_707) -> (vector<16xf32>, vector<16xf32>, vector<16xf32>, vector<16xf32>, vector<16xf32>, vector<16xf32>, vector<16xf32>, vector<16xf32>, vector<16xf32>, vector<16xf32>, vector<16xf32>, vector<16xf32>, vector<16xf32>, vector<16xf32>, vector<16xf32>, vector<16xf32>)  : i32 {
        %parallel_loop3A_910 = arith.index_cast %rem3A_410 : i32 to index
        %parallel_loop3A_911 = arith.index_cast %parallel_loop3A_893 : i32 to index
        %parallel_loop3A_912 = arith.constant 0 : index
        %parallel_loop3A_913 = tpu.vector_load %arg13[%parallel_loop3A_910, %parallel_loop3A_911, %parallel_loop3A_912] {strides = array<i32>} : memref<4x32x768xf32, #tpu.memory_space<vmem>>, vector<1x1x16xf32>,
        %parallel_loop3A_914 = vector.shape_cast %parallel_loop3A_913 : vector<1x1x16xf32> to vector<16xf32>
        %parallel_loop3A_915 = arith.addf %parallel_loop3A_914, %parallel_loop3A_894 : vector<16xf32>
        %parallel_loop3A_916 = arith.index_cast %rem3A_410 : i32 to index
        %parallel_loop3A_917 = arith.index_cast %parallel_loop3A_893 : i32 to index
        %parallel_loop3A_918 = arith.constant 0 : index
        %parallel_loop3A_919 = tpu.vector_load %arg13[%parallel_loop3A_916, %parallel_loop3A_917, %parallel_loop3A_918] {strides = array<i32>} : memref<4x32x768xf32, #tpu.memory_space<vmem>>, vector<1x1x16xf32>,
        %parallel_loop3A_920 = vector.shape_cast %parallel_loop3A_919 : vector<1x1x16xf32> to vector<16xf32>
        %parallel_loop3A_921 = vector.shape_cast %parallel_loop3A_915 : vector<16xf32> to vector<1x1x16xf32>
        tpu.vector_store %arg13[%parallel_loop3A_916, %parallel_loop3A_917, %parallel_loop3A_918], %parallel_loop3A_921 {strides = array<i32>} : memref<4x32x768xf32, #tpu.memory_space<vmem>>, vector<1x1x16xf32>,
        %parallel_loop3A_922 = arith.index_cast %rem3A_410 : i32 to index
        %parallel_loop3A_923 = arith.index_cast %parallel_loop3A_893 : i32 to index
        %parallel_loop3A_924 = arith.constant 16 : index
        %parallel_loop3A_925 = tpu.vector_load %arg13[%parallel_loop3A_922, %parallel_loop3A_923, %parallel_loop3A_924] {strides = array<i32>} : memref<4x32x768xf32, #tpu.memory_space<vmem>>, vector<1x1x16xf32>,
        %parallel_loop3A_926 = vector.shape_cast %parallel_loop3A_925 : vector<1x1x16xf32> to vector<16xf32>
        %parallel_loop3A_927 = arith.addf %parallel_loop3A_926, %parallel_loop3A_895 : vector<16xf32>
        %parallel_loop3A_928 = arith.index_cast %rem3A_410 : i32 to index
        %parallel_loop3A_929 = arith.index_cast %parallel_loop3A_893 : i32 to index
        %parallel_loop3A_930 = arith.constant 16 : index
        %parallel_loop3A_931 = tpu.vector_load %arg13[%parallel_loop3A_928, %parallel_loop3A_929, %parallel_loop3A_930] {strides = array<i32>} : memref<4x32x768xf32, #tpu.memory_space<vmem>>, vector<1x1x16xf32>,
        %parallel_loop3A_932 = vector.shape_cast %parallel_loop3A_931 : vector<1x1x16xf32> to vector<16xf32>
        %parallel_loop3A_933 = vector.shape_cast %parallel_loop3A_927 : vector<16xf32> to vector<1x1x16xf32>
        tpu.vector_store %arg13[%parallel_loop3A_928, %parallel_loop3A_929, %parallel_loop3A_930], %parallel_loop3A_933 {strides = array<i32>} : memref<4x32x768xf32, #tpu.memory_space<vmem>>, vector<1x1x16xf32>,
        %parallel_loop3A_934 = arith.index_cast %rem3A_410 : i32 to index
        %parallel_loop3A_935 = arith.index_cast %parallel_loop3A_893 : i32 to index
        %parallel_loop3A_936 = arith.constant 32 : index
        %parallel_loop3A_937 = tpu.vector_load %arg13[%parallel_loop3A_934, %parallel_loop3A_935, %parallel_loop3A_936] {strides = array<i32>} : memref<4x32x768xf32, #tpu.memory_space<vmem>>, vector<1x1x16xf32>,
        %parallel_loop3A_938 = vector.shape_cast %parallel_loop3A_937 : vector<1x1x16xf32> to vector<16xf32>
        %parallel_loop3A_939 = arith.addf %parallel_loop3A_938, %parallel_loop3A_896 : vector<16xf32>
        %parallel_loop3A_940 = arith.index_cast %rem3A_410 : i32 to index
        %parallel_loop3A_941 = arith.index_cast %parallel_loop3A_893 : i32 to index
        %parallel_loop3A_942 = arith.constant 32 : index
        %parallel_loop3A_943 = tpu.vector_load %arg13[%parallel_loop3A_940, %parallel_loop3A_941, %parallel_loop3A_942] {strides = array<i32>} : memref<4x32x768xf32, #tpu.memory_space<vmem>>, vector<1x1x16xf32>,
        %parallel_loop3A_944 = vector.shape_cast %parallel_loop3A_943 : vector<1x1x16xf32> to vector<16xf32>
        %parallel_loop3A_945 = vector.shape_cast %parallel_loop3A_939 : vector<16xf32> to vector<1x1x16xf32>
        tpu.vector_store %arg13[%parallel_loop3A_940, %parallel_loop3A_941, %parallel_loop3A_942], %parallel_loop3A_945 {strides = array<i32>} : memref<4x32x768xf32, #tpu.memory_space<vmem>>, vector<1x1x16xf32>,
        %parallel_loop3A_946 = arith.index_cast %rem3A_410 : i32 to index
        %parallel_loop3A_947 = arith.index_cast %parallel_loop3A_893 : i32 to index
        %parallel_loop3A_948 = arith.constant 48 : index
        %parallel_loop3A_949 = tpu.vector_load %arg13[%parallel_loop3A_946, %parallel_loop3A_947, %parallel_loop3A_948] {strides = array<i32>} : memref<4x32x768xf32, #tpu.memory_space<vmem>>, vector<1x1x16xf32>,
        %parallel_loop3A_950 = vector.shape_cast %parallel_loop3A_949 : vector<1x1x16xf32> to vector<16xf32>
        %parallel_loop3A_951 = arith.addf %parallel_loop3A_950, %parallel_loop3A_897 : vector<16xf32>
        %parallel_loop3A_952 = arith.index_cast %rem3A_410 : i32 to index
        %parallel_loop3A_953 = arith.index_cast %parallel_loop3A_893 : i32 to index
        %parallel_loop3A_954 = arith.constant 48 : index
        %parallel_loop3A_955 = tpu.vector_load %arg13[%parallel_loop3A_952, %parallel_loop3A_953, %parallel_loop3A_954] {strides = array<i32>} : memref<4x32x768xf32, #tpu.memory_space<vmem>>, vector<1x1x16xf32>,
        %parallel_loop3A_956 = vector.shape_cast %parallel_loop3A_955 : vector<1x1x16xf32> to vector<16xf32>
        %parallel_loop3A_957 = vector.shape_cast %parallel_loop3A_951 : vector<16xf32> to vector<1x1x16xf32>
        tpu.vector_store %arg13[%parallel_loop3A_952, %parallel_loop3A_953, %parallel_loop3A_954], %parallel_loop3A_957 {strides = array<i32>} : memref<4x32x768xf32, #tpu.memory_space<vmem>>, vector<1x1x16xf32>,
        %parallel_loop3A_958 = arith.index_cast %rem3A_410 : i32 to index
        %parallel_loop3A_959 = arith.index_cast %parallel_loop3A_893 : i32 to index
        %parallel_loop3A_960 = arith.constant 64 : index
        %parallel_loop3A_961 = tpu.vector_load %arg13[%parallel_loop3A_958, %parallel_loop3A_959, %parallel_loop3A_960] {strides = array<i32>} : memref<4x32x768xf32, #tpu.memory_space<vmem>>, vector<1x1x16xf32>,
        %parallel_loop3A_962 = vector.shape_cast %parallel_loop3A_961 : vector<1x1x16xf32> to vector<16xf32>
        %parallel_loop3A_963 = arith.addf %parallel_loop3A_962, %parallel_loop3A_898 : vector<16xf32>
        %parallel_loop3A_964 = arith.index_cast %rem3A_410 : i32 to index
        %parallel_loop3A_965 = arith.index_cast %parallel_loop3A_893 : i32 to index
        %parallel_loop3A_966 = arith.constant 64 : index
        %parallel_loop3A_967 = tpu.vector_load %arg13[%parallel_loop3A_964, %parallel_loop3A_965, %parallel_loop3A_966] {strides = array<i32>} : memref<4x32x768xf32, #tpu.memory_space<vmem>>, vector<1x1x16xf32>,
        %parallel_loop3A_968 = vector.shape_cast %parallel_loop3A_967 : vector<1x1x16xf32> to vector<16xf32>
        %parallel_loop3A_969 = vector.shape_cast %parallel_loop3A_963 : vector<16xf32> to vector<1x1x16xf32>
        tpu.vector_store %arg13[%parallel_loop3A_964, %parallel_loop3A_965, %parallel_loop3A_966], %parallel_loop3A_969 {strides = array<i32>} : memref<4x32x768xf32, #tpu.memory_space<vmem>>, vector<1x1x16xf32>,
        %parallel_loop3A_970 = arith.index_cast %rem3A_410 : i32 to index
        %parallel_loop3A_971 = arith.index_cast %parallel_loop3A_893 : i32 to index
        %parallel_loop3A_972 = arith.constant 80 : index
        %parallel_loop3A_973 = tpu.vector_load %arg13[%parallel_loop3A_970, %parallel_loop3A_971, %parallel_loop3A_972] {strides = array<i32>} : memref<4x32x768xf32, #tpu.memory_space<vmem>>, vector<1x1x16xf32>,
        %parallel_loop3A_974 = vector.shape_cast %parallel_loop3A_973 : vector<1x1x16xf32> to vector<16xf32>
        %parallel_loop3A_975 = arith.addf %parallel_loop3A_974, %parallel_loop3A_899 : vector<16xf32>
        %parallel_loop3A_976 = arith.index_cast %rem3A_410 : i32 to index
        %parallel_loop3A_977 = arith.index_cast %parallel_loop3A_893 : i32 to index
        %parallel_loop3A_978 = arith.constant 80 : index
        %parallel_loop3A_979 = tpu.vector_load %arg13[%parallel_loop3A_976, %parallel_loop3A_977, %parallel_loop3A_978] {strides = array<i32>} : memref<4x32x768xf32, #tpu.memory_space<vmem>>, vector<1x1x16xf32>,
        %parallel_loop3A_980 = vector.shape_cast %parallel_loop3A_979 : vector<1x1x16xf32> to vector<16xf32>
        %parallel_loop3A_981 = vector.shape_cast %parallel_loop3A_975 : vector<16xf32> to vector<1x1x16xf32>
        tpu.vector_store %arg13[%parallel_loop3A_976, %parallel_loop3A_977, %parallel_loop3A_978], %parallel_loop3A_981 {strides = array<i32>} : memref<4x32x768xf32, #tpu.memory_space<vmem>>, vector<1x1x16xf32>,
        %parallel_loop3A_982 = arith.index_cast %rem3A_410 : i32 to index
        %parallel_loop3A_983 = arith.index_cast %parallel_loop3A_893 : i32 to index
        %parallel_loop3A_984 = arith.constant 96 : index
        %parallel_loop3A_985 = tpu.vector_load %arg13[%parallel_loop3A_982, %parallel_loop3A_983, %parallel_loop3A_984] {strides = array<i32>} : memref<4x32x768xf32, #tpu.memory_space<vmem>>, vector<1x1x16xf32>,
        %parallel_loop3A_986 = vector.shape_cast %parallel_loop3A_985 : vector<1x1x16xf32> to vector<16xf32>
        %parallel_loop3A_987 = arith.addf %parallel_loop3A_986, %parallel_loop3A_900 : vector<16xf32>
        %parallel_loop3A_988 = arith.index_cast %rem3A_410 : i32 to index
        %parallel_loop3A_989 = arith.index_cast %parallel_loop3A_893 : i32 to index
        %parallel_loop3A_990 = arith.constant 96 : index
        %parallel_loop3A_991 = tpu.vector_load %arg13[%parallel_loop3A_988, %parallel_loop3A_989, %parallel_loop3A_990] {strides = array<i32>} : memref<4x32x768xf32, #tpu.memory_space<vmem>>, vector<1x1x16xf32>,
        %parallel_loop3A_992 = vector.shape_cast %parallel_loop3A_991 : vector<1x1x16xf32> to vector<16xf32>
        %parallel_loop3A_993 = vector.shape_cast %parallel_loop3A_987 : vector<16xf32> to vector<1x1x16xf32>
        tpu.vector_store %arg13[%parallel_loop3A_988, %parallel_loop3A_989, %parallel_loop3A_990], %parallel_loop3A_993 {strides = array<i32>} : memref<4x32x768xf32, #tpu.memory_space<vmem>>, vector<1x1x16xf32>,
        %parallel_loop3A_994 = arith.index_cast %rem3A_410 : i32 to index
        %parallel_loop3A_995 = arith.index_cast %parallel_loop3A_893 : i32 to index
        %parallel_loop3A_996 = arith.constant 112 : index
        %parallel_loop3A_997 = tpu.vector_load %arg13[%parallel_loop3A_994, %parallel_loop3A_995, %parallel_loop3A_996] {strides = array<i32>} : memref<4x32x768xf32, #tpu.memory_space<vmem>>, vector<1x1x16xf32>,
        %parallel_loop3A_998 = vector.shape_cast %parallel_loop3A_997 : vector<1x1x16xf32> to vector<16xf32>
        %parallel_loop3A_999 = arith.addf %parallel_loop3A_998, %parallel_loop3A_901 : vector<16xf32>
        %parallel_loop3A_1000 = arith.index_cast %rem3A_410 : i32 to index
        %parallel_loop3A_1001 = arith.index_cast %parallel_loop3A_893 : i32 to index
        %parallel_loop3A_1002 = arith.constant 112 : index
        %parallel_loop3A_1003 = tpu.vector_load %arg13[%parallel_loop3A_1000, %parallel_loop3A_1001, %parallel_loop3A_1002] {strides = array<i32>} : memref<4x32x768xf32, #tpu.memory_space<vmem>>, vector<1x1x16xf32>,
        %parallel_loop3A_1004 = vector.shape_cast %parallel_loop3A_1003 : vector<1x1x16xf32> to vector<16xf32>
        %parallel_loop3A_1005 = vector.shape_cast %parallel_loop3A_999 : vector<16xf32> to vector<1x1x16xf32>
        tpu.vector_store %arg13[%parallel_loop3A_1000, %parallel_loop3A_1001, %parallel_loop3A_1002], %parallel_loop3A_1005 {strides = array<i32>} : memref<4x32x768xf32, #tpu.memory_space<vmem>>, vector<1x1x16xf32>,
        %parallel_loop3A_1006 = arith.index_cast %rem3A_410 : i32 to index
        %parallel_loop3A_1007 = arith.index_cast %parallel_loop3A_893 : i32 to index
        %parallel_loop3A_1008 = arith.constant 128 : index
        %parallel_loop3A_1009 = tpu.vector_load %arg13[%parallel_loop3A_1006, %parallel_loop3A_1007, %parallel_loop3A_1008] {strides = array<i32>} : memref<4x32x768xf32, #tpu.memory_space<vmem>>, vector<1x1x16xf32>,
        %parallel_loop3A_1010 = vector.shape_cast %parallel_loop3A_1009 : vector<1x1x16xf32> to vector<16xf32>
        %parallel_loop3A_1011 = arith.addf %parallel_loop3A_1010, %parallel_loop3A_902 : vector<16xf32>
        %parallel_loop3A_1012 = arith.index_cast %rem3A_410 : i32 to index
        %parallel_loop3A_1013 = arith.index_cast %parallel_loop3A_893 : i32 to index
        %parallel_loop3A_1014 = arith.constant 128 : index
        %parallel_loop3A_1015 = tpu.vector_load %arg13[%parallel_loop3A_1012, %parallel_loop3A_1013, %parallel_loop3A_1014] {strides = array<i32>} : memref<4x32x768xf32, #tpu.memory_space<vmem>>, vector<1x1x16xf32>,
        %parallel_loop3A_1016 = vector.shape_cast %parallel_loop3A_1015 : vector<1x1x16xf32> to vector<16xf32>
        %parallel_loop3A_1017 = vector.shape_cast %parallel_loop3A_1011 : vector<16xf32> to vector<1x1x16xf32>
        tpu.vector_store %arg13[%parallel_loop3A_1012, %parallel_loop3A_1013, %parallel_loop3A_1014], %parallel_loop3A_1017 {strides = array<i32>} : memref<4x32x768xf32, #tpu.memory_space<vmem>>, vector<1x1x16xf32>,
        %parallel_loop3A_1018 = arith.index_cast %rem3A_410 : i32 to index
        %parallel_loop3A_1019 = arith.index_cast %parallel_loop3A_893 : i32 to index
        %parallel_loop3A_1020 = arith.constant 144 : index
        %parallel_loop3A_1021 = tpu.vector_load %arg13[%parallel_loop3A_1018, %parallel_loop3A_1019, %parallel_loop3A_1020] {strides = array<i32>} : memref<4x32x768xf32, #tpu.memory_space<vmem>>, vector<1x1x16xf32>,
        %parallel_loop3A_1022 = vector.shape_cast %parallel_loop3A_1021 : vector<1x1x16xf32> to vector<16xf32>
        %parallel_loop3A_1023 = arith.addf %parallel_loop3A_1022, %parallel_loop3A_903 : vector<16xf32>
        %parallel_loop3A_1024 = arith.index_cast %rem3A_410 : i32 to index
        %parallel_loop3A_1025 = arith.index_cast %parallel_loop3A_893 : i32 to index
        %parallel_loop3A_1026 = arith.constant 144 : index
        %parallel_loop3A_1027 = tpu.vector_load %arg13[%parallel_loop3A_1024, %parallel_loop3A_1025, %parallel_loop3A_1026] {strides = array<i32>} : memref<4x32x768xf32, #tpu.memory_space<vmem>>, vector<1x1x16xf32>,
        %parallel_loop3A_1028 = vector.shape_cast %parallel_loop3A_1027 : vector<1x1x16xf32> to vector<16xf32>
        %parallel_loop3A_1029 = vector.shape_cast %parallel_loop3A_1023 : vector<16xf32> to vector<1x1x16xf32>
        tpu.vector_store %arg13[%parallel_loop3A_1024, %parallel_loop3A_1025, %parallel_loop3A_1026], %parallel_loop3A_1029 {strides = array<i32>} : memref<4x32x768xf32, #tpu.memory_space<vmem>>, vector<1x1x16xf32>,
        %parallel_loop3A_1030 = arith.index_cast %rem3A_410 : i32 to index
        %parallel_loop3A_1031 = arith.index_cast %parallel_loop3A_893 : i32 to index
        %parallel_loop3A_1032 = arith.constant 160 : index
        %parallel_loop3A_1033 = tpu.vector_load %arg13[%parallel_loop3A_1030, %parallel_loop3A_1031, %parallel_loop3A_1032] {strides = array<i32>} : memref<4x32x768xf32, #tpu.memory_space<vmem>>, vector<1x1x16xf32>,
        %parallel_loop3A_1034 = vector.shape_cast %parallel_loop3A_1033 : vector<1x1x16xf32> to vector<16xf32>
        %parallel_loop3A_1035 = arith.addf %parallel_loop3A_1034, %parallel_loop3A_904 : vector<16xf32>
        %parallel_loop3A_1036 = arith.index_cast %rem3A_410 : i32 to index
        %parallel_loop3A_1037 = arith.index_cast %parallel_loop3A_893 : i32 to index
        %parallel_loop3A_1038 = arith.constant 160 : index
        %parallel_loop3A_1039 = tpu.vector_load %arg13[%parallel_loop3A_1036, %parallel_loop3A_1037, %parallel_loop3A_1038] {strides = array<i32>} : memref<4x32x768xf32, #tpu.memory_space<vmem>>, vector<1x1x16xf32>,
        %parallel_loop3A_1040 = vector.shape_cast %parallel_loop3A_1039 : vector<1x1x16xf32> to vector<16xf32>
        %parallel_loop3A_1041 = vector.shape_cast %parallel_loop3A_1035 : vector<16xf32> to vector<1x1x16xf32>
        tpu.vector_store %arg13[%parallel_loop3A_1036, %parallel_loop3A_1037, %parallel_loop3A_1038], %parallel_loop3A_1041 {strides = array<i32>} : memref<4x32x768xf32, #tpu.memory_space<vmem>>, vector<1x1x16xf32>,
        %parallel_loop3A_1042 = arith.index_cast %rem3A_410 : i32 to index
        %parallel_loop3A_1043 = arith.index_cast %parallel_loop3A_893 : i32 to index
        %parallel_loop3A_1044 = arith.constant 176 : index
        %parallel_loop3A_1045 = tpu.vector_load %arg13[%parallel_loop3A_1042, %parallel_loop3A_1043, %parallel_loop3A_1044] {strides = array<i32>} : memref<4x32x768xf32, #tpu.memory_space<vmem>>, vector<1x1x16xf32>,
        %parallel_loop3A_1046 = vector.shape_cast %parallel_loop3A_1045 : vector<1x1x16xf32> to vector<16xf32>
        %parallel_loop3A_1047 = arith.addf %parallel_loop3A_1046, %parallel_loop3A_905 : vector<16xf32>
        %parallel_loop3A_1048 = arith.index_cast %rem3A_410 : i32 to index
        %parallel_loop3A_1049 = arith.index_cast %parallel_loop3A_893 : i32 to index
        %parallel_loop3A_1050 = arith.constant 176 : index
        %parallel_loop3A_1051 = tpu.vector_load %arg13[%parallel_loop3A_1048, %parallel_loop3A_1049, %parallel_loop3A_1050] {strides = array<i32>} : memref<4x32x768xf32, #tpu.memory_space<vmem>>, vector<1x1x16xf32>,
        %parallel_loop3A_1052 = vector.shape_cast %parallel_loop3A_1051 : vector<1x1x16xf32> to vector<16xf32>
        %parallel_loop3A_1053 = vector.shape_cast %parallel_loop3A_1047 : vector<16xf32> to vector<1x1x16xf32>
        tpu.vector_store %arg13[%parallel_loop3A_1048, %parallel_loop3A_1049, %parallel_loop3A_1050], %parallel_loop3A_1053 {strides = array<i32>} : memref<4x32x768xf32, #tpu.memory_space<vmem>>, vector<1x1x16xf32>,
        %parallel_loop3A_1054 = arith.index_cast %rem3A_410 : i32 to index
        %parallel_loop3A_1055 = arith.index_cast %parallel_loop3A_893 : i32 to index
        %parallel_loop3A_1056 = arith.constant 192 : index
        %parallel_loop3A_1057 = tpu.vector_load %arg13[%parallel_loop3A_1054, %parallel_loop3A_1055, %parallel_loop3A_1056] {strides = array<i32>} : memref<4x32x768xf32, #tpu.memory_space<vmem>>, vector<1x1x16xf32>,
        %parallel_loop3A_1058 = vector.shape_cast %parallel_loop3A_1057 : vector<1x1x16xf32> to vector<16xf32>
        %parallel_loop3A_1059 = arith.addf %parallel_loop3A_1058, %parallel_loop3A_906 : vector<16xf32>
        %parallel_loop3A_1060 = arith.index_cast %rem3A_410 : i32 to index
        %parallel_loop3A_1061 = arith.index_cast %parallel_loop3A_893 : i32 to index
        %parallel_loop3A_1062 = arith.constant 192 : index
        %parallel_loop3A_1063 = tpu.vector_load %arg13[%parallel_loop3A_1060, %parallel_loop3A_1061, %parallel_loop3A_1062] {strides = array<i32>} : memref<4x32x768xf32, #tpu.memory_space<vmem>>, vector<1x1x16xf32>,
        %parallel_loop3A_1064 = vector.shape_cast %parallel_loop3A_1063 : vector<1x1x16xf32> to vector<16xf32>
        %parallel_loop3A_1065 = vector.shape_cast %parallel_loop3A_1059 : vector<16xf32> to vector<1x1x16xf32>
        tpu.vector_store %arg13[%parallel_loop3A_1060, %parallel_loop3A_1061, %parallel_loop3A_1062], %parallel_loop3A_1065 {strides = array<i32>} : memref<4x32x768xf32, #tpu.memory_space<vmem>>, vector<1x1x16xf32>,
        %parallel_loop3A_1066 = arith.index_cast %rem3A_410 : i32 to index
        %parallel_loop3A_1067 = arith.index_cast %parallel_loop3A_893 : i32 to index
        %parallel_loop3A_1068 = arith.constant 208 : index
        %parallel_loop3A_1069 = tpu.vector_load %arg13[%parallel_loop3A_1066, %parallel_loop3A_1067, %parallel_loop3A_1068] {strides = array<i32>} : memref<4x32x768xf32, #tpu.memory_space<vmem>>, vector<1x1x16xf32>,
        %parallel_loop3A_1070 = vector.shape_cast %parallel_loop3A_1069 : vector<1x1x16xf32> to vector<16xf32>
        %parallel_loop3A_1071 = arith.addf %parallel_loop3A_1070, %parallel_loop3A_907 : vector<16xf32>
        %parallel_loop3A_1072 = arith.index_cast %rem3A_410 : i32 to index
        %parallel_loop3A_1073 = arith.index_cast %parallel_loop3A_893 : i32 to index
        %parallel_loop3A_1074 = arith.constant 208 : index
        %parallel_loop3A_1075 = tpu.vector_load %arg13[%parallel_loop3A_1072, %parallel_loop3A_1073, %parallel_loop3A_1074] {strides = array<i32>} : memref<4x32x768xf32, #tpu.memory_space<vmem>>, vector<1x1x16xf32>,
        %parallel_loop3A_1076 = vector.shape_cast %parallel_loop3A_1075 : vector<1x1x16xf32> to vector<16xf32>
        %parallel_loop3A_1077 = vector.shape_cast %parallel_loop3A_1071 : vector<16xf32> to vector<1x1x16xf32>
        tpu.vector_store %arg13[%parallel_loop3A_1072, %parallel_loop3A_1073, %parallel_loop3A_1074], %parallel_loop3A_1077 {strides = array<i32>} : memref<4x32x768xf32, #tpu.memory_space<vmem>>, vector<1x1x16xf32>,
        %parallel_loop3A_1078 = arith.index_cast %rem3A_410 : i32 to index
        %parallel_loop3A_1079 = arith.index_cast %parallel_loop3A_893 : i32 to index
        %parallel_loop3A_1080 = arith.constant 224 : index
        %parallel_loop3A_1081 = tpu.vector_load %arg13[%parallel_loop3A_1078, %parallel_loop3A_1079, %parallel_loop3A_1080] {strides = array<i32>} : memref<4x32x768xf32, #tpu.memory_space<vmem>>, vector<1x1x16xf32>,
        %parallel_loop3A_1082 = vector.shape_cast %parallel_loop3A_1081 : vector<1x1x16xf32> to vector<16xf32>
        %parallel_loop3A_1083 = arith.addf %parallel_loop3A_1082, %parallel_loop3A_908 : vector<16xf32>
        %parallel_loop3A_1084 = arith.index_cast %rem3A_410 : i32 to index
        %parallel_loop3A_1085 = arith.index_cast %parallel_loop3A_893 : i32 to index
        %parallel_loop3A_1086 = arith.constant 224 : index
        %parallel_loop3A_1087 = tpu.vector_load %arg13[%parallel_loop3A_1084, %parallel_loop3A_1085, %parallel_loop3A_1086] {strides = array<i32>} : memref<4x32x768xf32, #tpu.memory_space<vmem>>, vector<1x1x16xf32>,
        %parallel_loop3A_1088 = vector.shape_cast %parallel_loop3A_1087 : vector<1x1x16xf32> to vector<16xf32>
        %parallel_loop3A_1089 = vector.shape_cast %parallel_loop3A_1083 : vector<16xf32> to vector<1x1x16xf32>
        tpu.vector_store %arg13[%parallel_loop3A_1084, %parallel_loop3A_1085, %parallel_loop3A_1086], %parallel_loop3A_1089 {strides = array<i32>} : memref<4x32x768xf32, #tpu.memory_space<vmem>>, vector<1x1x16xf32>,
        %parallel_loop3A_1090 = arith.index_cast %rem3A_410 : i32 to index
        %parallel_loop3A_1091 = arith.index_cast %parallel_loop3A_893 : i32 to index
        %parallel_loop3A_1092 = arith.constant 240 : index
        %parallel_loop3A_1093 = tpu.vector_load %arg13[%parallel_loop3A_1090, %parallel_loop3A_1091, %parallel_loop3A_1092] {strides = array<i32>} : memref<4x32x768xf32, #tpu.memory_space<vmem>>, vector<1x1x16xf32>,
        %parallel_loop3A_1094 = vector.shape_cast %parallel_loop3A_1093 : vector<1x1x16xf32> to vector<16xf32>
        %parallel_loop3A_1095 = arith.addf %parallel_loop3A_1094, %parallel_loop3A_909 : vector<16xf32>
        %parallel_loop3A_1096 = arith.index_cast %rem3A_410 : i32 to index
        %parallel_loop3A_1097 = arith.index_cast %parallel_loop3A_893 : i32 to index
        %parallel_loop3A_1098 = arith.constant 240 : index
        %parallel_loop3A_1099 = tpu.vector_load %arg13[%parallel_loop3A_1096, %parallel_loop3A_1097, %parallel_loop3A_1098] {strides = array<i32>} : memref<4x32x768xf32, #tpu.memory_space<vmem>>, vector<1x1x16xf32>,
        %parallel_loop3A_1100 = vector.shape_cast %parallel_loop3A_1099 : vector<1x1x16xf32> to vector<16xf32>
        %parallel_loop3A_1101 = vector.shape_cast %parallel_loop3A_1095 : vector<16xf32> to vector<1x1x16xf32>
        tpu.vector_store %arg13[%parallel_loop3A_1096, %parallel_loop3A_1097, %parallel_loop3A_1098], %parallel_loop3A_1101 {strides = array<i32>} : memref<4x32x768xf32, #tpu.memory_space<vmem>>, vector<1x1x16xf32>,
        scf.yield %parallel_loop3A_894, %parallel_loop3A_895, %parallel_loop3A_896, %parallel_loop3A_897, %parallel_loop3A_898, %parallel_loop3A_899, %parallel_loop3A_900, %parallel_loop3A_901, %parallel_loop3A_902, %parallel_loop3A_903, %parallel_loop3A_904, %parallel_loop3A_905, %parallel_loop3A_906, %parallel_loop3A_907, %parallel_loop3A_908, %parallel_loop3A_909 : vector<16xf32>, vector<16xf32>, vector<16xf32>, vector<16xf32>, vector<16xf32>, vector<16xf32>, vector<16xf32>, vector<16xf32>, vector<16xf32>, vector<16xf32>, vector<16xf32>, vector<16xf32>, vector<16xf32>, vector<16xf32>, vector<16xf32>, vector<16xf32>
      } {sc.loop_unroll_factor = 1 : i64, sc.parallel_access}
      %get3A_711 = arith.constant 256 : index
      %get3A_712 = tpu.vector_load %arg12[%get3A_711] {strides = array<i32>} : memref<768xf32, #tpu.memory_space<vmem>>, vector<16xf32>,
      %get3A_713 = vector.shape_cast %get3A_712 : vector<16xf32> to vector<16xf32>
      %get3A_714 = arith.constant 272 : index
      %get3A_715 = tpu.vector_load %arg12[%get3A_714] {strides = array<i32>} : memref<768xf32, #tpu.memory_space<vmem>>, vector<16xf32>,
      %get3A_716 = vector.shape_cast %get3A_715 : vector<16xf32> to vector<16xf32>
      %get3A_717 = arith.constant 288 : index
      %get3A_718 = tpu.vector_load %arg12[%get3A_717] {strides = array<i32>} : memref<768xf32, #tpu.memory_space<vmem>>, vector<16xf32>,
      %get3A_719 = vector.shape_cast %get3A_718 : vector<16xf32> to vector<16xf32>
      %get3A_720 = arith.constant 304 : index
      %get3A_721 = tpu.vector_load %arg12[%get3A_720] {strides = array<i32>} : memref<768xf32, #tpu.memory_space<vmem>>, vector<16xf32>,
      %get3A_722 = vector.shape_cast %get3A_721 : vector<16xf32> to vector<16xf32>
      %get3A_723 = arith.constant 320 : index
      %get3A_724 = tpu.vector_load %arg12[%get3A_723] {strides = array<i32>} : memref<768xf32, #tpu.memory_space<vmem>>, vector<16xf32>,
      %get3A_725 = vector.shape_cast %get3A_724 : vector<16xf32> to vector<16xf32>
      %get3A_726 = arith.constant 336 : index
      %get3A_727 = tpu.vector_load %arg12[%get3A_726] {strides = array<i32>} : memref<768xf32, #tpu.memory_space<vmem>>, vector<16xf32>,
      %get3A_728 = vector.shape_cast %get3A_727 : vector<16xf32> to vector<16xf32>
      %get3A_729 = arith.constant 352 : index
      %get3A_730 = tpu.vector_load %arg12[%get3A_729] {strides = array<i32>} : memref<768xf32, #tpu.memory_space<vmem>>, vector<16xf32>,
      %get3A_731 = vector.shape_cast %get3A_730 : vector<16xf32> to vector<16xf32>
      %get3A_732 = arith.constant 368 : index
      %get3A_733 = tpu.vector_load %arg12[%get3A_732] {strides = array<i32>} : memref<768xf32, #tpu.memory_space<vmem>>, vector<16xf32>,
      %get3A_734 = vector.shape_cast %get3A_733 : vector<16xf32> to vector<16xf32>
      %get3A_735 = arith.constant 384 : index
      %get3A_736 = tpu.vector_load %arg12[%get3A_735] {strides = array<i32>} : memref<768xf32, #tpu.memory_space<vmem>>, vector<16xf32>,
      %get3A_737 = vector.shape_cast %get3A_736 : vector<16xf32> to vector<16xf32>
      %get3A_738 = arith.constant 400 : index
      %get3A_739 = tpu.vector_load %arg12[%get3A_738] {strides = array<i32>} : memref<768xf32, #tpu.memory_space<vmem>>, vector<16xf32>,
      %get3A_740 = vector.shape_cast %get3A_739 : vector<16xf32> to vector<16xf32>
      %get3A_741 = arith.constant 416 : index
      %get3A_742 = tpu.vector_load %arg12[%get3A_741] {strides = array<i32>} : memref<768xf32, #tpu.memory_space<vmem>>, vector<16xf32>,
      %get3A_743 = vector.shape_cast %get3A_742 : vector<16xf32> to vector<16xf32>
      %get3A_744 = arith.constant 432 : index
      %get3A_745 = tpu.vector_load %arg12[%get3A_744] {strides = array<i32>} : memref<768xf32, #tpu.memory_space<vmem>>, vector<16xf32>,
      %get3A_746 = vector.shape_cast %get3A_745 : vector<16xf32> to vector<16xf32>
      %get3A_747 = arith.constant 448 : index
      %get3A_748 = tpu.vector_load %arg12[%get3A_747] {strides = array<i32>} : memref<768xf32, #tpu.memory_space<vmem>>, vector<16xf32>,
      %get3A_749 = vector.shape_cast %get3A_748 : vector<16xf32> to vector<16xf32>
      %get3A_750 = arith.constant 464 : index
      %get3A_751 = tpu.vector_load %arg12[%get3A_750] {strides = array<i32>} : memref<768xf32, #tpu.memory_space<vmem>>, vector<16xf32>,
      %get3A_752 = vector.shape_cast %get3A_751 : vector<16xf32> to vector<16xf32>
      %get3A_753 = arith.constant 480 : index
      %get3A_754 = tpu.vector_load %arg12[%get3A_753] {strides = array<i32>} : memref<768xf32, #tpu.memory_space<vmem>>, vector<16xf32>,
      %get3A_755 = vector.shape_cast %get3A_754 : vector<16xf32> to vector<16xf32>
      %get3A_756 = arith.constant 496 : index
      %get3A_757 = tpu.vector_load %arg12[%get3A_756] {strides = array<i32>} : memref<768xf32, #tpu.memory_space<vmem>>, vector<16xf32>,
      %get3A_758 = vector.shape_cast %get3A_757 : vector<16xf32> to vector<16xf32>
      %parallel_loop3A_759 = arith.constant 0 : i32
      %parallel_loop3A_760 = arith.constant 32 : i32
      %parallel_loop3A_761 = arith.constant 1 : i32
      %parallel_loop3A_762:16 = scf.for %parallel_loop3A_893 = %parallel_loop3A_759 to %parallel_loop3A_760 step %parallel_loop3A_761 iter_args(%parallel_loop3A_894 = %get3A_713, %parallel_loop3A_895 = %get3A_716, %parallel_loop3A_896 = %get3A_719, %parallel_loop3A_897 = %get3A_722, %parallel_loop3A_898 = %get3A_725, %parallel_loop3A_899 = %get3A_728, %parallel_loop3A_900 = %get3A_731, %parallel_loop3A_901 = %get3A_734, %parallel_loop3A_902 = %get3A_737, %parallel_loop3A_903 = %get3A_740, %parallel_loop3A_904 = %get3A_743, %parallel_loop3A_905 = %get3A_746, %parallel_loop3A_906 = %get3A_749, %parallel_loop3A_907 = %get3A_752, %parallel_loop3A_908 = %get3A_755, %parallel_loop3A_909 = %get3A_758) -> (vector<16xf32>, vector<16xf32>, vector<16xf32>, vector<16xf32>, vector<16xf32>, vector<16xf32>, vector<16xf32>, vector<16xf32>, vector<16xf32>, vector<16xf32>, vector<16xf32>, vector<16xf32>, vector<16xf32>, vector<16xf32>, vector<16xf32>, vector<16xf32>)  : i32 {
        %parallel_loop3A_910 = arith.index_cast %rem3A_410 : i32 to index
        %parallel_loop3A_911 = arith.index_cast %parallel_loop3A_893 : i32 to index
        %parallel_loop3A_912 = arith.constant 256 : index
        %parallel_loop3A_913 = tpu.vector_load %arg13[%parallel_loop3A_910, %parallel_loop3A_911, %parallel_loop3A_912] {strides = array<i32>} : memref<4x32x768xf32, #tpu.memory_space<vmem>>, vector<1x1x16xf32>,
        %parallel_loop3A_914 = vector.shape_cast %parallel_loop3A_913 : vector<1x1x16xf32> to vector<16xf32>
        %parallel_loop3A_915 = arith.addf %parallel_loop3A_914, %parallel_loop3A_894 : vector<16xf32>
        %parallel_loop3A_916 = arith.index_cast %rem3A_410 : i32 to index
        %parallel_loop3A_917 = arith.index_cast %parallel_loop3A_893 : i32 to index
        %parallel_loop3A_918 = arith.constant 256 : index
        %parallel_loop3A_919 = tpu.vector_load %arg13[%parallel_loop3A_916, %parallel_loop3A_917, %parallel_loop3A_918] {strides = array<i32>} : memref<4x32x768xf32, #tpu.memory_space<vmem>>, vector<1x1x16xf32>,
        %parallel_loop3A_920 = vector.shape_cast %parallel_loop3A_919 : vector<1x1x16xf32> to vector<16xf32>
        %parallel_loop3A_921 = vector.shape_cast %parallel_loop3A_915 : vector<16xf32> to vector<1x1x16xf32>
        tpu.vector_store %arg13[%parallel_loop3A_916, %parallel_loop3A_917, %parallel_loop3A_918], %parallel_loop3A_921 {strides = array<i32>} : memref<4x32x768xf32, #tpu.memory_space<vmem>>, vector<1x1x16xf32>,
        %parallel_loop3A_922 = arith.index_cast %rem3A_410 : i32 to index
        %parallel_loop3A_923 = arith.index_cast %parallel_loop3A_893 : i32 to index
        %parallel_loop3A_924 = arith.constant 272 : index
        %parallel_loop3A_925 = tpu.vector_load %arg13[%parallel_loop3A_922, %parallel_loop3A_923, %parallel_loop3A_924] {strides = array<i32>} : memref<4x32x768xf32, #tpu.memory_space<vmem>>, vector<1x1x16xf32>,
        %parallel_loop3A_926 = vector.shape_cast %parallel_loop3A_925 : vector<1x1x16xf32> to vector<16xf32>
        %parallel_loop3A_927 = arith.addf %parallel_loop3A_926, %parallel_loop3A_895 : vector<16xf32>
        %parallel_loop3A_928 = arith.index_cast %rem3A_410 : i32 to index
        %parallel_loop3A_929 = arith.index_cast %parallel_loop3A_893 : i32 to index
        %parallel_loop3A_930 = arith.constant 272 : index
        %parallel_loop3A_931 = tpu.vector_load %arg13[%parallel_loop3A_928, %parallel_loop3A_929, %parallel_loop3A_930] {strides = array<i32>} : memref<4x32x768xf32, #tpu.memory_space<vmem>>, vector<1x1x16xf32>,
        %parallel_loop3A_932 = vector.shape_cast %parallel_loop3A_931 : vector<1x1x16xf32> to vector<16xf32>
        %parallel_loop3A_933 = vector.shape_cast %parallel_loop3A_927 : vector<16xf32> to vector<1x1x16xf32>
        tpu.vector_store %arg13[%parallel_loop3A_928, %parallel_loop3A_929, %parallel_loop3A_930], %parallel_loop3A_933 {strides = array<i32>} : memref<4x32x768xf32, #tpu.memory_space<vmem>>, vector<1x1x16xf32>,
        %parallel_loop3A_934 = arith.index_cast %rem3A_410 : i32 to index
        %parallel_loop3A_935 = arith.index_cast %parallel_loop3A_893 : i32 to index
        %parallel_loop3A_936 = arith.constant 288 : index
        %parallel_loop3A_937 = tpu.vector_load %arg13[%parallel_loop3A_934, %parallel_loop3A_935, %parallel_loop3A_936] {strides = array<i32>} : memref<4x32x768xf32, #tpu.memory_space<vmem>>, vector<1x1x16xf32>,
        %parallel_loop3A_938 = vector.shape_cast %parallel_loop3A_937 : vector<1x1x16xf32> to vector<16xf32>
        %parallel_loop3A_939 = arith.addf %parallel_loop3A_938, %parallel_loop3A_896 : vector<16xf32>
        %parallel_loop3A_940 = arith.index_cast %rem3A_410 : i32 to index
        %parallel_loop3A_941 = arith.index_cast %parallel_loop3A_893 : i32 to index
        %parallel_loop3A_942 = arith.constant 288 : index
        %parallel_loop3A_943 = tpu.vector_load %arg13[%parallel_loop3A_940, %parallel_loop3A_941, %parallel_loop3A_942] {strides = array<i32>} : memref<4x32x768xf32, #tpu.memory_space<vmem>>, vector<1x1x16xf32>,
        %parallel_loop3A_944 = vector.shape_cast %parallel_loop3A_943 : vector<1x1x16xf32> to vector<16xf32>
        %parallel_loop3A_945 = vector.shape_cast %parallel_loop3A_939 : vector<16xf32> to vector<1x1x16xf32>
        tpu.vector_store %arg13[%parallel_loop3A_940, %parallel_loop3A_941, %parallel_loop3A_942], %parallel_loop3A_945 {strides = array<i32>} : memref<4x32x768xf32, #tpu.memory_space<vmem>>, vector<1x1x16xf32>,
        %parallel_loop3A_946 = arith.index_cast %rem3A_410 : i32 to index
        %parallel_loop3A_947 = arith.index_cast %parallel_loop3A_893 : i32 to index
        %parallel_loop3A_948 = arith.constant 304 : index
        %parallel_loop3A_949 = tpu.vector_load %arg13[%parallel_loop3A_946, %parallel_loop3A_947, %parallel_loop3A_948] {strides = array<i32>} : memref<4x32x768xf32, #tpu.memory_space<vmem>>, vector<1x1x16xf32>,
        %parallel_loop3A_950 = vector.shape_cast %parallel_loop3A_949 : vector<1x1x16xf32> to vector<16xf32>
        %parallel_loop3A_951 = arith.addf %parallel_loop3A_950, %parallel_loop3A_897 : vector<16xf32>
        %parallel_loop3A_952 = arith.index_cast %rem3A_410 : i32 to index
        %parallel_loop3A_953 = arith.index_cast %parallel_loop3A_893 : i32 to index
        %parallel_loop3A_954 = arith.constant 304 : index
        %parallel_loop3A_955 = tpu.vector_load %arg13[%parallel_loop3A_952, %parallel_loop3A_953, %parallel_loop3A_954] {strides = array<i32>} : memref<4x32x768xf32, #tpu.memory_space<vmem>>, vector<1x1x16xf32>,
        %parallel_loop3A_956 = vector.shape_cast %parallel_loop3A_955 : vector<1x1x16xf32> to vector<16xf32>
        %parallel_loop3A_957 = vector.shape_cast %parallel_loop3A_951 : vector<16xf32> to vector<1x1x16xf32>
        tpu.vector_store %arg13[%parallel_loop3A_952, %parallel_loop3A_953, %parallel_loop3A_954], %parallel_loop3A_957 {strides = array<i32>} : memref<4x32x768xf32, #tpu.memory_space<vmem>>, vector<1x1x16xf32>,
        %parallel_loop3A_958 = arith.index_cast %rem3A_410 : i32 to index
        %parallel_loop3A_959 = arith.index_cast %parallel_loop3A_893 : i32 to index
        %parallel_loop3A_960 = arith.constant 320 : index
        %parallel_loop3A_961 = tpu.vector_load %arg13[%parallel_loop3A_958, %parallel_loop3A_959, %parallel_loop3A_960] {strides = array<i32>} : memref<4x32x768xf32, #tpu.memory_space<vmem>>, vector<1x1x16xf32>,
        %parallel_loop3A_962 = vector.shape_cast %parallel_loop3A_961 : vector<1x1x16xf32> to vector<16xf32>
        %parallel_loop3A_963 = arith.addf %parallel_loop3A_962, %parallel_loop3A_898 : vector<16xf32>
        %parallel_loop3A_964 = arith.index_cast %rem3A_410 : i32 to index
        %parallel_loop3A_965 = arith.index_cast %parallel_loop3A_893 : i32 to index
        %parallel_loop3A_966 = arith.constant 320 : index
        %parallel_loop3A_967 = tpu.vector_load %arg13[%parallel_loop3A_964, %parallel_loop3A_965, %parallel_loop3A_966] {strides = array<i32>} : memref<4x32x768xf32, #tpu.memory_space<vmem>>, vector<1x1x16xf32>,
        %parallel_loop3A_968 = vector.shape_cast %parallel_loop3A_967 : vector<1x1x16xf32> to vector<16xf32>
        %parallel_loop3A_969 = vector.shape_cast %parallel_loop3A_963 : vector<16xf32> to vector<1x1x16xf32>
        tpu.vector_store %arg13[%parallel_loop3A_964, %parallel_loop3A_965, %parallel_loop3A_966], %parallel_loop3A_969 {strides = array<i32>} : memref<4x32x768xf32, #tpu.memory_space<vmem>>, vector<1x1x16xf32>,
        %parallel_loop3A_970 = arith.index_cast %rem3A_410 : i32 to index
        %parallel_loop3A_971 = arith.index_cast %parallel_loop3A_893 : i32 to index
        %parallel_loop3A_972 = arith.constant 336 : index
        %parallel_loop3A_973 = tpu.vector_load %arg13[%parallel_loop3A_970, %parallel_loop3A_971, %parallel_loop3A_972] {strides = array<i32>} : memref<4x32x768xf32, #tpu.memory_space<vmem>>, vector<1x1x16xf32>,
        %parallel_loop3A_974 = vector.shape_cast %parallel_loop3A_973 : vector<1x1x16xf32> to vector<16xf32>
        %parallel_loop3A_975 = arith.addf %parallel_loop3A_974, %parallel_loop3A_899 : vector<16xf32>
        %parallel_loop3A_976 = arith.index_cast %rem3A_410 : i32 to index
        %parallel_loop3A_977 = arith.index_cast %parallel_loop3A_893 : i32 to index
        %parallel_loop3A_978 = arith.constant 336 : index
        %parallel_loop3A_979 = tpu.vector_load %arg13[%parallel_loop3A_976, %parallel_loop3A_977, %parallel_loop3A_978] {strides = array<i32>} : memref<4x32x768xf32, #tpu.memory_space<vmem>>, vector<1x1x16xf32>,
        %parallel_loop3A_980 = vector.shape_cast %parallel_loop3A_979 : vector<1x1x16xf32> to vector<16xf32>
        %parallel_loop3A_981 = vector.shape_cast %parallel_loop3A_975 : vector<16xf32> to vector<1x1x16xf32>
        tpu.vector_store %arg13[%parallel_loop3A_976, %parallel_loop3A_977, %parallel_loop3A_978], %parallel_loop3A_981 {strides = array<i32>} : memref<4x32x768xf32, #tpu.memory_space<vmem>>, vector<1x1x16xf32>,
        %parallel_loop3A_982 = arith.index_cast %rem3A_410 : i32 to index
        %parallel_loop3A_983 = arith.index_cast %parallel_loop3A_893 : i32 to index
        %parallel_loop3A_984 = arith.constant 352 : index
        %parallel_loop3A_985 = tpu.vector_load %arg13[%parallel_loop3A_982, %parallel_loop3A_983, %parallel_loop3A_984] {strides = array<i32>} : memref<4x32x768xf32, #tpu.memory_space<vmem>>, vector<1x1x16xf32>,
        %parallel_loop3A_986 = vector.shape_cast %parallel_loop3A_985 : vector<1x1x16xf32> to vector<16xf32>
        %parallel_loop3A_987 = arith.addf %parallel_loop3A_986, %parallel_loop3A_900 : vector<16xf32>
        %parallel_loop3A_988 = arith.index_cast %rem3A_410 : i32 to index
        %parallel_loop3A_989 = arith.index_cast %parallel_loop3A_893 : i32 to index
        %parallel_loop3A_990 = arith.constant 352 : index
        %parallel_loop3A_991 = tpu.vector_load %arg13[%parallel_loop3A_988, %parallel_loop3A_989, %parallel_loop3A_990] {strides = array<i32>} : memref<4x32x768xf32, #tpu.memory_space<vmem>>, vector<1x1x16xf32>,
        %parallel_loop3A_992 = vector.shape_cast %parallel_loop3A_991 : vector<1x1x16xf32> to vector<16xf32>
        %parallel_loop3A_993 = vector.shape_cast %parallel_loop3A_987 : vector<16xf32> to vector<1x1x16xf32>
        tpu.vector_store %arg13[%parallel_loop3A_988, %parallel_loop3A_989, %parallel_loop3A_990], %parallel_loop3A_993 {strides = array<i32>} : memref<4x32x768xf32, #tpu.memory_space<vmem>>, vector<1x1x16xf32>,
        %parallel_loop3A_994 = arith.index_cast %rem3A_410 : i32 to index
        %parallel_loop3A_995 = arith.index_cast %parallel_loop3A_893 : i32 to index
        %parallel_loop3A_996 = arith.constant 368 : index
        %parallel_loop3A_997 = tpu.vector_load %arg13[%parallel_loop3A_994, %parallel_loop3A_995, %parallel_loop3A_996] {strides = array<i32>} : memref<4x32x768xf32, #tpu.memory_space<vmem>>, vector<1x1x16xf32>,
        %parallel_loop3A_998 = vector.shape_cast %parallel_loop3A_997 : vector<1x1x16xf32> to vector<16xf32>
        %parallel_loop3A_999 = arith.addf %parallel_loop3A_998, %parallel_loop3A_901 : vector<16xf32>
        %parallel_loop3A_1000 = arith.index_cast %rem3A_410 : i32 to index
        %parallel_loop3A_1001 = arith.index_cast %parallel_loop3A_893 : i32 to index
        %parallel_loop3A_1002 = arith.constant 368 : index
        %parallel_loop3A_1003 = tpu.vector_load %arg13[%parallel_loop3A_1000, %parallel_loop3A_1001, %parallel_loop3A_1002] {strides = array<i32>} : memref<4x32x768xf32, #tpu.memory_space<vmem>>, vector<1x1x16xf32>,
        %parallel_loop3A_1004 = vector.shape_cast %parallel_loop3A_1003 : vector<1x1x16xf32> to vector<16xf32>
        %parallel_loop3A_1005 = vector.shape_cast %parallel_loop3A_999 : vector<16xf32> to vector<1x1x16xf32>
        tpu.vector_store %arg13[%parallel_loop3A_1000, %parallel_loop3A_1001, %parallel_loop3A_1002], %parallel_loop3A_1005 {strides = array<i32>} : memref<4x32x768xf32, #tpu.memory_space<vmem>>, vector<1x1x16xf32>,
        %parallel_loop3A_1006 = arith.index_cast %rem3A_410 : i32 to index
        %parallel_loop3A_1007 = arith.index_cast %parallel_loop3A_893 : i32 to index
        %parallel_loop3A_1008 = arith.constant 384 : index
        %parallel_loop3A_1009 = tpu.vector_load %arg13[%parallel_loop3A_1006, %parallel_loop3A_1007, %parallel_loop3A_1008] {strides = array<i32>} : memref<4x32x768xf32, #tpu.memory_space<vmem>>, vector<1x1x16xf32>,
        %parallel_loop3A_1010 = vector.shape_cast %parallel_loop3A_1009 : vector<1x1x16xf32> to vector<16xf32>
        %parallel_loop3A_1011 = arith.addf %parallel_loop3A_1010, %parallel_loop3A_902 : vector<16xf32>
        %parallel_loop3A_1012 = arith.index_cast %rem3A_410 : i32 to index
        %parallel_loop3A_1013 = arith.index_cast %parallel_loop3A_893 : i32 to index
        %parallel_loop3A_1014 = arith.constant 384 : index
        %parallel_loop3A_1015 = tpu.vector_load %arg13[%parallel_loop3A_1012, %parallel_loop3A_1013, %parallel_loop3A_1014] {strides = array<i32>} : memref<4x32x768xf32, #tpu.memory_space<vmem>>, vector<1x1x16xf32>,
        %parallel_loop3A_1016 = vector.shape_cast %parallel_loop3A_1015 : vector<1x1x16xf32> to vector<16xf32>
        %parallel_loop3A_1017 = vector.shape_cast %parallel_loop3A_1011 : vector<16xf32> to vector<1x1x16xf32>
        tpu.vector_store %arg13[%parallel_loop3A_1012, %parallel_loop3A_1013, %parallel_loop3A_1014], %parallel_loop3A_1017 {strides = array<i32>} : memref<4x32x768xf32, #tpu.memory_space<vmem>>, vector<1x1x16xf32>,
        %parallel_loop3A_1018 = arith.index_cast %rem3A_410 : i32 to index
        %parallel_loop3A_1019 = arith.index_cast %parallel_loop3A_893 : i32 to index
        %parallel_loop3A_1020 = arith.constant 400 : index
        %parallel_loop3A_1021 = tpu.vector_load %arg13[%parallel_loop3A_1018, %parallel_loop3A_1019, %parallel_loop3A_1020] {strides = array<i32>} : memref<4x32x768xf32, #tpu.memory_space<vmem>>, vector<1x1x16xf32>,
        %parallel_loop3A_1022 = vector.shape_cast %parallel_loop3A_1021 : vector<1x1x16xf32> to vector<16xf32>
        %parallel_loop3A_1023 = arith.addf %parallel_loop3A_1022, %parallel_loop3A_903 : vector<16xf32>
        %parallel_loop3A_1024 = arith.index_cast %rem3A_410 : i32 to index
        %parallel_loop3A_1025 = arith.index_cast %parallel_loop3A_893 : i32 to index
        %parallel_loop3A_1026 = arith.constant 400 : index
        %parallel_loop3A_1027 = tpu.vector_load %arg13[%parallel_loop3A_1024, %parallel_loop3A_1025, %parallel_loop3A_1026] {strides = array<i32>} : memref<4x32x768xf32, #tpu.memory_space<vmem>>, vector<1x1x16xf32>,
        %parallel_loop3A_1028 = vector.shape_cast %parallel_loop3A_1027 : vector<1x1x16xf32> to vector<16xf32>
        %parallel_loop3A_1029 = vector.shape_cast %parallel_loop3A_1023 : vector<16xf32> to vector<1x1x16xf32>
        tpu.vector_store %arg13[%parallel_loop3A_1024, %parallel_loop3A_1025, %parallel_loop3A_1026], %parallel_loop3A_1029 {strides = array<i32>} : memref<4x32x768xf32, #tpu.memory_space<vmem>>, vector<1x1x16xf32>,
        %parallel_loop3A_1030 = arith.index_cast %rem3A_410 : i32 to index
        %parallel_loop3A_1031 = arith.index_cast %parallel_loop3A_893 : i32 to index
        %parallel_loop3A_1032 = arith.constant 416 : index
        %parallel_loop3A_1033 = tpu.vector_load %arg13[%parallel_loop3A_1030, %parallel_loop3A_1031, %parallel_loop3A_1032] {strides = array<i32>} : memref<4x32x768xf32, #tpu.memory_space<vmem>>, vector<1x1x16xf32>,
        %parallel_loop3A_1034 = vector.shape_cast %parallel_loop3A_1033 : vector<1x1x16xf32> to vector<16xf32>
        %parallel_loop3A_1035 = arith.addf %parallel_loop3A_1034, %parallel_loop3A_904 : vector<16xf32>
        %parallel_loop3A_1036 = arith.index_cast %rem3A_410 : i32 to index
        %parallel_loop3A_1037 = arith.index_cast %parallel_loop3A_893 : i32 to index
        %parallel_loop3A_1038 = arith.constant 416 : index
        %parallel_loop3A_1039 = tpu.vector_load %arg13[%parallel_loop3A_1036, %parallel_loop3A_1037, %parallel_loop3A_1038] {strides = array<i32>} : memref<4x32x768xf32, #tpu.memory_space<vmem>>, vector<1x1x16xf32>,
        %parallel_loop3A_1040 = vector.shape_cast %parallel_loop3A_1039 : vector<1x1x16xf32> to vector<16xf32>
        %parallel_loop3A_1041 = vector.shape_cast %parallel_loop3A_1035 : vector<16xf32> to vector<1x1x16xf32>
        tpu.vector_store %arg13[%parallel_loop3A_1036, %parallel_loop3A_1037, %parallel_loop3A_1038], %parallel_loop3A_1041 {strides = array<i32>} : memref<4x32x768xf32, #tpu.memory_space<vmem>>, vector<1x1x16xf32>,
        %parallel_loop3A_1042 = arith.index_cast %rem3A_410 : i32 to index
        %parallel_loop3A_1043 = arith.index_cast %parallel_loop3A_893 : i32 to index
        %parallel_loop3A_1044 = arith.constant 432 : index
        %parallel_loop3A_1045 = tpu.vector_load %arg13[%parallel_loop3A_1042, %parallel_loop3A_1043, %parallel_loop3A_1044] {strides = array<i32>} : memref<4x32x768xf32, #tpu.memory_space<vmem>>, vector<1x1x16xf32>,
        %parallel_loop3A_1046 = vector.shape_cast %parallel_loop3A_1045 : vector<1x1x16xf32> to vector<16xf32>
        %parallel_loop3A_1047 = arith.addf %parallel_loop3A_1046, %parallel_loop3A_905 : vector<16xf32>
        %parallel_loop3A_1048 = arith.index_cast %rem3A_410 : i32 to index
        %parallel_loop3A_1049 = arith.index_cast %parallel_loop3A_893 : i32 to index
        %parallel_loop3A_1050 = arith.constant 432 : index
        %parallel_loop3A_1051 = tpu.vector_load %arg13[%parallel_loop3A_1048, %parallel_loop3A_1049, %parallel_loop3A_1050] {strides = array<i32>} : memref<4x32x768xf32, #tpu.memory_space<vmem>>, vector<1x1x16xf32>,
        %parallel_loop3A_1052 = vector.shape_cast %parallel_loop3A_1051 : vector<1x1x16xf32> to vector<16xf32>
        %parallel_loop3A_1053 = vector.shape_cast %parallel_loop3A_1047 : vector<16xf32> to vector<1x1x16xf32>
        tpu.vector_store %arg13[%parallel_loop3A_1048, %parallel_loop3A_1049, %parallel_loop3A_1050], %parallel_loop3A_1053 {strides = array<i32>} : memref<4x32x768xf32, #tpu.memory_space<vmem>>, vector<1x1x16xf32>,
        %parallel_loop3A_1054 = arith.index_cast %rem3A_410 : i32 to index
        %parallel_loop3A_1055 = arith.index_cast %parallel_loop3A_893 : i32 to index
        %parallel_loop3A_1056 = arith.constant 448 : index
        %parallel_loop3A_1057 = tpu.vector_load %arg13[%parallel_loop3A_1054, %parallel_loop3A_1055, %parallel_loop3A_1056] {strides = array<i32>} : memref<4x32x768xf32, #tpu.memory_space<vmem>>, vector<1x1x16xf32>,
        %parallel_loop3A_1058 = vector.shape_cast %parallel_loop3A_1057 : vector<1x1x16xf32> to vector<16xf32>
        %parallel_loop3A_1059 = arith.addf %parallel_loop3A_1058, %parallel_loop3A_906 : vector<16xf32>
        %parallel_loop3A_1060 = arith.index_cast %rem3A_410 : i32 to index
        %parallel_loop3A_1061 = arith.index_cast %parallel_loop3A_893 : i32 to index
        %parallel_loop3A_1062 = arith.constant 448 : index
        %parallel_loop3A_1063 = tpu.vector_load %arg13[%parallel_loop3A_1060, %parallel_loop3A_1061, %parallel_loop3A_1062] {strides = array<i32>} : memref<4x32x768xf32, #tpu.memory_space<vmem>>, vector<1x1x16xf32>,
        %parallel_loop3A_1064 = vector.shape_cast %parallel_loop3A_1063 : vector<1x1x16xf32> to vector<16xf32>
        %parallel_loop3A_1065 = vector.shape_cast %parallel_loop3A_1059 : vector<16xf32> to vector<1x1x16xf32>
        tpu.vector_store %arg13[%parallel_loop3A_1060, %parallel_loop3A_1061, %parallel_loop3A_1062], %parallel_loop3A_1065 {strides = array<i32>} : memref<4x32x768xf32, #tpu.memory_space<vmem>>, vector<1x1x16xf32>,
        %parallel_loop3A_1066 = arith.index_cast %rem3A_410 : i32 to index
        %parallel_loop3A_1067 = arith.index_cast %parallel_loop3A_893 : i32 to index
        %parallel_loop3A_1068 = arith.constant 464 : index
        %parallel_loop3A_1069 = tpu.vector_load %arg13[%parallel_loop3A_1066, %parallel_loop3A_1067, %parallel_loop3A_1068] {strides = array<i32>} : memref<4x32x768xf32, #tpu.memory_space<vmem>>, vector<1x1x16xf32>,
        %parallel_loop3A_1070 = vector.shape_cast %parallel_loop3A_1069 : vector<1x1x16xf32> to vector<16xf32>
        %parallel_loop3A_1071 = arith.addf %parallel_loop3A_1070, %parallel_loop3A_907 : vector<16xf32>
        %parallel_loop3A_1072 = arith.index_cast %rem3A_410 : i32 to index
        %parallel_loop3A_1073 = arith.index_cast %parallel_loop3A_893 : i32 to index
        %parallel_loop3A_1074 = arith.constant 464 : index
        %parallel_loop3A_1075 = tpu.vector_load %arg13[%parallel_loop3A_1072, %parallel_loop3A_1073, %parallel_loop3A_1074] {strides = array<i32>} : memref<4x32x768xf32, #tpu.memory_space<vmem>>, vector<1x1x16xf32>,
        %parallel_loop3A_1076 = vector.shape_cast %parallel_loop3A_1075 : vector<1x1x16xf32> to vector<16xf32>
        %parallel_loop3A_1077 = vector.shape_cast %parallel_loop3A_1071 : vector<16xf32> to vector<1x1x16xf32>
        tpu.vector_store %arg13[%parallel_loop3A_1072, %parallel_loop3A_1073, %parallel_loop3A_1074], %parallel_loop3A_1077 {strides = array<i32>} : memref<4x32x768xf32, #tpu.memory_space<vmem>>, vector<1x1x16xf32>,
        %parallel_loop3A_1078 = arith.index_cast %rem3A_410 : i32 to index
        %parallel_loop3A_1079 = arith.index_cast %parallel_loop3A_893 : i32 to index
        %parallel_loop3A_1080 = arith.constant 480 : index
        %parallel_loop3A_1081 = tpu.vector_load %arg13[%parallel_loop3A_1078, %parallel_loop3A_1079, %parallel_loop3A_1080] {strides = array<i32>} : memref<4x32x768xf32, #tpu.memory_space<vmem>>, vector<1x1x16xf32>,
        %parallel_loop3A_1082 = vector.shape_cast %parallel_loop3A_1081 : vector<1x1x16xf32> to vector<16xf32>
        %parallel_loop3A_1083 = arith.addf %parallel_loop3A_1082, %parallel_loop3A_908 : vector<16xf32>
        %parallel_loop3A_1084 = arith.index_cast %rem3A_410 : i32 to index
        %parallel_loop3A_1085 = arith.index_cast %parallel_loop3A_893 : i32 to index
        %parallel_loop3A_1086 = arith.constant 480 : index
        %parallel_loop3A_1087 = tpu.vector_load %arg13[%parallel_loop3A_1084, %parallel_loop3A_1085, %parallel_loop3A_1086] {strides = array<i32>} : memref<4x32x768xf32, #tpu.memory_space<vmem>>, vector<1x1x16xf32>,
        %parallel_loop3A_1088 = vector.shape_cast %parallel_loop3A_1087 : vector<1x1x16xf32> to vector<16xf32>
        %parallel_loop3A_1089 = vector.shape_cast %parallel_loop3A_1083 : vector<16xf32> to vector<1x1x16xf32>
        tpu.vector_store %arg13[%parallel_loop3A_1084, %parallel_loop3A_1085, %parallel_loop3A_1086], %parallel_loop3A_1089 {strides = array<i32>} : memref<4x32x768xf32, #tpu.memory_space<vmem>>, vector<1x1x16xf32>,
        %parallel_loop3A_1090 = arith.index_cast %rem3A_410 : i32 to index
        %parallel_loop3A_1091 = arith.index_cast %parallel_loop3A_893 : i32 to index
        %parallel_loop3A_1092 = arith.constant 496 : index
        %parallel_loop3A_1093 = tpu.vector_load %arg13[%parallel_loop3A_1090, %parallel_loop3A_1091, %parallel_loop3A_1092] {strides = array<i32>} : memref<4x32x768xf32, #tpu.memory_space<vmem>>, vector<1x1x16xf32>,
        %parallel_loop3A_1094 = vector.shape_cast %parallel_loop3A_1093 : vector<1x1x16xf32> to vector<16xf32>
        %parallel_loop3A_1095 = arith.addf %parallel_loop3A_1094, %parallel_loop3A_909 : vector<16xf32>
        %parallel_loop3A_1096 = arith.index_cast %rem3A_410 : i32 to index
        %parallel_loop3A_1097 = arith.index_cast %parallel_loop3A_893 : i32 to index
        %parallel_loop3A_1098 = arith.constant 496 : index
        %parallel_loop3A_1099 = tpu.vector_load %arg13[%parallel_loop3A_1096, %parallel_loop3A_1097, %parallel_loop3A_1098] {strides = array<i32>} : memref<4x32x768xf32, #tpu.memory_space<vmem>>, vector<1x1x16xf32>,
        %parallel_loop3A_1100 = vector.shape_cast %parallel_loop3A_1099 : vector<1x1x16xf32> to vector<16xf32>
        %parallel_loop3A_1101 = vector.shape_cast %parallel_loop3A_1095 : vector<16xf32> to vector<1x1x16xf32>
        tpu.vector_store %arg13[%parallel_loop3A_1096, %parallel_loop3A_1097, %parallel_loop3A_1098], %parallel_loop3A_1101 {strides = array<i32>} : memref<4x32x768xf32, #tpu.memory_space<vmem>>, vector<1x1x16xf32>,
        scf.yield %parallel_loop3A_894, %parallel_loop3A_895, %parallel_loop3A_896, %parallel_loop3A_897, %parallel_loop3A_898, %parallel_loop3A_899, %parallel_loop3A_900, %parallel_loop3A_901, %parallel_loop3A_902, %parallel_loop3A_903, %parallel_loop3A_904, %parallel_loop3A_905, %parallel_loop3A_906, %parallel_loop3A_907, %parallel_loop3A_908, %parallel_loop3A_909 : vector<16xf32>, vector<16xf32>, vector<16xf32>, vector<16xf32>, vector<16xf32>, vector<16xf32>, vector<16xf32>, vector<16xf32>, vector<16xf32>, vector<16xf32>, vector<16xf32>, vector<16xf32>, vector<16xf32>, vector<16xf32>, vector<16xf32>, vector<16xf32>
      } {sc.loop_unroll_factor = 1 : i64, sc.parallel_access}
      %get3A_763 = arith.constant 512 : index
      %get3A_764 = tpu.vector_load %arg12[%get3A_763] {strides = array<i32>} : memref<768xf32, #tpu.memory_space<vmem>>, vector<16xf32>,
      %get3A_765 = vector.shape_cast %get3A_764 : vector<16xf32> to vector<16xf32>
      %get3A_766 = arith.constant 528 : index
      %get3A_767 = tpu.vector_load %arg12[%get3A_766] {strides = array<i32>} : memref<768xf32, #tpu.memory_space<vmem>>, vector<16xf32>,
      %get3A_768 = vector.shape_cast %get3A_767 : vector<16xf32> to vector<16xf32>
      %get3A_769 = arith.constant 544 : index
      %get3A_770 = tpu.vector_load %arg12[%get3A_769] {strides = array<i32>} : memref<768xf32, #tpu.memory_space<vmem>>, vector<16xf32>,
      %get3A_771 = vector.shape_cast %get3A_770 : vector<16xf32> to vector<16xf32>
      %get3A_772 = arith.constant 560 : index
      %get3A_773 = tpu.vector_load %arg12[%get3A_772] {strides = array<i32>} : memref<768xf32, #tpu.memory_space<vmem>>, vector<16xf32>,
      %get3A_774 = vector.shape_cast %get3A_773 : vector<16xf32> to vector<16xf32>
      %get3A_775 = arith.constant 576 : index
      %get3A_776 = tpu.vector_load %arg12[%get3A_775] {strides = array<i32>} : memref<768xf32, #tpu.memory_space<vmem>>, vector<16xf32>,
      %get3A_777 = vector.shape_cast %get3A_776 : vector<16xf32> to vector<16xf32>
      %get3A_778 = arith.constant 592 : index
      %get3A_779 = tpu.vector_load %arg12[%get3A_778] {strides = array<i32>} : memref<768xf32, #tpu.memory_space<vmem>>, vector<16xf32>,
      %get3A_780 = vector.shape_cast %get3A_779 : vector<16xf32> to vector<16xf32>
      %get3A_781 = arith.constant 608 : index
      %get3A_782 = tpu.vector_load %arg12[%get3A_781] {strides = array<i32>} : memref<768xf32, #tpu.memory_space<vmem>>, vector<16xf32>,
      %get3A_783 = vector.shape_cast %get3A_782 : vector<16xf32> to vector<16xf32>
      %get3A_784 = arith.constant 624 : index
      %get3A_785 = tpu.vector_load %arg12[%get3A_784] {strides = array<i32>} : memref<768xf32, #tpu.memory_space<vmem>>, vector<16xf32>,
      %get3A_786 = vector.shape_cast %get3A_785 : vector<16xf32> to vector<16xf32>
      %get3A_787 = arith.constant 640 : index
      %get3A_788 = tpu.vector_load %arg12[%get3A_787] {strides = array<i32>} : memref<768xf32, #tpu.memory_space<vmem>>, vector<16xf32>,
      %get3A_789 = vector.shape_cast %get3A_788 : vector<16xf32> to vector<16xf32>
      %get3A_790 = arith.constant 656 : index
      %get3A_791 = tpu.vector_load %arg12[%get3A_790] {strides = array<i32>} : memref<768xf32, #tpu.memory_space<vmem>>, vector<16xf32>,
      %get3A_792 = vector.shape_cast %get3A_791 : vector<16xf32> to vector<16xf32>
      %get3A_793 = arith.constant 672 : index
      %get3A_794 = tpu.vector_load %arg12[%get3A_793] {strides = array<i32>} : memref<768xf32, #tpu.memory_space<vmem>>, vector<16xf32>,
      %get3A_795 = vector.shape_cast %get3A_794 : vector<16xf32> to vector<16xf32>
      %get3A_796 = arith.constant 688 : index
      %get3A_797 = tpu.vector_load %arg12[%get3A_796] {strides = array<i32>} : memref<768xf32, #tpu.memory_space<vmem>>, vector<16xf32>,
      %get3A_798 = vector.shape_cast %get3A_797 : vector<16xf32> to vector<16xf32>
      %get3A_799 = arith.constant 704 : index
      %get3A_800 = tpu.vector_load %arg12[%get3A_799] {strides = array<i32>} : memref<768xf32, #tpu.memory_space<vmem>>, vector<16xf32>,
      %get3A_801 = vector.shape_cast %get3A_800 : vector<16xf32> to vector<16xf32>
      %get3A_802 = arith.constant 720 : index
      %get3A_803 = tpu.vector_load %arg12[%get3A_802] {strides = array<i32>} : memref<768xf32, #tpu.memory_space<vmem>>, vector<16xf32>,
      %get3A_804 = vector.shape_cast %get3A_803 : vector<16xf32> to vector<16xf32>
      %get3A_805 = arith.constant 736 : index
      %get3A_806 = tpu.vector_load %arg12[%get3A_805] {strides = array<i32>} : memref<768xf32, #tpu.memory_space<vmem>>, vector<16xf32>,
      %get3A_807 = vector.shape_cast %get3A_806 : vector<16xf32> to vector<16xf32>
      %get3A_808 = arith.constant 752 : index
      %get3A_809 = tpu.vector_load %arg12[%get3A_808] {strides = array<i32>} : memref<768xf32, #tpu.memory_space<vmem>>, vector<16xf32>,
      %get3A_810 = vector.shape_cast %get3A_809 : vector<16xf32> to vector<16xf32>
      %parallel_loop3A_811 = arith.constant 0 : i32
      %parallel_loop3A_812 = arith.constant 32 : i32
      %parallel_loop3A_813 = arith.constant 1 : i32
      %parallel_loop3A_814:16 = scf.for %parallel_loop3A_893 = %parallel_loop3A_811 to %parallel_loop3A_812 step %parallel_loop3A_813 iter_args(%parallel_loop3A_894 = %get3A_765, %parallel_loop3A_895 = %get3A_768, %parallel_loop3A_896 = %get3A_771, %parallel_loop3A_897 = %get3A_774, %parallel_loop3A_898 = %get3A_777, %parallel_loop3A_899 = %get3A_780, %parallel_loop3A_900 = %get3A_783, %parallel_loop3A_901 = %get3A_786, %parallel_loop3A_902 = %get3A_789, %parallel_loop3A_903 = %get3A_792, %parallel_loop3A_904 = %get3A_795, %parallel_loop3A_905 = %get3A_798, %parallel_loop3A_906 = %get3A_801, %parallel_loop3A_907 = %get3A_804, %parallel_loop3A_908 = %get3A_807, %parallel_loop3A_909 = %get3A_810) -> (vector<16xf32>, vector<16xf32>, vector<16xf32>, vector<16xf32>, vector<16xf32>, vector<16xf32>, vector<16xf32>, vector<16xf32>, vector<16xf32>, vector<16xf32>, vector<16xf32>, vector<16xf32>, vector<16xf32>, vector<16xf32>, vector<16xf32>, vector<16xf32>)  : i32 {
        %parallel_loop3A_910 = arith.index_cast %rem3A_410 : i32 to index
        %parallel_loop3A_911 = arith.index_cast %parallel_loop3A_893 : i32 to index
        %parallel_loop3A_912 = arith.constant 512 : index
        %parallel_loop3A_913 = tpu.vector_load %arg13[%parallel_loop3A_910, %parallel_loop3A_911, %parallel_loop3A_912] {strides = array<i32>} : memref<4x32x768xf32, #tpu.memory_space<vmem>>, vector<1x1x16xf32>,
        %parallel_loop3A_914 = vector.shape_cast %parallel_loop3A_913 : vector<1x1x16xf32> to vector<16xf32>
        %parallel_loop3A_915 = arith.addf %parallel_loop3A_914, %parallel_loop3A_894 : vector<16xf32>
        %parallel_loop3A_916 = arith.index_cast %rem3A_410 : i32 to index
        %parallel_loop3A_917 = arith.index_cast %parallel_loop3A_893 : i32 to index
        %parallel_loop3A_918 = arith.constant 512 : index
        %parallel_loop3A_919 = tpu.vector_load %arg13[%parallel_loop3A_916, %parallel_loop3A_917, %parallel_loop3A_918] {strides = array<i32>} : memref<4x32x768xf32, #tpu.memory_space<vmem>>, vector<1x1x16xf32>,
        %parallel_loop3A_920 = vector.shape_cast %parallel_loop3A_919 : vector<1x1x16xf32> to vector<16xf32>
        %parallel_loop3A_921 = vector.shape_cast %parallel_loop3A_915 : vector<16xf32> to vector<1x1x16xf32>
        tpu.vector_store %arg13[%parallel_loop3A_916, %parallel_loop3A_917, %parallel_loop3A_918], %parallel_loop3A_921 {strides = array<i32>} : memref<4x32x768xf32, #tpu.memory_space<vmem>>, vector<1x1x16xf32>,
        %parallel_loop3A_922 = arith.index_cast %rem3A_410 : i32 to index
        %parallel_loop3A_923 = arith.index_cast %parallel_loop3A_893 : i32 to index
        %parallel_loop3A_924 = arith.constant 528 : index
        %parallel_loop3A_925 = tpu.vector_load %arg13[%parallel_loop3A_922, %parallel_loop3A_923, %parallel_loop3A_924] {strides = array<i32>} : memref<4x32x768xf32, #tpu.memory_space<vmem>>, vector<1x1x16xf32>,
        %parallel_loop3A_926 = vector.shape_cast %parallel_loop3A_925 : vector<1x1x16xf32> to vector<16xf32>
        %parallel_loop3A_927 = arith.addf %parallel_loop3A_926, %parallel_loop3A_895 : vector<16xf32>
        %parallel_loop3A_928 = arith.index_cast %rem3A_410 : i32 to index
        %parallel_loop3A_929 = arith.index_cast %parallel_loop3A_893 : i32 to index
        %parallel_loop3A_930 = arith.constant 528 : index
        %parallel_loop3A_931 = tpu.vector_load %arg13[%parallel_loop3A_928, %parallel_loop3A_929, %parallel_loop3A_930] {strides = array<i32>} : memref<4x32x768xf32, #tpu.memory_space<vmem>>, vector<1x1x16xf32>,
        %parallel_loop3A_932 = vector.shape_cast %parallel_loop3A_931 : vector<1x1x16xf32> to vector<16xf32>
        %parallel_loop3A_933 = vector.shape_cast %parallel_loop3A_927 : vector<16xf32> to vector<1x1x16xf32>
        tpu.vector_store %arg13[%parallel_loop3A_928, %parallel_loop3A_929, %parallel_loop3A_930], %parallel_loop3A_933 {strides = array<i32>} : memref<4x32x768xf32, #tpu.memory_space<vmem>>, vector<1x1x16xf32>,
        %parallel_loop3A_934 = arith.index_cast %rem3A_410 : i32 to index
        %parallel_loop3A_935 = arith.index_cast %parallel_loop3A_893 : i32 to index
        %parallel_loop3A_936 = arith.constant 544 : index
        %parallel_loop3A_937 = tpu.vector_load %arg13[%parallel_loop3A_934, %parallel_loop3A_935, %parallel_loop3A_936] {strides = array<i32>} : memref<4x32x768xf32, #tpu.memory_space<vmem>>, vector<1x1x16xf32>,
        %parallel_loop3A_938 = vector.shape_cast %parallel_loop3A_937 : vector<1x1x16xf32> to vector<16xf32>
        %parallel_loop3A_939 = arith.addf %parallel_loop3A_938, %parallel_loop3A_896 : vector<16xf32>
        %parallel_loop3A_940 = arith.index_cast %rem3A_410 : i32 to index
        %parallel_loop3A_941 = arith.index_cast %parallel_loop3A_893 : i32 to index
        %parallel_loop3A_942 = arith.constant 544 : index
        %parallel_loop3A_943 = tpu.vector_load %arg13[%parallel_loop3A_940, %parallel_loop3A_941, %parallel_loop3A_942] {strides = array<i32>} : memref<4x32x768xf32, #tpu.memory_space<vmem>>, vector<1x1x16xf32>,
        %parallel_loop3A_944 = vector.shape_cast %parallel_loop3A_943 : vector<1x1x16xf32> to vector<16xf32>
        %parallel_loop3A_945 = vector.shape_cast %parallel_loop3A_939 : vector<16xf32> to vector<1x1x16xf32>
        tpu.vector_store %arg13[%parallel_loop3A_940, %parallel_loop3A_941, %parallel_loop3A_942], %parallel_loop3A_945 {strides = array<i32>} : memref<4x32x768xf32, #tpu.memory_space<vmem>>, vector<1x1x16xf32>,
        %parallel_loop3A_946 = arith.index_cast %rem3A_410 : i32 to index
        %parallel_loop3A_947 = arith.index_cast %parallel_loop3A_893 : i32 to index
        %parallel_loop3A_948 = arith.constant 560 : index
        %parallel_loop3A_949 = tpu.vector_load %arg13[%parallel_loop3A_946, %parallel_loop3A_947, %parallel_loop3A_948] {strides = array<i32>} : memref<4x32x768xf32, #tpu.memory_space<vmem>>, vector<1x1x16xf32>,
        %parallel_loop3A_950 = vector.shape_cast %parallel_loop3A_949 : vector<1x1x16xf32> to vector<16xf32>
        %parallel_loop3A_951 = arith.addf %parallel_loop3A_950, %parallel_loop3A_897 : vector<16xf32>
        %parallel_loop3A_952 = arith.index_cast %rem3A_410 : i32 to index
        %parallel_loop3A_953 = arith.index_cast %parallel_loop3A_893 : i32 to index
        %parallel_loop3A_954 = arith.constant 560 : index
        %parallel_loop3A_955 = tpu.vector_load %arg13[%parallel_loop3A_952, %parallel_loop3A_953, %parallel_loop3A_954] {strides = array<i32>} : memref<4x32x768xf32, #tpu.memory_space<vmem>>, vector<1x1x16xf32>,
        %parallel_loop3A_956 = vector.shape_cast %parallel_loop3A_955 : vector<1x1x16xf32> to vector<16xf32>
        %parallel_loop3A_957 = vector.shape_cast %parallel_loop3A_951 : vector<16xf32> to vector<1x1x16xf32>
        tpu.vector_store %arg13[%parallel_loop3A_952, %parallel_loop3A_953, %parallel_loop3A_954], %parallel_loop3A_957 {strides = array<i32>} : memref<4x32x768xf32, #tpu.memory_space<vmem>>, vector<1x1x16xf32>,
        %parallel_loop3A_958 = arith.index_cast %rem3A_410 : i32 to index
        %parallel_loop3A_959 = arith.index_cast %parallel_loop3A_893 : i32 to index
        %parallel_loop3A_960 = arith.constant 576 : index
        %parallel_loop3A_961 = tpu.vector_load %arg13[%parallel_loop3A_958, %parallel_loop3A_959, %parallel_loop3A_960] {strides = array<i32>} : memref<4x32x768xf32, #tpu.memory_space<vmem>>, vector<1x1x16xf32>,
        %parallel_loop3A_962 = vector.shape_cast %parallel_loop3A_961 : vector<1x1x16xf32> to vector<16xf32>
        %parallel_loop3A_963 = arith.addf %parallel_loop3A_962, %parallel_loop3A_898 : vector<16xf32>
        %parallel_loop3A_964 = arith.index_cast %rem3A_410 : i32 to index
        %parallel_loop3A_965 = arith.index_cast %parallel_loop3A_893 : i32 to index
        %parallel_loop3A_966 = arith.constant 576 : index
        %parallel_loop3A_967 = tpu.vector_load %arg13[%parallel_loop3A_964, %parallel_loop3A_965, %parallel_loop3A_966] {strides = array<i32>} : memref<4x32x768xf32, #tpu.memory_space<vmem>>, vector<1x1x16xf32>,
        %parallel_loop3A_968 = vector.shape_cast %parallel_loop3A_967 : vector<1x1x16xf32> to vector<16xf32>
        %parallel_loop3A_969 = vector.shape_cast %parallel_loop3A_963 : vector<16xf32> to vector<1x1x16xf32>
        tpu.vector_store %arg13[%parallel_loop3A_964, %parallel_loop3A_965, %parallel_loop3A_966], %parallel_loop3A_969 {strides = array<i32>} : memref<4x32x768xf32, #tpu.memory_space<vmem>>, vector<1x1x16xf32>,
        %parallel_loop3A_970 = arith.index_cast %rem3A_410 : i32 to index
        %parallel_loop3A_971 = arith.index_cast %parallel_loop3A_893 : i32 to index
        %parallel_loop3A_972 = arith.constant 592 : index
        %parallel_loop3A_973 = tpu.vector_load %arg13[%parallel_loop3A_970, %parallel_loop3A_971, %parallel_loop3A_972] {strides = array<i32>} : memref<4x32x768xf32, #tpu.memory_space<vmem>>, vector<1x1x16xf32>,
        %parallel_loop3A_974 = vector.shape_cast %parallel_loop3A_973 : vector<1x1x16xf32> to vector<16xf32>
        %parallel_loop3A_975 = arith.addf %parallel_loop3A_974, %parallel_loop3A_899 : vector<16xf32>
        %parallel_loop3A_976 = arith.index_cast %rem3A_410 : i32 to index
        %parallel_loop3A_977 = arith.index_cast %parallel_loop3A_893 : i32 to index
        %parallel_loop3A_978 = arith.constant 592 : index
        %parallel_loop3A_979 = tpu.vector_load %arg13[%parallel_loop3A_976, %parallel_loop3A_977, %parallel_loop3A_978] {strides = array<i32>} : memref<4x32x768xf32, #tpu.memory_space<vmem>>, vector<1x1x16xf32>,
        %parallel_loop3A_980 = vector.shape_cast %parallel_loop3A_979 : vector<1x1x16xf32> to vector<16xf32>
        %parallel_loop3A_981 = vector.shape_cast %parallel_loop3A_975 : vector<16xf32> to vector<1x1x16xf32>
        tpu.vector_store %arg13[%parallel_loop3A_976, %parallel_loop3A_977, %parallel_loop3A_978], %parallel_loop3A_981 {strides = array<i32>} : memref<4x32x768xf32, #tpu.memory_space<vmem>>, vector<1x1x16xf32>,
        %parallel_loop3A_982 = arith.index_cast %rem3A_410 : i32 to index
        %parallel_loop3A_983 = arith.index_cast %parallel_loop3A_893 : i32 to index
        %parallel_loop3A_984 = arith.constant 608 : index
        %parallel_loop3A_985 = tpu.vector_load %arg13[%parallel_loop3A_982, %parallel_loop3A_983, %parallel_loop3A_984] {strides = array<i32>} : memref<4x32x768xf32, #tpu.memory_space<vmem>>, vector<1x1x16xf32>,
        %parallel_loop3A_986 = vector.shape_cast %parallel_loop3A_985 : vector<1x1x16xf32> to vector<16xf32>
        %parallel_loop3A_987 = arith.addf %parallel_loop3A_986, %parallel_loop3A_900 : vector<16xf32>
        %parallel_loop3A_988 = arith.index_cast %rem3A_410 : i32 to index
        %parallel_loop3A_989 = arith.index_cast %parallel_loop3A_893 : i32 to index
        %parallel_loop3A_990 = arith.constant 608 : index
        %parallel_loop3A_991 = tpu.vector_load %arg13[%parallel_loop3A_988, %parallel_loop3A_989, %parallel_loop3A_990] {strides = array<i32>} : memref<4x32x768xf32, #tpu.memory_space<vmem>>, vector<1x1x16xf32>,
        %parallel_loop3A_992 = vector.shape_cast %parallel_loop3A_991 : vector<1x1x16xf32> to vector<16xf32>
        %parallel_loop3A_993 = vector.shape_cast %parallel_loop3A_987 : vector<16xf32> to vector<1x1x16xf32>
        tpu.vector_store %arg13[%parallel_loop3A_988, %parallel_loop3A_989, %parallel_loop3A_990], %parallel_loop3A_993 {strides = array<i32>} : memref<4x32x768xf32, #tpu.memory_space<vmem>>, vector<1x1x16xf32>,
        %parallel_loop3A_994 = arith.index_cast %rem3A_410 : i32 to index
        %parallel_loop3A_995 = arith.index_cast %parallel_loop3A_893 : i32 to index
        %parallel_loop3A_996 = arith.constant 624 : index
        %parallel_loop3A_997 = tpu.vector_load %arg13[%parallel_loop3A_994, %parallel_loop3A_995, %parallel_loop3A_996] {strides = array<i32>} : memref<4x32x768xf32, #tpu.memory_space<vmem>>, vector<1x1x16xf32>,
        %parallel_loop3A_998 = vector.shape_cast %parallel_loop3A_997 : vector<1x1x16xf32> to vector<16xf32>
        %parallel_loop3A_999 = arith.addf %parallel_loop3A_998, %parallel_loop3A_901 : vector<16xf32>
        %parallel_loop3A_1000 = arith.index_cast %rem3A_410 : i32 to index
        %parallel_loop3A_1001 = arith.index_cast %parallel_loop3A_893 : i32 to index
        %parallel_loop3A_1002 = arith.constant 624 : index
        %parallel_loop3A_1003 = tpu.vector_load %arg13[%parallel_loop3A_1000, %parallel_loop3A_1001, %parallel_loop3A_1002] {strides = array<i32>} : memref<4x32x768xf32, #tpu.memory_space<vmem>>, vector<1x1x16xf32>,
        %parallel_loop3A_1004 = vector.shape_cast %parallel_loop3A_1003 : vector<1x1x16xf32> to vector<16xf32>
        %parallel_loop3A_1005 = vector.shape_cast %parallel_loop3A_999 : vector<16xf32> to vector<1x1x16xf32>
        tpu.vector_store %arg13[%parallel_loop3A_1000, %parallel_loop3A_1001, %parallel_loop3A_1002], %parallel_loop3A_1005 {strides = array<i32>} : memref<4x32x768xf32, #tpu.memory_space<vmem>>, vector<1x1x16xf32>,
        %parallel_loop3A_1006 = arith.index_cast %rem3A_410 : i32 to index
        %parallel_loop3A_1007 = arith.index_cast %parallel_loop3A_893 : i32 to index
        %parallel_loop3A_1008 = arith.constant 640 : index
        %parallel_loop3A_1009 = tpu.vector_load %arg13[%parallel_loop3A_1006, %parallel_loop3A_1007, %parallel_loop3A_1008] {strides = array<i32>} : memref<4x32x768xf32, #tpu.memory_space<vmem>>, vector<1x1x16xf32>,
        %parallel_loop3A_1010 = vector.shape_cast %parallel_loop3A_1009 : vector<1x1x16xf32> to vector<16xf32>
        %parallel_loop3A_1011 = arith.addf %parallel_loop3A_1010, %parallel_loop3A_902 : vector<16xf32>
        %parallel_loop3A_1012 = arith.index_cast %rem3A_410 : i32 to index
        %parallel_loop3A_1013 = arith.index_cast %parallel_loop3A_893 : i32 to index
        %parallel_loop3A_1014 = arith.constant 640 : index
        %parallel_loop3A_1015 = tpu.vector_load %arg13[%parallel_loop3A_1012, %parallel_loop3A_1013, %parallel_loop3A_1014] {strides = array<i32>} : memref<4x32x768xf32, #tpu.memory_space<vmem>>, vector<1x1x16xf32>,
        %parallel_loop3A_1016 = vector.shape_cast %parallel_loop3A_1015 : vector<1x1x16xf32> to vector<16xf32>
        %parallel_loop3A_1017 = vector.shape_cast %parallel_loop3A_1011 : vector<16xf32> to vector<1x1x16xf32>
        tpu.vector_store %arg13[%parallel_loop3A_1012, %parallel_loop3A_1013, %parallel_loop3A_1014], %parallel_loop3A_1017 {strides = array<i32>} : memref<4x32x768xf32, #tpu.memory_space<vmem>>, vector<1x1x16xf32>,
        %parallel_loop3A_1018 = arith.index_cast %rem3A_410 : i32 to index
        %parallel_loop3A_1019 = arith.index_cast %parallel_loop3A_893 : i32 to index
        %parallel_loop3A_1020 = arith.constant 656 : index
        %parallel_loop3A_1021 = tpu.vector_load %arg13[%parallel_loop3A_1018, %parallel_loop3A_1019, %parallel_loop3A_1020] {strides = array<i32>} : memref<4x32x768xf32, #tpu.memory_space<vmem>>, vector<1x1x16xf32>,
        %parallel_loop3A_1022 = vector.shape_cast %parallel_loop3A_1021 : vector<1x1x16xf32> to vector<16xf32>
        %parallel_loop3A_1023 = arith.addf %parallel_loop3A_1022, %parallel_loop3A_903 : vector<16xf32>
        %parallel_loop3A_1024 = arith.index_cast %rem3A_410 : i32 to index
        %parallel_loop3A_1025 = arith.index_cast %parallel_loop3A_893 : i32 to index
        %parallel_loop3A_1026 = arith.constant 656 : index
        %parallel_loop3A_1027 = tpu.vector_load %arg13[%parallel_loop3A_1024, %parallel_loop3A_1025, %parallel_loop3A_1026] {strides = array<i32>} : memref<4x32x768xf32, #tpu.memory_space<vmem>>, vector<1x1x16xf32>,
        %parallel_loop3A_1028 = vector.shape_cast %parallel_loop3A_1027 : vector<1x1x16xf32> to vector<16xf32>
        %parallel_loop3A_1029 = vector.shape_cast %parallel_loop3A_1023 : vector<16xf32> to vector<1x1x16xf32>
        tpu.vector_store %arg13[%parallel_loop3A_1024, %parallel_loop3A_1025, %parallel_loop3A_1026], %parallel_loop3A_1029 {strides = array<i32>} : memref<4x32x768xf32, #tpu.memory_space<vmem>>, vector<1x1x16xf32>,
        %parallel_loop3A_1030 = arith.index_cast %rem3A_410 : i32 to index
        %parallel_loop3A_1031 = arith.index_cast %parallel_loop3A_893 : i32 to index
        %parallel_loop3A_1032 = arith.constant 672 : index
        %parallel_loop3A_1033 = tpu.vector_load %arg13[%parallel_loop3A_1030, %parallel_loop3A_1031, %parallel_loop3A_1032] {strides = array<i32>} : memref<4x32x768xf32, #tpu.memory_space<vmem>>, vector<1x1x16xf32>,
        %parallel_loop3A_1034 = vector.shape_cast %parallel_loop3A_1033 : vector<1x1x16xf32> to vector<16xf32>
        %parallel_loop3A_1035 = arith.addf %parallel_loop3A_1034, %parallel_loop3A_904 : vector<16xf32>
        %parallel_loop3A_1036 = arith.index_cast %rem3A_410 : i32 to index
        %parallel_loop3A_1037 = arith.index_cast %parallel_loop3A_893 : i32 to index
        %parallel_loop3A_1038 = arith.constant 672 : index
        %parallel_loop3A_1039 = tpu.vector_load %arg13[%parallel_loop3A_1036, %parallel_loop3A_1037, %parallel_loop3A_1038] {strides = array<i32>} : memref<4x32x768xf32, #tpu.memory_space<vmem>>, vector<1x1x16xf32>,
        %parallel_loop3A_1040 = vector.shape_cast %parallel_loop3A_1039 : vector<1x1x16xf32> to vector<16xf32>
        %parallel_loop3A_1041 = vector.shape_cast %parallel_loop3A_1035 : vector<16xf32> to vector<1x1x16xf32>
        tpu.vector_store %arg13[%parallel_loop3A_1036, %parallel_loop3A_1037, %parallel_loop3A_1038], %parallel_loop3A_1041 {strides = array<i32>} : memref<4x32x768xf32, #tpu.memory_space<vmem>>, vector<1x1x16xf32>,
        %parallel_loop3A_1042 = arith.index_cast %rem3A_410 : i32 to index
        %parallel_loop3A_1043 = arith.index_cast %parallel_loop3A_893 : i32 to index
        %parallel_loop3A_1044 = arith.constant 688 : index
        %parallel_loop3A_1045 = tpu.vector_load %arg13[%parallel_loop3A_1042, %parallel_loop3A_1043, %parallel_loop3A_1044] {strides = array<i32>} : memref<4x32x768xf32, #tpu.memory_space<vmem>>, vector<1x1x16xf32>,
        %parallel_loop3A_1046 = vector.shape_cast %parallel_loop3A_1045 : vector<1x1x16xf32> to vector<16xf32>
        %parallel_loop3A_1047 = arith.addf %parallel_loop3A_1046, %parallel_loop3A_905 : vector<16xf32>
        %parallel_loop3A_1048 = arith.index_cast %rem3A_410 : i32 to index
        %parallel_loop3A_1049 = arith.index_cast %parallel_loop3A_893 : i32 to index
        %parallel_loop3A_1050 = arith.constant 688 : index
        %parallel_loop3A_1051 = tpu.vector_load %arg13[%parallel_loop3A_1048, %parallel_loop3A_1049, %parallel_loop3A_1050] {strides = array<i32>} : memref<4x32x768xf32, #tpu.memory_space<vmem>>, vector<1x1x16xf32>,
        %parallel_loop3A_1052 = vector.shape_cast %parallel_loop3A_1051 : vector<1x1x16xf32> to vector<16xf32>
        %parallel_loop3A_1053 = vector.shape_cast %parallel_loop3A_1047 : vector<16xf32> to vector<1x1x16xf32>
        tpu.vector_store %arg13[%parallel_loop3A_1048, %parallel_loop3A_1049, %parallel_loop3A_1050], %parallel_loop3A_1053 {strides = array<i32>} : memref<4x32x768xf32, #tpu.memory_space<vmem>>, vector<1x1x16xf32>,
        %parallel_loop3A_1054 = arith.index_cast %rem3A_410 : i32 to index
        %parallel_loop3A_1055 = arith.index_cast %parallel_loop3A_893 : i32 to index
        %parallel_loop3A_1056 = arith.constant 704 : index
        %parallel_loop3A_1057 = tpu.vector_load %arg13[%parallel_loop3A_1054, %parallel_loop3A_1055, %parallel_loop3A_1056] {strides = array<i32>} : memref<4x32x768xf32, #tpu.memory_space<vmem>>, vector<1x1x16xf32>,
        %parallel_loop3A_1058 = vector.shape_cast %parallel_loop3A_1057 : vector<1x1x16xf32> to vector<16xf32>
        %parallel_loop3A_1059 = arith.addf %parallel_loop3A_1058, %parallel_loop3A_906 : vector<16xf32>
        %parallel_loop3A_1060 = arith.index_cast %rem3A_410 : i32 to index
        %parallel_loop3A_1061 = arith.index_cast %parallel_loop3A_893 : i32 to index
        %parallel_loop3A_1062 = arith.constant 704 : index
        %parallel_loop3A_1063 = tpu.vector_load %arg13[%parallel_loop3A_1060, %parallel_loop3A_1061, %parallel_loop3A_1062] {strides = array<i32>} : memref<4x32x768xf32, #tpu.memory_space<vmem>>, vector<1x1x16xf32>,
        %parallel_loop3A_1064 = vector.shape_cast %parallel_loop3A_1063 : vector<1x1x16xf32> to vector<16xf32>
        %parallel_loop3A_1065 = vector.shape_cast %parallel_loop3A_1059 : vector<16xf32> to vector<1x1x16xf32>
        tpu.vector_store %arg13[%parallel_loop3A_1060, %parallel_loop3A_1061, %parallel_loop3A_1062], %parallel_loop3A_1065 {strides = array<i32>} : memref<4x32x768xf32, #tpu.memory_space<vmem>>, vector<1x1x16xf32>,
        %parallel_loop3A_1066 = arith.index_cast %rem3A_410 : i32 to index
        %parallel_loop3A_1067 = arith.index_cast %parallel_loop3A_893 : i32 to index
        %parallel_loop3A_1068 = arith.constant 720 : index
        %parallel_loop3A_1069 = tpu.vector_load %arg13[%parallel_loop3A_1066, %parallel_loop3A_1067, %parallel_loop3A_1068] {strides = array<i32>} : memref<4x32x768xf32, #tpu.memory_space<vmem>>, vector<1x1x16xf32>,
        %parallel_loop3A_1070 = vector.shape_cast %parallel_loop3A_1069 : vector<1x1x16xf32> to vector<16xf32>
        %parallel_loop3A_1071 = arith.addf %parallel_loop3A_1070, %parallel_loop3A_907 : vector<16xf32>
        %parallel_loop3A_1072 = arith.index_cast %rem3A_410 : i32 to index
        %parallel_loop3A_1073 = arith.index_cast %parallel_loop3A_893 : i32 to index
        %parallel_loop3A_1074 = arith.constant 720 : index
        %parallel_loop3A_1075 = tpu.vector_load %arg13[%parallel_loop3A_1072, %parallel_loop3A_1073, %parallel_loop3A_1074] {strides = array<i32>} : memref<4x32x768xf32, #tpu.memory_space<vmem>>, vector<1x1x16xf32>,
        %parallel_loop3A_1076 = vector.shape_cast %parallel_loop3A_1075 : vector<1x1x16xf32> to vector<16xf32>
        %parallel_loop3A_1077 = vector.shape_cast %parallel_loop3A_1071 : vector<16xf32> to vector<1x1x16xf32>
        tpu.vector_store %arg13[%parallel_loop3A_1072, %parallel_loop3A_1073, %parallel_loop3A_1074], %parallel_loop3A_1077 {strides = array<i32>} : memref<4x32x768xf32, #tpu.memory_space<vmem>>, vector<1x1x16xf32>,
        %parallel_loop3A_1078 = arith.index_cast %rem3A_410 : i32 to index
        %parallel_loop3A_1079 = arith.index_cast %parallel_loop3A_893 : i32 to index
        %parallel_loop3A_1080 = arith.constant 736 : index
        %parallel_loop3A_1081 = tpu.vector_load %arg13[%parallel_loop3A_1078, %parallel_loop3A_1079, %parallel_loop3A_1080] {strides = array<i32>} : memref<4x32x768xf32, #tpu.memory_space<vmem>>, vector<1x1x16xf32>,
        %parallel_loop3A_1082 = vector.shape_cast %parallel_loop3A_1081 : vector<1x1x16xf32> to vector<16xf32>
        %parallel_loop3A_1083 = arith.addf %parallel_loop3A_1082, %parallel_loop3A_908 : vector<16xf32>
        %parallel_loop3A_1084 = arith.index_cast %rem3A_410 : i32 to index
        %parallel_loop3A_1085 = arith.index_cast %parallel_loop3A_893 : i32 to index
        %parallel_loop3A_1086 = arith.constant 736 : index
        %parallel_loop3A_1087 = tpu.vector_load %arg13[%parallel_loop3A_1084, %parallel_loop3A_1085, %parallel_loop3A_1086] {strides = array<i32>} : memref<4x32x768xf32, #tpu.memory_space<vmem>>, vector<1x1x16xf32>,
        %parallel_loop3A_1088 = vector.shape_cast %parallel_loop3A_1087 : vector<1x1x16xf32> to vector<16xf32>
        %parallel_loop3A_1089 = vector.shape_cast %parallel_loop3A_1083 : vector<16xf32> to vector<1x1x16xf32>
        tpu.vector_store %arg13[%parallel_loop3A_1084, %parallel_loop3A_1085, %parallel_loop3A_1086], %parallel_loop3A_1089 {strides = array<i32>} : memref<4x32x768xf32, #tpu.memory_space<vmem>>, vector<1x1x16xf32>,
        %parallel_loop3A_1090 = arith.index_cast %rem3A_410 : i32 to index
        %parallel_loop3A_1091 = arith.index_cast %parallel_loop3A_893 : i32 to index
        %parallel_loop3A_1092 = arith.constant 752 : index
        %parallel_loop3A_1093 = tpu.vector_load %arg13[%parallel_loop3A_1090, %parallel_loop3A_1091, %parallel_loop3A_1092] {strides = array<i32>} : memref<4x32x768xf32, #tpu.memory_space<vmem>>, vector<1x1x16xf32>,
        %parallel_loop3A_1094 = vector.shape_cast %parallel_loop3A_1093 : vector<1x1x16xf32> to vector<16xf32>
        %parallel_loop3A_1095 = arith.addf %parallel_loop3A_1094, %parallel_loop3A_909 : vector<16xf32>
        %parallel_loop3A_1096 = arith.index_cast %rem3A_410 : i32 to index
        %parallel_loop3A_1097 = arith.index_cast %parallel_loop3A_893 : i32 to index
        %parallel_loop3A_1098 = arith.constant 752 : index
        %parallel_loop3A_1099 = tpu.vector_load %arg13[%parallel_loop3A_1096, %parallel_loop3A_1097, %parallel_loop3A_1098] {strides = array<i32>} : memref<4x32x768xf32, #tpu.memory_space<vmem>>, vector<1x1x16xf32>,
        %parallel_loop3A_1100 = vector.shape_cast %parallel_loop3A_1099 : vector<1x1x16xf32> to vector<16xf32>
        %parallel_loop3A_1101 = vector.shape_cast %parallel_loop3A_1095 : vector<16xf32> to vector<1x1x16xf32>
        tpu.vector_store %arg13[%parallel_loop3A_1096, %parallel_loop3A_1097, %parallel_loop3A_1098], %parallel_loop3A_1101 {strides = array<i32>} : memref<4x32x768xf32, #tpu.memory_space<vmem>>, vector<1x1x16xf32>,
        scf.yield %parallel_loop3A_894, %parallel_loop3A_895, %parallel_loop3A_896, %parallel_loop3A_897, %parallel_loop3A_898, %parallel_loop3A_899, %parallel_loop3A_900, %parallel_loop3A_901, %parallel_loop3A_902, %parallel_loop3A_903, %parallel_loop3A_904, %parallel_loop3A_905, %parallel_loop3A_906, %parallel_loop3A_907, %parallel_loop3A_908, %parallel_loop3A_909 : vector<16xf32>, vector<16xf32>, vector<16xf32>, vector<16xf32>, vector<16xf32>, vector<16xf32>, vector<16xf32>, vector<16xf32>, vector<16xf32>, vector<16xf32>, vector<16xf32>, vector<16xf32>, vector<16xf32>, vector<16xf32>, vector<16xf32>, vector<16xf32>
      } {sc.loop_unroll_factor = 1 : i64, sc.parallel_access}
      %dma_start3A_815 = arith.constant 0 : i32
      %dma_start3A_816 = arith.constant 0 : i32
      %dma_start3A_817 = arith.constant 0 : i32
      %dma_start3A_818 = tpu.memref_slice %arg13[%rem3A_410, %dma_start3A_816, %dma_start3A_817] : memref<4x32x768xf32, #tpu.memory_space<vmem>> -> memref<1x32x128xf32, #tpu.memory_space<vmem>>
      %dma_start3A_819 = tpu.memref_squeeze %dma_start3A_818 : memref<1x32x128xf32, #tpu.memory_space<vmem>> -> memref<32x128xf32, #tpu.memory_space<vmem>>
      %dma_start3A_820 = arith.constant 0 : i32
      %dma_start3A_821 = tpu.memref_slice %arg9[%rem3A_410, %dma_start3A_815, %dma_start3A_820] : memref<4x6x32xi32, #tpu.memory_space<vmem>> -> memref<1x1x32xi32, #tpu.memory_space<vmem>>
      %dma_start3A_822 = tpu.memref_squeeze %dma_start3A_821 : memref<1x1x32xi32, #tpu.memory_space<vmem>> -> memref<32xi32, #tpu.memory_space<vmem>>
      %dma_start3A_823 = arith.constant 0 : i32
      %dma_start3A_824 = arith.constant 0 : i32
      %dma_start3A_825 = tpu.memref_slice %arg7[%dma_start3A_823, %dma_start3A_824] : memref<393600x128xf32, #tpu.memory_space<hbm>> -> memref<393600x128xf32, #tpu.memory_space<hbm>>
      %dma_start3A_826 = tpu.memref_slice %arg15[%rem3A_410] : memref<4x!tpu.dma_semaphore, #tpu.memory_space<semaphore_mem>> -> memref<1x!tpu.dma_semaphore, #tpu.memory_space<semaphore_mem>>
      %dma_start3A_827 = tpu.memref_squeeze %dma_start3A_826 : memref<1x!tpu.dma_semaphore, #tpu.memory_space<semaphore_mem>> -> memref<!tpu.dma_semaphore, #tpu.memory_space<semaphore_mem>>
      tpu.enqueue_indirect_dma source(%dma_start3A_819 : memref<32x128xf32, #tpu.memory_space<vmem>>) target(%dma_start3A_825 : memref<393600x128xf32, #tpu.memory_space<hbm>>) offsets(%dma_start3A_822 : memref<32xi32, #tpu.memory_space<vmem>>) semaphore(%dma_start3A_827 : memref<!tpu.dma_semaphore, #tpu.memory_space<semaphore_mem>>)
      %dma_start3A_828 = arith.constant 1 : i32
      %dma_start3A_829 = arith.constant 0 : i32
      %dma_start3A_830 = arith.constant 128 : i32
      %dma_start3A_831 = tpu.memref_slice %arg13[%rem3A_410, %dma_start3A_829, %dma_start3A_830] : memref<4x32x768xf32, #tpu.memory_space<vmem>> -> memref<1x32x128xf32, #tpu.memory_space<vmem>>
      %dma_start3A_832 = tpu.memref_squeeze %dma_start3A_831 : memref<1x32x128xf32, #tpu.memory_space<vmem>> -> memref<32x128xf32, #tpu.memory_space<vmem>>
      %dma_start3A_833 = arith.constant 0 : i32
      %dma_start3A_834 = tpu.memref_slice %arg9[%rem3A_410, %dma_start3A_828, %dma_start3A_833] : memref<4x6x32xi32, #tpu.memory_space<vmem>> -> memref<1x1x32xi32, #tpu.memory_space<vmem>>
      %dma_start3A_835 = tpu.memref_squeeze %dma_start3A_834 : memref<1x1x32xi32, #tpu.memory_space<vmem>> -> memref<32xi32, #tpu.memory_space<vmem>>
      %dma_start3A_836 = arith.constant 0 : i32
      %dma_start3A_837 = arith.constant 0 : i32
      %dma_start3A_838 = tpu.memref_slice %arg7[%dma_start3A_836, %dma_start3A_837] : memref<393600x128xf32, #tpu.memory_space<hbm>> -> memref<393600x128xf32, #tpu.memory_space<hbm>>
      %dma_start3A_839 = tpu.memref_slice %arg15[%rem3A_410] : memref<4x!tpu.dma_semaphore, #tpu.memory_space<semaphore_mem>> -> memref<1x!tpu.dma_semaphore, #tpu.memory_space<semaphore_mem>>
      %dma_start3A_840 = tpu.memref_squeeze %dma_start3A_839 : memref<1x!tpu.dma_semaphore, #tpu.memory_space<semaphore_mem>> -> memref<!tpu.dma_semaphore, #tpu.memory_space<semaphore_mem>>
      tpu.enqueue_indirect_dma source(%dma_start3A_832 : memref<32x128xf32, #tpu.memory_space<vmem>>) target(%dma_start3A_838 : memref<393600x128xf32, #tpu.memory_space<hbm>>) offsets(%dma_start3A_835 : memref<32xi32, #tpu.memory_space<vmem>>) semaphore(%dma_start3A_840 : memref<!tpu.dma_semaphore, #tpu.memory_space<semaphore_mem>>)
      %dma_start3A_841 = arith.constant 2 : i32
      %dma_start3A_842 = arith.constant 0 : i32
      %dma_start3A_843 = arith.constant 256 : i32
      %dma_start3A_844 = tpu.memref_slice %arg13[%rem3A_410, %dma_start3A_842, %dma_start3A_843] : memref<4x32x768xf32, #tpu.memory_space<vmem>> -> memref<1x32x128xf32, #tpu.memory_space<vmem>>
      %dma_start3A_845 = tpu.memref_squeeze %dma_start3A_844 : memref<1x32x128xf32, #tpu.memory_space<vmem>> -> memref<32x128xf32, #tpu.memory_space<vmem>>
      %dma_start3A_846 = arith.constant 0 : i32
      %dma_start3A_847 = tpu.memref_slice %arg9[%rem3A_410, %dma_start3A_841, %dma_start3A_846] : memref<4x6x32xi32, #tpu.memory_space<vmem>> -> memref<1x1x32xi32, #tpu.memory_space<vmem>>
      %dma_start3A_848 = tpu.memref_squeeze %dma_start3A_847 : memref<1x1x32xi32, #tpu.memory_space<vmem>> -> memref<32xi32, #tpu.memory_space<vmem>>
      %dma_start3A_849 = arith.constant 0 : i32
      %dma_start3A_850 = arith.constant 0 : i32
      %dma_start3A_851 = tpu.memref_slice %arg7[%dma_start3A_849, %dma_start3A_850] : memref<393600x128xf32, #tpu.memory_space<hbm>> -> memref<393600x128xf32, #tpu.memory_space<hbm>>
      %dma_start3A_852 = tpu.memref_slice %arg15[%rem3A_410] : memref<4x!tpu.dma_semaphore, #tpu.memory_space<semaphore_mem>> -> memref<1x!tpu.dma_semaphore, #tpu.memory_space<semaphore_mem>>
      %dma_start3A_853 = tpu.memref_squeeze %dma_start3A_852 : memref<1x!tpu.dma_semaphore, #tpu.memory_space<semaphore_mem>> -> memref<!tpu.dma_semaphore, #tpu.memory_space<semaphore_mem>>
      tpu.enqueue_indirect_dma source(%dma_start3A_845 : memref<32x128xf32, #tpu.memory_space<vmem>>) target(%dma_start3A_851 : memref<393600x128xf32, #tpu.memory_space<hbm>>) offsets(%dma_start3A_848 : memref<32xi32, #tpu.memory_space<vmem>>) semaphore(%dma_start3A_853 : memref<!tpu.dma_semaphore, #tpu.memory_space<semaphore_mem>>)
      %dma_start3A_854 = arith.constant 3 : i32
      %dma_start3A_855 = arith.constant 0 : i32
      %dma_start3A_856 = arith.constant 384 : i32
      %dma_start3A_857 = tpu.memref_slice %arg13[%rem3A_410, %dma_start3A_855, %dma_start3A_856] : memref<4x32x768xf32, #tpu.memory_space<vmem>> -> memref<1x32x128xf32, #tpu.memory_space<vmem>>
      %dma_start3A_858 = tpu.memref_squeeze %dma_start3A_857 : memref<1x32x128xf32, #tpu.memory_space<vmem>> -> memref<32x128xf32, #tpu.memory_space<vmem>>
      %dma_start3A_859 = arith.constant 0 : i32
      %dma_start3A_860 = tpu.memref_slice %arg9[%rem3A_410, %dma_start3A_854, %dma_start3A_859] : memref<4x6x32xi32, #tpu.memory_space<vmem>> -> memref<1x1x32xi32, #tpu.memory_space<vmem>>
      %dma_start3A_861 = tpu.memref_squeeze %dma_start3A_860 : memref<1x1x32xi32, #tpu.memory_space<vmem>> -> memref<32xi32, #tpu.memory_space<vmem>>
      %dma_start3A_862 = arith.constant 0 : i32
      %dma_start3A_863 = arith.constant 0 : i32
      %dma_start3A_864 = tpu.memref_slice %arg7[%dma_start3A_862, %dma_start3A_863] : memref<393600x128xf32, #tpu.memory_space<hbm>> -> memref<393600x128xf32, #tpu.memory_space<hbm>>
      %dma_start3A_865 = tpu.memref_slice %arg15[%rem3A_410] : memref<4x!tpu.dma_semaphore, #tpu.memory_space<semaphore_mem>> -> memref<1x!tpu.dma_semaphore, #tpu.memory_space<semaphore_mem>>
      %dma_start3A_866 = tpu.memref_squeeze %dma_start3A_865 : memref<1x!tpu.dma_semaphore, #tpu.memory_space<semaphore_mem>> -> memref<!tpu.dma_semaphore, #tpu.memory_space<semaphore_mem>>
      tpu.enqueue_indirect_dma source(%dma_start3A_858 : memref<32x128xf32, #tpu.memory_space<vmem>>) target(%dma_start3A_864 : memref<393600x128xf32, #tpu.memory_space<hbm>>) offsets(%dma_start3A_861 : memref<32xi32, #tpu.memory_space<vmem>>) semaphore(%dma_start3A_866 : memref<!tpu.dma_semaphore, #tpu.memory_space<semaphore_mem>>)
      %dma_start3A_867 = arith.constant 4 : i32
      %dma_start3A_868 = arith.constant 0 : i32
      %dma_start3A_869 = arith.constant 512 : i32
      %dma_start3A_870 = tpu.memref_slice %arg13[%rem3A_410, %dma_start3A_868, %dma_start3A_869] : memref<4x32x768xf32, #tpu.memory_space<vmem>> -> memref<1x32x128xf32, #tpu.memory_space<vmem>>
      %dma_start3A_871 = tpu.memref_squeeze %dma_start3A_870 : memref<1x32x128xf32, #tpu.memory_space<vmem>> -> memref<32x128xf32, #tpu.memory_space<vmem>>
      %dma_start3A_872 = arith.constant 0 : i32
      %dma_start3A_873 = tpu.memref_slice %arg9[%rem3A_410, %dma_start3A_867, %dma_start3A_872] : memref<4x6x32xi32, #tpu.memory_space<vmem>> -> memref<1x1x32xi32, #tpu.memory_space<vmem>>
      %dma_start3A_874 = tpu.memref_squeeze %dma_start3A_873 : memref<1x1x32xi32, #tpu.memory_space<vmem>> -> memref<32xi32, #tpu.memory_space<vmem>>
      %dma_start3A_875 = arith.constant 0 : i32
      %dma_start3A_876 = arith.constant 0 : i32
      %dma_start3A_877 = tpu.memref_slice %arg7[%dma_start3A_875, %dma_start3A_876] : memref<393600x128xf32, #tpu.memory_space<hbm>> -> memref<393600x128xf32, #tpu.memory_space<hbm>>
      %dma_start3A_878 = tpu.memref_slice %arg15[%rem3A_410] : memref<4x!tpu.dma_semaphore, #tpu.memory_space<semaphore_mem>> -> memref<1x!tpu.dma_semaphore, #tpu.memory_space<semaphore_mem>>
      %dma_start3A_879 = tpu.memref_squeeze %dma_start3A_878 : memref<1x!tpu.dma_semaphore, #tpu.memory_space<semaphore_mem>> -> memref<!tpu.dma_semaphore, #tpu.memory_space<semaphore_mem>>
      tpu.enqueue_indirect_dma source(%dma_start3A_871 : memref<32x128xf32, #tpu.memory_space<vmem>>) target(%dma_start3A_877 : memref<393600x128xf32, #tpu.memory_space<hbm>>) offsets(%dma_start3A_874 : memref<32xi32, #tpu.memory_space<vmem>>) semaphore(%dma_start3A_879 : memref<!tpu.dma_semaphore, #tpu.memory_space<semaphore_mem>>)
      %dma_start3A_880 = arith.constant 5 : i32
      %dma_start3A_881 = arith.constant 0 : i32
      %dma_start3A_882 = arith.constant 640 : i32
      %dma_start3A_883 = tpu.memref_slice %arg13[%rem3A_410, %dma_start3A_881, %dma_start3A_882] : memref<4x32x768xf32, #tpu.memory_space<vmem>> -> memref<1x32x128xf32, #tpu.memory_space<vmem>>
      %dma_start3A_884 = tpu.memref_squeeze %dma_start3A_883 : memref<1x32x128xf32, #tpu.memory_space<vmem>> -> memref<32x128xf32, #tpu.memory_space<vmem>>
      %dma_start3A_885 = arith.constant 0 : i32
      %dma_start3A_886 = tpu.memref_slice %arg9[%rem3A_410, %dma_start3A_880, %dma_start3A_885] : memref<4x6x32xi32, #tpu.memory_space<vmem>> -> memref<1x1x32xi32, #tpu.memory_space<vmem>>
      %dma_start3A_887 = tpu.memref_squeeze %dma_start3A_886 : memref<1x1x32xi32, #tpu.memory_space<vmem>> -> memref<32xi32, #tpu.memory_space<vmem>>
      %dma_start3A_888 = arith.constant 0 : i32
      %dma_start3A_889 = arith.constant 0 : i32
      %dma_start3A_890 = tpu.memref_slice %arg7[%dma_start3A_888, %dma_start3A_889] : memref<393600x128xf32, #tpu.memory_space<hbm>> -> memref<393600x128xf32, #tpu.memory_space<hbm>>
      %dma_start3A_891 = tpu.memref_slice %arg15[%rem3A_410] : memref<4x!tpu.dma_semaphore, #tpu.memory_space<semaphore_mem>> -> memref<1x!tpu.dma_semaphore, #tpu.memory_space<semaphore_mem>>
      %dma_start3A_892 = tpu.memref_squeeze %dma_start3A_891 : memref<1x!tpu.dma_semaphore, #tpu.memory_space<semaphore_mem>> -> memref<!tpu.dma_semaphore, #tpu.memory_space<semaphore_mem>>
      tpu.enqueue_indirect_dma source(%dma_start3A_884 : memref<32x128xf32, #tpu.memory_space<vmem>>) target(%dma_start3A_890 : memref<393600x128xf32, #tpu.memory_space<hbm>>) offsets(%dma_start3A_887 : memref<32xi32, #tpu.memory_space<vmem>>) semaphore(%dma_start3A_892 : memref<!tpu.dma_semaphore, #tpu.memory_space<semaphore_mem>>)
    }
    %while3A_50 = arith.constant 1 : i32
    scf.for %while3A_386 = %while3A_48 to %while3A_44 step %while3A_50  : i32 {
      %jit3A_387 = arith.constant 2 : i32
      %div3A = arith.divsi %while3A_386, %jit3A_387 : i32
      %sign3A = arith.constant 0 : i32
      %sign3A_388 = arith.cmpi sgt, %while3A_386, %sign3A : i32
      %sign3A_389 = arith.extui %sign3A_388 : i1 to i32
      %sign3A_390 = arith.constant 0 : i32
      %sign3A_391 = arith.cmpi slt, %while3A_386, %sign3A_390 : i32
      %sign3A_392 = arith.extui %sign3A_391 : i1 to i32
      %sign3A_393 = arith.subi %sign3A_389, %sign3A_392 : i32
      %sign3A_394 = arith.constant 0 : i32
      %sign3A_395 = arith.cmpi sgt, %jit3A_387, %sign3A_394 : i32
      %sign3A_396 = arith.extui %sign3A_395 : i1 to i32
      %sign3A_397 = arith.constant 0 : i32
      %sign3A_398 = arith.cmpi slt, %jit3A_387, %sign3A_397 : i32
      %sign3A_399 = arith.extui %sign3A_398 : i1 to i32
      %sign3A_400 = arith.subi %sign3A_396, %sign3A_399 : i32
      %ne3A = arith.cmpi ne, %sign3A_393, %sign3A_400 : i32
      %rem3A_401 = arith.remsi %while3A_386, %jit3A_387 : i32
      %ne3A_402 = arith.constant 0 : i32
      %ne3A_403 = arith.cmpi ne, %rem3A_401, %ne3A_402 : i32
      %and3A = arith.andi %ne3A, %ne3A_403 : i1
      %sub3A_404 = arith.constant 1 : i32
      %sub3A_405 = arith.subi %div3A, %sub3A_404 : i32
      %select_n3A_406 = arith.select %and3A, %sub3A_405, %div3A : i32
      %rem3A_407 = arith.constant 2 : i32
      %rem3A_408 = arith.remsi %while3A_386, %rem3A_407 : i32
      %rem3A_409 = arith.constant 4 : i32
      %rem3A_410 = arith.remsi %while3A_386, %rem3A_409 : i32
      %mul3A_411 = arith.constant 32 : i32
      %mul3A_412 = arith.muli %mul3A_411, %select_n3A_406 : i32
      %add3A_413 = arith.addi %add3A, %mul3A_412 : i32
      %rem3A_414 = arith.constant 2 : i32
      %rem3A_415 = arith.remsi %select_n3A_406, %rem3A_414 : i32
      %add3A_416 = arith.constant 2 : i32
      %add3A_417 = arith.addi %while3A_386, %add3A_416 : i32
      %lt3A = arith.cmpi slt, %add3A_417, %mul3A_4 : i32
      %convert_element_type3A_418 = arith.extui %lt3A : i1 to i32
      %cond3A_419 = arith.constant 0 : i32
      %cond3A_420 = arith.cmpi ne, %convert_element_type3A_418, %cond3A_419 : i32
      scf.if %cond3A_420 {
        %ge3A_893 = arith.constant 2 : i32
        %ge3A_894 = arith.cmpi sge, %while3A_386, %ge3A_893 : i32
        %convert_element_type3A_895 = arith.extui %ge3A_894 : i1 to i32
        %cond3A_896 = arith.constant 0 : i32
        %cond3A_897 = arith.cmpi ne, %convert_element_type3A_895, %cond3A_896 : i32
        scf.if %cond3A_897 {
          %add3A_914 = arith.constant 2 : i32
          %add3A_915 = arith.addi %while3A_386, %add3A_914 : i32
          %rem3A_916 = arith.constant 4 : i32
          %rem3A_917 = arith.remsi %add3A_915, %rem3A_916 : i32
          %dma_wait3A_918 = arith.constant 0 : i32
          %dma_wait3A_919 = arith.constant 0 : i32
          %dma_wait3A_920 = arith.constant 0 : i32
          %dma_wait3A_921 = tpu.memref_slice %arg13[%rem3A_917, %dma_wait3A_919, %dma_wait3A_920] : memref<4x32x768xf32, #tpu.memory_space<vmem>> -> memref<1x32x128xf32, #tpu.memory_space<vmem>>
          %dma_wait3A_922 = tpu.memref_squeeze %dma_wait3A_921 : memref<1x32x128xf32, #tpu.memory_space<vmem>> -> memref<32x128xf32, #tpu.memory_space<vmem>>
          %dma_wait3A_923 = arith.constant 0 : i32
          %dma_wait3A_924 = tpu.memref_slice %arg9[%rem3A_917, %dma_wait3A_918, %dma_wait3A_923] : memref<4x6x32xi32, #tpu.memory_space<vmem>> -> memref<1x1x32xi32, #tpu.memory_space<vmem>>
          %dma_wait3A_925 = tpu.memref_squeeze %dma_wait3A_924 : memref<1x1x32xi32, #tpu.memory_space<vmem>> -> memref<32xi32, #tpu.memory_space<vmem>>
          %dma_wait3A_926 = arith.constant 0 : i32
          %dma_wait3A_927 = arith.constant 0 : i32
          %dma_wait3A_928 = tpu.memref_slice %arg7[%dma_wait3A_926, %dma_wait3A_927] : memref<393600x128xf32, #tpu.memory_space<hbm>> -> memref<393600x128xf32, #tpu.memory_space<hbm>>
          %dma_wait3A_929 = tpu.memref_slice %arg15[%rem3A_917] : memref<4x!tpu.dma_semaphore, #tpu.memory_space<semaphore_mem>> -> memref<1x!tpu.dma_semaphore, #tpu.memory_space<semaphore_mem>>
          %dma_wait3A_930 = tpu.memref_squeeze %dma_wait3A_929 : memref<1x!tpu.dma_semaphore, #tpu.memory_space<semaphore_mem>> -> memref<!tpu.dma_semaphore, #tpu.memory_space<semaphore_mem>>
          tpu.wait_indirect_dma semaphore(%dma_wait3A_930 : memref<!tpu.dma_semaphore, #tpu.memory_space<semaphore_mem>>) src(%dma_wait3A_922 : memref<32x128xf32, #tpu.memory_space<vmem>>) dst(%dma_wait3A_928 : memref<393600x128xf32, #tpu.memory_space<hbm>>)
          %dma_wait3A_931 = arith.constant 1 : i32
          %dma_wait3A_932 = arith.constant 0 : i32
          %dma_wait3A_933 = arith.constant 128 : i32
          %dma_wait3A_934 = tpu.memref_slice %arg13[%rem3A_917, %dma_wait3A_932, %dma_wait3A_933] : memref<4x32x768xf32, #tpu.memory_space<vmem>> -> memref<1x32x128xf32, #tpu.memory_space<vmem>>
          %dma_wait3A_935 = tpu.memref_squeeze %dma_wait3A_934 : memref<1x32x128xf32, #tpu.memory_space<vmem>> -> memref<32x128xf32, #tpu.memory_space<vmem>>
          %dma_wait3A_936 = arith.constant 0 : i32
          %dma_wait3A_937 = tpu.memref_slice %arg9[%rem3A_917, %dma_wait3A_931, %dma_wait3A_936] : memref<4x6x32xi32, #tpu.memory_space<vmem>> -> memref<1x1x32xi32, #tpu.memory_space<vmem>>
          %dma_wait3A_938 = tpu.memref_squeeze %dma_wait3A_937 : memref<1x1x32xi32, #tpu.memory_space<vmem>> -> memref<32xi32, #tpu.memory_space<vmem>>
          %dma_wait3A_939 = arith.constant 0 : i32
          %dma_wait3A_940 = arith.constant 0 : i32
          %dma_wait3A_941 = tpu.memref_slice %arg7[%dma_wait3A_939, %dma_wait3A_940] : memref<393600x128xf32, #tpu.memory_space<hbm>> -> memref<393600x128xf32, #tpu.memory_space<hbm>>
          %dma_wait3A_942 = tpu.memref_slice %arg15[%rem3A_917] : memref<4x!tpu.dma_semaphore, #tpu.memory_space<semaphore_mem>> -> memref<1x!tpu.dma_semaphore, #tpu.memory_space<semaphore_mem>>
          %dma_wait3A_943 = tpu.memref_squeeze %dma_wait3A_942 : memref<1x!tpu.dma_semaphore, #tpu.memory_space<semaphore_mem>> -> memref<!tpu.dma_semaphore, #tpu.memory_space<semaphore_mem>>
          tpu.wait_indirect_dma semaphore(%dma_wait3A_943 : memref<!tpu.dma_semaphore, #tpu.memory_space<semaphore_mem>>) src(%dma_wait3A_935 : memref<32x128xf32, #tpu.memory_space<vmem>>) dst(%dma_wait3A_941 : memref<393600x128xf32, #tpu.memory_space<hbm>>)
          %dma_wait3A_944 = arith.constant 2 : i32
          %dma_wait3A_945 = arith.constant 0 : i32
          %dma_wait3A_946 = arith.constant 256 : i32
          %dma_wait3A_947 = tpu.memref_slice %arg13[%rem3A_917, %dma_wait3A_945, %dma_wait3A_946] : memref<4x32x768xf32, #tpu.memory_space<vmem>> -> memref<1x32x128xf32, #tpu.memory_space<vmem>>
          %dma_wait3A_948 = tpu.memref_squeeze %dma_wait3A_947 : memref<1x32x128xf32, #tpu.memory_space<vmem>> -> memref<32x128xf32, #tpu.memory_space<vmem>>
          %dma_wait3A_949 = arith.constant 0 : i32
          %dma_wait3A_950 = tpu.memref_slice %arg9[%rem3A_917, %dma_wait3A_944, %dma_wait3A_949] : memref<4x6x32xi32, #tpu.memory_space<vmem>> -> memref<1x1x32xi32, #tpu.memory_space<vmem>>
          %dma_wait3A_951 = tpu.memref_squeeze %dma_wait3A_950 : memref<1x1x32xi32, #tpu.memory_space<vmem>> -> memref<32xi32, #tpu.memory_space<vmem>>
          %dma_wait3A_952 = arith.constant 0 : i32
          %dma_wait3A_953 = arith.constant 0 : i32
          %dma_wait3A_954 = tpu.memref_slice %arg7[%dma_wait3A_952, %dma_wait3A_953] : memref<393600x128xf32, #tpu.memory_space<hbm>> -> memref<393600x128xf32, #tpu.memory_space<hbm>>
          %dma_wait3A_955 = tpu.memref_slice %arg15[%rem3A_917] : memref<4x!tpu.dma_semaphore, #tpu.memory_space<semaphore_mem>> -> memref<1x!tpu.dma_semaphore, #tpu.memory_space<semaphore_mem>>
          %dma_wait3A_956 = tpu.memref_squeeze %dma_wait3A_955 : memref<1x!tpu.dma_semaphore, #tpu.memory_space<semaphore_mem>> -> memref<!tpu.dma_semaphore, #tpu.memory_space<semaphore_mem>>
          tpu.wait_indirect_dma semaphore(%dma_wait3A_956 : memref<!tpu.dma_semaphore, #tpu.memory_space<semaphore_mem>>) src(%dma_wait3A_948 : memref<32x128xf32, #tpu.memory_space<vmem>>) dst(%dma_wait3A_954 : memref<393600x128xf32, #tpu.memory_space<hbm>>)
          %dma_wait3A_957 = arith.constant 3 : i32
          %dma_wait3A_958 = arith.constant 0 : i32
          %dma_wait3A_959 = arith.constant 384 : i32
          %dma_wait3A_960 = tpu.memref_slice %arg13[%rem3A_917, %dma_wait3A_958, %dma_wait3A_959] : memref<4x32x768xf32, #tpu.memory_space<vmem>> -> memref<1x32x128xf32, #tpu.memory_space<vmem>>
          %dma_wait3A_961 = tpu.memref_squeeze %dma_wait3A_960 : memref<1x32x128xf32, #tpu.memory_space<vmem>> -> memref<32x128xf32, #tpu.memory_space<vmem>>
          %dma_wait3A_962 = arith.constant 0 : i32
          %dma_wait3A_963 = tpu.memref_slice %arg9[%rem3A_917, %dma_wait3A_957, %dma_wait3A_962] : memref<4x6x32xi32, #tpu.memory_space<vmem>> -> memref<1x1x32xi32, #tpu.memory_space<vmem>>
          %dma_wait3A_964 = tpu.memref_squeeze %dma_wait3A_963 : memref<1x1x32xi32, #tpu.memory_space<vmem>> -> memref<32xi32, #tpu.memory_space<vmem>>
          %dma_wait3A_965 = arith.constant 0 : i32
          %dma_wait3A_966 = arith.constant 0 : i32
          %dma_wait3A_967 = tpu.memref_slice %arg7[%dma_wait3A_965, %dma_wait3A_966] : memref<393600x128xf32, #tpu.memory_space<hbm>> -> memref<393600x128xf32, #tpu.memory_space<hbm>>
          %dma_wait3A_968 = tpu.memref_slice %arg15[%rem3A_917] : memref<4x!tpu.dma_semaphore, #tpu.memory_space<semaphore_mem>> -> memref<1x!tpu.dma_semaphore, #tpu.memory_space<semaphore_mem>>
          %dma_wait3A_969 = tpu.memref_squeeze %dma_wait3A_968 : memref<1x!tpu.dma_semaphore, #tpu.memory_space<semaphore_mem>> -> memref<!tpu.dma_semaphore, #tpu.memory_space<semaphore_mem>>
          tpu.wait_indirect_dma semaphore(%dma_wait3A_969 : memref<!tpu.dma_semaphore, #tpu.memory_space<semaphore_mem>>) src(%dma_wait3A_961 : memref<32x128xf32, #tpu.memory_space<vmem>>) dst(%dma_wait3A_967 : memref<393600x128xf32, #tpu.memory_space<hbm>>)
          %dma_wait3A_970 = arith.constant 4 : i32
          %dma_wait3A_971 = arith.constant 0 : i32
          %dma_wait3A_972 = arith.constant 512 : i32
          %dma_wait3A_973 = tpu.memref_slice %arg13[%rem3A_917, %dma_wait3A_971, %dma_wait3A_972] : memref<4x32x768xf32, #tpu.memory_space<vmem>> -> memref<1x32x128xf32, #tpu.memory_space<vmem>>
          %dma_wait3A_974 = tpu.memref_squeeze %dma_wait3A_973 : memref<1x32x128xf32, #tpu.memory_space<vmem>> -> memref<32x128xf32, #tpu.memory_space<vmem>>
          %dma_wait3A_975 = arith.constant 0 : i32
          %dma_wait3A_976 = tpu.memref_slice %arg9[%rem3A_917, %dma_wait3A_970, %dma_wait3A_975] : memref<4x6x32xi32, #tpu.memory_space<vmem>> -> memref<1x1x32xi32, #tpu.memory_space<vmem>>
          %dma_wait3A_977 = tpu.memref_squeeze %dma_wait3A_976 : memref<1x1x32xi32, #tpu.memory_space<vmem>> -> memref<32xi32, #tpu.memory_space<vmem>>
          %dma_wait3A_978 = arith.constant 0 : i32
          %dma_wait3A_979 = arith.constant 0 : i32
          %dma_wait3A_980 = tpu.memref_slice %arg7[%dma_wait3A_978, %dma_wait3A_979] : memref<393600x128xf32, #tpu.memory_space<hbm>> -> memref<393600x128xf32, #tpu.memory_space<hbm>>
          %dma_wait3A_981 = tpu.memref_slice %arg15[%rem3A_917] : memref<4x!tpu.dma_semaphore, #tpu.memory_space<semaphore_mem>> -> memref<1x!tpu.dma_semaphore, #tpu.memory_space<semaphore_mem>>
          %dma_wait3A_982 = tpu.memref_squeeze %dma_wait3A_981 : memref<1x!tpu.dma_semaphore, #tpu.memory_space<semaphore_mem>> -> memref<!tpu.dma_semaphore, #tpu.memory_space<semaphore_mem>>
          tpu.wait_indirect_dma semaphore(%dma_wait3A_982 : memref<!tpu.dma_semaphore, #tpu.memory_space<semaphore_mem>>) src(%dma_wait3A_974 : memref<32x128xf32, #tpu.memory_space<vmem>>) dst(%dma_wait3A_980 : memref<393600x128xf32, #tpu.memory_space<hbm>>)
          %dma_wait3A_983 = arith.constant 5 : i32
          %dma_wait3A_984 = arith.constant 0 : i32
          %dma_wait3A_985 = arith.constant 640 : i32
          %dma_wait3A_986 = tpu.memref_slice %arg13[%rem3A_917, %dma_wait3A_984, %dma_wait3A_985] : memref<4x32x768xf32, #tpu.memory_space<vmem>> -> memref<1x32x128xf32, #tpu.memory_space<vmem>>
          %dma_wait3A_987 = tpu.memref_squeeze %dma_wait3A_986 : memref<1x32x128xf32, #tpu.memory_space<vmem>> -> memref<32x128xf32, #tpu.memory_space<vmem>>
          %dma_wait3A_988 = arith.constant 0 : i32
          %dma_wait3A_989 = tpu.memref_slice %arg9[%rem3A_917, %dma_wait3A_983, %dma_wait3A_988] : memref<4x6x32xi32, #tpu.memory_space<vmem>> -> memref<1x1x32xi32, #tpu.memory_space<vmem>>
          %dma_wait3A_990 = tpu.memref_squeeze %dma_wait3A_989 : memref<1x1x32xi32, #tpu.memory_space<vmem>> -> memref<32xi32, #tpu.memory_space<vmem>>
          %dma_wait3A_991 = arith.constant 0 : i32
          %dma_wait3A_992 = arith.constant 0 : i32
          %dma_wait3A_993 = tpu.memref_slice %arg7[%dma_wait3A_991, %dma_wait3A_992] : memref<393600x128xf32, #tpu.memory_space<hbm>> -> memref<393600x128xf32, #tpu.memory_space<hbm>>
          %dma_wait3A_994 = tpu.memref_slice %arg15[%rem3A_917] : memref<4x!tpu.dma_semaphore, #tpu.memory_space<semaphore_mem>> -> memref<1x!tpu.dma_semaphore, #tpu.memory_space<semaphore_mem>>
          %dma_wait3A_995 = tpu.memref_squeeze %dma_wait3A_994 : memref<1x!tpu.dma_semaphore, #tpu.memory_space<semaphore_mem>> -> memref<!tpu.dma_semaphore, #tpu.memory_space<semaphore_mem>>
          tpu.wait_indirect_dma semaphore(%dma_wait3A_995 : memref<!tpu.dma_semaphore, #tpu.memory_space<semaphore_mem>>) src(%dma_wait3A_987 : memref<32x128xf32, #tpu.memory_space<vmem>>) dst(%dma_wait3A_993 : memref<393600x128xf32, #tpu.memory_space<hbm>>)
        } else {
        }
        %add3A_898 = arith.constant 2 : i32
        %add3A_899 = arith.addi %while3A_386, %add3A_898 : i32
        %rem3A_900 = arith.constant 4 : i32
        %rem3A_901 = arith.remsi %add3A_899, %rem3A_900 : i32
        %dma_start3A_902 = arith.constant 0 : i32
        %dma_start3A_903 = arith.constant 0 : i32
        %dma_start3A_904 = tpu.memref_slice %arg13[%rem3A_901, %dma_start3A_902, %dma_start3A_903] : memref<4x32x768xf32, #tpu.memory_space<vmem>> -> memref<1x32x768xf32, #tpu.memory_space<vmem>>
        %dma_start3A_905 = tpu.memref_squeeze %dma_start3A_904 : memref<1x32x768xf32, #tpu.memory_space<vmem>> -> memref<32x768xf32, #tpu.memory_space<vmem>>
        %dma_start3A_906 = arith.constant 0 : i32
        %dma_start3A_907 = tpu.memref_slice %arg8[%add3A_899, %dma_start3A_906] : memref<66x32xi32, #tpu.memory_space<vmem>> -> memref<1x32xi32, #tpu.memory_space<vmem>>
        %dma_start3A_908 = tpu.memref_squeeze %dma_start3A_907 : memref<1x32xi32, #tpu.memory_space<vmem>> -> memref<32xi32, #tpu.memory_space<vmem>>
        %dma_start3A_909 = arith.constant 0 : i32
        %dma_start3A_910 = arith.constant 0 : i32
        %dma_start3A_911 = tpu.memref_slice %arg3[%dma_start3A_909, %dma_start3A_910] : memref<8192x768xf32, #tpu.memory_space<hbm>> -> memref<8192x768xf32, #tpu.memory_space<hbm>>
        %dma_start3A_912 = tpu.memref_slice %arg14[%rem3A_901] : memref<4x!tpu.dma_semaphore, #tpu.memory_space<semaphore_mem>> -> memref<1x!tpu.dma_semaphore, #tpu.memory_space<semaphore_mem>>
        %dma_start3A_913 = tpu.memref_squeeze %dma_start3A_912 : memref<1x!tpu.dma_semaphore, #tpu.memory_space<semaphore_mem>> -> memref<!tpu.dma_semaphore, #tpu.memory_space<semaphore_mem>>
        tpu.enqueue_indirect_dma source(%dma_start3A_911 : memref<8192x768xf32, #tpu.memory_space<hbm>>) target(%dma_start3A_905 : memref<32x768xf32, #tpu.memory_space<vmem>>) offsets(%dma_start3A_908 : memref<32xi32, #tpu.memory_space<vmem>>) semaphore(%dma_start3A_913 : memref<!tpu.dma_semaphore, #tpu.memory_space<semaphore_mem>>)
      } else {
      }
      %rem3A_421 = arith.constant 4 : i32
      %rem3A_422 = arith.remsi %while3A_386, %rem3A_421 : i32
      %dma_wait3A_423 = arith.constant 0 : i32
      %dma_wait3A_424 = arith.constant 0 : i32
      %dma_wait3A_425 = tpu.memref_slice %arg13[%rem3A_422, %dma_wait3A_423, %dma_wait3A_424] : memref<4x32x768xf32, #tpu.memory_space<vmem>> -> memref<1x32x768xf32, #tpu.memory_space<vmem>>
      %dma_wait3A_426 = tpu.memref_squeeze %dma_wait3A_425 : memref<1x32x768xf32, #tpu.memory_space<vmem>> -> memref<32x768xf32, #tpu.memory_space<vmem>>
      %dma_wait3A_427 = arith.constant 0 : i32
      %dma_wait3A_428 = tpu.memref_slice %arg8[%while3A_386, %dma_wait3A_427] : memref<66x32xi32, #tpu.memory_space<vmem>> -> memref<1x32xi32, #tpu.memory_space<vmem>>
      %dma_wait3A_429 = tpu.memref_squeeze %dma_wait3A_428 : memref<1x32xi32, #tpu.memory_space<vmem>> -> memref<32xi32, #tpu.memory_space<vmem>>
      %dma_wait3A_430 = arith.constant 0 : i32
      %dma_wait3A_431 = arith.constant 0 : i32
      %dma_wait3A_432 = tpu.memref_slice %arg3[%dma_wait3A_430, %dma_wait3A_431] : memref<8192x768xf32, #tpu.memory_space<hbm>> -> memref<8192x768xf32, #tpu.memory_space<hbm>>
      %dma_wait3A_433 = tpu.memref_slice %arg14[%rem3A_422] : memref<4x!tpu.dma_semaphore, #tpu.memory_space<semaphore_mem>> -> memref<1x!tpu.dma_semaphore, #tpu.memory_space<semaphore_mem>>
      %dma_wait3A_434 = tpu.memref_squeeze %dma_wait3A_433 : memref<1x!tpu.dma_semaphore, #tpu.memory_space<semaphore_mem>> -> memref<!tpu.dma_semaphore, #tpu.memory_space<semaphore_mem>>
      tpu.wait_indirect_dma semaphore(%dma_wait3A_434 : memref<!tpu.dma_semaphore, #tpu.memory_space<semaphore_mem>>) src(%dma_wait3A_432 : memref<8192x768xf32, #tpu.memory_space<hbm>>) dst(%dma_wait3A_426 : memref<32x768xf32, #tpu.memory_space<vmem>>)
      %eq3A_435 = arith.constant 0 : i32
      %eq3A_436 = arith.cmpi eq, %rem3A_408, %eq3A_435 : i32
      %convert_element_type3A_437 = arith.extui %eq3A_436 : i1 to i32
      %cond3A_438 = arith.constant 0 : i32
      %cond3A_439 = arith.cmpi ne, %convert_element_type3A_437, %cond3A_438 : i32
      scf.if %cond3A_439 {
        %add3A_893 = arith.constant 1 : i32
        %add3A_894 = arith.addi %select_n3A_406, %add3A_893 : i32
        %lt3A_895 = arith.cmpi slt, %add3A_894, %select_n3A : i32
        %convert_element_type3A_896 = arith.extui %lt3A_895 : i1 to i32
        %cond3A_897 = arith.constant 0 : i32
        %cond3A_898 = arith.cmpi ne, %convert_element_type3A_896, %cond3A_897 : i32
        scf.if %cond3A_898 {
          %add3A_914 = arith.constant 1 : i32
          %add3A_915 = arith.addi %select_n3A_406, %add3A_914 : i32
          %eq3A_916 = arith.constant 0 : i32
          %eq3A_917 = arith.cmpi eq, %add3A, %eq3A_916 : i32
          %sub3A_918 = arith.constant 1 : i32
          %sub3A_919 = arith.subi %add3A_915, %sub3A_918 : i32
          %select_n3A_920 = arith.select %eq3A_917, %sub3A_919, %add3A_915 : i32
          %sub3A_921 = arith.constant 1 : i32
          %sub3A_922 = arith.subi %sub3A_921, %rem3A_415 : i32
          %sub3A_923 = arith.constant 1 : i32
          %sub3A_924 = arith.subi %sub3A_923, %rem3A_415 : i32
          %dma_start3A_925 = arith.constant 0 : i32
          %dma_start3A_926 = tpu.memref_slice %arg10[%sub3A_922, %dma_start3A_925] : memref<2x768xf32, #tpu.memory_space<vmem>> -> memref<1x768xf32, #tpu.memory_space<vmem>>
          %dma_start3A_927 = tpu.memref_squeeze %dma_start3A_926 : memref<1x768xf32, #tpu.memory_space<vmem>> -> memref<768xf32, #tpu.memory_space<vmem>>
          %dma_start3A_928 = arith.constant 0 : i32
          %dma_start3A_929 = tpu.memref_slice %arg4[%select_n3A_920, %dma_start3A_928] : memref<32x768xf32, #tpu.memory_space<hbm>> -> memref<1x768xf32, #tpu.memory_space<hbm>>
          %dma_start3A_930 = tpu.memref_squeeze %dma_start3A_929 : memref<1x768xf32, #tpu.memory_space<hbm>> -> memref<768xf32, #tpu.memory_space<hbm>>
          %dma_start3A_931 = tpu.memref_slice %arg16[%sub3A_924] : memref<2x!tpu.dma_semaphore, #tpu.memory_space<semaphore_mem>> -> memref<1x!tpu.dma_semaphore, #tpu.memory_space<semaphore_mem>>
          %dma_start3A_932 = tpu.memref_squeeze %dma_start3A_931 : memref<1x!tpu.dma_semaphore, #tpu.memory_space<semaphore_mem>> -> memref<!tpu.dma_semaphore, #tpu.memory_space<semaphore_mem>>
          %dma_start3A_933 = arith.constant 0 : i32
          %dma_start3A_934 = tpu.memref_slice %arg10[%sub3A_922, %dma_start3A_933] : memref<2x768xf32, #tpu.memory_space<vmem>> -> memref<1x768xf32, #tpu.memory_space<vmem>>
          %dma_start3A_935 = tpu.memref_squeeze %dma_start3A_934 : memref<1x768xf32, #tpu.memory_space<vmem>> -> memref<768xf32, #tpu.memory_space<vmem>>
          %dma_start3A_936 = arith.constant 0 : i32
          %dma_start3A_937 = tpu.memref_slice %arg4[%select_n3A_920, %dma_start3A_936] : memref<32x768xf32, #tpu.memory_space<hbm>> -> memref<1x768xf32, #tpu.memory_space<hbm>>
          %dma_start3A_938 = tpu.memref_squeeze %dma_start3A_937 : memref<1x768xf32, #tpu.memory_space<hbm>> -> memref<768xf32, #tpu.memory_space<hbm>>
          tpu.enqueue_dma source(%dma_start3A_938 : memref<768xf32, #tpu.memory_space<hbm>>) target(%dma_start3A_935 : memref<768xf32, #tpu.memory_space<vmem>>) target_semaphore(%dma_start3A_932 : memref<!tpu.dma_semaphore, #tpu.memory_space<semaphore_mem>>)
        } else {
        }
        %ge3A_899 = arith.constant 1 : i32
        %ge3A_900 = arith.cmpi sge, %select_n3A_406, %ge3A_899 : i32
        %convert_element_type3A_901 = arith.extui %ge3A_900 : i1 to i32
        %cond3A_902 = arith.constant 0 : i32
        %cond3A_903 = arith.cmpi ne, %convert_element_type3A_901, %cond3A_902 : i32
        scf.if %cond3A_903 {
          %dma_wait3A_914 = arith.constant 0 : i32
          %dma_wait3A_915 = arith.constant 0 : i32
          %dma_wait3A_916 = tpu.memref_slice %arg10[%rem3A_415, %dma_wait3A_915] : memref<2x768xf32, #tpu.memory_space<vmem>> -> memref<1x768xf32, #tpu.memory_space<vmem>>
          %dma_wait3A_917 = tpu.memref_squeeze %dma_wait3A_916 : memref<1x768xf32, #tpu.memory_space<vmem>> -> memref<768xf32, #tpu.memory_space<vmem>>
          %dma_wait3A_918 = arith.constant 0 : i32
          %dma_wait3A_919 = tpu.memref_slice %arg4[%dma_wait3A_914, %dma_wait3A_918] : memref<32x768xf32, #tpu.memory_space<hbm>> -> memref<1x768xf32, #tpu.memory_space<hbm>>
          %dma_wait3A_920 = tpu.memref_squeeze %dma_wait3A_919 : memref<1x768xf32, #tpu.memory_space<hbm>> -> memref<768xf32, #tpu.memory_space<hbm>>
          %dma_wait3A_921 = tpu.memref_slice %arg16[%rem3A_415] : memref<2x!tpu.dma_semaphore, #tpu.memory_space<semaphore_mem>> -> memref<1x!tpu.dma_semaphore, #tpu.memory_space<semaphore_mem>>
          %dma_wait3A_922 = tpu.memref_squeeze %dma_wait3A_921 : memref<1x!tpu.dma_semaphore, #tpu.memory_space<semaphore_mem>> -> memref<!tpu.dma_semaphore, #tpu.memory_space<semaphore_mem>>
          %dma_wait3A_923 = arith.constant 0 : i32
          %dma_wait3A_924 = tpu.memref_slice %arg10[%rem3A_415, %dma_wait3A_923] : memref<2x768xf32, #tpu.memory_space<vmem>> -> memref<1x768xf32, #tpu.memory_space<vmem>>
          %dma_wait3A_925 = tpu.memref_squeeze %dma_wait3A_924 : memref<1x768xf32, #tpu.memory_space<vmem>> -> memref<768xf32, #tpu.memory_space<vmem>>
          %dma_wait3A_926 = arith.constant 0 : i32
          %dma_wait3A_927 = tpu.memref_slice %arg4[%dma_wait3A_914, %dma_wait3A_926] : memref<32x768xf32, #tpu.memory_space<hbm>> -> memref<1x768xf32, #tpu.memory_space<hbm>>
          %dma_wait3A_928 = tpu.memref_squeeze %dma_wait3A_927 : memref<1x768xf32, #tpu.memory_space<hbm>> -> memref<768xf32, #tpu.memory_space<hbm>>
          tpu.wait_dma2 semaphore(%dma_wait3A_922 : memref<!tpu.dma_semaphore, #tpu.memory_space<semaphore_mem>>) src(%dma_wait3A_928 : memref<768xf32, #tpu.memory_space<hbm>>) dst(%dma_wait3A_925 : memref<768xf32, #tpu.memory_space<vmem>>)
        } else {
        }
        %eq3A_904 = arith.constant 0 : i32
        %eq3A_905 = arith.cmpi eq, %add3A_413, %eq3A_904 : i32
        %convert_element_type3A_906 = arith.extui %eq3A_905 : i1 to i32
        %cond3A_907 = arith.constant 0 : i32
        %cond3A_908 = arith.cmpi ne, %convert_element_type3A_906, %cond3A_907 : i32
        scf.if %cond3A_908 {
          %run_scoped3A = arith.constant 0 : i32
          "tpu.region"() ({
            %run_scoped3A_914 = tpu.sem_alloc : memref<!tpu.dma_semaphore, #tpu.memory_space<semaphore_mem>>
            %dma_start3A_915 = arith.constant 0 : i32
            %dma_start3A_916 = tpu.memref_slice %arg6[%run_scoped3A, %dma_start3A_915] : memref<1x768xf32, #tpu.memory_space<hbm>> -> memref<1x768xf32, #tpu.memory_space<hbm>>
            %dma_start3A_917 = tpu.memref_squeeze %dma_start3A_916 : memref<1x768xf32, #tpu.memory_space<hbm>> -> memref<768xf32, #tpu.memory_space<hbm>>
            %dma_start3A_918 = arith.constant 0 : i32
            %dma_start3A_919 = tpu.memref_slice %arg6[%run_scoped3A, %dma_start3A_918] : memref<1x768xf32, #tpu.memory_space<hbm>> -> memref<1x768xf32, #tpu.memory_space<hbm>>
            %dma_start3A_920 = tpu.memref_squeeze %dma_start3A_919 : memref<1x768xf32, #tpu.memory_space<hbm>> -> memref<768xf32, #tpu.memory_space<hbm>>
            tpu.enqueue_dma source(%dma_start3A_920 : memref<768xf32, #tpu.memory_space<hbm>>) target(%arg12 : memref<768xf32, #tpu.memory_space<vmem>>) target_semaphore(%run_scoped3A_914 : memref<!tpu.dma_semaphore, #tpu.memory_space<semaphore_mem>>)
            %dma_wait3A_921 = arith.constant 0 : i32
            %dma_wait3A_922 = tpu.memref_slice %arg6[%run_scoped3A, %dma_wait3A_921] : memref<1x768xf32, #tpu.memory_space<hbm>> -> memref<1x768xf32, #tpu.memory_space<hbm>>
            %dma_wait3A_923 = tpu.memref_squeeze %dma_wait3A_922 : memref<1x768xf32, #tpu.memory_space<hbm>> -> memref<768xf32, #tpu.memory_space<hbm>>
            %dma_wait3A_924 = arith.constant 0 : i32
            %dma_wait3A_925 = tpu.memref_slice %arg6[%run_scoped3A, %dma_wait3A_924] : memref<1x768xf32, #tpu.memory_space<hbm>> -> memref<1x768xf32, #tpu.memory_space<hbm>>
            %dma_wait3A_926 = tpu.memref_squeeze %dma_wait3A_925 : memref<1x768xf32, #tpu.memory_space<hbm>> -> memref<768xf32, #tpu.memory_space<hbm>>
            tpu.wait_dma2 semaphore(%run_scoped3A_914 : memref<!tpu.dma_semaphore, #tpu.memory_space<semaphore_mem>>) src(%dma_wait3A_926 : memref<768xf32, #tpu.memory_space<hbm>>) dst(%arg12 : memref<768xf32, #tpu.memory_space<vmem>>)
            tpu.yield
          }) : () -> ()
        } else {
        }
        %gt3A_909 = arith.constant 0 : i32
        %gt3A_910 = arith.cmpi sgt, %add3A_413, %gt3A_909 : i32
        %convert_element_type3A_911 = arith.extui %gt3A_910 : i1 to i32
        %cond3A_912 = arith.constant 0 : i32
        %cond3A_913 = arith.cmpi ne, %convert_element_type3A_911, %cond3A_912 : i32
        scf.if %cond3A_913 {
          %get3A_914 = arith.index_cast %rem3A_415 : i32 to index
          %get3A_915 = arith.constant 0 : index
          %get3A_916 = tpu.vector_load %arg10[%get3A_914, %get3A_915] {strides = array<i32>} : memref<2x768xf32, #tpu.memory_space<vmem>>, vector<1x16xf32>,
          %get3A_917 = vector.shape_cast %get3A_916 : vector<1x16xf32> to vector<16xf32>
          %get3A_918 = arith.constant 0 : index
          %get3A_919 = tpu.vector_load %arg11[%get3A_918] {strides = array<i32>} : memref<768xf32, #tpu.memory_space<vmem>>, vector<16xf32>,
          %get3A_920 = vector.shape_cast %get3A_919 : vector<16xf32> to vector<16xf32>
          %add3A_921 = arith.addf %get3A_917, %get3A_920 : vector<16xf32>
          %swap3A_922 = arith.constant 0 : index
          %swap3A_923 = tpu.vector_load %arg12[%swap3A_922] {strides = array<i32>} : memref<768xf32, #tpu.memory_space<vmem>>, vector<16xf32>,
          %swap3A_924 = vector.shape_cast %swap3A_923 : vector<16xf32> to vector<16xf32>
          %swap3A_925 = vector.shape_cast %add3A_921 : vector<16xf32> to vector<16xf32>
          tpu.vector_store %arg12[%swap3A_922], %swap3A_925 {strides = array<i32>} : memref<768xf32, #tpu.memory_space<vmem>>, vector<16xf32>,
          %get3A_926 = arith.index_cast %rem3A_415 : i32 to index
          %get3A_927 = arith.constant 16 : index
          %get3A_928 = tpu.vector_load %arg10[%get3A_926, %get3A_927] {strides = array<i32>} : memref<2x768xf32, #tpu.memory_space<vmem>>, vector<1x16xf32>,
          %get3A_929 = vector.shape_cast %get3A_928 : vector<1x16xf32> to vector<16xf32>
          %get3A_930 = arith.constant 16 : index
          %get3A_931 = tpu.vector_load %arg11[%get3A_930] {strides = array<i32>} : memref<768xf32, #tpu.memory_space<vmem>>, vector<16xf32>,
          %get3A_932 = vector.shape_cast %get3A_931 : vector<16xf32> to vector<16xf32>
          %add3A_933 = arith.addf %get3A_929, %get3A_932 : vector<16xf32>
          %swap3A_934 = arith.constant 16 : index
          %swap3A_935 = tpu.vector_load %arg12[%swap3A_934] {strides = array<i32>} : memref<768xf32, #tpu.memory_space<vmem>>, vector<16xf32>,
          %swap3A_936 = vector.shape_cast %swap3A_935 : vector<16xf32> to vector<16xf32>
          %swap3A_937 = vector.shape_cast %add3A_933 : vector<16xf32> to vector<16xf32>
          tpu.vector_store %arg12[%swap3A_934], %swap3A_937 {strides = array<i32>} : memref<768xf32, #tpu.memory_space<vmem>>, vector<16xf32>,
          %get3A_938 = arith.index_cast %rem3A_415 : i32 to index
          %get3A_939 = arith.constant 32 : index
          %get3A_940 = tpu.vector_load %arg10[%get3A_938, %get3A_939] {strides = array<i32>} : memref<2x768xf32, #tpu.memory_space<vmem>>, vector<1x16xf32>,
          %get3A_941 = vector.shape_cast %get3A_940 : vector<1x16xf32> to vector<16xf32>
          %get3A_942 = arith.constant 32 : index
          %get3A_943 = tpu.vector_load %arg11[%get3A_942] {strides = array<i32>} : memref<768xf32, #tpu.memory_space<vmem>>, vector<16xf32>,
          %get3A_944 = vector.shape_cast %get3A_943 : vector<16xf32> to vector<16xf32>
          %add3A_945 = arith.addf %get3A_941, %get3A_944 : vector<16xf32>
          %swap3A_946 = arith.constant 32 : index
          %swap3A_947 = tpu.vector_load %arg12[%swap3A_946] {strides = array<i32>} : memref<768xf32, #tpu.memory_space<vmem>>, vector<16xf32>,
          %swap3A_948 = vector.shape_cast %swap3A_947 : vector<16xf32> to vector<16xf32>
          %swap3A_949 = vector.shape_cast %add3A_945 : vector<16xf32> to vector<16xf32>
          tpu.vector_store %arg12[%swap3A_946], %swap3A_949 {strides = array<i32>} : memref<768xf32, #tpu.memory_space<vmem>>, vector<16xf32>,
          %get3A_950 = arith.index_cast %rem3A_415 : i32 to index
          %get3A_951 = arith.constant 48 : index
          %get3A_952 = tpu.vector_load %arg10[%get3A_950, %get3A_951] {strides = array<i32>} : memref<2x768xf32, #tpu.memory_space<vmem>>, vector<1x16xf32>,
          %get3A_953 = vector.shape_cast %get3A_952 : vector<1x16xf32> to vector<16xf32>
          %get3A_954 = arith.constant 48 : index
          %get3A_955 = tpu.vector_load %arg11[%get3A_954] {strides = array<i32>} : memref<768xf32, #tpu.memory_space<vmem>>, vector<16xf32>,
          %get3A_956 = vector.shape_cast %get3A_955 : vector<16xf32> to vector<16xf32>
          %add3A_957 = arith.addf %get3A_953, %get3A_956 : vector<16xf32>
          %swap3A_958 = arith.constant 48 : index
          %swap3A_959 = tpu.vector_load %arg12[%swap3A_958] {strides = array<i32>} : memref<768xf32, #tpu.memory_space<vmem>>, vector<16xf32>,
          %swap3A_960 = vector.shape_cast %swap3A_959 : vector<16xf32> to vector<16xf32>
          %swap3A_961 = vector.shape_cast %add3A_957 : vector<16xf32> to vector<16xf32>
          tpu.vector_store %arg12[%swap3A_958], %swap3A_961 {strides = array<i32>} : memref<768xf32, #tpu.memory_space<vmem>>, vector<16xf32>,
          %get3A_962 = arith.index_cast %rem3A_415 : i32 to index
          %get3A_963 = arith.constant 64 : index
          %get3A_964 = tpu.vector_load %arg10[%get3A_962, %get3A_963] {strides = array<i32>} : memref<2x768xf32, #tpu.memory_space<vmem>>, vector<1x16xf32>,
          %get3A_965 = vector.shape_cast %get3A_964 : vector<1x16xf32> to vector<16xf32>
          %get3A_966 = arith.constant 64 : index
          %get3A_967 = tpu.vector_load %arg11[%get3A_966] {strides = array<i32>} : memref<768xf32, #tpu.memory_space<vmem>>, vector<16xf32>,
          %get3A_968 = vector.shape_cast %get3A_967 : vector<16xf32> to vector<16xf32>
          %add3A_969 = arith.addf %get3A_965, %get3A_968 : vector<16xf32>
          %swap3A_970 = arith.constant 64 : index
          %swap3A_971 = tpu.vector_load %arg12[%swap3A_970] {strides = array<i32>} : memref<768xf32, #tpu.memory_space<vmem>>, vector<16xf32>,
          %swap3A_972 = vector.shape_cast %swap3A_971 : vector<16xf32> to vector<16xf32>
          %swap3A_973 = vector.shape_cast %add3A_969 : vector<16xf32> to vector<16xf32>
          tpu.vector_store %arg12[%swap3A_970], %swap3A_973 {strides = array<i32>} : memref<768xf32, #tpu.memory_space<vmem>>, vector<16xf32>,
          %get3A_974 = arith.index_cast %rem3A_415 : i32 to index
          %get3A_975 = arith.constant 80 : index
          %get3A_976 = tpu.vector_load %arg10[%get3A_974, %get3A_975] {strides = array<i32>} : memref<2x768xf32, #tpu.memory_space<vmem>>, vector<1x16xf32>,
          %get3A_977 = vector.shape_cast %get3A_976 : vector<1x16xf32> to vector<16xf32>
          %get3A_978 = arith.constant 80 : index
          %get3A_979 = tpu.vector_load %arg11[%get3A_978] {strides = array<i32>} : memref<768xf32, #tpu.memory_space<vmem>>, vector<16xf32>,
          %get3A_980 = vector.shape_cast %get3A_979 : vector<16xf32> to vector<16xf32>
          %add3A_981 = arith.addf %get3A_977, %get3A_980 : vector<16xf32>
          %swap3A_982 = arith.constant 80 : index
          %swap3A_983 = tpu.vector_load %arg12[%swap3A_982] {strides = array<i32>} : memref<768xf32, #tpu.memory_space<vmem>>, vector<16xf32>,
          %swap3A_984 = vector.shape_cast %swap3A_983 : vector<16xf32> to vector<16xf32>
          %swap3A_985 = vector.shape_cast %add3A_981 : vector<16xf32> to vector<16xf32>
          tpu.vector_store %arg12[%swap3A_982], %swap3A_985 {strides = array<i32>} : memref<768xf32, #tpu.memory_space<vmem>>, vector<16xf32>,
          %get3A_986 = arith.index_cast %rem3A_415 : i32 to index
          %get3A_987 = arith.constant 96 : index
          %get3A_988 = tpu.vector_load %arg10[%get3A_986, %get3A_987] {strides = array<i32>} : memref<2x768xf32, #tpu.memory_space<vmem>>, vector<1x16xf32>,
          %get3A_989 = vector.shape_cast %get3A_988 : vector<1x16xf32> to vector<16xf32>
          %get3A_990 = arith.constant 96 : index
          %get3A_991 = tpu.vector_load %arg11[%get3A_990] {strides = array<i32>} : memref<768xf32, #tpu.memory_space<vmem>>, vector<16xf32>,
          %get3A_992 = vector.shape_cast %get3A_991 : vector<16xf32> to vector<16xf32>
          %add3A_993 = arith.addf %get3A_989, %get3A_992 : vector<16xf32>
          %swap3A_994 = arith.constant 96 : index
          %swap3A_995 = tpu.vector_load %arg12[%swap3A_994] {strides = array<i32>} : memref<768xf32, #tpu.memory_space<vmem>>, vector<16xf32>,
          %swap3A_996 = vector.shape_cast %swap3A_995 : vector<16xf32> to vector<16xf32>
          %swap3A_997 = vector.shape_cast %add3A_993 : vector<16xf32> to vector<16xf32>
          tpu.vector_store %arg12[%swap3A_994], %swap3A_997 {strides = array<i32>} : memref<768xf32, #tpu.memory_space<vmem>>, vector<16xf32>,
          %get3A_998 = arith.index_cast %rem3A_415 : i32 to index
          %get3A_999 = arith.constant 112 : index
          %get3A_1000 = tpu.vector_load %arg10[%get3A_998, %get3A_999] {strides = array<i32>} : memref<2x768xf32, #tpu.memory_space<vmem>>, vector<1x16xf32>,
          %get3A_1001 = vector.shape_cast %get3A_1000 : vector<1x16xf32> to vector<16xf32>
          %get3A_1002 = arith.constant 112 : index
          %get3A_1003 = tpu.vector_load %arg11[%get3A_1002] {strides = array<i32>} : memref<768xf32, #tpu.memory_space<vmem>>, vector<16xf32>,
          %get3A_1004 = vector.shape_cast %get3A_1003 : vector<16xf32> to vector<16xf32>
          %add3A_1005 = arith.addf %get3A_1001, %get3A_1004 : vector<16xf32>
          %swap3A_1006 = arith.constant 112 : index
          %swap3A_1007 = tpu.vector_load %arg12[%swap3A_1006] {strides = array<i32>} : memref<768xf32, #tpu.memory_space<vmem>>, vector<16xf32>,
          %swap3A_1008 = vector.shape_cast %swap3A_1007 : vector<16xf32> to vector<16xf32>
          %swap3A_1009 = vector.shape_cast %add3A_1005 : vector<16xf32> to vector<16xf32>
          tpu.vector_store %arg12[%swap3A_1006], %swap3A_1009 {strides = array<i32>} : memref<768xf32, #tpu.memory_space<vmem>>, vector<16xf32>,
          %get3A_1010 = arith.index_cast %rem3A_415 : i32 to index
          %get3A_1011 = arith.constant 128 : index
          %get3A_1012 = tpu.vector_load %arg10[%get3A_1010, %get3A_1011] {strides = array<i32>} : memref<2x768xf32, #tpu.memory_space<vmem>>, vector<1x16xf32>,
          %get3A_1013 = vector.shape_cast %get3A_1012 : vector<1x16xf32> to vector<16xf32>
          %get3A_1014 = arith.constant 128 : index
          %get3A_1015 = tpu.vector_load %arg11[%get3A_1014] {strides = array<i32>} : memref<768xf32, #tpu.memory_space<vmem>>, vector<16xf32>,
          %get3A_1016 = vector.shape_cast %get3A_1015 : vector<16xf32> to vector<16xf32>
          %add3A_1017 = arith.addf %get3A_1013, %get3A_1016 : vector<16xf32>
          %swap3A_1018 = arith.constant 128 : index
          %swap3A_1019 = tpu.vector_load %arg12[%swap3A_1018] {strides = array<i32>} : memref<768xf32, #tpu.memory_space<vmem>>, vector<16xf32>,
          %swap3A_1020 = vector.shape_cast %swap3A_1019 : vector<16xf32> to vector<16xf32>
          %swap3A_1021 = vector.shape_cast %add3A_1017 : vector<16xf32> to vector<16xf32>
          tpu.vector_store %arg12[%swap3A_1018], %swap3A_1021 {strides = array<i32>} : memref<768xf32, #tpu.memory_space<vmem>>, vector<16xf32>,
          %get3A_1022 = arith.index_cast %rem3A_415 : i32 to index
          %get3A_1023 = arith.constant 144 : index
          %get3A_1024 = tpu.vector_load %arg10[%get3A_1022, %get3A_1023] {strides = array<i32>} : memref<2x768xf32, #tpu.memory_space<vmem>>, vector<1x16xf32>,
          %get3A_1025 = vector.shape_cast %get3A_1024 : vector<1x16xf32> to vector<16xf32>
          %get3A_1026 = arith.constant 144 : index
          %get3A_1027 = tpu.vector_load %arg11[%get3A_1026] {strides = array<i32>} : memref<768xf32, #tpu.memory_space<vmem>>, vector<16xf32>,
          %get3A_1028 = vector.shape_cast %get3A_1027 : vector<16xf32> to vector<16xf32>
          %add3A_1029 = arith.addf %get3A_1025, %get3A_1028 : vector<16xf32>
          %swap3A_1030 = arith.constant 144 : index
          %swap3A_1031 = tpu.vector_load %arg12[%swap3A_1030] {strides = array<i32>} : memref<768xf32, #tpu.memory_space<vmem>>, vector<16xf32>,
          %swap3A_1032 = vector.shape_cast %swap3A_1031 : vector<16xf32> to vector<16xf32>
          %swap3A_1033 = vector.shape_cast %add3A_1029 : vector<16xf32> to vector<16xf32>
          tpu.vector_store %arg12[%swap3A_1030], %swap3A_1033 {strides = array<i32>} : memref<768xf32, #tpu.memory_space<vmem>>, vector<16xf32>,
          %get3A_1034 = arith.index_cast %rem3A_415 : i32 to index
          %get3A_1035 = arith.constant 160 : index
          %get3A_1036 = tpu.vector_load %arg10[%get3A_1034, %get3A_1035] {strides = array<i32>} : memref<2x768xf32, #tpu.memory_space<vmem>>, vector<1x16xf32>,
          %get3A_1037 = vector.shape_cast %get3A_1036 : vector<1x16xf32> to vector<16xf32>
          %get3A_1038 = arith.constant 160 : index
          %get3A_1039 = tpu.vector_load %arg11[%get3A_1038] {strides = array<i32>} : memref<768xf32, #tpu.memory_space<vmem>>, vector<16xf32>,
          %get3A_1040 = vector.shape_cast %get3A_1039 : vector<16xf32> to vector<16xf32>
          %add3A_1041 = arith.addf %get3A_1037, %get3A_1040 : vector<16xf32>
          %swap3A_1042 = arith.constant 160 : index
          %swap3A_1043 = tpu.vector_load %arg12[%swap3A_1042] {strides = array<i32>} : memref<768xf32, #tpu.memory_space<vmem>>, vector<16xf32>,
          %swap3A_1044 = vector.shape_cast %swap3A_1043 : vector<16xf32> to vector<16xf32>
          %swap3A_1045 = vector.shape_cast %add3A_1041 : vector<16xf32> to vector<16xf32>
          tpu.vector_store %arg12[%swap3A_1042], %swap3A_1045 {strides = array<i32>} : memref<768xf32, #tpu.memory_space<vmem>>, vector<16xf32>,
          %get3A_1046 = arith.index_cast %rem3A_415 : i32 to index
          %get3A_1047 = arith.constant 176 : index
          %get3A_1048 = tpu.vector_load %arg10[%get3A_1046, %get3A_1047] {strides = array<i32>} : memref<2x768xf32, #tpu.memory_space<vmem>>, vector<1x16xf32>,
          %get3A_1049 = vector.shape_cast %get3A_1048 : vector<1x16xf32> to vector<16xf32>
          %get3A_1050 = arith.constant 176 : index
          %get3A_1051 = tpu.vector_load %arg11[%get3A_1050] {strides = array<i32>} : memref<768xf32, #tpu.memory_space<vmem>>, vector<16xf32>,
          %get3A_1052 = vector.shape_cast %get3A_1051 : vector<16xf32> to vector<16xf32>
          %add3A_1053 = arith.addf %get3A_1049, %get3A_1052 : vector<16xf32>
          %swap3A_1054 = arith.constant 176 : index
          %swap3A_1055 = tpu.vector_load %arg12[%swap3A_1054] {strides = array<i32>} : memref<768xf32, #tpu.memory_space<vmem>>, vector<16xf32>,
          %swap3A_1056 = vector.shape_cast %swap3A_1055 : vector<16xf32> to vector<16xf32>
          %swap3A_1057 = vector.shape_cast %add3A_1053 : vector<16xf32> to vector<16xf32>
          tpu.vector_store %arg12[%swap3A_1054], %swap3A_1057 {strides = array<i32>} : memref<768xf32, #tpu.memory_space<vmem>>, vector<16xf32>,
          %get3A_1058 = arith.index_cast %rem3A_415 : i32 to index
          %get3A_1059 = arith.constant 192 : index
          %get3A_1060 = tpu.vector_load %arg10[%get3A_1058, %get3A_1059] {strides = array<i32>} : memref<2x768xf32, #tpu.memory_space<vmem>>, vector<1x16xf32>,
          %get3A_1061 = vector.shape_cast %get3A_1060 : vector<1x16xf32> to vector<16xf32>
          %get3A_1062 = arith.constant 192 : index
          %get3A_1063 = tpu.vector_load %arg11[%get3A_1062] {strides = array<i32>} : memref<768xf32, #tpu.memory_space<vmem>>, vector<16xf32>,
          %get3A_1064 = vector.shape_cast %get3A_1063 : vector<16xf32> to vector<16xf32>
          %add3A_1065 = arith.addf %get3A_1061, %get3A_1064 : vector<16xf32>
          %swap3A_1066 = arith.constant 192 : index
          %swap3A_1067 = tpu.vector_load %arg12[%swap3A_1066] {strides = array<i32>} : memref<768xf32, #tpu.memory_space<vmem>>, vector<16xf32>,
          %swap3A_1068 = vector.shape_cast %swap3A_1067 : vector<16xf32> to vector<16xf32>
          %swap3A_1069 = vector.shape_cast %add3A_1065 : vector<16xf32> to vector<16xf32>
          tpu.vector_store %arg12[%swap3A_1066], %swap3A_1069 {strides = array<i32>} : memref<768xf32, #tpu.memory_space<vmem>>, vector<16xf32>,
          %get3A_1070 = arith.index_cast %rem3A_415 : i32 to index
          %get3A_1071 = arith.constant 208 : index
          %get3A_1072 = tpu.vector_load %arg10[%get3A_1070, %get3A_1071] {strides = array<i32>} : memref<2x768xf32, #tpu.memory_space<vmem>>, vector<1x16xf32>,
          %get3A_1073 = vector.shape_cast %get3A_1072 : vector<1x16xf32> to vector<16xf32>
          %get3A_1074 = arith.constant 208 : index
          %get3A_1075 = tpu.vector_load %arg11[%get3A_1074] {strides = array<i32>} : memref<768xf32, #tpu.memory_space<vmem>>, vector<16xf32>,
          %get3A_1076 = vector.shape_cast %get3A_1075 : vector<16xf32> to vector<16xf32>
          %add3A_1077 = arith.addf %get3A_1073, %get3A_1076 : vector<16xf32>
          %swap3A_1078 = arith.constant 208 : index
          %swap3A_1079 = tpu.vector_load %arg12[%swap3A_1078] {strides = array<i32>} : memref<768xf32, #tpu.memory_space<vmem>>, vector<16xf32>,
          %swap3A_1080 = vector.shape_cast %swap3A_1079 : vector<16xf32> to vector<16xf32>
          %swap3A_1081 = vector.shape_cast %add3A_1077 : vector<16xf32> to vector<16xf32>
          tpu.vector_store %arg12[%swap3A_1078], %swap3A_1081 {strides = array<i32>} : memref<768xf32, #tpu.memory_space<vmem>>, vector<16xf32>,
          %get3A_1082 = arith.index_cast %rem3A_415 : i32 to index
          %get3A_1083 = arith.constant 224 : index
          %get3A_1084 = tpu.vector_load %arg10[%get3A_1082, %get3A_1083] {strides = array<i32>} : memref<2x768xf32, #tpu.memory_space<vmem>>, vector<1x16xf32>,
          %get3A_1085 = vector.shape_cast %get3A_1084 : vector<1x16xf32> to vector<16xf32>
          %get3A_1086 = arith.constant 224 : index
          %get3A_1087 = tpu.vector_load %arg11[%get3A_1086] {strides = array<i32>} : memref<768xf32, #tpu.memory_space<vmem>>, vector<16xf32>,
          %get3A_1088 = vector.shape_cast %get3A_1087 : vector<16xf32> to vector<16xf32>
          %add3A_1089 = arith.addf %get3A_1085, %get3A_1088 : vector<16xf32>
          %swap3A_1090 = arith.constant 224 : index
          %swap3A_1091 = tpu.vector_load %arg12[%swap3A_1090] {strides = array<i32>} : memref<768xf32, #tpu.memory_space<vmem>>, vector<16xf32>,
          %swap3A_1092 = vector.shape_cast %swap3A_1091 : vector<16xf32> to vector<16xf32>
          %swap3A_1093 = vector.shape_cast %add3A_1089 : vector<16xf32> to vector<16xf32>
          tpu.vector_store %arg12[%swap3A_1090], %swap3A_1093 {strides = array<i32>} : memref<768xf32, #tpu.memory_space<vmem>>, vector<16xf32>,
          %get3A_1094 = arith.index_cast %rem3A_415 : i32 to index
          %get3A_1095 = arith.constant 240 : index
          %get3A_1096 = tpu.vector_load %arg10[%get3A_1094, %get3A_1095] {strides = array<i32>} : memref<2x768xf32, #tpu.memory_space<vmem>>, vector<1x16xf32>,
          %get3A_1097 = vector.shape_cast %get3A_1096 : vector<1x16xf32> to vector<16xf32>
          %get3A_1098 = arith.constant 240 : index
          %get3A_1099 = tpu.vector_load %arg11[%get3A_1098] {strides = array<i32>} : memref<768xf32, #tpu.memory_space<vmem>>, vector<16xf32>,
          %get3A_1100 = vector.shape_cast %get3A_1099 : vector<16xf32> to vector<16xf32>
          %add3A_1101 = arith.addf %get3A_1097, %get3A_1100 : vector<16xf32>
          %swap3A_1102 = arith.constant 240 : index
          %swap3A_1103 = tpu.vector_load %arg12[%swap3A_1102] {strides = array<i32>} : memref<768xf32, #tpu.memory_space<vmem>>, vector<16xf32>,
          %swap3A_1104 = vector.shape_cast %swap3A_1103 : vector<16xf32> to vector<16xf32>
          %swap3A_1105 = vector.shape_cast %add3A_1101 : vector<16xf32> to vector<16xf32>
          tpu.vector_store %arg12[%swap3A_1102], %swap3A_1105 {strides = array<i32>} : memref<768xf32, #tpu.memory_space<vmem>>, vector<16xf32>,
          %get3A_1106 = arith.index_cast %rem3A_415 : i32 to index
          %get3A_1107 = arith.constant 256 : index
          %get3A_1108 = tpu.vector_load %arg10[%get3A_1106, %get3A_1107] {strides = array<i32>} : memref<2x768xf32, #tpu.memory_space<vmem>>, vector<1x16xf32>,
          %get3A_1109 = vector.shape_cast %get3A_1108 : vector<1x16xf32> to vector<16xf32>
          %get3A_1110 = arith.constant 256 : index
          %get3A_1111 = tpu.vector_load %arg11[%get3A_1110] {strides = array<i32>} : memref<768xf32, #tpu.memory_space<vmem>>, vector<16xf32>,
          %get3A_1112 = vector.shape_cast %get3A_1111 : vector<16xf32> to vector<16xf32>
          %add3A_1113 = arith.addf %get3A_1109, %get3A_1112 : vector<16xf32>
          %swap3A_1114 = arith.constant 256 : index
          %swap3A_1115 = tpu.vector_load %arg12[%swap3A_1114] {strides = array<i32>} : memref<768xf32, #tpu.memory_space<vmem>>, vector<16xf32>,
          %swap3A_1116 = vector.shape_cast %swap3A_1115 : vector<16xf32> to vector<16xf32>
          %swap3A_1117 = vector.shape_cast %add3A_1113 : vector<16xf32> to vector<16xf32>
          tpu.vector_store %arg12[%swap3A_1114], %swap3A_1117 {strides = array<i32>} : memref<768xf32, #tpu.memory_space<vmem>>, vector<16xf32>,
          %get3A_1118 = arith.index_cast %rem3A_415 : i32 to index
          %get3A_1119 = arith.constant 272 : index
          %get3A_1120 = tpu.vector_load %arg10[%get3A_1118, %get3A_1119] {strides = array<i32>} : memref<2x768xf32, #tpu.memory_space<vmem>>, vector<1x16xf32>,
          %get3A_1121 = vector.shape_cast %get3A_1120 : vector<1x16xf32> to vector<16xf32>
          %get3A_1122 = arith.constant 272 : index
          %get3A_1123 = tpu.vector_load %arg11[%get3A_1122] {strides = array<i32>} : memref<768xf32, #tpu.memory_space<vmem>>, vector<16xf32>,
          %get3A_1124 = vector.shape_cast %get3A_1123 : vector<16xf32> to vector<16xf32>
          %add3A_1125 = arith.addf %get3A_1121, %get3A_1124 : vector<16xf32>
          %swap3A_1126 = arith.constant 272 : index
          %swap3A_1127 = tpu.vector_load %arg12[%swap3A_1126] {strides = array<i32>} : memref<768xf32, #tpu.memory_space<vmem>>, vector<16xf32>,
          %swap3A_1128 = vector.shape_cast %swap3A_1127 : vector<16xf32> to vector<16xf32>
          %swap3A_1129 = vector.shape_cast %add3A_1125 : vector<16xf32> to vector<16xf32>
          tpu.vector_store %arg12[%swap3A_1126], %swap3A_1129 {strides = array<i32>} : memref<768xf32, #tpu.memory_space<vmem>>, vector<16xf32>,
          %get3A_1130 = arith.index_cast %rem3A_415 : i32 to index
          %get3A_1131 = arith.constant 288 : index
          %get3A_1132 = tpu.vector_load %arg10[%get3A_1130, %get3A_1131] {strides = array<i32>} : memref<2x768xf32, #tpu.memory_space<vmem>>, vector<1x16xf32>,
          %get3A_1133 = vector.shape_cast %get3A_1132 : vector<1x16xf32> to vector<16xf32>
          %get3A_1134 = arith.constant 288 : index
          %get3A_1135 = tpu.vector_load %arg11[%get3A_1134] {strides = array<i32>} : memref<768xf32, #tpu.memory_space<vmem>>, vector<16xf32>,
          %get3A_1136 = vector.shape_cast %get3A_1135 : vector<16xf32> to vector<16xf32>
          %add3A_1137 = arith.addf %get3A_1133, %get3A_1136 : vector<16xf32>
          %swap3A_1138 = arith.constant 288 : index
          %swap3A_1139 = tpu.vector_load %arg12[%swap3A_1138] {strides = array<i32>} : memref<768xf32, #tpu.memory_space<vmem>>, vector<16xf32>,
          %swap3A_1140 = vector.shape_cast %swap3A_1139 : vector<16xf32> to vector<16xf32>
          %swap3A_1141 = vector.shape_cast %add3A_1137 : vector<16xf32> to vector<16xf32>
          tpu.vector_store %arg12[%swap3A_1138], %swap3A_1141 {strides = array<i32>} : memref<768xf32, #tpu.memory_space<vmem>>, vector<16xf32>,
          %get3A_1142 = arith.index_cast %rem3A_415 : i32 to index
          %get3A_1143 = arith.constant 304 : index
          %get3A_1144 = tpu.vector_load %arg10[%get3A_1142, %get3A_1143] {strides = array<i32>} : memref<2x768xf32, #tpu.memory_space<vmem>>, vector<1x16xf32>,
          %get3A_1145 = vector.shape_cast %get3A_1144 : vector<1x16xf32> to vector<16xf32>
          %get3A_1146 = arith.constant 304 : index
          %get3A_1147 = tpu.vector_load %arg11[%get3A_1146] {strides = array<i32>} : memref<768xf32, #tpu.memory_space<vmem>>, vector<16xf32>,
          %get3A_1148 = vector.shape_cast %get3A_1147 : vector<16xf32> to vector<16xf32>
          %add3A_1149 = arith.addf %get3A_1145, %get3A_1148 : vector<16xf32>
          %swap3A_1150 = arith.constant 304 : index
          %swap3A_1151 = tpu.vector_load %arg12[%swap3A_1150] {strides = array<i32>} : memref<768xf32, #tpu.memory_space<vmem>>, vector<16xf32>,
          %swap3A_1152 = vector.shape_cast %swap3A_1151 : vector<16xf32> to vector<16xf32>
          %swap3A_1153 = vector.shape_cast %add3A_1149 : vector<16xf32> to vector<16xf32>
          tpu.vector_store %arg12[%swap3A_1150], %swap3A_1153 {strides = array<i32>} : memref<768xf32, #tpu.memory_space<vmem>>, vector<16xf32>,
          %get3A_1154 = arith.index_cast %rem3A_415 : i32 to index
          %get3A_1155 = arith.constant 320 : index
          %get3A_1156 = tpu.vector_load %arg10[%get3A_1154, %get3A_1155] {strides = array<i32>} : memref<2x768xf32, #tpu.memory_space<vmem>>, vector<1x16xf32>,
          %get3A_1157 = vector.shape_cast %get3A_1156 : vector<1x16xf32> to vector<16xf32>
          %get3A_1158 = arith.constant 320 : index
          %get3A_1159 = tpu.vector_load %arg11[%get3A_1158] {strides = array<i32>} : memref<768xf32, #tpu.memory_space<vmem>>, vector<16xf32>,
          %get3A_1160 = vector.shape_cast %get3A_1159 : vector<16xf32> to vector<16xf32>
          %add3A_1161 = arith.addf %get3A_1157, %get3A_1160 : vector<16xf32>
          %swap3A_1162 = arith.constant 320 : index
          %swap3A_1163 = tpu.vector_load %arg12[%swap3A_1162] {strides = array<i32>} : memref<768xf32, #tpu.memory_space<vmem>>, vector<16xf32>,
          %swap3A_1164 = vector.shape_cast %swap3A_1163 : vector<16xf32> to vector<16xf32>
          %swap3A_1165 = vector.shape_cast %add3A_1161 : vector<16xf32> to vector<16xf32>
          tpu.vector_store %arg12[%swap3A_1162], %swap3A_1165 {strides = array<i32>} : memref<768xf32, #tpu.memory_space<vmem>>, vector<16xf32>,
          %get3A_1166 = arith.index_cast %rem3A_415 : i32 to index
          %get3A_1167 = arith.constant 336 : index
          %get3A_1168 = tpu.vector_load %arg10[%get3A_1166, %get3A_1167] {strides = array<i32>} : memref<2x768xf32, #tpu.memory_space<vmem>>, vector<1x16xf32>,
          %get3A_1169 = vector.shape_cast %get3A_1168 : vector<1x16xf32> to vector<16xf32>
          %get3A_1170 = arith.constant 336 : index
          %get3A_1171 = tpu.vector_load %arg11[%get3A_1170] {strides = array<i32>} : memref<768xf32, #tpu.memory_space<vmem>>, vector<16xf32>,
          %get3A_1172 = vector.shape_cast %get3A_1171 : vector<16xf32> to vector<16xf32>
          %add3A_1173 = arith.addf %get3A_1169, %get3A_1172 : vector<16xf32>
          %swap3A_1174 = arith.constant 336 : index
          %swap3A_1175 = tpu.vector_load %arg12[%swap3A_1174] {strides = array<i32>} : memref<768xf32, #tpu.memory_space<vmem>>, vector<16xf32>,
          %swap3A_1176 = vector.shape_cast %swap3A_1175 : vector<16xf32> to vector<16xf32>
          %swap3A_1177 = vector.shape_cast %add3A_1173 : vector<16xf32> to vector<16xf32>
          tpu.vector_store %arg12[%swap3A_1174], %swap3A_1177 {strides = array<i32>} : memref<768xf32, #tpu.memory_space<vmem>>, vector<16xf32>,
          %get3A_1178 = arith.index_cast %rem3A_415 : i32 to index
          %get3A_1179 = arith.constant 352 : index
          %get3A_1180 = tpu.vector_load %arg10[%get3A_1178, %get3A_1179] {strides = array<i32>} : memref<2x768xf32, #tpu.memory_space<vmem>>, vector<1x16xf32>,
          %get3A_1181 = vector.shape_cast %get3A_1180 : vector<1x16xf32> to vector<16xf32>
          %get3A_1182 = arith.constant 352 : index
          %get3A_1183 = tpu.vector_load %arg11[%get3A_1182] {strides = array<i32>} : memref<768xf32, #tpu.memory_space<vmem>>, vector<16xf32>,
          %get3A_1184 = vector.shape_cast %get3A_1183 : vector<16xf32> to vector<16xf32>
          %add3A_1185 = arith.addf %get3A_1181, %get3A_1184 : vector<16xf32>
          %swap3A_1186 = arith.constant 352 : index
          %swap3A_1187 = tpu.vector_load %arg12[%swap3A_1186] {strides = array<i32>} : memref<768xf32, #tpu.memory_space<vmem>>, vector<16xf32>,
          %swap3A_1188 = vector.shape_cast %swap3A_1187 : vector<16xf32> to vector<16xf32>
          %swap3A_1189 = vector.shape_cast %add3A_1185 : vector<16xf32> to vector<16xf32>
          tpu.vector_store %arg12[%swap3A_1186], %swap3A_1189 {strides = array<i32>} : memref<768xf32, #tpu.memory_space<vmem>>, vector<16xf32>,
          %get3A_1190 = arith.index_cast %rem3A_415 : i32 to index
          %get3A_1191 = arith.constant 368 : index
          %get3A_1192 = tpu.vector_load %arg10[%get3A_1190, %get3A_1191] {strides = array<i32>} : memref<2x768xf32, #tpu.memory_space<vmem>>, vector<1x16xf32>,
          %get3A_1193 = vector.shape_cast %get3A_1192 : vector<1x16xf32> to vector<16xf32>
          %get3A_1194 = arith.constant 368 : index
          %get3A_1195 = tpu.vector_load %arg11[%get3A_1194] {strides = array<i32>} : memref<768xf32, #tpu.memory_space<vmem>>, vector<16xf32>,
          %get3A_1196 = vector.shape_cast %get3A_1195 : vector<16xf32> to vector<16xf32>
          %add3A_1197 = arith.addf %get3A_1193, %get3A_1196 : vector<16xf32>
          %swap3A_1198 = arith.constant 368 : index
          %swap3A_1199 = tpu.vector_load %arg12[%swap3A_1198] {strides = array<i32>} : memref<768xf32, #tpu.memory_space<vmem>>, vector<16xf32>,
          %swap3A_1200 = vector.shape_cast %swap3A_1199 : vector<16xf32> to vector<16xf32>
          %swap3A_1201 = vector.shape_cast %add3A_1197 : vector<16xf32> to vector<16xf32>
          tpu.vector_store %arg12[%swap3A_1198], %swap3A_1201 {strides = array<i32>} : memref<768xf32, #tpu.memory_space<vmem>>, vector<16xf32>,
          %get3A_1202 = arith.index_cast %rem3A_415 : i32 to index
          %get3A_1203 = arith.constant 384 : index
          %get3A_1204 = tpu.vector_load %arg10[%get3A_1202, %get3A_1203] {strides = array<i32>} : memref<2x768xf32, #tpu.memory_space<vmem>>, vector<1x16xf32>,
          %get3A_1205 = vector.shape_cast %get3A_1204 : vector<1x16xf32> to vector<16xf32>
          %get3A_1206 = arith.constant 384 : index
          %get3A_1207 = tpu.vector_load %arg11[%get3A_1206] {strides = array<i32>} : memref<768xf32, #tpu.memory_space<vmem>>, vector<16xf32>,
          %get3A_1208 = vector.shape_cast %get3A_1207 : vector<16xf32> to vector<16xf32>
          %add3A_1209 = arith.addf %get3A_1205, %get3A_1208 : vector<16xf32>
          %swap3A_1210 = arith.constant 384 : index
          %swap3A_1211 = tpu.vector_load %arg12[%swap3A_1210] {strides = array<i32>} : memref<768xf32, #tpu.memory_space<vmem>>, vector<16xf32>,
          %swap3A_1212 = vector.shape_cast %swap3A_1211 : vector<16xf32> to vector<16xf32>
          %swap3A_1213 = vector.shape_cast %add3A_1209 : vector<16xf32> to vector<16xf32>
          tpu.vector_store %arg12[%swap3A_1210], %swap3A_1213 {strides = array<i32>} : memref<768xf32, #tpu.memory_space<vmem>>, vector<16xf32>,
          %get3A_1214 = arith.index_cast %rem3A_415 : i32 to index
          %get3A_1215 = arith.constant 400 : index
          %get3A_1216 = tpu.vector_load %arg10[%get3A_1214, %get3A_1215] {strides = array<i32>} : memref<2x768xf32, #tpu.memory_space<vmem>>, vector<1x16xf32>,
          %get3A_1217 = vector.shape_cast %get3A_1216 : vector<1x16xf32> to vector<16xf32>
          %get3A_1218 = arith.constant 400 : index
          %get3A_1219 = tpu.vector_load %arg11[%get3A_1218] {strides = array<i32>} : memref<768xf32, #tpu.memory_space<vmem>>, vector<16xf32>,
          %get3A_1220 = vector.shape_cast %get3A_1219 : vector<16xf32> to vector<16xf32>
          %add3A_1221 = arith.addf %get3A_1217, %get3A_1220 : vector<16xf32>
          %swap3A_1222 = arith.constant 400 : index
          %swap3A_1223 = tpu.vector_load %arg12[%swap3A_1222] {strides = array<i32>} : memref<768xf32, #tpu.memory_space<vmem>>, vector<16xf32>,
          %swap3A_1224 = vector.shape_cast %swap3A_1223 : vector<16xf32> to vector<16xf32>
          %swap3A_1225 = vector.shape_cast %add3A_1221 : vector<16xf32> to vector<16xf32>
          tpu.vector_store %arg12[%swap3A_1222], %swap3A_1225 {strides = array<i32>} : memref<768xf32, #tpu.memory_space<vmem>>, vector<16xf32>,
          %get3A_1226 = arith.index_cast %rem3A_415 : i32 to index
          %get3A_1227 = arith.constant 416 : index
          %get3A_1228 = tpu.vector_load %arg10[%get3A_1226, %get3A_1227] {strides = array<i32>} : memref<2x768xf32, #tpu.memory_space<vmem>>, vector<1x16xf32>,
          %get3A_1229 = vector.shape_cast %get3A_1228 : vector<1x16xf32> to vector<16xf32>
          %get3A_1230 = arith.constant 416 : index
          %get3A_1231 = tpu.vector_load %arg11[%get3A_1230] {strides = array<i32>} : memref<768xf32, #tpu.memory_space<vmem>>, vector<16xf32>,
          %get3A_1232 = vector.shape_cast %get3A_1231 : vector<16xf32> to vector<16xf32>
          %add3A_1233 = arith.addf %get3A_1229, %get3A_1232 : vector<16xf32>
          %swap3A_1234 = arith.constant 416 : index
          %swap3A_1235 = tpu.vector_load %arg12[%swap3A_1234] {strides = array<i32>} : memref<768xf32, #tpu.memory_space<vmem>>, vector<16xf32>,
          %swap3A_1236 = vector.shape_cast %swap3A_1235 : vector<16xf32> to vector<16xf32>
          %swap3A_1237 = vector.shape_cast %add3A_1233 : vector<16xf32> to vector<16xf32>
          tpu.vector_store %arg12[%swap3A_1234], %swap3A_1237 {strides = array<i32>} : memref<768xf32, #tpu.memory_space<vmem>>, vector<16xf32>,
          %get3A_1238 = arith.index_cast %rem3A_415 : i32 to index
          %get3A_1239 = arith.constant 432 : index
          %get3A_1240 = tpu.vector_load %arg10[%get3A_1238, %get3A_1239] {strides = array<i32>} : memref<2x768xf32, #tpu.memory_space<vmem>>, vector<1x16xf32>,
          %get3A_1241 = vector.shape_cast %get3A_1240 : vector<1x16xf32> to vector<16xf32>
          %get3A_1242 = arith.constant 432 : index
          %get3A_1243 = tpu.vector_load %arg11[%get3A_1242] {strides = array<i32>} : memref<768xf32, #tpu.memory_space<vmem>>, vector<16xf32>,
          %get3A_1244 = vector.shape_cast %get3A_1243 : vector<16xf32> to vector<16xf32>
          %add3A_1245 = arith.addf %get3A_1241, %get3A_1244 : vector<16xf32>
          %swap3A_1246 = arith.constant 432 : index
          %swap3A_1247 = tpu.vector_load %arg12[%swap3A_1246] {strides = array<i32>} : memref<768xf32, #tpu.memory_space<vmem>>, vector<16xf32>,
          %swap3A_1248 = vector.shape_cast %swap3A_1247 : vector<16xf32> to vector<16xf32>
          %swap3A_1249 = vector.shape_cast %add3A_1245 : vector<16xf32> to vector<16xf32>
          tpu.vector_store %arg12[%swap3A_1246], %swap3A_1249 {strides = array<i32>} : memref<768xf32, #tpu.memory_space<vmem>>, vector<16xf32>,
          %get3A_1250 = arith.index_cast %rem3A_415 : i32 to index
          %get3A_1251 = arith.constant 448 : index
          %get3A_1252 = tpu.vector_load %arg10[%get3A_1250, %get3A_1251] {strides = array<i32>} : memref<2x768xf32, #tpu.memory_space<vmem>>, vector<1x16xf32>,
          %get3A_1253 = vector.shape_cast %get3A_1252 : vector<1x16xf32> to vector<16xf32>
          %get3A_1254 = arith.constant 448 : index
          %get3A_1255 = tpu.vector_load %arg11[%get3A_1254] {strides = array<i32>} : memref<768xf32, #tpu.memory_space<vmem>>, vector<16xf32>,
          %get3A_1256 = vector.shape_cast %get3A_1255 : vector<16xf32> to vector<16xf32>
          %add3A_1257 = arith.addf %get3A_1253, %get3A_1256 : vector<16xf32>
          %swap3A_1258 = arith.constant 448 : index
          %swap3A_1259 = tpu.vector_load %arg12[%swap3A_1258] {strides = array<i32>} : memref<768xf32, #tpu.memory_space<vmem>>, vector<16xf32>,
          %swap3A_1260 = vector.shape_cast %swap3A_1259 : vector<16xf32> to vector<16xf32>
          %swap3A_1261 = vector.shape_cast %add3A_1257 : vector<16xf32> to vector<16xf32>
          tpu.vector_store %arg12[%swap3A_1258], %swap3A_1261 {strides = array<i32>} : memref<768xf32, #tpu.memory_space<vmem>>, vector<16xf32>,
          %get3A_1262 = arith.index_cast %rem3A_415 : i32 to index
          %get3A_1263 = arith.constant 464 : index
          %get3A_1264 = tpu.vector_load %arg10[%get3A_1262, %get3A_1263] {strides = array<i32>} : memref<2x768xf32, #tpu.memory_space<vmem>>, vector<1x16xf32>,
          %get3A_1265 = vector.shape_cast %get3A_1264 : vector<1x16xf32> to vector<16xf32>
          %get3A_1266 = arith.constant 464 : index
          %get3A_1267 = tpu.vector_load %arg11[%get3A_1266] {strides = array<i32>} : memref<768xf32, #tpu.memory_space<vmem>>, vector<16xf32>,
          %get3A_1268 = vector.shape_cast %get3A_1267 : vector<16xf32> to vector<16xf32>
          %add3A_1269 = arith.addf %get3A_1265, %get3A_1268 : vector<16xf32>
          %swap3A_1270 = arith.constant 464 : index
          %swap3A_1271 = tpu.vector_load %arg12[%swap3A_1270] {strides = array<i32>} : memref<768xf32, #tpu.memory_space<vmem>>, vector<16xf32>,
          %swap3A_1272 = vector.shape_cast %swap3A_1271 : vector<16xf32> to vector<16xf32>
          %swap3A_1273 = vector.shape_cast %add3A_1269 : vector<16xf32> to vector<16xf32>
          tpu.vector_store %arg12[%swap3A_1270], %swap3A_1273 {strides = array<i32>} : memref<768xf32, #tpu.memory_space<vmem>>, vector<16xf32>,
          %get3A_1274 = arith.index_cast %rem3A_415 : i32 to index
          %get3A_1275 = arith.constant 480 : index
          %get3A_1276 = tpu.vector_load %arg10[%get3A_1274, %get3A_1275] {strides = array<i32>} : memref<2x768xf32, #tpu.memory_space<vmem>>, vector<1x16xf32>,
          %get3A_1277 = vector.shape_cast %get3A_1276 : vector<1x16xf32> to vector<16xf32>
          %get3A_1278 = arith.constant 480 : index
          %get3A_1279 = tpu.vector_load %arg11[%get3A_1278] {strides = array<i32>} : memref<768xf32, #tpu.memory_space<vmem>>, vector<16xf32>,
          %get3A_1280 = vector.shape_cast %get3A_1279 : vector<16xf32> to vector<16xf32>
          %add3A_1281 = arith.addf %get3A_1277, %get3A_1280 : vector<16xf32>
          %swap3A_1282 = arith.constant 480 : index
          %swap3A_1283 = tpu.vector_load %arg12[%swap3A_1282] {strides = array<i32>} : memref<768xf32, #tpu.memory_space<vmem>>, vector<16xf32>,
          %swap3A_1284 = vector.shape_cast %swap3A_1283 : vector<16xf32> to vector<16xf32>
          %swap3A_1285 = vector.shape_cast %add3A_1281 : vector<16xf32> to vector<16xf32>
          tpu.vector_store %arg12[%swap3A_1282], %swap3A_1285 {strides = array<i32>} : memref<768xf32, #tpu.memory_space<vmem>>, vector<16xf32>,
          %get3A_1286 = arith.index_cast %rem3A_415 : i32 to index
          %get3A_1287 = arith.constant 496 : index
          %get3A_1288 = tpu.vector_load %arg10[%get3A_1286, %get3A_1287] {strides = array<i32>} : memref<2x768xf32, #tpu.memory_space<vmem>>, vector<1x16xf32>,
          %get3A_1289 = vector.shape_cast %get3A_1288 : vector<1x16xf32> to vector<16xf32>
          %get3A_1290 = arith.constant 496 : index
          %get3A_1291 = tpu.vector_load %arg11[%get3A_1290] {strides = array<i32>} : memref<768xf32, #tpu.memory_space<vmem>>, vector<16xf32>,
          %get3A_1292 = vector.shape_cast %get3A_1291 : vector<16xf32> to vector<16xf32>
          %add3A_1293 = arith.addf %get3A_1289, %get3A_1292 : vector<16xf32>
          %swap3A_1294 = arith.constant 496 : index
          %swap3A_1295 = tpu.vector_load %arg12[%swap3A_1294] {strides = array<i32>} : memref<768xf32, #tpu.memory_space<vmem>>, vector<16xf32>,
          %swap3A_1296 = vector.shape_cast %swap3A_1295 : vector<16xf32> to vector<16xf32>
          %swap3A_1297 = vector.shape_cast %add3A_1293 : vector<16xf32> to vector<16xf32>
          tpu.vector_store %arg12[%swap3A_1294], %swap3A_1297 {strides = array<i32>} : memref<768xf32, #tpu.memory_space<vmem>>, vector<16xf32>,
          %get3A_1298 = arith.index_cast %rem3A_415 : i32 to index
          %get3A_1299 = arith.constant 512 : index
          %get3A_1300 = tpu.vector_load %arg10[%get3A_1298, %get3A_1299] {strides = array<i32>} : memref<2x768xf32, #tpu.memory_space<vmem>>, vector<1x16xf32>,
          %get3A_1301 = vector.shape_cast %get3A_1300 : vector<1x16xf32> to vector<16xf32>
          %get3A_1302 = arith.constant 512 : index
          %get3A_1303 = tpu.vector_load %arg11[%get3A_1302] {strides = array<i32>} : memref<768xf32, #tpu.memory_space<vmem>>, vector<16xf32>,
          %get3A_1304 = vector.shape_cast %get3A_1303 : vector<16xf32> to vector<16xf32>
          %add3A_1305 = arith.addf %get3A_1301, %get3A_1304 : vector<16xf32>
          %swap3A_1306 = arith.constant 512 : index
          %swap3A_1307 = tpu.vector_load %arg12[%swap3A_1306] {strides = array<i32>} : memref<768xf32, #tpu.memory_space<vmem>>, vector<16xf32>,
          %swap3A_1308 = vector.shape_cast %swap3A_1307 : vector<16xf32> to vector<16xf32>
          %swap3A_1309 = vector.shape_cast %add3A_1305 : vector<16xf32> to vector<16xf32>
          tpu.vector_store %arg12[%swap3A_1306], %swap3A_1309 {strides = array<i32>} : memref<768xf32, #tpu.memory_space<vmem>>, vector<16xf32>,
          %get3A_1310 = arith.index_cast %rem3A_415 : i32 to index
          %get3A_1311 = arith.constant 528 : index
          %get3A_1312 = tpu.vector_load %arg10[%get3A_1310, %get3A_1311] {strides = array<i32>} : memref<2x768xf32, #tpu.memory_space<vmem>>, vector<1x16xf32>,
          %get3A_1313 = vector.shape_cast %get3A_1312 : vector<1x16xf32> to vector<16xf32>
          %get3A_1314 = arith.constant 528 : index
          %get3A_1315 = tpu.vector_load %arg11[%get3A_1314] {strides = array<i32>} : memref<768xf32, #tpu.memory_space<vmem>>, vector<16xf32>,
          %get3A_1316 = vector.shape_cast %get3A_1315 : vector<16xf32> to vector<16xf32>
          %add3A_1317 = arith.addf %get3A_1313, %get3A_1316 : vector<16xf32>
          %swap3A_1318 = arith.constant 528 : index
          %swap3A_1319 = tpu.vector_load %arg12[%swap3A_1318] {strides = array<i32>} : memref<768xf32, #tpu.memory_space<vmem>>, vector<16xf32>,
          %swap3A_1320 = vector.shape_cast %swap3A_1319 : vector<16xf32> to vector<16xf32>
          %swap3A_1321 = vector.shape_cast %add3A_1317 : vector<16xf32> to vector<16xf32>
          tpu.vector_store %arg12[%swap3A_1318], %swap3A_1321 {strides = array<i32>} : memref<768xf32, #tpu.memory_space<vmem>>, vector<16xf32>,
          %get3A_1322 = arith.index_cast %rem3A_415 : i32 to index
          %get3A_1323 = arith.constant 544 : index
          %get3A_1324 = tpu.vector_load %arg10[%get3A_1322, %get3A_1323] {strides = array<i32>} : memref<2x768xf32, #tpu.memory_space<vmem>>, vector<1x16xf32>,
          %get3A_1325 = vector.shape_cast %get3A_1324 : vector<1x16xf32> to vector<16xf32>
          %get3A_1326 = arith.constant 544 : index
          %get3A_1327 = tpu.vector_load %arg11[%get3A_1326] {strides = array<i32>} : memref<768xf32, #tpu.memory_space<vmem>>, vector<16xf32>,
          %get3A_1328 = vector.shape_cast %get3A_1327 : vector<16xf32> to vector<16xf32>
          %add3A_1329 = arith.addf %get3A_1325, %get3A_1328 : vector<16xf32>
          %swap3A_1330 = arith.constant 544 : index
          %swap3A_1331 = tpu.vector_load %arg12[%swap3A_1330] {strides = array<i32>} : memref<768xf32, #tpu.memory_space<vmem>>, vector<16xf32>,
          %swap3A_1332 = vector.shape_cast %swap3A_1331 : vector<16xf32> to vector<16xf32>
          %swap3A_1333 = vector.shape_cast %add3A_1329 : vector<16xf32> to vector<16xf32>
          tpu.vector_store %arg12[%swap3A_1330], %swap3A_1333 {strides = array<i32>} : memref<768xf32, #tpu.memory_space<vmem>>, vector<16xf32>,
          %get3A_1334 = arith.index_cast %rem3A_415 : i32 to index
          %get3A_1335 = arith.constant 560 : index
          %get3A_1336 = tpu.vector_load %arg10[%get3A_1334, %get3A_1335] {strides = array<i32>} : memref<2x768xf32, #tpu.memory_space<vmem>>, vector<1x16xf32>,
          %get3A_1337 = vector.shape_cast %get3A_1336 : vector<1x16xf32> to vector<16xf32>
          %get3A_1338 = arith.constant 560 : index
          %get3A_1339 = tpu.vector_load %arg11[%get3A_1338] {strides = array<i32>} : memref<768xf32, #tpu.memory_space<vmem>>, vector<16xf32>,
          %get3A_1340 = vector.shape_cast %get3A_1339 : vector<16xf32> to vector<16xf32>
          %add3A_1341 = arith.addf %get3A_1337, %get3A_1340 : vector<16xf32>
          %swap3A_1342 = arith.constant 560 : index
          %swap3A_1343 = tpu.vector_load %arg12[%swap3A_1342] {strides = array<i32>} : memref<768xf32, #tpu.memory_space<vmem>>, vector<16xf32>,
          %swap3A_1344 = vector.shape_cast %swap3A_1343 : vector<16xf32> to vector<16xf32>
          %swap3A_1345 = vector.shape_cast %add3A_1341 : vector<16xf32> to vector<16xf32>
          tpu.vector_store %arg12[%swap3A_1342], %swap3A_1345 {strides = array<i32>} : memref<768xf32, #tpu.memory_space<vmem>>, vector<16xf32>,
          %get3A_1346 = arith.index_cast %rem3A_415 : i32 to index
          %get3A_1347 = arith.constant 576 : index
          %get3A_1348 = tpu.vector_load %arg10[%get3A_1346, %get3A_1347] {strides = array<i32>} : memref<2x768xf32, #tpu.memory_space<vmem>>, vector<1x16xf32>,
          %get3A_1349 = vector.shape_cast %get3A_1348 : vector<1x16xf32> to vector<16xf32>
          %get3A_1350 = arith.constant 576 : index
          %get3A_1351 = tpu.vector_load %arg11[%get3A_1350] {strides = array<i32>} : memref<768xf32, #tpu.memory_space<vmem>>, vector<16xf32>,
          %get3A_1352 = vector.shape_cast %get3A_1351 : vector<16xf32> to vector<16xf32>
          %add3A_1353 = arith.addf %get3A_1349, %get3A_1352 : vector<16xf32>
          %swap3A_1354 = arith.constant 576 : index
          %swap3A_1355 = tpu.vector_load %arg12[%swap3A_1354] {strides = array<i32>} : memref<768xf32, #tpu.memory_space<vmem>>, vector<16xf32>,
          %swap3A_1356 = vector.shape_cast %swap3A_1355 : vector<16xf32> to vector<16xf32>
          %swap3A_1357 = vector.shape_cast %add3A_1353 : vector<16xf32> to vector<16xf32>
          tpu.vector_store %arg12[%swap3A_1354], %swap3A_1357 {strides = array<i32>} : memref<768xf32, #tpu.memory_space<vmem>>, vector<16xf32>,
          %get3A_1358 = arith.index_cast %rem3A_415 : i32 to index
          %get3A_1359 = arith.constant 592 : index
          %get3A_1360 = tpu.vector_load %arg10[%get3A_1358, %get3A_1359] {strides = array<i32>} : memref<2x768xf32, #tpu.memory_space<vmem>>, vector<1x16xf32>,
          %get3A_1361 = vector.shape_cast %get3A_1360 : vector<1x16xf32> to vector<16xf32>
          %get3A_1362 = arith.constant 592 : index
          %get3A_1363 = tpu.vector_load %arg11[%get3A_1362] {strides = array<i32>} : memref<768xf32, #tpu.memory_space<vmem>>, vector<16xf32>,
          %get3A_1364 = vector.shape_cast %get3A_1363 : vector<16xf32> to vector<16xf32>
          %add3A_1365 = arith.addf %get3A_1361, %get3A_1364 : vector<16xf32>
          %swap3A_1366 = arith.constant 592 : index
          %swap3A_1367 = tpu.vector_load %arg12[%swap3A_1366] {strides = array<i32>} : memref<768xf32, #tpu.memory_space<vmem>>, vector<16xf32>,
          %swap3A_1368 = vector.shape_cast %swap3A_1367 : vector<16xf32> to vector<16xf32>
          %swap3A_1369 = vector.shape_cast %add3A_1365 : vector<16xf32> to vector<16xf32>
          tpu.vector_store %arg12[%swap3A_1366], %swap3A_1369 {strides = array<i32>} : memref<768xf32, #tpu.memory_space<vmem>>, vector<16xf32>,
          %get3A_1370 = arith.index_cast %rem3A_415 : i32 to index
          %get3A_1371 = arith.constant 608 : index
          %get3A_1372 = tpu.vector_load %arg10[%get3A_1370, %get3A_1371] {strides = array<i32>} : memref<2x768xf32, #tpu.memory_space<vmem>>, vector<1x16xf32>,
          %get3A_1373 = vector.shape_cast %get3A_1372 : vector<1x16xf32> to vector<16xf32>
          %get3A_1374 = arith.constant 608 : index
          %get3A_1375 = tpu.vector_load %arg11[%get3A_1374] {strides = array<i32>} : memref<768xf32, #tpu.memory_space<vmem>>, vector<16xf32>,
          %get3A_1376 = vector.shape_cast %get3A_1375 : vector<16xf32> to vector<16xf32>
          %add3A_1377 = arith.addf %get3A_1373, %get3A_1376 : vector<16xf32>
          %swap3A_1378 = arith.constant 608 : index
          %swap3A_1379 = tpu.vector_load %arg12[%swap3A_1378] {strides = array<i32>} : memref<768xf32, #tpu.memory_space<vmem>>, vector<16xf32>,
          %swap3A_1380 = vector.shape_cast %swap3A_1379 : vector<16xf32> to vector<16xf32>
          %swap3A_1381 = vector.shape_cast %add3A_1377 : vector<16xf32> to vector<16xf32>
          tpu.vector_store %arg12[%swap3A_1378], %swap3A_1381 {strides = array<i32>} : memref<768xf32, #tpu.memory_space<vmem>>, vector<16xf32>,
          %get3A_1382 = arith.index_cast %rem3A_415 : i32 to index
          %get3A_1383 = arith.constant 624 : index
          %get3A_1384 = tpu.vector_load %arg10[%get3A_1382, %get3A_1383] {strides = array<i32>} : memref<2x768xf32, #tpu.memory_space<vmem>>, vector<1x16xf32>,
          %get3A_1385 = vector.shape_cast %get3A_1384 : vector<1x16xf32> to vector<16xf32>
          %get3A_1386 = arith.constant 624 : index
          %get3A_1387 = tpu.vector_load %arg11[%get3A_1386] {strides = array<i32>} : memref<768xf32, #tpu.memory_space<vmem>>, vector<16xf32>,
          %get3A_1388 = vector.shape_cast %get3A_1387 : vector<16xf32> to vector<16xf32>
          %add3A_1389 = arith.addf %get3A_1385, %get3A_1388 : vector<16xf32>
          %swap3A_1390 = arith.constant 624 : index
          %swap3A_1391 = tpu.vector_load %arg12[%swap3A_1390] {strides = array<i32>} : memref<768xf32, #tpu.memory_space<vmem>>, vector<16xf32>,
          %swap3A_1392 = vector.shape_cast %swap3A_1391 : vector<16xf32> to vector<16xf32>
          %swap3A_1393 = vector.shape_cast %add3A_1389 : vector<16xf32> to vector<16xf32>
          tpu.vector_store %arg12[%swap3A_1390], %swap3A_1393 {strides = array<i32>} : memref<768xf32, #tpu.memory_space<vmem>>, vector<16xf32>,
          %get3A_1394 = arith.index_cast %rem3A_415 : i32 to index
          %get3A_1395 = arith.constant 640 : index
          %get3A_1396 = tpu.vector_load %arg10[%get3A_1394, %get3A_1395] {strides = array<i32>} : memref<2x768xf32, #tpu.memory_space<vmem>>, vector<1x16xf32>,
          %get3A_1397 = vector.shape_cast %get3A_1396 : vector<1x16xf32> to vector<16xf32>
          %get3A_1398 = arith.constant 640 : index
          %get3A_1399 = tpu.vector_load %arg11[%get3A_1398] {strides = array<i32>} : memref<768xf32, #tpu.memory_space<vmem>>, vector<16xf32>,
          %get3A_1400 = vector.shape_cast %get3A_1399 : vector<16xf32> to vector<16xf32>
          %add3A_1401 = arith.addf %get3A_1397, %get3A_1400 : vector<16xf32>
          %swap3A_1402 = arith.constant 640 : index
          %swap3A_1403 = tpu.vector_load %arg12[%swap3A_1402] {strides = array<i32>} : memref<768xf32, #tpu.memory_space<vmem>>, vector<16xf32>,
          %swap3A_1404 = vector.shape_cast %swap3A_1403 : vector<16xf32> to vector<16xf32>
          %swap3A_1405 = vector.shape_cast %add3A_1401 : vector<16xf32> to vector<16xf32>
          tpu.vector_store %arg12[%swap3A_1402], %swap3A_1405 {strides = array<i32>} : memref<768xf32, #tpu.memory_space<vmem>>, vector<16xf32>,
          %get3A_1406 = arith.index_cast %rem3A_415 : i32 to index
          %get3A_1407 = arith.constant 656 : index
          %get3A_1408 = tpu.vector_load %arg10[%get3A_1406, %get3A_1407] {strides = array<i32>} : memref<2x768xf32, #tpu.memory_space<vmem>>, vector<1x16xf32>,
          %get3A_1409 = vector.shape_cast %get3A_1408 : vector<1x16xf32> to vector<16xf32>
          %get3A_1410 = arith.constant 656 : index
          %get3A_1411 = tpu.vector_load %arg11[%get3A_1410] {strides = array<i32>} : memref<768xf32, #tpu.memory_space<vmem>>, vector<16xf32>,
          %get3A_1412 = vector.shape_cast %get3A_1411 : vector<16xf32> to vector<16xf32>
          %add3A_1413 = arith.addf %get3A_1409, %get3A_1412 : vector<16xf32>
          %swap3A_1414 = arith.constant 656 : index
          %swap3A_1415 = tpu.vector_load %arg12[%swap3A_1414] {strides = array<i32>} : memref<768xf32, #tpu.memory_space<vmem>>, vector<16xf32>,
          %swap3A_1416 = vector.shape_cast %swap3A_1415 : vector<16xf32> to vector<16xf32>
          %swap3A_1417 = vector.shape_cast %add3A_1413 : vector<16xf32> to vector<16xf32>
          tpu.vector_store %arg12[%swap3A_1414], %swap3A_1417 {strides = array<i32>} : memref<768xf32, #tpu.memory_space<vmem>>, vector<16xf32>,
          %get3A_1418 = arith.index_cast %rem3A_415 : i32 to index
          %get3A_1419 = arith.constant 672 : index
          %get3A_1420 = tpu.vector_load %arg10[%get3A_1418, %get3A_1419] {strides = array<i32>} : memref<2x768xf32, #tpu.memory_space<vmem>>, vector<1x16xf32>,
          %get3A_1421 = vector.shape_cast %get3A_1420 : vector<1x16xf32> to vector<16xf32>
          %get3A_1422 = arith.constant 672 : index
          %get3A_1423 = tpu.vector_load %arg11[%get3A_1422] {strides = array<i32>} : memref<768xf32, #tpu.memory_space<vmem>>, vector<16xf32>,
          %get3A_1424 = vector.shape_cast %get3A_1423 : vector<16xf32> to vector<16xf32>
          %add3A_1425 = arith.addf %get3A_1421, %get3A_1424 : vector<16xf32>
          %swap3A_1426 = arith.constant 672 : index
          %swap3A_1427 = tpu.vector_load %arg12[%swap3A_1426] {strides = array<i32>} : memref<768xf32, #tpu.memory_space<vmem>>, vector<16xf32>,
          %swap3A_1428 = vector.shape_cast %swap3A_1427 : vector<16xf32> to vector<16xf32>
          %swap3A_1429 = vector.shape_cast %add3A_1425 : vector<16xf32> to vector<16xf32>
          tpu.vector_store %arg12[%swap3A_1426], %swap3A_1429 {strides = array<i32>} : memref<768xf32, #tpu.memory_space<vmem>>, vector<16xf32>,
          %get3A_1430 = arith.index_cast %rem3A_415 : i32 to index
          %get3A_1431 = arith.constant 688 : index
          %get3A_1432 = tpu.vector_load %arg10[%get3A_1430, %get3A_1431] {strides = array<i32>} : memref<2x768xf32, #tpu.memory_space<vmem>>, vector<1x16xf32>,
          %get3A_1433 = vector.shape_cast %get3A_1432 : vector<1x16xf32> to vector<16xf32>
          %get3A_1434 = arith.constant 688 : index
          %get3A_1435 = tpu.vector_load %arg11[%get3A_1434] {strides = array<i32>} : memref<768xf32, #tpu.memory_space<vmem>>, vector<16xf32>,
          %get3A_1436 = vector.shape_cast %get3A_1435 : vector<16xf32> to vector<16xf32>
          %add3A_1437 = arith.addf %get3A_1433, %get3A_1436 : vector<16xf32>
          %swap3A_1438 = arith.constant 688 : index
          %swap3A_1439 = tpu.vector_load %arg12[%swap3A_1438] {strides = array<i32>} : memref<768xf32, #tpu.memory_space<vmem>>, vector<16xf32>,
          %swap3A_1440 = vector.shape_cast %swap3A_1439 : vector<16xf32> to vector<16xf32>
          %swap3A_1441 = vector.shape_cast %add3A_1437 : vector<16xf32> to vector<16xf32>
          tpu.vector_store %arg12[%swap3A_1438], %swap3A_1441 {strides = array<i32>} : memref<768xf32, #tpu.memory_space<vmem>>, vector<16xf32>,
          %get3A_1442 = arith.index_cast %rem3A_415 : i32 to index
          %get3A_1443 = arith.constant 704 : index
          %get3A_1444 = tpu.vector_load %arg10[%get3A_1442, %get3A_1443] {strides = array<i32>} : memref<2x768xf32, #tpu.memory_space<vmem>>, vector<1x16xf32>,
          %get3A_1445 = vector.shape_cast %get3A_1444 : vector<1x16xf32> to vector<16xf32>
          %get3A_1446 = arith.constant 704 : index
          %get3A_1447 = tpu.vector_load %arg11[%get3A_1446] {strides = array<i32>} : memref<768xf32, #tpu.memory_space<vmem>>, vector<16xf32>,
          %get3A_1448 = vector.shape_cast %get3A_1447 : vector<16xf32> to vector<16xf32>
          %add3A_1449 = arith.addf %get3A_1445, %get3A_1448 : vector<16xf32>
          %swap3A_1450 = arith.constant 704 : index
          %swap3A_1451 = tpu.vector_load %arg12[%swap3A_1450] {strides = array<i32>} : memref<768xf32, #tpu.memory_space<vmem>>, vector<16xf32>,
          %swap3A_1452 = vector.shape_cast %swap3A_1451 : vector<16xf32> to vector<16xf32>
          %swap3A_1453 = vector.shape_cast %add3A_1449 : vector<16xf32> to vector<16xf32>
          tpu.vector_store %arg12[%swap3A_1450], %swap3A_1453 {strides = array<i32>} : memref<768xf32, #tpu.memory_space<vmem>>, vector<16xf32>,
          %get3A_1454 = arith.index_cast %rem3A_415 : i32 to index
          %get3A_1455 = arith.constant 720 : index
          %get3A_1456 = tpu.vector_load %arg10[%get3A_1454, %get3A_1455] {strides = array<i32>} : memref<2x768xf32, #tpu.memory_space<vmem>>, vector<1x16xf32>,
          %get3A_1457 = vector.shape_cast %get3A_1456 : vector<1x16xf32> to vector<16xf32>
          %get3A_1458 = arith.constant 720 : index
          %get3A_1459 = tpu.vector_load %arg11[%get3A_1458] {strides = array<i32>} : memref<768xf32, #tpu.memory_space<vmem>>, vector<16xf32>,
          %get3A_1460 = vector.shape_cast %get3A_1459 : vector<16xf32> to vector<16xf32>
          %add3A_1461 = arith.addf %get3A_1457, %get3A_1460 : vector<16xf32>
          %swap3A_1462 = arith.constant 720 : index
          %swap3A_1463 = tpu.vector_load %arg12[%swap3A_1462] {strides = array<i32>} : memref<768xf32, #tpu.memory_space<vmem>>, vector<16xf32>,
          %swap3A_1464 = vector.shape_cast %swap3A_1463 : vector<16xf32> to vector<16xf32>
          %swap3A_1465 = vector.shape_cast %add3A_1461 : vector<16xf32> to vector<16xf32>
          tpu.vector_store %arg12[%swap3A_1462], %swap3A_1465 {strides = array<i32>} : memref<768xf32, #tpu.memory_space<vmem>>, vector<16xf32>,
          %get3A_1466 = arith.index_cast %rem3A_415 : i32 to index
          %get3A_1467 = arith.constant 736 : index
          %get3A_1468 = tpu.vector_load %arg10[%get3A_1466, %get3A_1467] {strides = array<i32>} : memref<2x768xf32, #tpu.memory_space<vmem>>, vector<1x16xf32>,
          %get3A_1469 = vector.shape_cast %get3A_1468 : vector<1x16xf32> to vector<16xf32>
          %get3A_1470 = arith.constant 736 : index
          %get3A_1471 = tpu.vector_load %arg11[%get3A_1470] {strides = array<i32>} : memref<768xf32, #tpu.memory_space<vmem>>, vector<16xf32>,
          %get3A_1472 = vector.shape_cast %get3A_1471 : vector<16xf32> to vector<16xf32>
          %add3A_1473 = arith.addf %get3A_1469, %get3A_1472 : vector<16xf32>
          %swap3A_1474 = arith.constant 736 : index
          %swap3A_1475 = tpu.vector_load %arg12[%swap3A_1474] {strides = array<i32>} : memref<768xf32, #tpu.memory_space<vmem>>, vector<16xf32>,
          %swap3A_1476 = vector.shape_cast %swap3A_1475 : vector<16xf32> to vector<16xf32>
          %swap3A_1477 = vector.shape_cast %add3A_1473 : vector<16xf32> to vector<16xf32>
          tpu.vector_store %arg12[%swap3A_1474], %swap3A_1477 {strides = array<i32>} : memref<768xf32, #tpu.memory_space<vmem>>, vector<16xf32>,
          %get3A_1478 = arith.index_cast %rem3A_415 : i32 to index
          %get3A_1479 = arith.constant 752 : index
          %get3A_1480 = tpu.vector_load %arg10[%get3A_1478, %get3A_1479] {strides = array<i32>} : memref<2x768xf32, #tpu.memory_space<vmem>>, vector<1x16xf32>,
          %get3A_1481 = vector.shape_cast %get3A_1480 : vector<1x16xf32> to vector<16xf32>
          %get3A_1482 = arith.constant 752 : index
          %get3A_1483 = tpu.vector_load %arg11[%get3A_1482] {strides = array<i32>} : memref<768xf32, #tpu.memory_space<vmem>>, vector<16xf32>,
          %get3A_1484 = vector.shape_cast %get3A_1483 : vector<16xf32> to vector<16xf32>
          %add3A_1485 = arith.addf %get3A_1481, %get3A_1484 : vector<16xf32>
          %swap3A_1486 = arith.constant 752 : index
          %swap3A_1487 = tpu.vector_load %arg12[%swap3A_1486] {strides = array<i32>} : memref<768xf32, #tpu.memory_space<vmem>>, vector<16xf32>,
          %swap3A_1488 = vector.shape_cast %swap3A_1487 : vector<16xf32> to vector<16xf32>
          %swap3A_1489 = vector.shape_cast %add3A_1485 : vector<16xf32> to vector<16xf32>
          tpu.vector_store %arg12[%swap3A_1486], %swap3A_1489 {strides = array<i32>} : memref<768xf32, #tpu.memory_space<vmem>>, vector<16xf32>,
        } else {
        }
      } else {
      }
      %iota3A = tpu.iota {dimensions = array<i32: 0>} : vector<16xi32>
      %ge3A = arith.constant 8 : i32
      %ge3A_440 = vector.broadcast %ge3A : i32 to vector<16xi32>
      %ge3A_441 = arith.cmpi sge, %iota3A, %ge3A_440 : vector<16xi32>
      %add3A_442 = arith.constant 40 : i32
      %add3A_443 = vector.broadcast %add3A_442 : i32 to vector<16xi32>
      %add3A_444 = arith.addi %iota3A, %add3A_443 : vector<16xi32>
      %select_n3A_445 = arith.select %ge3A_441, %add3A_444, %iota3A : vector<16xi1>, vector<16xi32>
      %mul3A_446 = arith.constant 384 : i32
      %mul3A_447 = arith.muli %mul3A_446, %add3A_413 : i32
      %mul3A_448 = arith.constant 192 : i32
      %mul3A_449 = arith.muli %mul3A_448, %rem3A_408 : i32
      %add3A_450 = arith.addi %mul3A_447, %mul3A_449 : i32
      %add3A_451 = arith.constant 0 : i32
      %add3A_452 = arith.addi %add3A_450, %add3A_451 : i32
      %add3A_453 = arith.constant 0 : i32
      %add3A_454 = arith.addi %add3A_452, %add3A_453 : i32
      %add3A_455 = vector.broadcast %add3A_454 : i32 to vector<16xi32>
      %add3A_456 = arith.addi %add3A_455, %select_n3A_445 : vector<16xi32>
      %swap3A = arith.constant 0 : i32
      %swap3A_457 = arith.index_cast %rem3A_410 : i32 to index
      %swap3A_458 = arith.index_cast %swap3A : i32 to index
      %swap3A_459 = arith.constant 0 : index
      %swap3A_460 = tpu.vector_load %arg9[%swap3A_457, %swap3A_458, %swap3A_459] {strides = array<i32>} : memref<4x6x32xi32, #tpu.memory_space<vmem>>, vector<1x1x16xi32>,
      %swap3A_461 = vector.shape_cast %swap3A_460 : vector<1x1x16xi32> to vector<16xi32>
      %swap3A_462 = vector.shape_cast %add3A_456 : vector<16xi32> to vector<1x1x16xi32>
      tpu.vector_store %arg9[%swap3A_457, %swap3A_458, %swap3A_459], %swap3A_462 {strides = array<i32>} : memref<4x6x32xi32, #tpu.memory_space<vmem>>, vector<1x1x16xi32>,
      %mul3A_463 = arith.constant 384 : i32
      %mul3A_464 = arith.muli %mul3A_463, %add3A_413 : i32
      %mul3A_465 = arith.constant 192 : i32
      %mul3A_466 = arith.muli %mul3A_465, %rem3A_408 : i32
      %add3A_467 = arith.addi %mul3A_464, %mul3A_466 : i32
      %add3A_468 = arith.constant 96 : i32
      %add3A_469 = arith.addi %add3A_467, %add3A_468 : i32
      %add3A_470 = arith.constant 0 : i32
      %add3A_471 = arith.addi %add3A_469, %add3A_470 : i32
      %add3A_472 = vector.broadcast %add3A_471 : i32 to vector<16xi32>
      %add3A_473 = arith.addi %add3A_472, %select_n3A_445 : vector<16xi32>
      %swap3A_474 = arith.constant 0 : i32
      %swap3A_475 = arith.index_cast %rem3A_410 : i32 to index
      %swap3A_476 = arith.index_cast %swap3A_474 : i32 to index
      %swap3A_477 = arith.constant 16 : index
      %swap3A_478 = tpu.vector_load %arg9[%swap3A_475, %swap3A_476, %swap3A_477] {strides = array<i32>} : memref<4x6x32xi32, #tpu.memory_space<vmem>>, vector<1x1x16xi32>,
      %swap3A_479 = vector.shape_cast %swap3A_478 : vector<1x1x16xi32> to vector<16xi32>
      %swap3A_480 = vector.shape_cast %add3A_473 : vector<16xi32> to vector<1x1x16xi32>
      tpu.vector_store %arg9[%swap3A_475, %swap3A_476, %swap3A_477], %swap3A_480 {strides = array<i32>} : memref<4x6x32xi32, #tpu.memory_space<vmem>>, vector<1x1x16xi32>,
      %mul3A_481 = arith.constant 384 : i32
      %mul3A_482 = arith.muli %mul3A_481, %add3A_413 : i32
      %mul3A_483 = arith.constant 192 : i32
      %mul3A_484 = arith.muli %mul3A_483, %rem3A_408 : i32
      %add3A_485 = arith.addi %mul3A_482, %mul3A_484 : i32
      %add3A_486 = arith.constant 0 : i32
      %add3A_487 = arith.addi %add3A_485, %add3A_486 : i32
      %add3A_488 = arith.constant 8 : i32
      %add3A_489 = arith.addi %add3A_487, %add3A_488 : i32
      %add3A_490 = vector.broadcast %add3A_489 : i32 to vector<16xi32>
      %add3A_491 = arith.addi %add3A_490, %select_n3A_445 : vector<16xi32>
      %swap3A_492 = arith.constant 1 : i32
      %swap3A_493 = arith.index_cast %rem3A_410 : i32 to index
      %swap3A_494 = arith.index_cast %swap3A_492 : i32 to index
      %swap3A_495 = arith.constant 0 : index
      %swap3A_496 = tpu.vector_load %arg9[%swap3A_493, %swap3A_494, %swap3A_495] {strides = array<i32>} : memref<4x6x32xi32, #tpu.memory_space<vmem>>, vector<1x1x16xi32>,
      %swap3A_497 = vector.shape_cast %swap3A_496 : vector<1x1x16xi32> to vector<16xi32>
      %swap3A_498 = vector.shape_cast %add3A_491 : vector<16xi32> to vector<1x1x16xi32>
      tpu.vector_store %arg9[%swap3A_493, %swap3A_494, %swap3A_495], %swap3A_498 {strides = array<i32>} : memref<4x6x32xi32, #tpu.memory_space<vmem>>, vector<1x1x16xi32>,
      %mul3A_499 = arith.constant 384 : i32
      %mul3A_500 = arith.muli %mul3A_499, %add3A_413 : i32
      %mul3A_501 = arith.constant 192 : i32
      %mul3A_502 = arith.muli %mul3A_501, %rem3A_408 : i32
      %add3A_503 = arith.addi %mul3A_500, %mul3A_502 : i32
      %add3A_504 = arith.constant 96 : i32
      %add3A_505 = arith.addi %add3A_503, %add3A_504 : i32
      %add3A_506 = arith.constant 8 : i32
      %add3A_507 = arith.addi %add3A_505, %add3A_506 : i32
      %add3A_508 = vector.broadcast %add3A_507 : i32 to vector<16xi32>
      %add3A_509 = arith.addi %add3A_508, %select_n3A_445 : vector<16xi32>
      %swap3A_510 = arith.constant 1 : i32
      %swap3A_511 = arith.index_cast %rem3A_410 : i32 to index
      %swap3A_512 = arith.index_cast %swap3A_510 : i32 to index
      %swap3A_513 = arith.constant 16 : index
      %swap3A_514 = tpu.vector_load %arg9[%swap3A_511, %swap3A_512, %swap3A_513] {strides = array<i32>} : memref<4x6x32xi32, #tpu.memory_space<vmem>>, vector<1x1x16xi32>,
      %swap3A_515 = vector.shape_cast %swap3A_514 : vector<1x1x16xi32> to vector<16xi32>
      %swap3A_516 = vector.shape_cast %add3A_509 : vector<16xi32> to vector<1x1x16xi32>
      tpu.vector_store %arg9[%swap3A_511, %swap3A_512, %swap3A_513], %swap3A_516 {strides = array<i32>} : memref<4x6x32xi32, #tpu.memory_space<vmem>>, vector<1x1x16xi32>,
      %mul3A_517 = arith.constant 384 : i32
      %mul3A_518 = arith.muli %mul3A_517, %add3A_413 : i32
      %mul3A_519 = arith.constant 192 : i32
      %mul3A_520 = arith.muli %mul3A_519, %rem3A_408 : i32
      %add3A_521 = arith.addi %mul3A_518, %mul3A_520 : i32
      %add3A_522 = arith.constant 0 : i32
      %add3A_523 = arith.addi %add3A_521, %add3A_522 : i32
      %add3A_524 = arith.constant 16 : i32
      %add3A_525 = arith.addi %add3A_523, %add3A_524 : i32
      %add3A_526 = vector.broadcast %add3A_525 : i32 to vector<16xi32>
      %add3A_527 = arith.addi %add3A_526, %select_n3A_445 : vector<16xi32>
      %swap3A_528 = arith.constant 2 : i32
      %swap3A_529 = arith.index_cast %rem3A_410 : i32 to index
      %swap3A_530 = arith.index_cast %swap3A_528 : i32 to index
      %swap3A_531 = arith.constant 0 : index
      %swap3A_532 = tpu.vector_load %arg9[%swap3A_529, %swap3A_530, %swap3A_531] {strides = array<i32>} : memref<4x6x32xi32, #tpu.memory_space<vmem>>, vector<1x1x16xi32>,
      %swap3A_533 = vector.shape_cast %swap3A_532 : vector<1x1x16xi32> to vector<16xi32>
      %swap3A_534 = vector.shape_cast %add3A_527 : vector<16xi32> to vector<1x1x16xi32>
      tpu.vector_store %arg9[%swap3A_529, %swap3A_530, %swap3A_531], %swap3A_534 {strides = array<i32>} : memref<4x6x32xi32, #tpu.memory_space<vmem>>, vector<1x1x16xi32>,
      %mul3A_535 = arith.constant 384 : i32
      %mul3A_536 = arith.muli %mul3A_535, %add3A_413 : i32
      %mul3A_537 = arith.constant 192 : i32
      %mul3A_538 = arith.muli %mul3A_537, %rem3A_408 : i32
      %add3A_539 = arith.addi %mul3A_536, %mul3A_538 : i32
      %add3A_540 = arith.constant 96 : i32
      %add3A_541 = arith.addi %add3A_539, %add3A_540 : i32
      %add3A_542 = arith.constant 16 : i32
      %add3A_543 = arith.addi %add3A_541, %add3A_542 : i32
      %add3A_544 = vector.broadcast %add3A_543 : i32 to vector<16xi32>
      %add3A_545 = arith.addi %add3A_544, %select_n3A_445 : vector<16xi32>
      %swap3A_546 = arith.constant 2 : i32
      %swap3A_547 = arith.index_cast %rem3A_410 : i32 to index
      %swap3A_548 = arith.index_cast %swap3A_546 : i32 to index
      %swap3A_549 = arith.constant 16 : index
      %swap3A_550 = tpu.vector_load %arg9[%swap3A_547, %swap3A_548, %swap3A_549] {strides = array<i32>} : memref<4x6x32xi32, #tpu.memory_space<vmem>>, vector<1x1x16xi32>,
      %swap3A_551 = vector.shape_cast %swap3A_550 : vector<1x1x16xi32> to vector<16xi32>
      %swap3A_552 = vector.shape_cast %add3A_545 : vector<16xi32> to vector<1x1x16xi32>
      tpu.vector_store %arg9[%swap3A_547, %swap3A_548, %swap3A_549], %swap3A_552 {strides = array<i32>} : memref<4x6x32xi32, #tpu.memory_space<vmem>>, vector<1x1x16xi32>,
      %mul3A_553 = arith.constant 384 : i32
      %mul3A_554 = arith.muli %mul3A_553, %add3A_413 : i32
      %mul3A_555 = arith.constant 192 : i32
      %mul3A_556 = arith.muli %mul3A_555, %rem3A_408 : i32
      %add3A_557 = arith.addi %mul3A_554, %mul3A_556 : i32
      %add3A_558 = arith.constant 0 : i32
      %add3A_559 = arith.addi %add3A_557, %add3A_558 : i32
      %add3A_560 = arith.constant 24 : i32
      %add3A_561 = arith.addi %add3A_559, %add3A_560 : i32
      %add3A_562 = vector.broadcast %add3A_561 : i32 to vector<16xi32>
      %add3A_563 = arith.addi %add3A_562, %select_n3A_445 : vector<16xi32>
      %swap3A_564 = arith.constant 3 : i32
      %swap3A_565 = arith.index_cast %rem3A_410 : i32 to index
      %swap3A_566 = arith.index_cast %swap3A_564 : i32 to index
      %swap3A_567 = arith.constant 0 : index
      %swap3A_568 = tpu.vector_load %arg9[%swap3A_565, %swap3A_566, %swap3A_567] {strides = array<i32>} : memref<4x6x32xi32, #tpu.memory_space<vmem>>, vector<1x1x16xi32>,
      %swap3A_569 = vector.shape_cast %swap3A_568 : vector<1x1x16xi32> to vector<16xi32>
      %swap3A_570 = vector.shape_cast %add3A_563 : vector<16xi32> to vector<1x1x16xi32>
      tpu.vector_store %arg9[%swap3A_565, %swap3A_566, %swap3A_567], %swap3A_570 {strides = array<i32>} : memref<4x6x32xi32, #tpu.memory_space<vmem>>, vector<1x1x16xi32>,
      %mul3A_571 = arith.constant 384 : i32
      %mul3A_572 = arith.muli %mul3A_571, %add3A_413 : i32
      %mul3A_573 = arith.constant 192 : i32
      %mul3A_574 = arith.muli %mul3A_573, %rem3A_408 : i32
      %add3A_575 = arith.addi %mul3A_572, %mul3A_574 : i32
      %add3A_576 = arith.constant 96 : i32
      %add3A_577 = arith.addi %add3A_575, %add3A_576 : i32
      %add3A_578 = arith.constant 24 : i32
      %add3A_579 = arith.addi %add3A_577, %add3A_578 : i32
      %add3A_580 = vector.broadcast %add3A_579 : i32 to vector<16xi32>
      %add3A_581 = arith.addi %add3A_580, %select_n3A_445 : vector<16xi32>
      %swap3A_582 = arith.constant 3 : i32
      %swap3A_583 = arith.index_cast %rem3A_410 : i32 to index
      %swap3A_584 = arith.index_cast %swap3A_582 : i32 to index
      %swap3A_585 = arith.constant 16 : index
      %swap3A_586 = tpu.vector_load %arg9[%swap3A_583, %swap3A_584, %swap3A_585] {strides = array<i32>} : memref<4x6x32xi32, #tpu.memory_space<vmem>>, vector<1x1x16xi32>,
      %swap3A_587 = vector.shape_cast %swap3A_586 : vector<1x1x16xi32> to vector<16xi32>
      %swap3A_588 = vector.shape_cast %add3A_581 : vector<16xi32> to vector<1x1x16xi32>
      tpu.vector_store %arg9[%swap3A_583, %swap3A_584, %swap3A_585], %swap3A_588 {strides = array<i32>} : memref<4x6x32xi32, #tpu.memory_space<vmem>>, vector<1x1x16xi32>,
      %mul3A_589 = arith.constant 384 : i32
      %mul3A_590 = arith.muli %mul3A_589, %add3A_413 : i32
      %mul3A_591 = arith.constant 192 : i32
      %mul3A_592 = arith.muli %mul3A_591, %rem3A_408 : i32
      %add3A_593 = arith.addi %mul3A_590, %mul3A_592 : i32
      %add3A_594 = arith.constant 0 : i32
      %add3A_595 = arith.addi %add3A_593, %add3A_594 : i32
      %add3A_596 = arith.constant 32 : i32
      %add3A_597 = arith.addi %add3A_595, %add3A_596 : i32
      %add3A_598 = vector.broadcast %add3A_597 : i32 to vector<16xi32>
      %add3A_599 = arith.addi %add3A_598, %select_n3A_445 : vector<16xi32>
      %swap3A_600 = arith.constant 4 : i32
      %swap3A_601 = arith.index_cast %rem3A_410 : i32 to index
      %swap3A_602 = arith.index_cast %swap3A_600 : i32 to index
      %swap3A_603 = arith.constant 0 : index
      %swap3A_604 = tpu.vector_load %arg9[%swap3A_601, %swap3A_602, %swap3A_603] {strides = array<i32>} : memref<4x6x32xi32, #tpu.memory_space<vmem>>, vector<1x1x16xi32>,
      %swap3A_605 = vector.shape_cast %swap3A_604 : vector<1x1x16xi32> to vector<16xi32>
      %swap3A_606 = vector.shape_cast %add3A_599 : vector<16xi32> to vector<1x1x16xi32>
      tpu.vector_store %arg9[%swap3A_601, %swap3A_602, %swap3A_603], %swap3A_606 {strides = array<i32>} : memref<4x6x32xi32, #tpu.memory_space<vmem>>, vector<1x1x16xi32>,
      %mul3A_607 = arith.constant 384 : i32
      %mul3A_608 = arith.muli %mul3A_607, %add3A_413 : i32
      %mul3A_609 = arith.constant 192 : i32
      %mul3A_610 = arith.muli %mul3A_609, %rem3A_408 : i32
      %add3A_611 = arith.addi %mul3A_608, %mul3A_610 : i32
      %add3A_612 = arith.constant 96 : i32
      %add3A_613 = arith.addi %add3A_611, %add3A_612 : i32
      %add3A_614 = arith.constant 32 : i32
      %add3A_615 = arith.addi %add3A_613, %add3A_614 : i32
      %add3A_616 = vector.broadcast %add3A_615 : i32 to vector<16xi32>
      %add3A_617 = arith.addi %add3A_616, %select_n3A_445 : vector<16xi32>
      %swap3A_618 = arith.constant 4 : i32
      %swap3A_619 = arith.index_cast %rem3A_410 : i32 to index
      %swap3A_620 = arith.index_cast %swap3A_618 : i32 to index
      %swap3A_621 = arith.constant 16 : index
      %swap3A_622 = tpu.vector_load %arg9[%swap3A_619, %swap3A_620, %swap3A_621] {strides = array<i32>} : memref<4x6x32xi32, #tpu.memory_space<vmem>>, vector<1x1x16xi32>,
      %swap3A_623 = vector.shape_cast %swap3A_622 : vector<1x1x16xi32> to vector<16xi32>
      %swap3A_624 = vector.shape_cast %add3A_617 : vector<16xi32> to vector<1x1x16xi32>
      tpu.vector_store %arg9[%swap3A_619, %swap3A_620, %swap3A_621], %swap3A_624 {strides = array<i32>} : memref<4x6x32xi32, #tpu.memory_space<vmem>>, vector<1x1x16xi32>,
      %mul3A_625 = arith.constant 384 : i32
      %mul3A_626 = arith.muli %mul3A_625, %add3A_413 : i32
      %mul3A_627 = arith.constant 192 : i32
      %mul3A_628 = arith.muli %mul3A_627, %rem3A_408 : i32
      %add3A_629 = arith.addi %mul3A_626, %mul3A_628 : i32
      %add3A_630 = arith.constant 0 : i32
      %add3A_631 = arith.addi %add3A_629, %add3A_630 : i32
      %add3A_632 = arith.constant 40 : i32
      %add3A_633 = arith.addi %add3A_631, %add3A_632 : i32
      %add3A_634 = vector.broadcast %add3A_633 : i32 to vector<16xi32>
      %add3A_635 = arith.addi %add3A_634, %select_n3A_445 : vector<16xi32>
      %swap3A_636 = arith.constant 5 : i32
      %swap3A_637 = arith.index_cast %rem3A_410 : i32 to index
      %swap3A_638 = arith.index_cast %swap3A_636 : i32 to index
      %swap3A_639 = arith.constant 0 : index
      %swap3A_640 = tpu.vector_load %arg9[%swap3A_637, %swap3A_638, %swap3A_639] {strides = array<i32>} : memref<4x6x32xi32, #tpu.memory_space<vmem>>, vector<1x1x16xi32>,
      %swap3A_641 = vector.shape_cast %swap3A_640 : vector<1x1x16xi32> to vector<16xi32>
      %swap3A_642 = vector.shape_cast %add3A_635 : vector<16xi32> to vector<1x1x16xi32>
      tpu.vector_store %arg9[%swap3A_637, %swap3A_638, %swap3A_639], %swap3A_642 {strides = array<i32>} : memref<4x6x32xi32, #tpu.memory_space<vmem>>, vector<1x1x16xi32>,
      %mul3A_643 = arith.constant 384 : i32
      %mul3A_644 = arith.muli %mul3A_643, %add3A_413 : i32
      %mul3A_645 = arith.constant 192 : i32
      %mul3A_646 = arith.muli %mul3A_645, %rem3A_408 : i32
      %add3A_647 = arith.addi %mul3A_644, %mul3A_646 : i32
      %add3A_648 = arith.constant 96 : i32
      %add3A_649 = arith.addi %add3A_647, %add3A_648 : i32
      %add3A_650 = arith.constant 40 : i32
      %add3A_651 = arith.addi %add3A_649, %add3A_650 : i32
      %add3A_652 = vector.broadcast %add3A_651 : i32 to vector<16xi32>
      %add3A_653 = arith.addi %add3A_652, %select_n3A_445 : vector<16xi32>
      %swap3A_654 = arith.constant 5 : i32
      %swap3A_655 = arith.index_cast %rem3A_410 : i32 to index
      %swap3A_656 = arith.index_cast %swap3A_654 : i32 to index
      %swap3A_657 = arith.constant 16 : index
      %swap3A_658 = tpu.vector_load %arg9[%swap3A_655, %swap3A_656, %swap3A_657] {strides = array<i32>} : memref<4x6x32xi32, #tpu.memory_space<vmem>>, vector<1x1x16xi32>,
      %swap3A_659 = vector.shape_cast %swap3A_658 : vector<1x1x16xi32> to vector<16xi32>
      %swap3A_660 = vector.shape_cast %add3A_653 : vector<16xi32> to vector<1x1x16xi32>
      tpu.vector_store %arg9[%swap3A_655, %swap3A_656, %swap3A_657], %swap3A_660 {strides = array<i32>} : memref<4x6x32xi32, #tpu.memory_space<vmem>>, vector<1x1x16xi32>,
      %get3A = arith.constant 0 : index
      %get3A_661 = tpu.vector_load %arg12[%get3A] {strides = array<i32>} : memref<768xf32, #tpu.memory_space<vmem>>, vector<16xf32>,
      %get3A_662 = vector.shape_cast %get3A_661 : vector<16xf32> to vector<16xf32>
      %get3A_663 = arith.constant 16 : index
      %get3A_664 = tpu.vector_load %arg12[%get3A_663] {strides = array<i32>} : memref<768xf32, #tpu.memory_space<vmem>>, vector<16xf32>,
      %get3A_665 = vector.shape_cast %get3A_664 : vector<16xf32> to vector<16xf32>
      %get3A_666 = arith.constant 32 : index
      %get3A_667 = tpu.vector_load %arg12[%get3A_666] {strides = array<i32>} : memref<768xf32, #tpu.memory_space<vmem>>, vector<16xf32>,
      %get3A_668 = vector.shape_cast %get3A_667 : vector<16xf32> to vector<16xf32>
      %get3A_669 = arith.constant 48 : index
      %get3A_670 = tpu.vector_load %arg12[%get3A_669] {strides = array<i32>} : memref<768xf32, #tpu.memory_space<vmem>>, vector<16xf32>,
      %get3A_671 = vector.shape_cast %get3A_670 : vector<16xf32> to vector<16xf32>
      %get3A_672 = arith.constant 64 : index
      %get3A_673 = tpu.vector_load %arg12[%get3A_672] {strides = array<i32>} : memref<768xf32, #tpu.memory_space<vmem>>, vector<16xf32>,
      %get3A_674 = vector.shape_cast %get3A_673 : vector<16xf32> to vector<16xf32>
      %get3A_675 = arith.constant 80 : index
      %get3A_676 = tpu.vector_load %arg12[%get3A_675] {strides = array<i32>} : memref<768xf32, #tpu.memory_space<vmem>>, vector<16xf32>,
      %get3A_677 = vector.shape_cast %get3A_676 : vector<16xf32> to vector<16xf32>
      %get3A_678 = arith.constant 96 : index
      %get3A_679 = tpu.vector_load %arg12[%get3A_678] {strides = array<i32>} : memref<768xf32, #tpu.memory_space<vmem>>, vector<16xf32>,
      %get3A_680 = vector.shape_cast %get3A_679 : vector<16xf32> to vector<16xf32>
      %get3A_681 = arith.constant 112 : index
      %get3A_682 = tpu.vector_load %arg12[%get3A_681] {strides = array<i32>} : memref<768xf32, #tpu.memory_space<vmem>>, vector<16xf32>,
      %get3A_683 = vector.shape_cast %get3A_682 : vector<16xf32> to vector<16xf32>
      %get3A_684 = arith.constant 128 : index
      %get3A_685 = tpu.vector_load %arg12[%get3A_684] {strides = array<i32>} : memref<768xf32, #tpu.memory_space<vmem>>, vector<16xf32>,
      %get3A_686 = vector.shape_cast %get3A_685 : vector<16xf32> to vector<16xf32>
      %get3A_687 = arith.constant 144 : index
      %get3A_688 = tpu.vector_load %arg12[%get3A_687] {strides = array<i32>} : memref<768xf32, #tpu.memory_space<vmem>>, vector<16xf32>,
      %get3A_689 = vector.shape_cast %get3A_688 : vector<16xf32> to vector<16xf32>
      %get3A_690 = arith.constant 160 : index
      %get3A_691 = tpu.vector_load %arg12[%get3A_690] {strides = array<i32>} : memref<768xf32, #tpu.memory_space<vmem>>, vector<16xf32>,
      %get3A_692 = vector.shape_cast %get3A_691 : vector<16xf32> to vector<16xf32>
      %get3A_693 = arith.constant 176 : index
      %get3A_694 = tpu.vector_load %arg12[%get3A_693] {strides = array<i32>} : memref<768xf32, #tpu.memory_space<vmem>>, vector<16xf32>,
      %get3A_695 = vector.shape_cast %get3A_694 : vector<16xf32> to vector<16xf32>
      %get3A_696 = arith.constant 192 : index
      %get3A_697 = tpu.vector_load %arg12[%get3A_696] {strides = array<i32>} : memref<768xf32, #tpu.memory_space<vmem>>, vector<16xf32>,
      %get3A_698 = vector.shape_cast %get3A_697 : vector<16xf32> to vector<16xf32>
      %get3A_699 = arith.constant 208 : index
      %get3A_700 = tpu.vector_load %arg12[%get3A_699] {strides = array<i32>} : memref<768xf32, #tpu.memory_space<vmem>>, vector<16xf32>,
      %get3A_701 = vector.shape_cast %get3A_700 : vector<16xf32> to vector<16xf32>
      %get3A_702 = arith.constant 224 : index
      %get3A_703 = tpu.vector_load %arg12[%get3A_702] {strides = array<i32>} : memref<768xf32, #tpu.memory_space<vmem>>, vector<16xf32>,
      %get3A_704 = vector.shape_cast %get3A_703 : vector<16xf32> to vector<16xf32>
      %get3A_705 = arith.constant 240 : index
      %get3A_706 = tpu.vector_load %arg12[%get3A_705] {strides = array<i32>} : memref<768xf32, #tpu.memory_space<vmem>>, vector<16xf32>,
      %get3A_707 = vector.shape_cast %get3A_706 : vector<16xf32> to vector<16xf32>
      %parallel_loop3A = arith.constant 0 : i32
      %parallel_loop3A_708 = arith.constant 32 : i32
      %parallel_loop3A_709 = arith.constant 1 : i32
      %parallel_loop3A_710:16 = scf.for %parallel_loop3A_893 = %parallel_loop3A to %parallel_loop3A_708 step %parallel_loop3A_709 iter_args(%parallel_loop3A_894 = %get3A_662, %parallel_loop3A_895 = %get3A_665, %parallel_loop3A_896 = %get3A_668, %parallel_loop3A_897 = %get3A_671, %parallel_loop3A_898 = %get3A_674, %parallel_loop3A_899 = %get3A_677, %parallel_loop3A_900 = %get3A_680, %parallel_loop3A_901 = %get3A_683, %parallel_loop3A_902 = %get3A_686, %parallel_loop3A_903 = %get3A_689, %parallel_loop3A_904 = %get3A_692, %parallel_loop3A_905 = %get3A_695, %parallel_loop3A_906 = %get3A_698, %parallel_loop3A_907 = %get3A_701, %parallel_loop3A_908 = %get3A_704, %parallel_loop3A_909 = %get3A_707) -> (vector<16xf32>, vector<16xf32>, vector<16xf32>, vector<16xf32>, vector<16xf32>, vector<16xf32>, vector<16xf32>, vector<16xf32>, vector<16xf32>, vector<16xf32>, vector<16xf32>, vector<16xf32>, vector<16xf32>, vector<16xf32>, vector<16xf32>, vector<16xf32>)  : i32 {
        %parallel_loop3A_910 = arith.index_cast %rem3A_410 : i32 to index
        %parallel_loop3A_911 = arith.index_cast %parallel_loop3A_893 : i32 to index
        %parallel_loop3A_912 = arith.constant 0 : index
        %parallel_loop3A_913 = tpu.vector_load %arg13[%parallel_loop3A_910, %parallel_loop3A_911, %parallel_loop3A_912] {strides = array<i32>} : memref<4x32x768xf32, #tpu.memory_space<vmem>>, vector<1x1x16xf32>,
        %parallel_loop3A_914 = vector.shape_cast %parallel_loop3A_913 : vector<1x1x16xf32> to vector<16xf32>
        %parallel_loop3A_915 = arith.addf %parallel_loop3A_914, %parallel_loop3A_894 : vector<16xf32>
        %parallel_loop3A_916 = arith.index_cast %rem3A_410 : i32 to index
        %parallel_loop3A_917 = arith.index_cast %parallel_loop3A_893 : i32 to index
        %parallel_loop3A_918 = arith.constant 0 : index
        %parallel_loop3A_919 = tpu.vector_load %arg13[%parallel_loop3A_916, %parallel_loop3A_917, %parallel_loop3A_918] {strides = array<i32>} : memref<4x32x768xf32, #tpu.memory_space<vmem>>, vector<1x1x16xf32>,
        %parallel_loop3A_920 = vector.shape_cast %parallel_loop3A_919 : vector<1x1x16xf32> to vector<16xf32>
        %parallel_loop3A_921 = vector.shape_cast %parallel_loop3A_915 : vector<16xf32> to vector<1x1x16xf32>
        tpu.vector_store %arg13[%parallel_loop3A_916, %parallel_loop3A_917, %parallel_loop3A_918], %parallel_loop3A_921 {strides = array<i32>} : memref<4x32x768xf32, #tpu.memory_space<vmem>>, vector<1x1x16xf32>,
        %parallel_loop3A_922 = arith.index_cast %rem3A_410 : i32 to index
        %parallel_loop3A_923 = arith.index_cast %parallel_loop3A_893 : i32 to index
        %parallel_loop3A_924 = arith.constant 16 : index
        %parallel_loop3A_925 = tpu.vector_load %arg13[%parallel_loop3A_922, %parallel_loop3A_923, %parallel_loop3A_924] {strides = array<i32>} : memref<4x32x768xf32, #tpu.memory_space<vmem>>, vector<1x1x16xf32>,
        %parallel_loop3A_926 = vector.shape_cast %parallel_loop3A_925 : vector<1x1x16xf32> to vector<16xf32>
        %parallel_loop3A_927 = arith.addf %parallel_loop3A_926, %parallel_loop3A_895 : vector<16xf32>
        %parallel_loop3A_928 = arith.index_cast %rem3A_410 : i32 to index
        %parallel_loop3A_929 = arith.index_cast %parallel_loop3A_893 : i32 to index
        %parallel_loop3A_930 = arith.constant 16 : index
        %parallel_loop3A_931 = tpu.vector_load %arg13[%parallel_loop3A_928, %parallel_loop3A_929, %parallel_loop3A_930] {strides = array<i32>} : memref<4x32x768xf32, #tpu.memory_space<vmem>>, vector<1x1x16xf32>,
        %parallel_loop3A_932 = vector.shape_cast %parallel_loop3A_931 : vector<1x1x16xf32> to vector<16xf32>
        %parallel_loop3A_933 = vector.shape_cast %parallel_loop3A_927 : vector<16xf32> to vector<1x1x16xf32>
        tpu.vector_store %arg13[%parallel_loop3A_928, %parallel_loop3A_929, %parallel_loop3A_930], %parallel_loop3A_933 {strides = array<i32>} : memref<4x32x768xf32, #tpu.memory_space<vmem>>, vector<1x1x16xf32>,
        %parallel_loop3A_934 = arith.index_cast %rem3A_410 : i32 to index
        %parallel_loop3A_935 = arith.index_cast %parallel_loop3A_893 : i32 to index
        %parallel_loop3A_936 = arith.constant 32 : index
        %parallel_loop3A_937 = tpu.vector_load %arg13[%parallel_loop3A_934, %parallel_loop3A_935, %parallel_loop3A_936] {strides = array<i32>} : memref<4x32x768xf32, #tpu.memory_space<vmem>>, vector<1x1x16xf32>,
        %parallel_loop3A_938 = vector.shape_cast %parallel_loop3A_937 : vector<1x1x16xf32> to vector<16xf32>
        %parallel_loop3A_939 = arith.addf %parallel_loop3A_938, %parallel_loop3A_896 : vector<16xf32>
        %parallel_loop3A_940 = arith.index_cast %rem3A_410 : i32 to index
        %parallel_loop3A_941 = arith.index_cast %parallel_loop3A_893 : i32 to index
        %parallel_loop3A_942 = arith.constant 32 : index
        %parallel_loop3A_943 = tpu.vector_load %arg13[%parallel_loop3A_940, %parallel_loop3A_941, %parallel_loop3A_942] {strides = array<i32>} : memref<4x32x768xf32, #tpu.memory_space<vmem>>, vector<1x1x16xf32>,
        %parallel_loop3A_944 = vector.shape_cast %parallel_loop3A_943 : vector<1x1x16xf32> to vector<16xf32>
        %parallel_loop3A_945 = vector.shape_cast %parallel_loop3A_939 : vector<16xf32> to vector<1x1x16xf32>
        tpu.vector_store %arg13[%parallel_loop3A_940, %parallel_loop3A_941, %parallel_loop3A_942], %parallel_loop3A_945 {strides = array<i32>} : memref<4x32x768xf32, #tpu.memory_space<vmem>>, vector<1x1x16xf32>,
        %parallel_loop3A_946 = arith.index_cast %rem3A_410 : i32 to index
        %parallel_loop3A_947 = arith.index_cast %parallel_loop3A_893 : i32 to index
        %parallel_loop3A_948 = arith.constant 48 : index
        %parallel_loop3A_949 = tpu.vector_load %arg13[%parallel_loop3A_946, %parallel_loop3A_947, %parallel_loop3A_948] {strides = array<i32>} : memref<4x32x768xf32, #tpu.memory_space<vmem>>, vector<1x1x16xf32>,
        %parallel_loop3A_950 = vector.shape_cast %parallel_loop3A_949 : vector<1x1x16xf32> to vector<16xf32>
        %parallel_loop3A_951 = arith.addf %parallel_loop3A_950, %parallel_loop3A_897 : vector<16xf32>
        %parallel_loop3A_952 = arith.index_cast %rem3A_410 : i32 to index
        %parallel_loop3A_953 = arith.index_cast %parallel_loop3A_893 : i32 to index
        %parallel_loop3A_954 = arith.constant 48 : index
        %parallel_loop3A_955 = tpu.vector_load %arg13[%parallel_loop3A_952, %parallel_loop3A_953, %parallel_loop3A_954] {strides = array<i32>} : memref<4x32x768xf32, #tpu.memory_space<vmem>>, vector<1x1x16xf32>,
        %parallel_loop3A_956 = vector.shape_cast %parallel_loop3A_955 : vector<1x1x16xf32> to vector<16xf32>
        %parallel_loop3A_957 = vector.shape_cast %parallel_loop3A_951 : vector<16xf32> to vector<1x1x16xf32>
        tpu.vector_store %arg13[%parallel_loop3A_952, %parallel_loop3A_953, %parallel_loop3A_954], %parallel_loop3A_957 {strides = array<i32>} : memref<4x32x768xf32, #tpu.memory_space<vmem>>, vector<1x1x16xf32>,
        %parallel_loop3A_958 = arith.index_cast %rem3A_410 : i32 to index
        %parallel_loop3A_959 = arith.index_cast %parallel_loop3A_893 : i32 to index
        %parallel_loop3A_960 = arith.constant 64 : index
        %parallel_loop3A_961 = tpu.vector_load %arg13[%parallel_loop3A_958, %parallel_loop3A_959, %parallel_loop3A_960] {strides = array<i32>} : memref<4x32x768xf32, #tpu.memory_space<vmem>>, vector<1x1x16xf32>,
        %parallel_loop3A_962 = vector.shape_cast %parallel_loop3A_961 : vector<1x1x16xf32> to vector<16xf32>
        %parallel_loop3A_963 = arith.addf %parallel_loop3A_962, %parallel_loop3A_898 : vector<16xf32>
        %parallel_loop3A_964 = arith.index_cast %rem3A_410 : i32 to index
        %parallel_loop3A_965 = arith.index_cast %parallel_loop3A_893 : i32 to index
        %parallel_loop3A_966 = arith.constant 64 : index
        %parallel_loop3A_967 = tpu.vector_load %arg13[%parallel_loop3A_964, %parallel_loop3A_965, %parallel_loop3A_966] {strides = array<i32>} : memref<4x32x768xf32, #tpu.memory_space<vmem>>, vector<1x1x16xf32>,
        %parallel_loop3A_968 = vector.shape_cast %parallel_loop3A_967 : vector<1x1x16xf32> to vector<16xf32>
        %parallel_loop3A_969 = vector.shape_cast %parallel_loop3A_963 : vector<16xf32> to vector<1x1x16xf32>
        tpu.vector_store %arg13[%parallel_loop3A_964, %parallel_loop3A_965, %parallel_loop3A_966], %parallel_loop3A_969 {strides = array<i32>} : memref<4x32x768xf32, #tpu.memory_space<vmem>>, vector<1x1x16xf32>,
        %parallel_loop3A_970 = arith.index_cast %rem3A_410 : i32 to index
        %parallel_loop3A_971 = arith.index_cast %parallel_loop3A_893 : i32 to index
        %parallel_loop3A_972 = arith.constant 80 : index
        %parallel_loop3A_973 = tpu.vector_load %arg13[%parallel_loop3A_970, %parallel_loop3A_971, %parallel_loop3A_972] {strides = array<i32>} : memref<4x32x768xf32, #tpu.memory_space<vmem>>, vector<1x1x16xf32>,
        %parallel_loop3A_974 = vector.shape_cast %parallel_loop3A_973 : vector<1x1x16xf32> to vector<16xf32>
        %parallel_loop3A_975 = arith.addf %parallel_loop3A_974, %parallel_loop3A_899 : vector<16xf32>
        %parallel_loop3A_976 = arith.index_cast %rem3A_410 : i32 to index
        %parallel_loop3A_977 = arith.index_cast %parallel_loop3A_893 : i32 to index
        %parallel_loop3A_978 = arith.constant 80 : index
        %parallel_loop3A_979 = tpu.vector_load %arg13[%parallel_loop3A_976, %parallel_loop3A_977, %parallel_loop3A_978] {strides = array<i32>} : memref<4x32x768xf32, #tpu.memory_space<vmem>>, vector<1x1x16xf32>,
        %parallel_loop3A_980 = vector.shape_cast %parallel_loop3A_979 : vector<1x1x16xf32> to vector<16xf32>
        %parallel_loop3A_981 = vector.shape_cast %parallel_loop3A_975 : vector<16xf32> to vector<1x1x16xf32>
        tpu.vector_store %arg13[%parallel_loop3A_976, %parallel_loop3A_977, %parallel_loop3A_978], %parallel_loop3A_981 {strides = array<i32>} : memref<4x32x768xf32, #tpu.memory_space<vmem>>, vector<1x1x16xf32>,
        %parallel_loop3A_982 = arith.index_cast %rem3A_410 : i32 to index
        %parallel_loop3A_983 = arith.index_cast %parallel_loop3A_893 : i32 to index
        %parallel_loop3A_984 = arith.constant 96 : index
        %parallel_loop3A_985 = tpu.vector_load %arg13[%parallel_loop3A_982, %parallel_loop3A_983, %parallel_loop3A_984] {strides = array<i32>} : memref<4x32x768xf32, #tpu.memory_space<vmem>>, vector<1x1x16xf32>,
        %parallel_loop3A_986 = vector.shape_cast %parallel_loop3A_985 : vector<1x1x16xf32> to vector<16xf32>
        %parallel_loop3A_987 = arith.addf %parallel_loop3A_986, %parallel_loop3A_900 : vector<16xf32>
        %parallel_loop3A_988 = arith.index_cast %rem3A_410 : i32 to index
        %parallel_loop3A_989 = arith.index_cast %parallel_loop3A_893 : i32 to index
        %parallel_loop3A_990 = arith.constant 96 : index
        %parallel_loop3A_991 = tpu.vector_load %arg13[%parallel_loop3A_988, %parallel_loop3A_989, %parallel_loop3A_990] {strides = array<i32>} : memref<4x32x768xf32, #tpu.memory_space<vmem>>, vector<1x1x16xf32>,
        %parallel_loop3A_992 = vector.shape_cast %parallel_loop3A_991 : vector<1x1x16xf32> to vector<16xf32>
        %parallel_loop3A_993 = vector.shape_cast %parallel_loop3A_987 : vector<16xf32> to vector<1x1x16xf32>
        tpu.vector_store %arg13[%parallel_loop3A_988, %parallel_loop3A_989, %parallel_loop3A_990], %parallel_loop3A_993 {strides = array<i32>} : memref<4x32x768xf32, #tpu.memory_space<vmem>>, vector<1x1x16xf32>,
        %parallel_loop3A_994 = arith.index_cast %rem3A_410 : i32 to index
        %parallel_loop3A_995 = arith.index_cast %parallel_loop3A_893 : i32 to index
        %parallel_loop3A_996 = arith.constant 112 : index
        %parallel_loop3A_997 = tpu.vector_load %arg13[%parallel_loop3A_994, %parallel_loop3A_995, %parallel_loop3A_996] {strides = array<i32>} : memref<4x32x768xf32, #tpu.memory_space<vmem>>, vector<1x1x16xf32>,
        %parallel_loop3A_998 = vector.shape_cast %parallel_loop3A_997 : vector<1x1x16xf32> to vector<16xf32>
        %parallel_loop3A_999 = arith.addf %parallel_loop3A_998, %parallel_loop3A_901 : vector<16xf32>
        %parallel_loop3A_1000 = arith.index_cast %rem3A_410 : i32 to index
        %parallel_loop3A_1001 = arith.index_cast %parallel_loop3A_893 : i32 to index
        %parallel_loop3A_1002 = arith.constant 112 : index
        %parallel_loop3A_1003 = tpu.vector_load %arg13[%parallel_loop3A_1000, %parallel_loop3A_1001, %parallel_loop3A_1002] {strides = array<i32>} : memref<4x32x768xf32, #tpu.memory_space<vmem>>, vector<1x1x16xf32>,
        %parallel_loop3A_1004 = vector.shape_cast %parallel_loop3A_1003 : vector<1x1x16xf32> to vector<16xf32>
        %parallel_loop3A_1005 = vector.shape_cast %parallel_loop3A_999 : vector<16xf32> to vector<1x1x16xf32>
        tpu.vector_store %arg13[%parallel_loop3A_1000, %parallel_loop3A_1001, %parallel_loop3A_1002], %parallel_loop3A_1005 {strides = array<i32>} : memref<4x32x768xf32, #tpu.memory_space<vmem>>, vector<1x1x16xf32>,
        %parallel_loop3A_1006 = arith.index_cast %rem3A_410 : i32 to index
        %parallel_loop3A_1007 = arith.index_cast %parallel_loop3A_893 : i32 to index
        %parallel_loop3A_1008 = arith.constant 128 : index
        %parallel_loop3A_1009 = tpu.vector_load %arg13[%parallel_loop3A_1006, %parallel_loop3A_1007, %parallel_loop3A_1008] {strides = array<i32>} : memref<4x32x768xf32, #tpu.memory_space<vmem>>, vector<1x1x16xf32>,
        %parallel_loop3A_1010 = vector.shape_cast %parallel_loop3A_1009 : vector<1x1x16xf32> to vector<16xf32>
        %parallel_loop3A_1011 = arith.addf %parallel_loop3A_1010, %parallel_loop3A_902 : vector<16xf32>
        %parallel_loop3A_1012 = arith.index_cast %rem3A_410 : i32 to index
        %parallel_loop3A_1013 = arith.index_cast %parallel_loop3A_893 : i32 to index
        %parallel_loop3A_1014 = arith.constant 128 : index
        %parallel_loop3A_1015 = tpu.vector_load %arg13[%parallel_loop3A_1012, %parallel_loop3A_1013, %parallel_loop3A_1014] {strides = array<i32>} : memref<4x32x768xf32, #tpu.memory_space<vmem>>, vector<1x1x16xf32>,
        %parallel_loop3A_1016 = vector.shape_cast %parallel_loop3A_1015 : vector<1x1x16xf32> to vector<16xf32>
        %parallel_loop3A_1017 = vector.shape_cast %parallel_loop3A_1011 : vector<16xf32> to vector<1x1x16xf32>
        tpu.vector_store %arg13[%parallel_loop3A_1012, %parallel_loop3A_1013, %parallel_loop3A_1014], %parallel_loop3A_1017 {strides = array<i32>} : memref<4x32x768xf32, #tpu.memory_space<vmem>>, vector<1x1x16xf32>,
        %parallel_loop3A_1018 = arith.index_cast %rem3A_410 : i32 to index
        %parallel_loop3A_1019 = arith.index_cast %parallel_loop3A_893 : i32 to index
        %parallel_loop3A_1020 = arith.constant 144 : index
        %parallel_loop3A_1021 = tpu.vector_load %arg13[%parallel_loop3A_1018, %parallel_loop3A_1019, %parallel_loop3A_1020] {strides = array<i32>} : memref<4x32x768xf32, #tpu.memory_space<vmem>>, vector<1x1x16xf32>,
        %parallel_loop3A_1022 = vector.shape_cast %parallel_loop3A_1021 : vector<1x1x16xf32> to vector<16xf32>
        %parallel_loop3A_1023 = arith.addf %parallel_loop3A_1022, %parallel_loop3A_903 : vector<16xf32>
        %parallel_loop3A_1024 = arith.index_cast %rem3A_410 : i32 to index
        %parallel_loop3A_1025 = arith.index_cast %parallel_loop3A_893 : i32 to index
        %parallel_loop3A_1026 = arith.constant 144 : index
        %parallel_loop3A_1027 = tpu.vector_load %arg13[%parallel_loop3A_1024, %parallel_loop3A_1025, %parallel_loop3A_1026] {strides = array<i32>} : memref<4x32x768xf32, #tpu.memory_space<vmem>>, vector<1x1x16xf32>,
        %parallel_loop3A_1028 = vector.shape_cast %parallel_loop3A_1027 : vector<1x1x16xf32> to vector<16xf32>
        %parallel_loop3A_1029 = vector.shape_cast %parallel_loop3A_1023 : vector<16xf32> to vector<1x1x16xf32>
        tpu.vector_store %arg13[%parallel_loop3A_1024, %parallel_loop3A_1025, %parallel_loop3A_1026], %parallel_loop3A_1029 {strides = array<i32>} : memref<4x32x768xf32, #tpu.memory_space<vmem>>, vector<1x1x16xf32>,
        %parallel_loop3A_1030 = arith.index_cast %rem3A_410 : i32 to index
        %parallel_loop3A_1031 = arith.index_cast %parallel_loop3A_893 : i32 to index
        %parallel_loop3A_1032 = arith.constant 160 : index
        %parallel_loop3A_1033 = tpu.vector_load %arg13[%parallel_loop3A_1030, %parallel_loop3A_1031, %parallel_loop3A_1032] {strides = array<i32>} : memref<4x32x768xf32, #tpu.memory_space<vmem>>, vector<1x1x16xf32>,
        %parallel_loop3A_1034 = vector.shape_cast %parallel_loop3A_1033 : vector<1x1x16xf32> to vector<16xf32>
        %parallel_loop3A_1035 = arith.addf %parallel_loop3A_1034, %parallel_loop3A_904 : vector<16xf32>
        %parallel_loop3A_1036 = arith.index_cast %rem3A_410 : i32 to index
        %parallel_loop3A_1037 = arith.index_cast %parallel_loop3A_893 : i32 to index
        %parallel_loop3A_1038 = arith.constant 160 : index
        %parallel_loop3A_1039 = tpu.vector_load %arg13[%parallel_loop3A_1036, %parallel_loop3A_1037, %parallel_loop3A_1038] {strides = array<i32>} : memref<4x32x768xf32, #tpu.memory_space<vmem>>, vector<1x1x16xf32>,
        %parallel_loop3A_1040 = vector.shape_cast %parallel_loop3A_1039 : vector<1x1x16xf32> to vector<16xf32>
        %parallel_loop3A_1041 = vector.shape_cast %parallel_loop3A_1035 : vector<16xf32> to vector<1x1x16xf32>
        tpu.vector_store %arg13[%parallel_loop3A_1036, %parallel_loop3A_1037, %parallel_loop3A_1038], %parallel_loop3A_1041 {strides = array<i32>} : memref<4x32x768xf32, #tpu.memory_space<vmem>>, vector<1x1x16xf32>,
        %parallel_loop3A_1042 = arith.index_cast %rem3A_410 : i32 to index
        %parallel_loop3A_1043 = arith.index_cast %parallel_loop3A_893 : i32 to index
        %parallel_loop3A_1044 = arith.constant 176 : index
        %parallel_loop3A_1045 = tpu.vector_load %arg13[%parallel_loop3A_1042, %parallel_loop3A_1043, %parallel_loop3A_1044] {strides = array<i32>} : memref<4x32x768xf32, #tpu.memory_space<vmem>>, vector<1x1x16xf32>,
        %parallel_loop3A_1046 = vector.shape_cast %parallel_loop3A_1045 : vector<1x1x16xf32> to vector<16xf32>
        %parallel_loop3A_1047 = arith.addf %parallel_loop3A_1046, %parallel_loop3A_905 : vector<16xf32>
        %parallel_loop3A_1048 = arith.index_cast %rem3A_410 : i32 to index
        %parallel_loop3A_1049 = arith.index_cast %parallel_loop3A_893 : i32 to index
        %parallel_loop3A_1050 = arith.constant 176 : index
        %parallel_loop3A_1051 = tpu.vector_load %arg13[%parallel_loop3A_1048, %parallel_loop3A_1049, %parallel_loop3A_1050] {strides = array<i32>} : memref<4x32x768xf32, #tpu.memory_space<vmem>>, vector<1x1x16xf32>,
        %parallel_loop3A_1052 = vector.shape_cast %parallel_loop3A_1051 : vector<1x1x16xf32> to vector<16xf32>
        %parallel_loop3A_1053 = vector.shape_cast %parallel_loop3A_1047 : vector<16xf32> to vector<1x1x16xf32>
        tpu.vector_store %arg13[%parallel_loop3A_1048, %parallel_loop3A_1049, %parallel_loop3A_1050], %parallel_loop3A_1053 {strides = array<i32>} : memref<4x32x768xf32, #tpu.memory_space<vmem>>, vector<1x1x16xf32>,
        %parallel_loop3A_1054 = arith.index_cast %rem3A_410 : i32 to index
        %parallel_loop3A_1055 = arith.index_cast %parallel_loop3A_893 : i32 to index
        %parallel_loop3A_1056 = arith.constant 192 : index
        %parallel_loop3A_1057 = tpu.vector_load %arg13[%parallel_loop3A_1054, %parallel_loop3A_1055, %parallel_loop3A_1056] {strides = array<i32>} : memref<4x32x768xf32, #tpu.memory_space<vmem>>, vector<1x1x16xf32>,
        %parallel_loop3A_1058 = vector.shape_cast %parallel_loop3A_1057 : vector<1x1x16xf32> to vector<16xf32>
        %parallel_loop3A_1059 = arith.addf %parallel_loop3A_1058, %parallel_loop3A_906 : vector<16xf32>
        %parallel_loop3A_1060 = arith.index_cast %rem3A_410 : i32 to index
        %parallel_loop3A_1061 = arith.index_cast %parallel_loop3A_893 : i32 to index
        %parallel_loop3A_1062 = arith.constant 192 : index
        %parallel_loop3A_1063 = tpu.vector_load %arg13[%parallel_loop3A_1060, %parallel_loop3A_1061, %parallel_loop3A_1062] {strides = array<i32>} : memref<4x32x768xf32, #tpu.memory_space<vmem>>, vector<1x1x16xf32>,
        %parallel_loop3A_1064 = vector.shape_cast %parallel_loop3A_1063 : vector<1x1x16xf32> to vector<16xf32>
        %parallel_loop3A_1065 = vector.shape_cast %parallel_loop3A_1059 : vector<16xf32> to vector<1x1x16xf32>
        tpu.vector_store %arg13[%parallel_loop3A_1060, %parallel_loop3A_1061, %parallel_loop3A_1062], %parallel_loop3A_1065 {strides = array<i32>} : memref<4x32x768xf32, #tpu.memory_space<vmem>>, vector<1x1x16xf32>,
        %parallel_loop3A_1066 = arith.index_cast %rem3A_410 : i32 to index
        %parallel_loop3A_1067 = arith.index_cast %parallel_loop3A_893 : i32 to index
        %parallel_loop3A_1068 = arith.constant 208 : index
        %parallel_loop3A_1069 = tpu.vector_load %arg13[%parallel_loop3A_1066, %parallel_loop3A_1067, %parallel_loop3A_1068] {strides = array<i32>} : memref<4x32x768xf32, #tpu.memory_space<vmem>>, vector<1x1x16xf32>,
        %parallel_loop3A_1070 = vector.shape_cast %parallel_loop3A_1069 : vector<1x1x16xf32> to vector<16xf32>
        %parallel_loop3A_1071 = arith.addf %parallel_loop3A_1070, %parallel_loop3A_907 : vector<16xf32>
        %parallel_loop3A_1072 = arith.index_cast %rem3A_410 : i32 to index
        %parallel_loop3A_1073 = arith.index_cast %parallel_loop3A_893 : i32 to index
        %parallel_loop3A_1074 = arith.constant 208 : index
        %parallel_loop3A_1075 = tpu.vector_load %arg13[%parallel_loop3A_1072, %parallel_loop3A_1073, %parallel_loop3A_1074] {strides = array<i32>} : memref<4x32x768xf32, #tpu.memory_space<vmem>>, vector<1x1x16xf32>,
        %parallel_loop3A_1076 = vector.shape_cast %parallel_loop3A_1075 : vector<1x1x16xf32> to vector<16xf32>
        %parallel_loop3A_1077 = vector.shape_cast %parallel_loop3A_1071 : vector<16xf32> to vector<1x1x16xf32>
        tpu.vector_store %arg13[%parallel_loop3A_1072, %parallel_loop3A_1073, %parallel_loop3A_1074], %parallel_loop3A_1077 {strides = array<i32>} : memref<4x32x768xf32, #tpu.memory_space<vmem>>, vector<1x1x16xf32>,
        %parallel_loop3A_1078 = arith.index_cast %rem3A_410 : i32 to index
        %parallel_loop3A_1079 = arith.index_cast %parallel_loop3A_893 : i32 to index
        %parallel_loop3A_1080 = arith.constant 224 : index
        %parallel_loop3A_1081 = tpu.vector_load %arg13[%parallel_loop3A_1078, %parallel_loop3A_1079, %parallel_loop3A_1080] {strides = array<i32>} : memref<4x32x768xf32, #tpu.memory_space<vmem>>, vector<1x1x16xf32>,
        %parallel_loop3A_1082 = vector.shape_cast %parallel_loop3A_1081 : vector<1x1x16xf32> to vector<16xf32>
        %parallel_loop3A_1083 = arith.addf %parallel_loop3A_1082, %parallel_loop3A_908 : vector<16xf32>
        %parallel_loop3A_1084 = arith.index_cast %rem3A_410 : i32 to index
        %parallel_loop3A_1085 = arith.index_cast %parallel_loop3A_893 : i32 to index
        %parallel_loop3A_1086 = arith.constant 224 : index
        %parallel_loop3A_1087 = tpu.vector_load %arg13[%parallel_loop3A_1084, %parallel_loop3A_1085, %parallel_loop3A_1086] {strides = array<i32>} : memref<4x32x768xf32, #tpu.memory_space<vmem>>, vector<1x1x16xf32>,
        %parallel_loop3A_1088 = vector.shape_cast %parallel_loop3A_1087 : vector<1x1x16xf32> to vector<16xf32>
        %parallel_loop3A_1089 = vector.shape_cast %parallel_loop3A_1083 : vector<16xf32> to vector<1x1x16xf32>
        tpu.vector_store %arg13[%parallel_loop3A_1084, %parallel_loop3A_1085, %parallel_loop3A_1086], %parallel_loop3A_1089 {strides = array<i32>} : memref<4x32x768xf32, #tpu.memory_space<vmem>>, vector<1x1x16xf32>,
        %parallel_loop3A_1090 = arith.index_cast %rem3A_410 : i32 to index
        %parallel_loop3A_1091 = arith.index_cast %parallel_loop3A_893 : i32 to index
        %parallel_loop3A_1092 = arith.constant 240 : index
        %parallel_loop3A_1093 = tpu.vector_load %arg13[%parallel_loop3A_1090, %parallel_loop3A_1091, %parallel_loop3A_1092] {strides = array<i32>} : memref<4x32x768xf32, #tpu.memory_space<vmem>>, vector<1x1x16xf32>,
        %parallel_loop3A_1094 = vector.shape_cast %parallel_loop3A_1093 : vector<1x1x16xf32> to vector<16xf32>
        %parallel_loop3A_1095 = arith.addf %parallel_loop3A_1094, %parallel_loop3A_909 : vector<16xf32>
        %parallel_loop3A_1096 = arith.index_cast %rem3A_410 : i32 to index
        %parallel_loop3A_1097 = arith.index_cast %parallel_loop3A_893 : i32 to index
        %parallel_loop3A_1098 = arith.constant 240 : index
        %parallel_loop3A_1099 = tpu.vector_load %arg13[%parallel_loop3A_1096, %parallel_loop3A_1097, %parallel_loop3A_1098] {strides = array<i32>} : memref<4x32x768xf32, #tpu.memory_space<vmem>>, vector<1x1x16xf32>,
        %parallel_loop3A_1100 = vector.shape_cast %parallel_loop3A_1099 : vector<1x1x16xf32> to vector<16xf32>
        %parallel_loop3A_1101 = vector.shape_cast %parallel_loop3A_1095 : vector<16xf32> to vector<1x1x16xf32>
        tpu.vector_store %arg13[%parallel_loop3A_1096, %parallel_loop3A_1097, %parallel_loop3A_1098], %parallel_loop3A_1101 {strides = array<i32>} : memref<4x32x768xf32, #tpu.memory_space<vmem>>, vector<1x1x16xf32>,
        scf.yield %parallel_loop3A_894, %parallel_loop3A_895, %parallel_loop3A_896, %parallel_loop3A_897, %parallel_loop3A_898, %parallel_loop3A_899, %parallel_loop3A_900, %parallel_loop3A_901, %parallel_loop3A_902, %parallel_loop3A_903, %parallel_loop3A_904, %parallel_loop3A_905, %parallel_loop3A_906, %parallel_loop3A_907, %parallel_loop3A_908, %parallel_loop3A_909 : vector<16xf32>, vector<16xf32>, vector<16xf32>, vector<16xf32>, vector<16xf32>, vector<16xf32>, vector<16xf32>, vector<16xf32>, vector<16xf32>, vector<16xf32>, vector<16xf32>, vector<16xf32>, vector<16xf32>, vector<16xf32>, vector<16xf32>, vector<16xf32>
      } {sc.loop_unroll_factor = 1 : i64, sc.parallel_access}
      %get3A_711 = arith.constant 256 : index
      %get3A_712 = tpu.vector_load %arg12[%get3A_711] {strides = array<i32>} : memref<768xf32, #tpu.memory_space<vmem>>, vector<16xf32>,
      %get3A_713 = vector.shape_cast %get3A_712 : vector<16xf32> to vector<16xf32>
      %get3A_714 = arith.constant 272 : index
      %get3A_715 = tpu.vector_load %arg12[%get3A_714] {strides = array<i32>} : memref<768xf32, #tpu.memory_space<vmem>>, vector<16xf32>,
      %get3A_716 = vector.shape_cast %get3A_715 : vector<16xf32> to vector<16xf32>
      %get3A_717 = arith.constant 288 : index
      %get3A_718 = tpu.vector_load %arg12[%get3A_717] {strides = array<i32>} : memref<768xf32, #tpu.memory_space<vmem>>, vector<16xf32>,
      %get3A_719 = vector.shape_cast %get3A_718 : vector<16xf32> to vector<16xf32>
      %get3A_720 = arith.constant 304 : index
      %get3A_721 = tpu.vector_load %arg12[%get3A_720] {strides = array<i32>} : memref<768xf32, #tpu.memory_space<vmem>>, vector<16xf32>,
      %get3A_722 = vector.shape_cast %get3A_721 : vector<16xf32> to vector<16xf32>
      %get3A_723 = arith.constant 320 : index
      %get3A_724 = tpu.vector_load %arg12[%get3A_723] {strides = array<i32>} : memref<768xf32, #tpu.memory_space<vmem>>, vector<16xf32>,
      %get3A_725 = vector.shape_cast %get3A_724 : vector<16xf32> to vector<16xf32>
      %get3A_726 = arith.constant 336 : index
      %get3A_727 = tpu.vector_load %arg12[%get3A_726] {strides = array<i32>} : memref<768xf32, #tpu.memory_space<vmem>>, vector<16xf32>,
      %get3A_728 = vector.shape_cast %get3A_727 : vector<16xf32> to vector<16xf32>
      %get3A_729 = arith.constant 352 : index
      %get3A_730 = tpu.vector_load %arg12[%get3A_729] {strides = array<i32>} : memref<768xf32, #tpu.memory_space<vmem>>, vector<16xf32>,
      %get3A_731 = vector.shape_cast %get3A_730 : vector<16xf32> to vector<16xf32>
      %get3A_732 = arith.constant 368 : index
      %get3A_733 = tpu.vector_load %arg12[%get3A_732] {strides = array<i32>} : memref<768xf32, #tpu.memory_space<vmem>>, vector<16xf32>,
      %get3A_734 = vector.shape_cast %get3A_733 : vector<16xf32> to vector<16xf32>
      %get3A_735 = arith.constant 384 : index
      %get3A_736 = tpu.vector_load %arg12[%get3A_735] {strides = array<i32>} : memref<768xf32, #tpu.memory_space<vmem>>, vector<16xf32>,
      %get3A_737 = vector.shape_cast %get3A_736 : vector<16xf32> to vector<16xf32>
      %get3A_738 = arith.constant 400 : index
      %get3A_739 = tpu.vector_load %arg12[%get3A_738] {strides = array<i32>} : memref<768xf32, #tpu.memory_space<vmem>>, vector<16xf32>,
      %get3A_740 = vector.shape_cast %get3A_739 : vector<16xf32> to vector<16xf32>
      %get3A_741 = arith.constant 416 : index
      %get3A_742 = tpu.vector_load %arg12[%get3A_741] {strides = array<i32>} : memref<768xf32, #tpu.memory_space<vmem>>, vector<16xf32>,
      %get3A_743 = vector.shape_cast %get3A_742 : vector<16xf32> to vector<16xf32>
      %get3A_744 = arith.constant 432 : index
      %get3A_745 = tpu.vector_load %arg12[%get3A_744] {strides = array<i32>} : memref<768xf32, #tpu.memory_space<vmem>>, vector<16xf32>,
      %get3A_746 = vector.shape_cast %get3A_745 : vector<16xf32> to vector<16xf32>
      %get3A_747 = arith.constant 448 : index
      %get3A_748 = tpu.vector_load %arg12[%get3A_747] {strides = array<i32>} : memref<768xf32, #tpu.memory_space<vmem>>, vector<16xf32>,
      %get3A_749 = vector.shape_cast %get3A_748 : vector<16xf32> to vector<16xf32>
      %get3A_750 = arith.constant 464 : index
      %get3A_751 = tpu.vector_load %arg12[%get3A_750] {strides = array<i32>} : memref<768xf32, #tpu.memory_space<vmem>>, vector<16xf32>,
      %get3A_752 = vector.shape_cast %get3A_751 : vector<16xf32> to vector<16xf32>
      %get3A_753 = arith.constant 480 : index
      %get3A_754 = tpu.vector_load %arg12[%get3A_753] {strides = array<i32>} : memref<768xf32, #tpu.memory_space<vmem>>, vector<16xf32>,
      %get3A_755 = vector.shape_cast %get3A_754 : vector<16xf32> to vector<16xf32>
      %get3A_756 = arith.constant 496 : index
      %get3A_757 = tpu.vector_load %arg12[%get3A_756] {strides = array<i32>} : memref<768xf32, #tpu.memory_space<vmem>>, vector<16xf32>,
      %get3A_758 = vector.shape_cast %get3A_757 : vector<16xf32> to vector<16xf32>
      %parallel_loop3A_759 = arith.constant 0 : i32
      %parallel_loop3A_760 = arith.constant 32 : i32
      %parallel_loop3A_761 = arith.constant 1 : i32
      %parallel_loop3A_762:16 = scf.for %parallel_loop3A_893 = %parallel_loop3A_759 to %parallel_loop3A_760 step %parallel_loop3A_761 iter_args(%parallel_loop3A_894 = %get3A_713, %parallel_loop3A_895 = %get3A_716, %parallel_loop3A_896 = %get3A_719, %parallel_loop3A_897 = %get3A_722, %parallel_loop3A_898 = %get3A_725, %parallel_loop3A_899 = %get3A_728, %parallel_loop3A_900 = %get3A_731, %parallel_loop3A_901 = %get3A_734, %parallel_loop3A_902 = %get3A_737, %parallel_loop3A_903 = %get3A_740, %parallel_loop3A_904 = %get3A_743, %parallel_loop3A_905 = %get3A_746, %parallel_loop3A_906 = %get3A_749, %parallel_loop3A_907 = %get3A_752, %parallel_loop3A_908 = %get3A_755, %parallel_loop3A_909 = %get3A_758) -> (vector<16xf32>, vector<16xf32>, vector<16xf32>, vector<16xf32>, vector<16xf32>, vector<16xf32>, vector<16xf32>, vector<16xf32>, vector<16xf32>, vector<16xf32>, vector<16xf32>, vector<16xf32>, vector<16xf32>, vector<16xf32>, vector<16xf32>, vector<16xf32>)  : i32 {
        %parallel_loop3A_910 = arith.index_cast %rem3A_410 : i32 to index
        %parallel_loop3A_911 = arith.index_cast %parallel_loop3A_893 : i32 to index
        %parallel_loop3A_912 = arith.constant 256 : index
        %parallel_loop3A_913 = tpu.vector_load %arg13[%parallel_loop3A_910, %parallel_loop3A_911, %parallel_loop3A_912] {strides = array<i32>} : memref<4x32x768xf32, #tpu.memory_space<vmem>>, vector<1x1x16xf32>,
        %parallel_loop3A_914 = vector.shape_cast %parallel_loop3A_913 : vector<1x1x16xf32> to vector<16xf32>
        %parallel_loop3A_915 = arith.addf %parallel_loop3A_914, %parallel_loop3A_894 : vector<16xf32>
        %parallel_loop3A_916 = arith.index_cast %rem3A_410 : i32 to index
        %parallel_loop3A_917 = arith.index_cast %parallel_loop3A_893 : i32 to index
        %parallel_loop3A_918 = arith.constant 256 : index
        %parallel_loop3A_919 = tpu.vector_load %arg13[%parallel_loop3A_916, %parallel_loop3A_917, %parallel_loop3A_918] {strides = array<i32>} : memref<4x32x768xf32, #tpu.memory_space<vmem>>, vector<1x1x16xf32>,
        %parallel_loop3A_920 = vector.shape_cast %parallel_loop3A_919 : vector<1x1x16xf32> to vector<16xf32>
        %parallel_loop3A_921 = vector.shape_cast %parallel_loop3A_915 : vector<16xf32> to vector<1x1x16xf32>
        tpu.vector_store %arg13[%parallel_loop3A_916, %parallel_loop3A_917, %parallel_loop3A_918], %parallel_loop3A_921 {strides = array<i32>} : memref<4x32x768xf32, #tpu.memory_space<vmem>>, vector<1x1x16xf32>,
        %parallel_loop3A_922 = arith.index_cast %rem3A_410 : i32 to index
        %parallel_loop3A_923 = arith.index_cast %parallel_loop3A_893 : i32 to index
        %parallel_loop3A_924 = arith.constant 272 : index
        %parallel_loop3A_925 = tpu.vector_load %arg13[%parallel_loop3A_922, %parallel_loop3A_923, %parallel_loop3A_924] {strides = array<i32>} : memref<4x32x768xf32, #tpu.memory_space<vmem>>, vector<1x1x16xf32>,
        %parallel_loop3A_926 = vector.shape_cast %parallel_loop3A_925 : vector<1x1x16xf32> to vector<16xf32>
        %parallel_loop3A_927 = arith.addf %parallel_loop3A_926, %parallel_loop3A_895 : vector<16xf32>
        %parallel_loop3A_928 = arith.index_cast %rem3A_410 : i32 to index
        %parallel_loop3A_929 = arith.index_cast %parallel_loop3A_893 : i32 to index
        %parallel_loop3A_930 = arith.constant 272 : index
        %parallel_loop3A_931 = tpu.vector_load %arg13[%parallel_loop3A_928, %parallel_loop3A_929, %parallel_loop3A_930] {strides = array<i32>} : memref<4x32x768xf32, #tpu.memory_space<vmem>>, vector<1x1x16xf32>,
        %parallel_loop3A_932 = vector.shape_cast %parallel_loop3A_931 : vector<1x1x16xf32> to vector<16xf32>
        %parallel_loop3A_933 = vector.shape_cast %parallel_loop3A_927 : vector<16xf32> to vector<1x1x16xf32>
        tpu.vector_store %arg13[%parallel_loop3A_928, %parallel_loop3A_929, %parallel_loop3A_930], %parallel_loop3A_933 {strides = array<i32>} : memref<4x32x768xf32, #tpu.memory_space<vmem>>, vector<1x1x16xf32>,
        %parallel_loop3A_934 = arith.index_cast %rem3A_410 : i32 to index
        %parallel_loop3A_935 = arith.index_cast %parallel_loop3A_893 : i32 to index
        %parallel_loop3A_936 = arith.constant 288 : index
        %parallel_loop3A_937 = tpu.vector_load %arg13[%parallel_loop3A_934, %parallel_loop3A_935, %parallel_loop3A_936] {strides = array<i32>} : memref<4x32x768xf32, #tpu.memory_space<vmem>>, vector<1x1x16xf32>,
        %parallel_loop3A_938 = vector.shape_cast %parallel_loop3A_937 : vector<1x1x16xf32> to vector<16xf32>
        %parallel_loop3A_939 = arith.addf %parallel_loop3A_938, %parallel_loop3A_896 : vector<16xf32>
        %parallel_loop3A_940 = arith.index_cast %rem3A_410 : i32 to index
        %parallel_loop3A_941 = arith.index_cast %parallel_loop3A_893 : i32 to index
        %parallel_loop3A_942 = arith.constant 288 : index
        %parallel_loop3A_943 = tpu.vector_load %arg13[%parallel_loop3A_940, %parallel_loop3A_941, %parallel_loop3A_942] {strides = array<i32>} : memref<4x32x768xf32, #tpu.memory_space<vmem>>, vector<1x1x16xf32>,
        %parallel_loop3A_944 = vector.shape_cast %parallel_loop3A_943 : vector<1x1x16xf32> to vector<16xf32>
        %parallel_loop3A_945 = vector.shape_cast %parallel_loop3A_939 : vector<16xf32> to vector<1x1x16xf32>
        tpu.vector_store %arg13[%parallel_loop3A_940, %parallel_loop3A_941, %parallel_loop3A_942], %parallel_loop3A_945 {strides = array<i32>} : memref<4x32x768xf32, #tpu.memory_space<vmem>>, vector<1x1x16xf32>,
        %parallel_loop3A_946 = arith.index_cast %rem3A_410 : i32 to index
        %parallel_loop3A_947 = arith.index_cast %parallel_loop3A_893 : i32 to index
        %parallel_loop3A_948 = arith.constant 304 : index
        %parallel_loop3A_949 = tpu.vector_load %arg13[%parallel_loop3A_946, %parallel_loop3A_947, %parallel_loop3A_948] {strides = array<i32>} : memref<4x32x768xf32, #tpu.memory_space<vmem>>, vector<1x1x16xf32>,
        %parallel_loop3A_950 = vector.shape_cast %parallel_loop3A_949 : vector<1x1x16xf32> to vector<16xf32>
        %parallel_loop3A_951 = arith.addf %parallel_loop3A_950, %parallel_loop3A_897 : vector<16xf32>
        %parallel_loop3A_952 = arith.index_cast %rem3A_410 : i32 to index
        %parallel_loop3A_953 = arith.index_cast %parallel_loop3A_893 : i32 to index
        %parallel_loop3A_954 = arith.constant 304 : index
        %parallel_loop3A_955 = tpu.vector_load %arg13[%parallel_loop3A_952, %parallel_loop3A_953, %parallel_loop3A_954] {strides = array<i32>} : memref<4x32x768xf32, #tpu.memory_space<vmem>>, vector<1x1x16xf32>,
        %parallel_loop3A_956 = vector.shape_cast %parallel_loop3A_955 : vector<1x1x16xf32> to vector<16xf32>
        %parallel_loop3A_957 = vector.shape_cast %parallel_loop3A_951 : vector<16xf32> to vector<1x1x16xf32>
        tpu.vector_store %arg13[%parallel_loop3A_952, %parallel_loop3A_953, %parallel_loop3A_954], %parallel_loop3A_957 {strides = array<i32>} : memref<4x32x768xf32, #tpu.memory_space<vmem>>, vector<1x1x16xf32>,
        %parallel_loop3A_958 = arith.index_cast %rem3A_410 : i32 to index
        %parallel_loop3A_959 = arith.index_cast %parallel_loop3A_893 : i32 to index
        %parallel_loop3A_960 = arith.constant 320 : index
        %parallel_loop3A_961 = tpu.vector_load %arg13[%parallel_loop3A_958, %parallel_loop3A_959, %parallel_loop3A_960] {strides = array<i32>} : memref<4x32x768xf32, #tpu.memory_space<vmem>>, vector<1x1x16xf32>,
        %parallel_loop3A_962 = vector.shape_cast %parallel_loop3A_961 : vector<1x1x16xf32> to vector<16xf32>
        %parallel_loop3A_963 = arith.addf %parallel_loop3A_962, %parallel_loop3A_898 : vector<16xf32>
        %parallel_loop3A_964 = arith.index_cast %rem3A_410 : i32 to index
        %parallel_loop3A_965 = arith.index_cast %parallel_loop3A_893 : i32 to index
        %parallel_loop3A_966 = arith.constant 320 : index
        %parallel_loop3A_967 = tpu.vector_load %arg13[%parallel_loop3A_964, %parallel_loop3A_965, %parallel_loop3A_966] {strides = array<i32>} : memref<4x32x768xf32, #tpu.memory_space<vmem>>, vector<1x1x16xf32>,
        %parallel_loop3A_968 = vector.shape_cast %parallel_loop3A_967 : vector<1x1x16xf32> to vector<16xf32>
        %parallel_loop3A_969 = vector.shape_cast %parallel_loop3A_963 : vector<16xf32> to vector<1x1x16xf32>
        tpu.vector_store %arg13[%parallel_loop3A_964, %parallel_loop3A_965, %parallel_loop3A_966], %parallel_loop3A_969 {strides = array<i32>} : memref<4x32x768xf32, #tpu.memory_space<vmem>>, vector<1x1x16xf32>,
        %parallel_loop3A_970 = arith.index_cast %rem3A_410 : i32 to index
        %parallel_loop3A_971 = arith.index_cast %parallel_loop3A_893 : i32 to index
        %parallel_loop3A_972 = arith.constant 336 : index
        %parallel_loop3A_973 = tpu.vector_load %arg13[%parallel_loop3A_970, %parallel_loop3A_971, %parallel_loop3A_972] {strides = array<i32>} : memref<4x32x768xf32, #tpu.memory_space<vmem>>, vector<1x1x16xf32>,
        %parallel_loop3A_974 = vector.shape_cast %parallel_loop3A_973 : vector<1x1x16xf32> to vector<16xf32>
        %parallel_loop3A_975 = arith.addf %parallel_loop3A_974, %parallel_loop3A_899 : vector<16xf32>
        %parallel_loop3A_976 = arith.index_cast %rem3A_410 : i32 to index
        %parallel_loop3A_977 = arith.index_cast %parallel_loop3A_893 : i32 to index
        %parallel_loop3A_978 = arith.constant 336 : index
        %parallel_loop3A_979 = tpu.vector_load %arg13[%parallel_loop3A_976, %parallel_loop3A_977, %parallel_loop3A_978] {strides = array<i32>} : memref<4x32x768xf32, #tpu.memory_space<vmem>>, vector<1x1x16xf32>,
        %parallel_loop3A_980 = vector.shape_cast %parallel_loop3A_979 : vector<1x1x16xf32> to vector<16xf32>
        %parallel_loop3A_981 = vector.shape_cast %parallel_loop3A_975 : vector<16xf32> to vector<1x1x16xf32>
        tpu.vector_store %arg13[%parallel_loop3A_976, %parallel_loop3A_977, %parallel_loop3A_978], %parallel_loop3A_981 {strides = array<i32>} : memref<4x32x768xf32, #tpu.memory_space<vmem>>, vector<1x1x16xf32>,
        %parallel_loop3A_982 = arith.index_cast %rem3A_410 : i32 to index
        %parallel_loop3A_983 = arith.index_cast %parallel_loop3A_893 : i32 to index
        %parallel_loop3A_984 = arith.constant 352 : index
        %parallel_loop3A_985 = tpu.vector_load %arg13[%parallel_loop3A_982, %parallel_loop3A_983, %parallel_loop3A_984] {strides = array<i32>} : memref<4x32x768xf32, #tpu.memory_space<vmem>>, vector<1x1x16xf32>,
        %parallel_loop3A_986 = vector.shape_cast %parallel_loop3A_985 : vector<1x1x16xf32> to vector<16xf32>
        %parallel_loop3A_987 = arith.addf %parallel_loop3A_986, %parallel_loop3A_900 : vector<16xf32>
        %parallel_loop3A_988 = arith.index_cast %rem3A_410 : i32 to index
        %parallel_loop3A_989 = arith.index_cast %parallel_loop3A_893 : i32 to index
        %parallel_loop3A_990 = arith.constant 352 : index
        %parallel_loop3A_991 = tpu.vector_load %arg13[%parallel_loop3A_988, %parallel_loop3A_989, %parallel_loop3A_990] {strides = array<i32>} : memref<4x32x768xf32, #tpu.memory_space<vmem>>, vector<1x1x16xf32>,
        %parallel_loop3A_992 = vector.shape_cast %parallel_loop3A_991 : vector<1x1x16xf32> to vector<16xf32>
        %parallel_loop3A_993 = vector.shape_cast %parallel_loop3A_987 : vector<16xf32> to vector<1x1x16xf32>
        tpu.vector_store %arg13[%parallel_loop3A_988, %parallel_loop3A_989, %parallel_loop3A_990], %parallel_loop3A_993 {strides = array<i32>} : memref<4x32x768xf32, #tpu.memory_space<vmem>>, vector<1x1x16xf32>,
        %parallel_loop3A_994 = arith.index_cast %rem3A_410 : i32 to index
        %parallel_loop3A_995 = arith.index_cast %parallel_loop3A_893 : i32 to index
        %parallel_loop3A_996 = arith.constant 368 : index
        %parallel_loop3A_997 = tpu.vector_load %arg13[%parallel_loop3A_994, %parallel_loop3A_995, %parallel_loop3A_996] {strides = array<i32>} : memref<4x32x768xf32, #tpu.memory_space<vmem>>, vector<1x1x16xf32>,
        %parallel_loop3A_998 = vector.shape_cast %parallel_loop3A_997 : vector<1x1x16xf32> to vector<16xf32>
        %parallel_loop3A_999 = arith.addf %parallel_loop3A_998, %parallel_loop3A_901 : vector<16xf32>
        %parallel_loop3A_1000 = arith.index_cast %rem3A_410 : i32 to index
        %parallel_loop3A_1001 = arith.index_cast %parallel_loop3A_893 : i32 to index
        %parallel_loop3A_1002 = arith.constant 368 : index
        %parallel_loop3A_1003 = tpu.vector_load %arg13[%parallel_loop3A_1000, %parallel_loop3A_1001, %parallel_loop3A_1002] {strides = array<i32>} : memref<4x32x768xf32, #tpu.memory_space<vmem>>, vector<1x1x16xf32>,
        %parallel_loop3A_1004 = vector.shape_cast %parallel_loop3A_1003 : vector<1x1x16xf32> to vector<16xf32>
        %parallel_loop3A_1005 = vector.shape_cast %parallel_loop3A_999 : vector<16xf32> to vector<1x1x16xf32>
        tpu.vector_store %arg13[%parallel_loop3A_1000, %parallel_loop3A_1001, %parallel_loop3A_1002], %parallel_loop3A_1005 {strides = array<i32>} : memref<4x32x768xf32, #tpu.memory_space<vmem>>, vector<1x1x16xf32>,
        %parallel_loop3A_1006 = arith.index_cast %rem3A_410 : i32 to index
        %parallel_loop3A_1007 = arith.index_cast %parallel_loop3A_893 : i32 to index
        %parallel_loop3A_1008 = arith.constant 384 : index
        %parallel_loop3A_1009 = tpu.vector_load %arg13[%parallel_loop3A_1006, %parallel_loop3A_1007, %parallel_loop3A_1008] {strides = array<i32>} : memref<4x32x768xf32, #tpu.memory_space<vmem>>, vector<1x1x16xf32>,
        %parallel_loop3A_1010 = vector.shape_cast %parallel_loop3A_1009 : vector<1x1x16xf32> to vector<16xf32>
        %parallel_loop3A_1011 = arith.addf %parallel_loop3A_1010, %parallel_loop3A_902 : vector<16xf32>
        %parallel_loop3A_1012 = arith.index_cast %rem3A_410 : i32 to index
        %parallel_loop3A_1013 = arith.index_cast %parallel_loop3A_893 : i32 to index
        %parallel_loop3A_1014 = arith.constant 384 : index
        %parallel_loop3A_1015 = tpu.vector_load %arg13[%parallel_loop3A_1012, %parallel_loop3A_1013, %parallel_loop3A_1014] {strides = array<i32>} : memref<4x32x768xf32, #tpu.memory_space<vmem>>, vector<1x1x16xf32>,
        %parallel_loop3A_1016 = vector.shape_cast %parallel_loop3A_1015 : vector<1x1x16xf32> to vector<16xf32>
        %parallel_loop3A_1017 = vector.shape_cast %parallel_loop3A_1011 : vector<16xf32> to vector<1x1x16xf32>
        tpu.vector_store %arg13[%parallel_loop3A_1012, %parallel_loop3A_1013, %parallel_loop3A_1014], %parallel_loop3A_1017 {strides = array<i32>} : memref<4x32x768xf32, #tpu.memory_space<vmem>>, vector<1x1x16xf32>,
        %parallel_loop3A_1018 = arith.index_cast %rem3A_410 : i32 to index
        %parallel_loop3A_1019 = arith.index_cast %parallel_loop3A_893 : i32 to index
        %parallel_loop3A_1020 = arith.constant 400 : index
        %parallel_loop3A_1021 = tpu.vector_load %arg13[%parallel_loop3A_1018, %parallel_loop3A_1019, %parallel_loop3A_1020] {strides = array<i32>} : memref<4x32x768xf32, #tpu.memory_space<vmem>>, vector<1x1x16xf32>,
        %parallel_loop3A_1022 = vector.shape_cast %parallel_loop3A_1021 : vector<1x1x16xf32> to vector<16xf32>
        %parallel_loop3A_1023 = arith.addf %parallel_loop3A_1022, %parallel_loop3A_903 : vector<16xf32>
        %parallel_loop3A_1024 = arith.index_cast %rem3A_410 : i32 to index
        %parallel_loop3A_1025 = arith.index_cast %parallel_loop3A_893 : i32 to index
        %parallel_loop3A_1026 = arith.constant 400 : index
        %parallel_loop3A_1027 = tpu.vector_load %arg13[%parallel_loop3A_1024, %parallel_loop3A_1025, %parallel_loop3A_1026] {strides = array<i32>} : memref<4x32x768xf32, #tpu.memory_space<vmem>>, vector<1x1x16xf32>,
        %parallel_loop3A_1028 = vector.shape_cast %parallel_loop3A_1027 : vector<1x1x16xf32> to vector<16xf32>
        %parallel_loop3A_1029 = vector.shape_cast %parallel_loop3A_1023 : vector<16xf32> to vector<1x1x16xf32>
        tpu.vector_store %arg13[%parallel_loop3A_1024, %parallel_loop3A_1025, %parallel_loop3A_1026], %parallel_loop3A_1029 {strides = array<i32>} : memref<4x32x768xf32, #tpu.memory_space<vmem>>, vector<1x1x16xf32>,
        %parallel_loop3A_1030 = arith.index_cast %rem3A_410 : i32 to index
        %parallel_loop3A_1031 = arith.index_cast %parallel_loop3A_893 : i32 to index
        %parallel_loop3A_1032 = arith.constant 416 : index
        %parallel_loop3A_1033 = tpu.vector_load %arg13[%parallel_loop3A_1030, %parallel_loop3A_1031, %parallel_loop3A_1032] {strides = array<i32>} : memref<4x32x768xf32, #tpu.memory_space<vmem>>, vector<1x1x16xf32>,
        %parallel_loop3A_1034 = vector.shape_cast %parallel_loop3A_1033 : vector<1x1x16xf32> to vector<16xf32>
        %parallel_loop3A_1035 = arith.addf %parallel_loop3A_1034, %parallel_loop3A_904 : vector<16xf32>
        %parallel_loop3A_1036 = arith.index_cast %rem3A_410 : i32 to index
        %parallel_loop3A_1037 = arith.index_cast %parallel_loop3A_893 : i32 to index
        %parallel_loop3A_1038 = arith.constant 416 : index
        %parallel_loop3A_1039 = tpu.vector_load %arg13[%parallel_loop3A_1036, %parallel_loop3A_1037, %parallel_loop3A_1038] {strides = array<i32>} : memref<4x32x768xf32, #tpu.memory_space<vmem>>, vector<1x1x16xf32>,
        %parallel_loop3A_1040 = vector.shape_cast %parallel_loop3A_1039 : vector<1x1x16xf32> to vector<16xf32>
        %parallel_loop3A_1041 = vector.shape_cast %parallel_loop3A_1035 : vector<16xf32> to vector<1x1x16xf32>
        tpu.vector_store %arg13[%parallel_loop3A_1036, %parallel_loop3A_1037, %parallel_loop3A_1038], %parallel_loop3A_1041 {strides = array<i32>} : memref<4x32x768xf32, #tpu.memory_space<vmem>>, vector<1x1x16xf32>,
        %parallel_loop3A_1042 = arith.index_cast %rem3A_410 : i32 to index
        %parallel_loop3A_1043 = arith.index_cast %parallel_loop3A_893 : i32 to index
        %parallel_loop3A_1044 = arith.constant 432 : index
        %parallel_loop3A_1045 = tpu.vector_load %arg13[%parallel_loop3A_1042, %parallel_loop3A_1043, %parallel_loop3A_1044] {strides = array<i32>} : memref<4x32x768xf32, #tpu.memory_space<vmem>>, vector<1x1x16xf32>,
        %parallel_loop3A_1046 = vector.shape_cast %parallel_loop3A_1045 : vector<1x1x16xf32> to vector<16xf32>
        %parallel_loop3A_1047 = arith.addf %parallel_loop3A_1046, %parallel_loop3A_905 : vector<16xf32>
        %parallel_loop3A_1048 = arith.index_cast %rem3A_410 : i32 to index
        %parallel_loop3A_1049 = arith.index_cast %parallel_loop3A_893 : i32 to index
        %parallel_loop3A_1050 = arith.constant 432 : index
        %parallel_loop3A_1051 = tpu.vector_load %arg13[%parallel_loop3A_1048, %parallel_loop3A_1049, %parallel_loop3A_1050] {strides = array<i32>} : memref<4x32x768xf32, #tpu.memory_space<vmem>>, vector<1x1x16xf32>,
        %parallel_loop3A_1052 = vector.shape_cast %parallel_loop3A_1051 : vector<1x1x16xf32> to vector<16xf32>
        %parallel_loop3A_1053 = vector.shape_cast %parallel_loop3A_1047 : vector<16xf32> to vector<1x1x16xf32>
        tpu.vector_store %arg13[%parallel_loop3A_1048, %parallel_loop3A_1049, %parallel_loop3A_1050], %parallel_loop3A_1053 {strides = array<i32>} : memref<4x32x768xf32, #tpu.memory_space<vmem>>, vector<1x1x16xf32>,
        %parallel_loop3A_1054 = arith.index_cast %rem3A_410 : i32 to index
        %parallel_loop3A_1055 = arith.index_cast %parallel_loop3A_893 : i32 to index
        %parallel_loop3A_1056 = arith.constant 448 : index
        %parallel_loop3A_1057 = tpu.vector_load %arg13[%parallel_loop3A_1054, %parallel_loop3A_1055, %parallel_loop3A_1056] {strides = array<i32>} : memref<4x32x768xf32, #tpu.memory_space<vmem>>, vector<1x1x16xf32>,
        %parallel_loop3A_1058 = vector.shape_cast %parallel_loop3A_1057 : vector<1x1x16xf32> to vector<16xf32>
        %parallel_loop3A_1059 = arith.addf %parallel_loop3A_1058, %parallel_loop3A_906 : vector<16xf32>
        %parallel_loop3A_1060 = arith.index_cast %rem3A_410 : i32 to index
        %parallel_loop3A_1061 = arith.index_cast %parallel_loop3A_893 : i32 to index
        %parallel_loop3A_1062 = arith.constant 448 : index
        %parallel_loop3A_1063 = tpu.vector_load %arg13[%parallel_loop3A_1060, %parallel_loop3A_1061, %parallel_loop3A_1062] {strides = array<i32>} : memref<4x32x768xf32, #tpu.memory_space<vmem>>, vector<1x1x16xf32>,
        %parallel_loop3A_1064 = vector.shape_cast %parallel_loop3A_1063 : vector<1x1x16xf32> to vector<16xf32>
        %parallel_loop3A_1065 = vector.shape_cast %parallel_loop3A_1059 : vector<16xf32> to vector<1x1x16xf32>
        tpu.vector_store %arg13[%parallel_loop3A_1060, %parallel_loop3A_1061, %parallel_loop3A_1062], %parallel_loop3A_1065 {strides = array<i32>} : memref<4x32x768xf32, #tpu.memory_space<vmem>>, vector<1x1x16xf32>,
        %parallel_loop3A_1066 = arith.index_cast %rem3A_410 : i32 to index
        %parallel_loop3A_1067 = arith.index_cast %parallel_loop3A_893 : i32 to index
        %parallel_loop3A_1068 = arith.constant 464 : index
        %parallel_loop3A_1069 = tpu.vector_load %arg13[%parallel_loop3A_1066, %parallel_loop3A_1067, %parallel_loop3A_1068] {strides = array<i32>} : memref<4x32x768xf32, #tpu.memory_space<vmem>>, vector<1x1x16xf32>,
        %parallel_loop3A_1070 = vector.shape_cast %parallel_loop3A_1069 : vector<1x1x16xf32> to vector<16xf32>
        %parallel_loop3A_1071 = arith.addf %parallel_loop3A_1070, %parallel_loop3A_907 : vector<16xf32>
        %parallel_loop3A_1072 = arith.index_cast %rem3A_410 : i32 to index
        %parallel_loop3A_1073 = arith.index_cast %parallel_loop3A_893 : i32 to index
        %parallel_loop3A_1074 = arith.constant 464 : index
        %parallel_loop3A_1075 = tpu.vector_load %arg13[%parallel_loop3A_1072, %parallel_loop3A_1073, %parallel_loop3A_1074] {strides = array<i32>} : memref<4x32x768xf32, #tpu.memory_space<vmem>>, vector<1x1x16xf32>,
        %parallel_loop3A_1076 = vector.shape_cast %parallel_loop3A_1075 : vector<1x1x16xf32> to vector<16xf32>
        %parallel_loop3A_1077 = vector.shape_cast %parallel_loop3A_1071 : vector<16xf32> to vector<1x1x16xf32>
        tpu.vector_store %arg13[%parallel_loop3A_1072, %parallel_loop3A_1073, %parallel_loop3A_1074], %parallel_loop3A_1077 {strides = array<i32>} : memref<4x32x768xf32, #tpu.memory_space<vmem>>, vector<1x1x16xf32>,
        %parallel_loop3A_1078 = arith.index_cast %rem3A_410 : i32 to index
        %parallel_loop3A_1079 = arith.index_cast %parallel_loop3A_893 : i32 to index
        %parallel_loop3A_1080 = arith.constant 480 : index
        %parallel_loop3A_1081 = tpu.vector_load %arg13[%parallel_loop3A_1078, %parallel_loop3A_1079, %parallel_loop3A_1080] {strides = array<i32>} : memref<4x32x768xf32, #tpu.memory_space<vmem>>, vector<1x1x16xf32>,
        %parallel_loop3A_1082 = vector.shape_cast %parallel_loop3A_1081 : vector<1x1x16xf32> to vector<16xf32>
        %parallel_loop3A_1083 = arith.addf %parallel_loop3A_1082, %parallel_loop3A_908 : vector<16xf32>
        %parallel_loop3A_1084 = arith.index_cast %rem3A_410 : i32 to index
        %parallel_loop3A_1085 = arith.index_cast %parallel_loop3A_893 : i32 to index
        %parallel_loop3A_1086 = arith.constant 480 : index
        %parallel_loop3A_1087 = tpu.vector_load %arg13[%parallel_loop3A_1084, %parallel_loop3A_1085, %parallel_loop3A_1086] {strides = array<i32>} : memref<4x32x768xf32, #tpu.memory_space<vmem>>, vector<1x1x16xf32>,
        %parallel_loop3A_1088 = vector.shape_cast %parallel_loop3A_1087 : vector<1x1x16xf32> to vector<16xf32>
        %parallel_loop3A_1089 = vector.shape_cast %parallel_loop3A_1083 : vector<16xf32> to vector<1x1x16xf32>
        tpu.vector_store %arg13[%parallel_loop3A_1084, %parallel_loop3A_1085, %parallel_loop3A_1086], %parallel_loop3A_1089 {strides = array<i32>} : memref<4x32x768xf32, #tpu.memory_space<vmem>>, vector<1x1x16xf32>,
        %parallel_loop3A_1090 = arith.index_cast %rem3A_410 : i32 to index
        %parallel_loop3A_1091 = arith.index_cast %parallel_loop3A_893 : i32 to index
        %parallel_loop3A_1092 = arith.constant 496 : index
        %parallel_loop3A_1093 = tpu.vector_load %arg13[%parallel_loop3A_1090, %parallel_loop3A_1091, %parallel_loop3A_1092] {strides = array<i32>} : memref<4x32x768xf32, #tpu.memory_space<vmem>>, vector<1x1x16xf32>,
        %parallel_loop3A_1094 = vector.shape_cast %parallel_loop3A_1093 : vector<1x1x16xf32> to vector<16xf32>
        %parallel_loop3A_1095 = arith.addf %parallel_loop3A_1094, %parallel_loop3A_909 : vector<16xf32>
        %parallel_loop3A_1096 = arith.index_cast %rem3A_410 : i32 to index
        %parallel_loop3A_1097 = arith.index_cast %parallel_loop3A_893 : i32 to index
        %parallel_loop3A_1098 = arith.constant 496 : index
        %parallel_loop3A_1099 = tpu.vector_load %arg13[%parallel_loop3A_1096, %parallel_loop3A_1097, %parallel_loop3A_1098] {strides = array<i32>} : memref<4x32x768xf32, #tpu.memory_space<vmem>>, vector<1x1x16xf32>,
        %parallel_loop3A_1100 = vector.shape_cast %parallel_loop3A_1099 : vector<1x1x16xf32> to vector<16xf32>
        %parallel_loop3A_1101 = vector.shape_cast %parallel_loop3A_1095 : vector<16xf32> to vector<1x1x16xf32>
        tpu.vector_store %arg13[%parallel_loop3A_1096, %parallel_loop3A_1097, %parallel_loop3A_1098], %parallel_loop3A_1101 {strides = array<i32>} : memref<4x32x768xf32, #tpu.memory_space<vmem>>, vector<1x1x16xf32>,
        scf.yield %parallel_loop3A_894, %parallel_loop3A_895, %parallel_loop3A_896, %parallel_loop3A_897, %parallel_loop3A_898, %parallel_loop3A_899, %parallel_loop3A_900, %parallel_loop3A_901, %parallel_loop3A_902, %parallel_loop3A_903, %parallel_loop3A_904, %parallel_loop3A_905, %parallel_loop3A_906, %parallel_loop3A_907, %parallel_loop3A_908, %parallel_loop3A_909 : vector<16xf32>, vector<16xf32>, vector<16xf32>, vector<16xf32>, vector<16xf32>, vector<16xf32>, vector<16xf32>, vector<16xf32>, vector<16xf32>, vector<16xf32>, vector<16xf32>, vector<16xf32>, vector<16xf32>, vector<16xf32>, vector<16xf32>, vector<16xf32>
      } {sc.loop_unroll_factor = 1 : i64, sc.parallel_access}
      %get3A_763 = arith.constant 512 : index
      %get3A_764 = tpu.vector_load %arg12[%get3A_763] {strides = array<i32>} : memref<768xf32, #tpu.memory_space<vmem>>, vector<16xf32>,
      %get3A_765 = vector.shape_cast %get3A_764 : vector<16xf32> to vector<16xf32>
      %get3A_766 = arith.constant 528 : index
      %get3A_767 = tpu.vector_load %arg12[%get3A_766] {strides = array<i32>} : memref<768xf32, #tpu.memory_space<vmem>>, vector<16xf32>,
      %get3A_768 = vector.shape_cast %get3A_767 : vector<16xf32> to vector<16xf32>
      %get3A_769 = arith.constant 544 : index
      %get3A_770 = tpu.vector_load %arg12[%get3A_769] {strides = array<i32>} : memref<768xf32, #tpu.memory_space<vmem>>, vector<16xf32>,
      %get3A_771 = vector.shape_cast %get3A_770 : vector<16xf32> to vector<16xf32>
      %get3A_772 = arith.constant 560 : index
      %get3A_773 = tpu.vector_load %arg12[%get3A_772] {strides = array<i32>} : memref<768xf32, #tpu.memory_space<vmem>>, vector<16xf32>,
      %get3A_774 = vector.shape_cast %get3A_773 : vector<16xf32> to vector<16xf32>
      %get3A_775 = arith.constant 576 : index
      %get3A_776 = tpu.vector_load %arg12[%get3A_775] {strides = array<i32>} : memref<768xf32, #tpu.memory_space<vmem>>, vector<16xf32>,
      %get3A_777 = vector.shape_cast %get3A_776 : vector<16xf32> to vector<16xf32>
      %get3A_778 = arith.constant 592 : index
      %get3A_779 = tpu.vector_load %arg12[%get3A_778] {strides = array<i32>} : memref<768xf32, #tpu.memory_space<vmem>>, vector<16xf32>,
      %get3A_780 = vector.shape_cast %get3A_779 : vector<16xf32> to vector<16xf32>
      %get3A_781 = arith.constant 608 : index
      %get3A_782 = tpu.vector_load %arg12[%get3A_781] {strides = array<i32>} : memref<768xf32, #tpu.memory_space<vmem>>, vector<16xf32>,
      %get3A_783 = vector.shape_cast %get3A_782 : vector<16xf32> to vector<16xf32>
      %get3A_784 = arith.constant 624 : index
      %get3A_785 = tpu.vector_load %arg12[%get3A_784] {strides = array<i32>} : memref<768xf32, #tpu.memory_space<vmem>>, vector<16xf32>,
      %get3A_786 = vector.shape_cast %get3A_785 : vector<16xf32> to vector<16xf32>
      %get3A_787 = arith.constant 640 : index
      %get3A_788 = tpu.vector_load %arg12[%get3A_787] {strides = array<i32>} : memref<768xf32, #tpu.memory_space<vmem>>, vector<16xf32>,
      %get3A_789 = vector.shape_cast %get3A_788 : vector<16xf32> to vector<16xf32>
      %get3A_790 = arith.constant 656 : index
      %get3A_791 = tpu.vector_load %arg12[%get3A_790] {strides = array<i32>} : memref<768xf32, #tpu.memory_space<vmem>>, vector<16xf32>,
      %get3A_792 = vector.shape_cast %get3A_791 : vector<16xf32> to vector<16xf32>
      %get3A_793 = arith.constant 672 : index
      %get3A_794 = tpu.vector_load %arg12[%get3A_793] {strides = array<i32>} : memref<768xf32, #tpu.memory_space<vmem>>, vector<16xf32>,
      %get3A_795 = vector.shape_cast %get3A_794 : vector<16xf32> to vector<16xf32>
      %get3A_796 = arith.constant 688 : index
      %get3A_797 = tpu.vector_load %arg12[%get3A_796] {strides = array<i32>} : memref<768xf32, #tpu.memory_space<vmem>>, vector<16xf32>,
      %get3A_798 = vector.shape_cast %get3A_797 : vector<16xf32> to vector<16xf32>
      %get3A_799 = arith.constant 704 : index
      %get3A_800 = tpu.vector_load %arg12[%get3A_799] {strides = array<i32>} : memref<768xf32, #tpu.memory_space<vmem>>, vector<16xf32>,
      %get3A_801 = vector.shape_cast %get3A_800 : vector<16xf32> to vector<16xf32>
      %get3A_802 = arith.constant 720 : index
      %get3A_803 = tpu.vector_load %arg12[%get3A_802] {strides = array<i32>} : memref<768xf32, #tpu.memory_space<vmem>>, vector<16xf32>,
      %get3A_804 = vector.shape_cast %get3A_803 : vector<16xf32> to vector<16xf32>
      %get3A_805 = arith.constant 736 : index
      %get3A_806 = tpu.vector_load %arg12[%get3A_805] {strides = array<i32>} : memref<768xf32, #tpu.memory_space<vmem>>, vector<16xf32>,
      %get3A_807 = vector.shape_cast %get3A_806 : vector<16xf32> to vector<16xf32>
      %get3A_808 = arith.constant 752 : index
      %get3A_809 = tpu.vector_load %arg12[%get3A_808] {strides = array<i32>} : memref<768xf32, #tpu.memory_space<vmem>>, vector<16xf32>,
      %get3A_810 = vector.shape_cast %get3A_809 : vector<16xf32> to vector<16xf32>
      %parallel_loop3A_811 = arith.constant 0 : i32
      %parallel_loop3A_812 = arith.constant 32 : i32
      %parallel_loop3A_813 = arith.constant 1 : i32
      %parallel_loop3A_814:16 = scf.for %parallel_loop3A_893 = %parallel_loop3A_811 to %parallel_loop3A_812 step %parallel_loop3A_813 iter_args(%parallel_loop3A_894 = %get3A_765, %parallel_loop3A_895 = %get3A_768, %parallel_loop3A_896 = %get3A_771, %parallel_loop3A_897 = %get3A_774, %parallel_loop3A_898 = %get3A_777, %parallel_loop3A_899 = %get3A_780, %parallel_loop3A_900 = %get3A_783, %parallel_loop3A_901 = %get3A_786, %parallel_loop3A_902 = %get3A_789, %parallel_loop3A_903 = %get3A_792, %parallel_loop3A_904 = %get3A_795, %parallel_loop3A_905 = %get3A_798, %parallel_loop3A_906 = %get3A_801, %parallel_loop3A_907 = %get3A_804, %parallel_loop3A_908 = %get3A_807, %parallel_loop3A_909 = %get3A_810) -> (vector<16xf32>, vector<16xf32>, vector<16xf32>, vector<16xf32>, vector<16xf32>, vector<16xf32>, vector<16xf32>, vector<16xf32>, vector<16xf32>, vector<16xf32>, vector<16xf32>, vector<16xf32>, vector<16xf32>, vector<16xf32>, vector<16xf32>, vector<16xf32>)  : i32 {
        %parallel_loop3A_910 = arith.index_cast %rem3A_410 : i32 to index
        %parallel_loop3A_911 = arith.index_cast %parallel_loop3A_893 : i32 to index
        %parallel_loop3A_912 = arith.constant 512 : index
        %parallel_loop3A_913 = tpu.vector_load %arg13[%parallel_loop3A_910, %parallel_loop3A_911, %parallel_loop3A_912] {strides = array<i32>} : memref<4x32x768xf32, #tpu.memory_space<vmem>>, vector<1x1x16xf32>,
        %parallel_loop3A_914 = vector.shape_cast %parallel_loop3A_913 : vector<1x1x16xf32> to vector<16xf32>
        %parallel_loop3A_915 = arith.addf %parallel_loop3A_914, %parallel_loop3A_894 : vector<16xf32>
        %parallel_loop3A_916 = arith.index_cast %rem3A_410 : i32 to index
        %parallel_loop3A_917 = arith.index_cast %parallel_loop3A_893 : i32 to index
        %parallel_loop3A_918 = arith.constant 512 : index
        %parallel_loop3A_919 = tpu.vector_load %arg13[%parallel_loop3A_916, %parallel_loop3A_917, %parallel_loop3A_918] {strides = array<i32>} : memref<4x32x768xf32, #tpu.memory_space<vmem>>, vector<1x1x16xf32>,
        %parallel_loop3A_920 = vector.shape_cast %parallel_loop3A_919 : vector<1x1x16xf32> to vector<16xf32>
        %parallel_loop3A_921 = vector.shape_cast %parallel_loop3A_915 : vector<16xf32> to vector<1x1x16xf32>
        tpu.vector_store %arg13[%parallel_loop3A_916, %parallel_loop3A_917, %parallel_loop3A_918], %parallel_loop3A_921 {strides = array<i32>} : memref<4x32x768xf32, #tpu.memory_space<vmem>>, vector<1x1x16xf32>,
        %parallel_loop3A_922 = arith.index_cast %rem3A_410 : i32 to index
        %parallel_loop3A_923 = arith.index_cast %parallel_loop3A_893 : i32 to index
        %parallel_loop3A_924 = arith.constant 528 : index
        %parallel_loop3A_925 = tpu.vector_load %arg13[%parallel_loop3A_922, %parallel_loop3A_923, %parallel_loop3A_924] {strides = array<i32>} : memref<4x32x768xf32, #tpu.memory_space<vmem>>, vector<1x1x16xf32>,
        %parallel_loop3A_926 = vector.shape_cast %parallel_loop3A_925 : vector<1x1x16xf32> to vector<16xf32>
        %parallel_loop3A_927 = arith.addf %parallel_loop3A_926, %parallel_loop3A_895 : vector<16xf32>
        %parallel_loop3A_928 = arith.index_cast %rem3A_410 : i32 to index
        %parallel_loop3A_929 = arith.index_cast %parallel_loop3A_893 : i32 to index
        %parallel_loop3A_930 = arith.constant 528 : index
        %parallel_loop3A_931 = tpu.vector_load %arg13[%parallel_loop3A_928, %parallel_loop3A_929, %parallel_loop3A_930] {strides = array<i32>} : memref<4x32x768xf32, #tpu.memory_space<vmem>>, vector<1x1x16xf32>,
        %parallel_loop3A_932 = vector.shape_cast %parallel_loop3A_931 : vector<1x1x16xf32> to vector<16xf32>
        %parallel_loop3A_933 = vector.shape_cast %parallel_loop3A_927 : vector<16xf32> to vector<1x1x16xf32>
        tpu.vector_store %arg13[%parallel_loop3A_928, %parallel_loop3A_929, %parallel_loop3A_930], %parallel_loop3A_933 {strides = array<i32>} : memref<4x32x768xf32, #tpu.memory_space<vmem>>, vector<1x1x16xf32>,
        %parallel_loop3A_934 = arith.index_cast %rem3A_410 : i32 to index
        %parallel_loop3A_935 = arith.index_cast %parallel_loop3A_893 : i32 to index
        %parallel_loop3A_936 = arith.constant 544 : index
        %parallel_loop3A_937 = tpu.vector_load %arg13[%parallel_loop3A_934, %parallel_loop3A_935, %parallel_loop3A_936] {strides = array<i32>} : memref<4x32x768xf32, #tpu.memory_space<vmem>>, vector<1x1x16xf32>,
        %parallel_loop3A_938 = vector.shape_cast %parallel_loop3A_937 : vector<1x1x16xf32> to vector<16xf32>
        %parallel_loop3A_939 = arith.addf %parallel_loop3A_938, %parallel_loop3A_896 : vector<16xf32>
        %parallel_loop3A_940 = arith.index_cast %rem3A_410 : i32 to index
        %parallel_loop3A_941 = arith.index_cast %parallel_loop3A_893 : i32 to index
        %parallel_loop3A_942 = arith.constant 544 : index
        %parallel_loop3A_943 = tpu.vector_load %arg13[%parallel_loop3A_940, %parallel_loop3A_941, %parallel_loop3A_942] {strides = array<i32>} : memref<4x32x768xf32, #tpu.memory_space<vmem>>, vector<1x1x16xf32>,
        %parallel_loop3A_944 = vector.shape_cast %parallel_loop3A_943 : vector<1x1x16xf32> to vector<16xf32>
        %parallel_loop3A_945 = vector.shape_cast %parallel_loop3A_939 : vector<16xf32> to vector<1x1x16xf32>
        tpu.vector_store %arg13[%parallel_loop3A_940, %parallel_loop3A_941, %parallel_loop3A_942], %parallel_loop3A_945 {strides = array<i32>} : memref<4x32x768xf32, #tpu.memory_space<vmem>>, vector<1x1x16xf32>,
        %parallel_loop3A_946 = arith.index_cast %rem3A_410 : i32 to index
        %parallel_loop3A_947 = arith.index_cast %parallel_loop3A_893 : i32 to index
        %parallel_loop3A_948 = arith.constant 560 : index
        %parallel_loop3A_949 = tpu.vector_load %arg13[%parallel_loop3A_946, %parallel_loop3A_947, %parallel_loop3A_948] {strides = array<i32>} : memref<4x32x768xf32, #tpu.memory_space<vmem>>, vector<1x1x16xf32>,
        %parallel_loop3A_950 = vector.shape_cast %parallel_loop3A_949 : vector<1x1x16xf32> to vector<16xf32>
        %parallel_loop3A_951 = arith.addf %parallel_loop3A_950, %parallel_loop3A_897 : vector<16xf32>
        %parallel_loop3A_952 = arith.index_cast %rem3A_410 : i32 to index
        %parallel_loop3A_953 = arith.index_cast %parallel_loop3A_893 : i32 to index
        %parallel_loop3A_954 = arith.constant 560 : index
        %parallel_loop3A_955 = tpu.vector_load %arg13[%parallel_loop3A_952, %parallel_loop3A_953, %parallel_loop3A_954] {strides = array<i32>} : memref<4x32x768xf32, #tpu.memory_space<vmem>>, vector<1x1x16xf32>,
        %parallel_loop3A_956 = vector.shape_cast %parallel_loop3A_955 : vector<1x1x16xf32> to vector<16xf32>
        %parallel_loop3A_957 = vector.shape_cast %parallel_loop3A_951 : vector<16xf32> to vector<1x1x16xf32>
        tpu.vector_store %arg13[%parallel_loop3A_952, %parallel_loop3A_953, %parallel_loop3A_954], %parallel_loop3A_957 {strides = array<i32>} : memref<4x32x768xf32, #tpu.memory_space<vmem>>, vector<1x1x16xf32>,
        %parallel_loop3A_958 = arith.index_cast %rem3A_410 : i32 to index
        %parallel_loop3A_959 = arith.index_cast %parallel_loop3A_893 : i32 to index
        %parallel_loop3A_960 = arith.constant 576 : index
        %parallel_loop3A_961 = tpu.vector_load %arg13[%parallel_loop3A_958, %parallel_loop3A_959, %parallel_loop3A_960] {strides = array<i32>} : memref<4x32x768xf32, #tpu.memory_space<vmem>>, vector<1x1x16xf32>,
        %parallel_loop3A_962 = vector.shape_cast %parallel_loop3A_961 : vector<1x1x16xf32> to vector<16xf32>
        %parallel_loop3A_963 = arith.addf %parallel_loop3A_962, %parallel_loop3A_898 : vector<16xf32>
        %parallel_loop3A_964 = arith.index_cast %rem3A_410 : i32 to index
        %parallel_loop3A_965 = arith.index_cast %parallel_loop3A_893 : i32 to index
        %parallel_loop3A_966 = arith.constant 576 : index
        %parallel_loop3A_967 = tpu.vector_load %arg13[%parallel_loop3A_964, %parallel_loop3A_965, %parallel_loop3A_966] {strides = array<i32>} : memref<4x32x768xf32, #tpu.memory_space<vmem>>, vector<1x1x16xf32>,
        %parallel_loop3A_968 = vector.shape_cast %parallel_loop3A_967 : vector<1x1x16xf32> to vector<16xf32>
        %parallel_loop3A_969 = vector.shape_cast %parallel_loop3A_963 : vector<16xf32> to vector<1x1x16xf32>
        tpu.vector_store %arg13[%parallel_loop3A_964, %parallel_loop3A_965, %parallel_loop3A_966], %parallel_loop3A_969 {strides = array<i32>} : memref<4x32x768xf32, #tpu.memory_space<vmem>>, vector<1x1x16xf32>,
        %parallel_loop3A_970 = arith.index_cast %rem3A_410 : i32 to index
        %parallel_loop3A_971 = arith.index_cast %parallel_loop3A_893 : i32 to index
        %parallel_loop3A_972 = arith.constant 592 : index
        %parallel_loop3A_973 = tpu.vector_load %arg13[%parallel_loop3A_970, %parallel_loop3A_971, %parallel_loop3A_972] {strides = array<i32>} : memref<4x32x768xf32, #tpu.memory_space<vmem>>, vector<1x1x16xf32>,
        %parallel_loop3A_974 = vector.shape_cast %parallel_loop3A_973 : vector<1x1x16xf32> to vector<16xf32>
        %parallel_loop3A_975 = arith.addf %parallel_loop3A_974, %parallel_loop3A_899 : vector<16xf32>
        %parallel_loop3A_976 = arith.index_cast %rem3A_410 : i32 to index
        %parallel_loop3A_977 = arith.index_cast %parallel_loop3A_893 : i32 to index
        %parallel_loop3A_978 = arith.constant 592 : index
        %parallel_loop3A_979 = tpu.vector_load %arg13[%parallel_loop3A_976, %parallel_loop3A_977, %parallel_loop3A_978] {strides = array<i32>} : memref<4x32x768xf32, #tpu.memory_space<vmem>>, vector<1x1x16xf32>,
        %parallel_loop3A_980 = vector.shape_cast %parallel_loop3A_979 : vector<1x1x16xf32> to vector<16xf32>
        %parallel_loop3A_981 = vector.shape_cast %parallel_loop3A_975 : vector<16xf32> to vector<1x1x16xf32>
        tpu.vector_store %arg13[%parallel_loop3A_976, %parallel_loop3A_977, %parallel_loop3A_978], %parallel_loop3A_981 {strides = array<i32>} : memref<4x32x768xf32, #tpu.memory_space<vmem>>, vector<1x1x16xf32>,
        %parallel_loop3A_982 = arith.index_cast %rem3A_410 : i32 to index
        %parallel_loop3A_983 = arith.index_cast %parallel_loop3A_893 : i32 to index
        %parallel_loop3A_984 = arith.constant 608 : index
        %parallel_loop3A_985 = tpu.vector_load %arg13[%parallel_loop3A_982, %parallel_loop3A_983, %parallel_loop3A_984] {strides = array<i32>} : memref<4x32x768xf32, #tpu.memory_space<vmem>>, vector<1x1x16xf32>,
        %parallel_loop3A_986 = vector.shape_cast %parallel_loop3A_985 : vector<1x1x16xf32> to vector<16xf32>
        %parallel_loop3A_987 = arith.addf %parallel_loop3A_986, %parallel_loop3A_900 : vector<16xf32>
        %parallel_loop3A_988 = arith.index_cast %rem3A_410 : i32 to index
        %parallel_loop3A_989 = arith.index_cast %parallel_loop3A_893 : i32 to index
        %parallel_loop3A_990 = arith.constant 608 : index
        %parallel_loop3A_991 = tpu.vector_load %arg13[%parallel_loop3A_988, %parallel_loop3A_989, %parallel_loop3A_990] {strides = array<i32>} : memref<4x32x768xf32, #tpu.memory_space<vmem>>, vector<1x1x16xf32>,
        %parallel_loop3A_992 = vector.shape_cast %parallel_loop3A_991 : vector<1x1x16xf32> to vector<16xf32>
        %parallel_loop3A_993 = vector.shape_cast %parallel_loop3A_987 : vector<16xf32> to vector<1x1x16xf32>
        tpu.vector_store %arg13[%parallel_loop3A_988, %parallel_loop3A_989, %parallel_loop3A_990], %parallel_loop3A_993 {strides = array<i32>} : memref<4x32x768xf32, #tpu.memory_space<vmem>>, vector<1x1x16xf32>,
        %parallel_loop3A_994 = arith.index_cast %rem3A_410 : i32 to index
        %parallel_loop3A_995 = arith.index_cast %parallel_loop3A_893 : i32 to index
        %parallel_loop3A_996 = arith.constant 624 : index
        %parallel_loop3A_997 = tpu.vector_load %arg13[%parallel_loop3A_994, %parallel_loop3A_995, %parallel_loop3A_996] {strides = array<i32>} : memref<4x32x768xf32, #tpu.memory_space<vmem>>, vector<1x1x16xf32>,
        %parallel_loop3A_998 = vector.shape_cast %parallel_loop3A_997 : vector<1x1x16xf32> to vector<16xf32>
        %parallel_loop3A_999 = arith.addf %parallel_loop3A_998, %parallel_loop3A_901 : vector<16xf32>
        %parallel_loop3A_1000 = arith.index_cast %rem3A_410 : i32 to index
        %parallel_loop3A_1001 = arith.index_cast %parallel_loop3A_893 : i32 to index
        %parallel_loop3A_1002 = arith.constant 624 : index
        %parallel_loop3A_1003 = tpu.vector_load %arg13[%parallel_loop3A_1000, %parallel_loop3A_1001, %parallel_loop3A_1002] {strides = array<i32>} : memref<4x32x768xf32, #tpu.memory_space<vmem>>, vector<1x1x16xf32>,
        %parallel_loop3A_1004 = vector.shape_cast %parallel_loop3A_1003 : vector<1x1x16xf32> to vector<16xf32>
        %parallel_loop3A_1005 = vector.shape_cast %parallel_loop3A_999 : vector<16xf32> to vector<1x1x16xf32>
        tpu.vector_store %arg13[%parallel_loop3A_1000, %parallel_loop3A_1001, %parallel_loop3A_1002], %parallel_loop3A_1005 {strides = array<i32>} : memref<4x32x768xf32, #tpu.memory_space<vmem>>, vector<1x1x16xf32>,
        %parallel_loop3A_1006 = arith.index_cast %rem3A_410 : i32 to index
        %parallel_loop3A_1007 = arith.index_cast %parallel_loop3A_893 : i32 to index
        %parallel_loop3A_1008 = arith.constant 640 : index
        %parallel_loop3A_1009 = tpu.vector_load %arg13[%parallel_loop3A_1006, %parallel_loop3A_1007, %parallel_loop3A_1008] {strides = array<i32>} : memref<4x32x768xf32, #tpu.memory_space<vmem>>, vector<1x1x16xf32>,
        %parallel_loop3A_1010 = vector.shape_cast %parallel_loop3A_1009 : vector<1x1x16xf32> to vector<16xf32>
        %parallel_loop3A_1011 = arith.addf %parallel_loop3A_1010, %parallel_loop3A_902 : vector<16xf32>
        %parallel_loop3A_1012 = arith.index_cast %rem3A_410 : i32 to index
        %parallel_loop3A_1013 = arith.index_cast %parallel_loop3A_893 : i32 to index
        %parallel_loop3A_1014 = arith.constant 640 : index
        %parallel_loop3A_1015 = tpu.vector_load %arg13[%parallel_loop3A_1012, %parallel_loop3A_1013, %parallel_loop3A_1014] {strides = array<i32>} : memref<4x32x768xf32, #tpu.memory_space<vmem>>, vector<1x1x16xf32>,
        %parallel_loop3A_1016 = vector.shape_cast %parallel_loop3A_1015 : vector<1x1x16xf32> to vector<16xf32>
        %parallel_loop3A_1017 = vector.shape_cast %parallel_loop3A_1011 : vector<16xf32> to vector<1x1x16xf32>
        tpu.vector_store %arg13[%parallel_loop3A_1012, %parallel_loop3A_1013, %parallel_loop3A_1014], %parallel_loop3A_1017 {strides = array<i32>} : memref<4x32x768xf32, #tpu.memory_space<vmem>>, vector<1x1x16xf32>,
        %parallel_loop3A_1018 = arith.index_cast %rem3A_410 : i32 to index
        %parallel_loop3A_1019 = arith.index_cast %parallel_loop3A_893 : i32 to index
        %parallel_loop3A_1020 = arith.constant 656 : index
        %parallel_loop3A_1021 = tpu.vector_load %arg13[%parallel_loop3A_1018, %parallel_loop3A_1019, %parallel_loop3A_1020] {strides = array<i32>} : memref<4x32x768xf32, #tpu.memory_space<vmem>>, vector<1x1x16xf32>,
        %parallel_loop3A_1022 = vector.shape_cast %parallel_loop3A_1021 : vector<1x1x16xf32> to vector<16xf32>
        %parallel_loop3A_1023 = arith.addf %parallel_loop3A_1022, %parallel_loop3A_903 : vector<16xf32>
        %parallel_loop3A_1024 = arith.index_cast %rem3A_410 : i32 to index
        %parallel_loop3A_1025 = arith.index_cast %parallel_loop3A_893 : i32 to index
        %parallel_loop3A_1026 = arith.constant 656 : index
        %parallel_loop3A_1027 = tpu.vector_load %arg13[%parallel_loop3A_1024, %parallel_loop3A_1025, %parallel_loop3A_1026] {strides = array<i32>} : memref<4x32x768xf32, #tpu.memory_space<vmem>>, vector<1x1x16xf32>,
        %parallel_loop3A_1028 = vector.shape_cast %parallel_loop3A_1027 : vector<1x1x16xf32> to vector<16xf32>
        %parallel_loop3A_1029 = vector.shape_cast %parallel_loop3A_1023 : vector<16xf32> to vector<1x1x16xf32>
        tpu.vector_store %arg13[%parallel_loop3A_1024, %parallel_loop3A_1025, %parallel_loop3A_1026], %parallel_loop3A_1029 {strides = array<i32>} : memref<4x32x768xf32, #tpu.memory_space<vmem>>, vector<1x1x16xf32>,
        %parallel_loop3A_1030 = arith.index_cast %rem3A_410 : i32 to index
        %parallel_loop3A_1031 = arith.index_cast %parallel_loop3A_893 : i32 to index
        %parallel_loop3A_1032 = arith.constant 672 : index
        %parallel_loop3A_1033 = tpu.vector_load %arg13[%parallel_loop3A_1030, %parallel_loop3A_1031, %parallel_loop3A_1032] {strides = array<i32>} : memref<4x32x768xf32, #tpu.memory_space<vmem>>, vector<1x1x16xf32>,
        %parallel_loop3A_1034 = vector.shape_cast %parallel_loop3A_1033 : vector<1x1x16xf32> to vector<16xf32>
        %parallel_loop3A_1035 = arith.addf %parallel_loop3A_1034, %parallel_loop3A_904 : vector<16xf32>
        %parallel_loop3A_1036 = arith.index_cast %rem3A_410 : i32 to index
        %parallel_loop3A_1037 = arith.index_cast %parallel_loop3A_893 : i32 to index
        %parallel_loop3A_1038 = arith.constant 672 : index
        %parallel_loop3A_1039 = tpu.vector_load %arg13[%parallel_loop3A_1036, %parallel_loop3A_1037, %parallel_loop3A_1038] {strides = array<i32>} : memref<4x32x768xf32, #tpu.memory_space<vmem>>, vector<1x1x16xf32>,
        %parallel_loop3A_1040 = vector.shape_cast %parallel_loop3A_1039 : vector<1x1x16xf32> to vector<16xf32>
        %parallel_loop3A_1041 = vector.shape_cast %parallel_loop3A_1035 : vector<16xf32> to vector<1x1x16xf32>
        tpu.vector_store %arg13[%parallel_loop3A_1036, %parallel_loop3A_1037, %parallel_loop3A_1038], %parallel_loop3A_1041 {strides = array<i32>} : memref<4x32x768xf32, #tpu.memory_space<vmem>>, vector<1x1x16xf32>,
        %parallel_loop3A_1042 = arith.index_cast %rem3A_410 : i32 to index
        %parallel_loop3A_1043 = arith.index_cast %parallel_loop3A_893 : i32 to index
        %parallel_loop3A_1044 = arith.constant 688 : index
        %parallel_loop3A_1045 = tpu.vector_load %arg13[%parallel_loop3A_1042, %parallel_loop3A_1043, %parallel_loop3A_1044] {strides = array<i32>} : memref<4x32x768xf32, #tpu.memory_space<vmem>>, vector<1x1x16xf32>,
        %parallel_loop3A_1046 = vector.shape_cast %parallel_loop3A_1045 : vector<1x1x16xf32> to vector<16xf32>
        %parallel_loop3A_1047 = arith.addf %parallel_loop3A_1046, %parallel_loop3A_905 : vector<16xf32>
        %parallel_loop3A_1048 = arith.index_cast %rem3A_410 : i32 to index
        %parallel_loop3A_1049 = arith.index_cast %parallel_loop3A_893 : i32 to index
        %parallel_loop3A_1050 = arith.constant 688 : index
        %parallel_loop3A_1051 = tpu.vector_load %arg13[%parallel_loop3A_1048, %parallel_loop3A_1049, %parallel_loop3A_1050] {strides = array<i32>} : memref<4x32x768xf32, #tpu.memory_space<vmem>>, vector<1x1x16xf32>,
        %parallel_loop3A_1052 = vector.shape_cast %parallel_loop3A_1051 : vector<1x1x16xf32> to vector<16xf32>
        %parallel_loop3A_1053 = vector.shape_cast %parallel_loop3A_1047 : vector<16xf32> to vector<1x1x16xf32>
        tpu.vector_store %arg13[%parallel_loop3A_1048, %parallel_loop3A_1049, %parallel_loop3A_1050], %parallel_loop3A_1053 {strides = array<i32>} : memref<4x32x768xf32, #tpu.memory_space<vmem>>, vector<1x1x16xf32>,
        %parallel_loop3A_1054 = arith.index_cast %rem3A_410 : i32 to index
        %parallel_loop3A_1055 = arith.index_cast %parallel_loop3A_893 : i32 to index
        %parallel_loop3A_1056 = arith.constant 704 : index
        %parallel_loop3A_1057 = tpu.vector_load %arg13[%parallel_loop3A_1054, %parallel_loop3A_1055, %parallel_loop3A_1056] {strides = array<i32>} : memref<4x32x768xf32, #tpu.memory_space<vmem>>, vector<1x1x16xf32>,
        %parallel_loop3A_1058 = vector.shape_cast %parallel_loop3A_1057 : vector<1x1x16xf32> to vector<16xf32>
        %parallel_loop3A_1059 = arith.addf %parallel_loop3A_1058, %parallel_loop3A_906 : vector<16xf32>
        %parallel_loop3A_1060 = arith.index_cast %rem3A_410 : i32 to index
        %parallel_loop3A_1061 = arith.index_cast %parallel_loop3A_893 : i32 to index
        %parallel_loop3A_1062 = arith.constant 704 : index
        %parallel_loop3A_1063 = tpu.vector_load %arg13[%parallel_loop3A_1060, %parallel_loop3A_1061, %parallel_loop3A_1062] {strides = array<i32>} : memref<4x32x768xf32, #tpu.memory_space<vmem>>, vector<1x1x16xf32>,
        %parallel_loop3A_1064 = vector.shape_cast %parallel_loop3A_1063 : vector<1x1x16xf32> to vector<16xf32>
        %parallel_loop3A_1065 = vector.shape_cast %parallel_loop3A_1059 : vector<16xf32> to vector<1x1x16xf32>
        tpu.vector_store %arg13[%parallel_loop3A_1060, %parallel_loop3A_1061, %parallel_loop3A_1062], %parallel_loop3A_1065 {strides = array<i32>} : memref<4x32x768xf32, #tpu.memory_space<vmem>>, vector<1x1x16xf32>,
        %parallel_loop3A_1066 = arith.index_cast %rem3A_410 : i32 to index
        %parallel_loop3A_1067 = arith.index_cast %parallel_loop3A_893 : i32 to index
        %parallel_loop3A_1068 = arith.constant 720 : index
        %parallel_loop3A_1069 = tpu.vector_load %arg13[%parallel_loop3A_1066, %parallel_loop3A_1067, %parallel_loop3A_1068] {strides = array<i32>} : memref<4x32x768xf32, #tpu.memory_space<vmem>>, vector<1x1x16xf32>,
        %parallel_loop3A_1070 = vector.shape_cast %parallel_loop3A_1069 : vector<1x1x16xf32> to vector<16xf32>
        %parallel_loop3A_1071 = arith.addf %parallel_loop3A_1070, %parallel_loop3A_907 : vector<16xf32>
        %parallel_loop3A_1072 = arith.index_cast %rem3A_410 : i32 to index
        %parallel_loop3A_1073 = arith.index_cast %parallel_loop3A_893 : i32 to index
        %parallel_loop3A_1074 = arith.constant 720 : index
        %parallel_loop3A_1075 = tpu.vector_load %arg13[%parallel_loop3A_1072, %parallel_loop3A_1073, %parallel_loop3A_1074] {strides = array<i32>} : memref<4x32x768xf32, #tpu.memory_space<vmem>>, vector<1x1x16xf32>,
        %parallel_loop3A_1076 = vector.shape_cast %parallel_loop3A_1075 : vector<1x1x16xf32> to vector<16xf32>
        %parallel_loop3A_1077 = vector.shape_cast %parallel_loop3A_1071 : vector<16xf32> to vector<1x1x16xf32>
        tpu.vector_store %arg13[%parallel_loop3A_1072, %parallel_loop3A_1073, %parallel_loop3A_1074], %parallel_loop3A_1077 {strides = array<i32>} : memref<4x32x768xf32, #tpu.memory_space<vmem>>, vector<1x1x16xf32>,
        %parallel_loop3A_1078 = arith.index_cast %rem3A_410 : i32 to index
        %parallel_loop3A_1079 = arith.index_cast %parallel_loop3A_893 : i32 to index
        %parallel_loop3A_1080 = arith.constant 736 : index
        %parallel_loop3A_1081 = tpu.vector_load %arg13[%parallel_loop3A_1078, %parallel_loop3A_1079, %parallel_loop3A_1080] {strides = array<i32>} : memref<4x32x768xf32, #tpu.memory_space<vmem>>, vector<1x1x16xf32>,
        %parallel_loop3A_1082 = vector.shape_cast %parallel_loop3A_1081 : vector<1x1x16xf32> to vector<16xf32>
        %parallel_loop3A_1083 = arith.addf %parallel_loop3A_1082, %parallel_loop3A_908 : vector<16xf32>
        %parallel_loop3A_1084 = arith.index_cast %rem3A_410 : i32 to index
        %parallel_loop3A_1085 = arith.index_cast %parallel_loop3A_893 : i32 to index
        %parallel_loop3A_1086 = arith.constant 736 : index
        %parallel_loop3A_1087 = tpu.vector_load %arg13[%parallel_loop3A_1084, %parallel_loop3A_1085, %parallel_loop3A_1086] {strides = array<i32>} : memref<4x32x768xf32, #tpu.memory_space<vmem>>, vector<1x1x16xf32>,
        %parallel_loop3A_1088 = vector.shape_cast %parallel_loop3A_1087 : vector<1x1x16xf32> to vector<16xf32>
        %parallel_loop3A_1089 = vector.shape_cast %parallel_loop3A_1083 : vector<16xf32> to vector<1x1x16xf32>
        tpu.vector_store %arg13[%parallel_loop3A_1084, %parallel_loop3A_1085, %parallel_loop3A_1086], %parallel_loop3A_1089 {strides = array<i32>} : memref<4x32x768xf32, #tpu.memory_space<vmem>>, vector<1x1x16xf32>,
        %parallel_loop3A_1090 = arith.index_cast %rem3A_410 : i32 to index
        %parallel_loop3A_1091 = arith.index_cast %parallel_loop3A_893 : i32 to index
        %parallel_loop3A_1092 = arith.constant 752 : index
        %parallel_loop3A_1093 = tpu.vector_load %arg13[%parallel_loop3A_1090, %parallel_loop3A_1091, %parallel_loop3A_1092] {strides = array<i32>} : memref<4x32x768xf32, #tpu.memory_space<vmem>>, vector<1x1x16xf32>,
        %parallel_loop3A_1094 = vector.shape_cast %parallel_loop3A_1093 : vector<1x1x16xf32> to vector<16xf32>
        %parallel_loop3A_1095 = arith.addf %parallel_loop3A_1094, %parallel_loop3A_909 : vector<16xf32>
        %parallel_loop3A_1096 = arith.index_cast %rem3A_410 : i32 to index
        %parallel_loop3A_1097 = arith.index_cast %parallel_loop3A_893 : i32 to index
        %parallel_loop3A_1098 = arith.constant 752 : index
        %parallel_loop3A_1099 = tpu.vector_load %arg13[%parallel_loop3A_1096, %parallel_loop3A_1097, %parallel_loop3A_1098] {strides = array<i32>} : memref<4x32x768xf32, #tpu.memory_space<vmem>>, vector<1x1x16xf32>,
        %parallel_loop3A_1100 = vector.shape_cast %parallel_loop3A_1099 : vector<1x1x16xf32> to vector<16xf32>
        %parallel_loop3A_1101 = vector.shape_cast %parallel_loop3A_1095 : vector<16xf32> to vector<1x1x16xf32>
        tpu.vector_store %arg13[%parallel_loop3A_1096, %parallel_loop3A_1097, %parallel_loop3A_1098], %parallel_loop3A_1101 {strides = array<i32>} : memref<4x32x768xf32, #tpu.memory_space<vmem>>, vector<1x1x16xf32>,
        scf.yield %parallel_loop3A_894, %parallel_loop3A_895, %parallel_loop3A_896, %parallel_loop3A_897, %parallel_loop3A_898, %parallel_loop3A_899, %parallel_loop3A_900, %parallel_loop3A_901, %parallel_loop3A_902, %parallel_loop3A_903, %parallel_loop3A_904, %parallel_loop3A_905, %parallel_loop3A_906, %parallel_loop3A_907, %parallel_loop3A_908, %parallel_loop3A_909 : vector<16xf32>, vector<16xf32>, vector<16xf32>, vector<16xf32>, vector<16xf32>, vector<16xf32>, vector<16xf32>, vector<16xf32>, vector<16xf32>, vector<16xf32>, vector<16xf32>, vector<16xf32>, vector<16xf32>, vector<16xf32>, vector<16xf32>, vector<16xf32>
      } {sc.loop_unroll_factor = 1 : i64, sc.parallel_access}
      %dma_start3A_815 = arith.constant 0 : i32
      %dma_start3A_816 = arith.constant 0 : i32
      %dma_start3A_817 = arith.constant 0 : i32
      %dma_start3A_818 = tpu.memref_slice %arg13[%rem3A_410, %dma_start3A_816, %dma_start3A_817] : memref<4x32x768xf32, #tpu.memory_space<vmem>> -> memref<1x32x128xf32, #tpu.memory_space<vmem>>
      %dma_start3A_819 = tpu.memref_squeeze %dma_start3A_818 : memref<1x32x128xf32, #tpu.memory_space<vmem>> -> memref<32x128xf32, #tpu.memory_space<vmem>>
      %dma_start3A_820 = arith.constant 0 : i32
      %dma_start3A_821 = tpu.memref_slice %arg9[%rem3A_410, %dma_start3A_815, %dma_start3A_820] : memref<4x6x32xi32, #tpu.memory_space<vmem>> -> memref<1x1x32xi32, #tpu.memory_space<vmem>>
      %dma_start3A_822 = tpu.memref_squeeze %dma_start3A_821 : memref<1x1x32xi32, #tpu.memory_space<vmem>> -> memref<32xi32, #tpu.memory_space<vmem>>
      %dma_start3A_823 = arith.constant 0 : i32
      %dma_start3A_824 = arith.constant 0 : i32
      %dma_start3A_825 = tpu.memref_slice %arg7[%dma_start3A_823, %dma_start3A_824] : memref<393600x128xf32, #tpu.memory_space<hbm>> -> memref<393600x128xf32, #tpu.memory_space<hbm>>
      %dma_start3A_826 = tpu.memref_slice %arg15[%rem3A_410] : memref<4x!tpu.dma_semaphore, #tpu.memory_space<semaphore_mem>> -> memref<1x!tpu.dma_semaphore, #tpu.memory_space<semaphore_mem>>
      %dma_start3A_827 = tpu.memref_squeeze %dma_start3A_826 : memref<1x!tpu.dma_semaphore, #tpu.memory_space<semaphore_mem>> -> memref<!tpu.dma_semaphore, #tpu.memory_space<semaphore_mem>>
      tpu.enqueue_indirect_dma source(%dma_start3A_819 : memref<32x128xf32, #tpu.memory_space<vmem>>) target(%dma_start3A_825 : memref<393600x128xf32, #tpu.memory_space<hbm>>) offsets(%dma_start3A_822 : memref<32xi32, #tpu.memory_space<vmem>>) semaphore(%dma_start3A_827 : memref<!tpu.dma_semaphore, #tpu.memory_space<semaphore_mem>>)
      %dma_start3A_828 = arith.constant 1 : i32
      %dma_start3A_829 = arith.constant 0 : i32
      %dma_start3A_830 = arith.constant 128 : i32
      %dma_start3A_831 = tpu.memref_slice %arg13[%rem3A_410, %dma_start3A_829, %dma_start3A_830] : memref<4x32x768xf32, #tpu.memory_space<vmem>> -> memref<1x32x128xf32, #tpu.memory_space<vmem>>
      %dma_start3A_832 = tpu.memref_squeeze %dma_start3A_831 : memref<1x32x128xf32, #tpu.memory_space<vmem>> -> memref<32x128xf32, #tpu.memory_space<vmem>>
      %dma_start3A_833 = arith.constant 0 : i32
      %dma_start3A_834 = tpu.memref_slice %arg9[%rem3A_410, %dma_start3A_828, %dma_start3A_833] : memref<4x6x32xi32, #tpu.memory_space<vmem>> -> memref<1x1x32xi32, #tpu.memory_space<vmem>>
      %dma_start3A_835 = tpu.memref_squeeze %dma_start3A_834 : memref<1x1x32xi32, #tpu.memory_space<vmem>> -> memref<32xi32, #tpu.memory_space<vmem>>
      %dma_start3A_836 = arith.constant 0 : i32
      %dma_start3A_837 = arith.constant 0 : i32
      %dma_start3A_838 = tpu.memref_slice %arg7[%dma_start3A_836, %dma_start3A_837] : memref<393600x128xf32, #tpu.memory_space<hbm>> -> memref<393600x128xf32, #tpu.memory_space<hbm>>
      %dma_start3A_839 = tpu.memref_slice %arg15[%rem3A_410] : memref<4x!tpu.dma_semaphore, #tpu.memory_space<semaphore_mem>> -> memref<1x!tpu.dma_semaphore, #tpu.memory_space<semaphore_mem>>
      %dma_start3A_840 = tpu.memref_squeeze %dma_start3A_839 : memref<1x!tpu.dma_semaphore, #tpu.memory_space<semaphore_mem>> -> memref<!tpu.dma_semaphore, #tpu.memory_space<semaphore_mem>>
      tpu.enqueue_indirect_dma source(%dma_start3A_832 : memref<32x128xf32, #tpu.memory_space<vmem>>) target(%dma_start3A_838 : memref<393600x128xf32, #tpu.memory_space<hbm>>) offsets(%dma_start3A_835 : memref<32xi32, #tpu.memory_space<vmem>>) semaphore(%dma_start3A_840 : memref<!tpu.dma_semaphore, #tpu.memory_space<semaphore_mem>>)
      %dma_start3A_841 = arith.constant 2 : i32
      %dma_start3A_842 = arith.constant 0 : i32
      %dma_start3A_843 = arith.constant 256 : i32
      %dma_start3A_844 = tpu.memref_slice %arg13[%rem3A_410, %dma_start3A_842, %dma_start3A_843] : memref<4x32x768xf32, #tpu.memory_space<vmem>> -> memref<1x32x128xf32, #tpu.memory_space<vmem>>
      %dma_start3A_845 = tpu.memref_squeeze %dma_start3A_844 : memref<1x32x128xf32, #tpu.memory_space<vmem>> -> memref<32x128xf32, #tpu.memory_space<vmem>>
      %dma_start3A_846 = arith.constant 0 : i32
      %dma_start3A_847 = tpu.memref_slice %arg9[%rem3A_410, %dma_start3A_841, %dma_start3A_846] : memref<4x6x32xi32, #tpu.memory_space<vmem>> -> memref<1x1x32xi32, #tpu.memory_space<vmem>>
      %dma_start3A_848 = tpu.memref_squeeze %dma_start3A_847 : memref<1x1x32xi32, #tpu.memory_space<vmem>> -> memref<32xi32, #tpu.memory_space<vmem>>
      %dma_start3A_849 = arith.constant 0 : i32
      %dma_start3A_850 = arith.constant 0 : i32
      %dma_start3A_851 = tpu.memref_slice %arg7[%dma_start3A_849, %dma_start3A_850] : memref<393600x128xf32, #tpu.memory_space<hbm>> -> memref<393600x128xf32, #tpu.memory_space<hbm>>
      %dma_start3A_852 = tpu.memref_slice %arg15[%rem3A_410] : memref<4x!tpu.dma_semaphore, #tpu.memory_space<semaphore_mem>> -> memref<1x!tpu.dma_semaphore, #tpu.memory_space<semaphore_mem>>
      %dma_start3A_853 = tpu.memref_squeeze %dma_start3A_852 : memref<1x!tpu.dma_semaphore, #tpu.memory_space<semaphore_mem>> -> memref<!tpu.dma_semaphore, #tpu.memory_space<semaphore_mem>>
      tpu.enqueue_indirect_dma source(%dma_start3A_845 : memref<32x128xf32, #tpu.memory_space<vmem>>) target(%dma_start3A_851 : memref<393600x128xf32, #tpu.memory_space<hbm>>) offsets(%dma_start3A_848 : memref<32xi32, #tpu.memory_space<vmem>>) semaphore(%dma_start3A_853 : memref<!tpu.dma_semaphore, #tpu.memory_space<semaphore_mem>>)
      %dma_start3A_854 = arith.constant 3 : i32
      %dma_start3A_855 = arith.constant 0 : i32
      %dma_start3A_856 = arith.constant 384 : i32
      %dma_start3A_857 = tpu.memref_slice %arg13[%rem3A_410, %dma_start3A_855, %dma_start3A_856] : memref<4x32x768xf32, #tpu.memory_space<vmem>> -> memref<1x32x128xf32, #tpu.memory_space<vmem>>
      %dma_start3A_858 = tpu.memref_squeeze %dma_start3A_857 : memref<1x32x128xf32, #tpu.memory_space<vmem>> -> memref<32x128xf32, #tpu.memory_space<vmem>>
      %dma_start3A_859 = arith.constant 0 : i32
      %dma_start3A_860 = tpu.memref_slice %arg9[%rem3A_410, %dma_start3A_854, %dma_start3A_859] : memref<4x6x32xi32, #tpu.memory_space<vmem>> -> memref<1x1x32xi32, #tpu.memory_space<vmem>>
      %dma_start3A_861 = tpu.memref_squeeze %dma_start3A_860 : memref<1x1x32xi32, #tpu.memory_space<vmem>> -> memref<32xi32, #tpu.memory_space<vmem>>
      %dma_start3A_862 = arith.constant 0 : i32
      %dma_start3A_863 = arith.constant 0 : i32
      %dma_start3A_864 = tpu.memref_slice %arg7[%dma_start3A_862, %dma_start3A_863] : memref<393600x128xf32, #tpu.memory_space<hbm>> -> memref<393600x128xf32, #tpu.memory_space<hbm>>
      %dma_start3A_865 = tpu.memref_slice %arg15[%rem3A_410] : memref<4x!tpu.dma_semaphore, #tpu.memory_space<semaphore_mem>> -> memref<1x!tpu.dma_semaphore, #tpu.memory_space<semaphore_mem>>
      %dma_start3A_866 = tpu.memref_squeeze %dma_start3A_865 : memref<1x!tpu.dma_semaphore, #tpu.memory_space<semaphore_mem>> -> memref<!tpu.dma_semaphore, #tpu.memory_space<semaphore_mem>>
      tpu.enqueue_indirect_dma source(%dma_start3A_858 : memref<32x128xf32, #tpu.memory_space<vmem>>) target(%dma_start3A_864 : memref<393600x128xf32, #tpu.memory_space<hbm>>) offsets(%dma_start3A_861 : memref<32xi32, #tpu.memory_space<vmem>>) semaphore(%dma_start3A_866 : memref<!tpu.dma_semaphore, #tpu.memory_space<semaphore_mem>>)
      %dma_start3A_867 = arith.constant 4 : i32
      %dma_start3A_868 = arith.constant 0 : i32
      %dma_start3A_869 = arith.constant 512 : i32
      %dma_start3A_870 = tpu.memref_slice %arg13[%rem3A_410, %dma_start3A_868, %dma_start3A_869] : memref<4x32x768xf32, #tpu.memory_space<vmem>> -> memref<1x32x128xf32, #tpu.memory_space<vmem>>
      %dma_start3A_871 = tpu.memref_squeeze %dma_start3A_870 : memref<1x32x128xf32, #tpu.memory_space<vmem>> -> memref<32x128xf32, #tpu.memory_space<vmem>>
      %dma_start3A_872 = arith.constant 0 : i32
      %dma_start3A_873 = tpu.memref_slice %arg9[%rem3A_410, %dma_start3A_867, %dma_start3A_872] : memref<4x6x32xi32, #tpu.memory_space<vmem>> -> memref<1x1x32xi32, #tpu.memory_space<vmem>>
      %dma_start3A_874 = tpu.memref_squeeze %dma_start3A_873 : memref<1x1x32xi32, #tpu.memory_space<vmem>> -> memref<32xi32, #tpu.memory_space<vmem>>
      %dma_start3A_875 = arith.constant 0 : i32
      %dma_start3A_876 = arith.constant 0 : i32
      %dma_start3A_877 = tpu.memref_slice %arg7[%dma_start3A_875, %dma_start3A_876] : memref<393600x128xf32, #tpu.memory_space<hbm>> -> memref<393600x128xf32, #tpu.memory_space<hbm>>
      %dma_start3A_878 = tpu.memref_slice %arg15[%rem3A_410] : memref<4x!tpu.dma_semaphore, #tpu.memory_space<semaphore_mem>> -> memref<1x!tpu.dma_semaphore, #tpu.memory_space<semaphore_mem>>
      %dma_start3A_879 = tpu.memref_squeeze %dma_start3A_878 : memref<1x!tpu.dma_semaphore, #tpu.memory_space<semaphore_mem>> -> memref<!tpu.dma_semaphore, #tpu.memory_space<semaphore_mem>>
      tpu.enqueue_indirect_dma source(%dma_start3A_871 : memref<32x128xf32, #tpu.memory_space<vmem>>) target(%dma_start3A_877 : memref<393600x128xf32, #tpu.memory_space<hbm>>) offsets(%dma_start3A_874 : memref<32xi32, #tpu.memory_space<vmem>>) semaphore(%dma_start3A_879 : memref<!tpu.dma_semaphore, #tpu.memory_space<semaphore_mem>>)
      %dma_start3A_880 = arith.constant 5 : i32
      %dma_start3A_881 = arith.constant 0 : i32
      %dma_start3A_882 = arith.constant 640 : i32
      %dma_start3A_883 = tpu.memref_slice %arg13[%rem3A_410, %dma_start3A_881, %dma_start3A_882] : memref<4x32x768xf32, #tpu.memory_space<vmem>> -> memref<1x32x128xf32, #tpu.memory_space<vmem>>
      %dma_start3A_884 = tpu.memref_squeeze %dma_start3A_883 : memref<1x32x128xf32, #tpu.memory_space<vmem>> -> memref<32x128xf32, #tpu.memory_space<vmem>>
      %dma_start3A_885 = arith.constant 0 : i32
      %dma_start3A_886 = tpu.memref_slice %arg9[%rem3A_410, %dma_start3A_880, %dma_start3A_885] : memref<4x6x32xi32, #tpu.memory_space<vmem>> -> memref<1x1x32xi32, #tpu.memory_space<vmem>>
      %dma_start3A_887 = tpu.memref_squeeze %dma_start3A_886 : memref<1x1x32xi32, #tpu.memory_space<vmem>> -> memref<32xi32, #tpu.memory_space<vmem>>
      %dma_start3A_888 = arith.constant 0 : i32
      %dma_start3A_889 = arith.constant 0 : i32
      %dma_start3A_890 = tpu.memref_slice %arg7[%dma_start3A_888, %dma_start3A_889] : memref<393600x128xf32, #tpu.memory_space<hbm>> -> memref<393600x128xf32, #tpu.memory_space<hbm>>
      %dma_start3A_891 = tpu.memref_slice %arg15[%rem3A_410] : memref<4x!tpu.dma_semaphore, #tpu.memory_space<semaphore_mem>> -> memref<1x!tpu.dma_semaphore, #tpu.memory_space<semaphore_mem>>
      %dma_start3A_892 = tpu.memref_squeeze %dma_start3A_891 : memref<1x!tpu.dma_semaphore, #tpu.memory_space<semaphore_mem>> -> memref<!tpu.dma_semaphore, #tpu.memory_space<semaphore_mem>>
      tpu.enqueue_indirect_dma source(%dma_start3A_884 : memref<32x128xf32, #tpu.memory_space<vmem>>) target(%dma_start3A_890 : memref<393600x128xf32, #tpu.memory_space<hbm>>) offsets(%dma_start3A_887 : memref<32xi32, #tpu.memory_space<vmem>>) semaphore(%dma_start3A_892 : memref<!tpu.dma_semaphore, #tpu.memory_space<semaphore_mem>>)
    }
    %sub3A_51 = arith.constant 4 : i32
    %sub3A_52 = arith.subi %mul3A_4, %sub3A_51 : i32
    %add3A_53 = arith.constant 0 : i32
    %add3A_54 = arith.addi %sub3A_52, %add3A_53 : i32
    %rem3A_55 = arith.constant 4 : i32
    %rem3A_56 = arith.remsi %add3A_54, %rem3A_55 : i32
    %dma_wait3A = arith.constant 0 : i32
    %dma_wait3A_57 = arith.constant 0 : i32
    %dma_wait3A_58 = arith.constant 0 : i32
    %dma_wait3A_59 = tpu.memref_slice %arg13[%rem3A_56, %dma_wait3A_57, %dma_wait3A_58] : memref<4x32x768xf32, #tpu.memory_space<vmem>> -> memref<1x32x128xf32, #tpu.memory_space<vmem>>
    %dma_wait3A_60 = tpu.memref_squeeze %dma_wait3A_59 : memref<1x32x128xf32, #tpu.memory_space<vmem>> -> memref<32x128xf32, #tpu.memory_space<vmem>>
    %dma_wait3A_61 = arith.constant 0 : i32
    %dma_wait3A_62 = tpu.memref_slice %arg9[%rem3A_56, %dma_wait3A, %dma_wait3A_61] : memref<4x6x32xi32, #tpu.memory_space<vmem>> -> memref<1x1x32xi32, #tpu.memory_space<vmem>>
    %dma_wait3A_63 = tpu.memref_squeeze %dma_wait3A_62 : memref<1x1x32xi32, #tpu.memory_space<vmem>> -> memref<32xi32, #tpu.memory_space<vmem>>
    %dma_wait3A_64 = arith.constant 0 : i32
    %dma_wait3A_65 = arith.constant 0 : i32
    %dma_wait3A_66 = tpu.memref_slice %arg7[%dma_wait3A_64, %dma_wait3A_65] : memref<393600x128xf32, #tpu.memory_space<hbm>> -> memref<393600x128xf32, #tpu.memory_space<hbm>>
    %dma_wait3A_67 = tpu.memref_slice %arg15[%rem3A_56] : memref<4x!tpu.dma_semaphore, #tpu.memory_space<semaphore_mem>> -> memref<1x!tpu.dma_semaphore, #tpu.memory_space<semaphore_mem>>
    %dma_wait3A_68 = tpu.memref_squeeze %dma_wait3A_67 : memref<1x!tpu.dma_semaphore, #tpu.memory_space<semaphore_mem>> -> memref<!tpu.dma_semaphore, #tpu.memory_space<semaphore_mem>>
    tpu.wait_indirect_dma semaphore(%dma_wait3A_68 : memref<!tpu.dma_semaphore, #tpu.memory_space<semaphore_mem>>) src(%dma_wait3A_60 : memref<32x128xf32, #tpu.memory_space<vmem>>) dst(%dma_wait3A_66 : memref<393600x128xf32, #tpu.memory_space<hbm>>)
    %dma_wait3A_69 = arith.constant 1 : i32
    %dma_wait3A_70 = arith.constant 0 : i32
    %dma_wait3A_71 = arith.constant 128 : i32
    %dma_wait3A_72 = tpu.memref_slice %arg13[%rem3A_56, %dma_wait3A_70, %dma_wait3A_71] : memref<4x32x768xf32, #tpu.memory_space<vmem>> -> memref<1x32x128xf32, #tpu.memory_space<vmem>>
    %dma_wait3A_73 = tpu.memref_squeeze %dma_wait3A_72 : memref<1x32x128xf32, #tpu.memory_space<vmem>> -> memref<32x128xf32, #tpu.memory_space<vmem>>
    %dma_wait3A_74 = arith.constant 0 : i32
    %dma_wait3A_75 = tpu.memref_slice %arg9[%rem3A_56, %dma_wait3A_69, %dma_wait3A_74] : memref<4x6x32xi32, #tpu.memory_space<vmem>> -> memref<1x1x32xi32, #tpu.memory_space<vmem>>
    %dma_wait3A_76 = tpu.memref_squeeze %dma_wait3A_75 : memref<1x1x32xi32, #tpu.memory_space<vmem>> -> memref<32xi32, #tpu.memory_space<vmem>>
    %dma_wait3A_77 = arith.constant 0 : i32
    %dma_wait3A_78 = arith.constant 0 : i32
    %dma_wait3A_79 = tpu.memref_slice %arg7[%dma_wait3A_77, %dma_wait3A_78] : memref<393600x128xf32, #tpu.memory_space<hbm>> -> memref<393600x128xf32, #tpu.memory_space<hbm>>
    %dma_wait3A_80 = tpu.memref_slice %arg15[%rem3A_56] : memref<4x!tpu.dma_semaphore, #tpu.memory_space<semaphore_mem>> -> memref<1x!tpu.dma_semaphore, #tpu.memory_space<semaphore_mem>>
    %dma_wait3A_81 = tpu.memref_squeeze %dma_wait3A_80 : memref<1x!tpu.dma_semaphore, #tpu.memory_space<semaphore_mem>> -> memref<!tpu.dma_semaphore, #tpu.memory_space<semaphore_mem>>
    tpu.wait_indirect_dma semaphore(%dma_wait3A_81 : memref<!tpu.dma_semaphore, #tpu.memory_space<semaphore_mem>>) src(%dma_wait3A_73 : memref<32x128xf32, #tpu.memory_space<vmem>>) dst(%dma_wait3A_79 : memref<393600x128xf32, #tpu.memory_space<hbm>>)
    %dma_wait3A_82 = arith.constant 2 : i32
    %dma_wait3A_83 = arith.constant 0 : i32
    %dma_wait3A_84 = arith.constant 256 : i32
    %dma_wait3A_85 = tpu.memref_slice %arg13[%rem3A_56, %dma_wait3A_83, %dma_wait3A_84] : memref<4x32x768xf32, #tpu.memory_space<vmem>> -> memref<1x32x128xf32, #tpu.memory_space<vmem>>
    %dma_wait3A_86 = tpu.memref_squeeze %dma_wait3A_85 : memref<1x32x128xf32, #tpu.memory_space<vmem>> -> memref<32x128xf32, #tpu.memory_space<vmem>>
    %dma_wait3A_87 = arith.constant 0 : i32
    %dma_wait3A_88 = tpu.memref_slice %arg9[%rem3A_56, %dma_wait3A_82, %dma_wait3A_87] : memref<4x6x32xi32, #tpu.memory_space<vmem>> -> memref<1x1x32xi32, #tpu.memory_space<vmem>>
    %dma_wait3A_89 = tpu.memref_squeeze %dma_wait3A_88 : memref<1x1x32xi32, #tpu.memory_space<vmem>> -> memref<32xi32, #tpu.memory_space<vmem>>
    %dma_wait3A_90 = arith.constant 0 : i32
    %dma_wait3A_91 = arith.constant 0 : i32
    %dma_wait3A_92 = tpu.memref_slice %arg7[%dma_wait3A_90, %dma_wait3A_91] : memref<393600x128xf32, #tpu.memory_space<hbm>> -> memref<393600x128xf32, #tpu.memory_space<hbm>>
    %dma_wait3A_93 = tpu.memref_slice %arg15[%rem3A_56] : memref<4x!tpu.dma_semaphore, #tpu.memory_space<semaphore_mem>> -> memref<1x!tpu.dma_semaphore, #tpu.memory_space<semaphore_mem>>
    %dma_wait3A_94 = tpu.memref_squeeze %dma_wait3A_93 : memref<1x!tpu.dma_semaphore, #tpu.memory_space<semaphore_mem>> -> memref<!tpu.dma_semaphore, #tpu.memory_space<semaphore_mem>>
    tpu.wait_indirect_dma semaphore(%dma_wait3A_94 : memref<!tpu.dma_semaphore, #tpu.memory_space<semaphore_mem>>) src(%dma_wait3A_86 : memref<32x128xf32, #tpu.memory_space<vmem>>) dst(%dma_wait3A_92 : memref<393600x128xf32, #tpu.memory_space<hbm>>)
    %dma_wait3A_95 = arith.constant 3 : i32
    %dma_wait3A_96 = arith.constant 0 : i32
    %dma_wait3A_97 = arith.constant 384 : i32
    %dma_wait3A_98 = tpu.memref_slice %arg13[%rem3A_56, %dma_wait3A_96, %dma_wait3A_97] : memref<4x32x768xf32, #tpu.memory_space<vmem>> -> memref<1x32x128xf32, #tpu.memory_space<vmem>>
    %dma_wait3A_99 = tpu.memref_squeeze %dma_wait3A_98 : memref<1x32x128xf32, #tpu.memory_space<vmem>> -> memref<32x128xf32, #tpu.memory_space<vmem>>
    %dma_wait3A_100 = arith.constant 0 : i32
    %dma_wait3A_101 = tpu.memref_slice %arg9[%rem3A_56, %dma_wait3A_95, %dma_wait3A_100] : memref<4x6x32xi32, #tpu.memory_space<vmem>> -> memref<1x1x32xi32, #tpu.memory_space<vmem>>
    %dma_wait3A_102 = tpu.memref_squeeze %dma_wait3A_101 : memref<1x1x32xi32, #tpu.memory_space<vmem>> -> memref<32xi32, #tpu.memory_space<vmem>>
    %dma_wait3A_103 = arith.constant 0 : i32
    %dma_wait3A_104 = arith.constant 0 : i32
    %dma_wait3A_105 = tpu.memref_slice %arg7[%dma_wait3A_103, %dma_wait3A_104] : memref<393600x128xf32, #tpu.memory_space<hbm>> -> memref<393600x128xf32, #tpu.memory_space<hbm>>
    %dma_wait3A_106 = tpu.memref_slice %arg15[%rem3A_56] : memref<4x!tpu.dma_semaphore, #tpu.memory_space<semaphore_mem>> -> memref<1x!tpu.dma_semaphore, #tpu.memory_space<semaphore_mem>>
    %dma_wait3A_107 = tpu.memref_squeeze %dma_wait3A_106 : memref<1x!tpu.dma_semaphore, #tpu.memory_space<semaphore_mem>> -> memref<!tpu.dma_semaphore, #tpu.memory_space<semaphore_mem>>
    tpu.wait_indirect_dma semaphore(%dma_wait3A_107 : memref<!tpu.dma_semaphore, #tpu.memory_space<semaphore_mem>>) src(%dma_wait3A_99 : memref<32x128xf32, #tpu.memory_space<vmem>>) dst(%dma_wait3A_105 : memref<393600x128xf32, #tpu.memory_space<hbm>>)
    %dma_wait3A_108 = arith.constant 4 : i32
    %dma_wait3A_109 = arith.constant 0 : i32
    %dma_wait3A_110 = arith.constant 512 : i32
    %dma_wait3A_111 = tpu.memref_slice %arg13[%rem3A_56, %dma_wait3A_109, %dma_wait3A_110] : memref<4x32x768xf32, #tpu.memory_space<vmem>> -> memref<1x32x128xf32, #tpu.memory_space<vmem>>
    %dma_wait3A_112 = tpu.memref_squeeze %dma_wait3A_111 : memref<1x32x128xf32, #tpu.memory_space<vmem>> -> memref<32x128xf32, #tpu.memory_space<vmem>>
    %dma_wait3A_113 = arith.constant 0 : i32
    %dma_wait3A_114 = tpu.memref_slice %arg9[%rem3A_56, %dma_wait3A_108, %dma_wait3A_113] : memref<4x6x32xi32, #tpu.memory_space<vmem>> -> memref<1x1x32xi32, #tpu.memory_space<vmem>>
    %dma_wait3A_115 = tpu.memref_squeeze %dma_wait3A_114 : memref<1x1x32xi32, #tpu.memory_space<vmem>> -> memref<32xi32, #tpu.memory_space<vmem>>
    %dma_wait3A_116 = arith.constant 0 : i32
    %dma_wait3A_117 = arith.constant 0 : i32
    %dma_wait3A_118 = tpu.memref_slice %arg7[%dma_wait3A_116, %dma_wait3A_117] : memref<393600x128xf32, #tpu.memory_space<hbm>> -> memref<393600x128xf32, #tpu.memory_space<hbm>>
    %dma_wait3A_119 = tpu.memref_slice %arg15[%rem3A_56] : memref<4x!tpu.dma_semaphore, #tpu.memory_space<semaphore_mem>> -> memref<1x!tpu.dma_semaphore, #tpu.memory_space<semaphore_mem>>
    %dma_wait3A_120 = tpu.memref_squeeze %dma_wait3A_119 : memref<1x!tpu.dma_semaphore, #tpu.memory_space<semaphore_mem>> -> memref<!tpu.dma_semaphore, #tpu.memory_space<semaphore_mem>>
    tpu.wait_indirect_dma semaphore(%dma_wait3A_120 : memref<!tpu.dma_semaphore, #tpu.memory_space<semaphore_mem>>) src(%dma_wait3A_112 : memref<32x128xf32, #tpu.memory_space<vmem>>) dst(%dma_wait3A_118 : memref<393600x128xf32, #tpu.memory_space<hbm>>)
    %dma_wait3A_121 = arith.constant 5 : i32
    %dma_wait3A_122 = arith.constant 0 : i32
    %dma_wait3A_123 = arith.constant 640 : i32
    %dma_wait3A_124 = tpu.memref_slice %arg13[%rem3A_56, %dma_wait3A_122, %dma_wait3A_123] : memref<4x32x768xf32, #tpu.memory_space<vmem>> -> memref<1x32x128xf32, #tpu.memory_space<vmem>>
    %dma_wait3A_125 = tpu.memref_squeeze %dma_wait3A_124 : memref<1x32x128xf32, #tpu.memory_space<vmem>> -> memref<32x128xf32, #tpu.memory_space<vmem>>
    %dma_wait3A_126 = arith.constant 0 : i32
    %dma_wait3A_127 = tpu.memref_slice %arg9[%rem3A_56, %dma_wait3A_121, %dma_wait3A_126] : memref<4x6x32xi32, #tpu.memory_space<vmem>> -> memref<1x1x32xi32, #tpu.memory_space<vmem>>
    %dma_wait3A_128 = tpu.memref_squeeze %dma_wait3A_127 : memref<1x1x32xi32, #tpu.memory_space<vmem>> -> memref<32xi32, #tpu.memory_space<vmem>>
    %dma_wait3A_129 = arith.constant 0 : i32
    %dma_wait3A_130 = arith.constant 0 : i32
    %dma_wait3A_131 = tpu.memref_slice %arg7[%dma_wait3A_129, %dma_wait3A_130] : memref<393600x128xf32, #tpu.memory_space<hbm>> -> memref<393600x128xf32, #tpu.memory_space<hbm>>
    %dma_wait3A_132 = tpu.memref_slice %arg15[%rem3A_56] : memref<4x!tpu.dma_semaphore, #tpu.memory_space<semaphore_mem>> -> memref<1x!tpu.dma_semaphore, #tpu.memory_space<semaphore_mem>>
    %dma_wait3A_133 = tpu.memref_squeeze %dma_wait3A_132 : memref<1x!tpu.dma_semaphore, #tpu.memory_space<semaphore_mem>> -> memref<!tpu.dma_semaphore, #tpu.memory_space<semaphore_mem>>
    tpu.wait_indirect_dma semaphore(%dma_wait3A_133 : memref<!tpu.dma_semaphore, #tpu.memory_space<semaphore_mem>>) src(%dma_wait3A_125 : memref<32x128xf32, #tpu.memory_space<vmem>>) dst(%dma_wait3A_131 : memref<393600x128xf32, #tpu.memory_space<hbm>>)
    %sub3A_134 = arith.constant 4 : i32
    %sub3A_135 = arith.subi %mul3A_4, %sub3A_134 : i32
    %add3A_136 = arith.constant 1 : i32
    %add3A_137 = arith.addi %sub3A_135, %add3A_136 : i32
    %rem3A_138 = arith.constant 4 : i32
    %rem3A_139 = arith.remsi %add3A_137, %rem3A_138 : i32
    %dma_wait3A_140 = arith.constant 0 : i32
    %dma_wait3A_141 = arith.constant 0 : i32
    %dma_wait3A_142 = arith.constant 0 : i32
    %dma_wait3A_143 = tpu.memref_slice %arg13[%rem3A_139, %dma_wait3A_141, %dma_wait3A_142] : memref<4x32x768xf32, #tpu.memory_space<vmem>> -> memref<1x32x128xf32, #tpu.memory_space<vmem>>
    %dma_wait3A_144 = tpu.memref_squeeze %dma_wait3A_143 : memref<1x32x128xf32, #tpu.memory_space<vmem>> -> memref<32x128xf32, #tpu.memory_space<vmem>>
    %dma_wait3A_145 = arith.constant 0 : i32
    %dma_wait3A_146 = tpu.memref_slice %arg9[%rem3A_139, %dma_wait3A_140, %dma_wait3A_145] : memref<4x6x32xi32, #tpu.memory_space<vmem>> -> memref<1x1x32xi32, #tpu.memory_space<vmem>>
    %dma_wait3A_147 = tpu.memref_squeeze %dma_wait3A_146 : memref<1x1x32xi32, #tpu.memory_space<vmem>> -> memref<32xi32, #tpu.memory_space<vmem>>
    %dma_wait3A_148 = arith.constant 0 : i32
    %dma_wait3A_149 = arith.constant 0 : i32
    %dma_wait3A_150 = tpu.memref_slice %arg7[%dma_wait3A_148, %dma_wait3A_149] : memref<393600x128xf32, #tpu.memory_space<hbm>> -> memref<393600x128xf32, #tpu.memory_space<hbm>>
    %dma_wait3A_151 = tpu.memref_slice %arg15[%rem3A_139] : memref<4x!tpu.dma_semaphore, #tpu.memory_space<semaphore_mem>> -> memref<1x!tpu.dma_semaphore, #tpu.memory_space<semaphore_mem>>
    %dma_wait3A_152 = tpu.memref_squeeze %dma_wait3A_151 : memref<1x!tpu.dma_semaphore, #tpu.memory_space<semaphore_mem>> -> memref<!tpu.dma_semaphore, #tpu.memory_space<semaphore_mem>>
    tpu.wait_indirect_dma semaphore(%dma_wait3A_152 : memref<!tpu.dma_semaphore, #tpu.memory_space<semaphore_mem>>) src(%dma_wait3A_144 : memref<32x128xf32, #tpu.memory_space<vmem>>) dst(%dma_wait3A_150 : memref<393600x128xf32, #tpu.memory_space<hbm>>)
    %dma_wait3A_153 = arith.constant 1 : i32
    %dma_wait3A_154 = arith.constant 0 : i32
    %dma_wait3A_155 = arith.constant 128 : i32
    %dma_wait3A_156 = tpu.memref_slice %arg13[%rem3A_139, %dma_wait3A_154, %dma_wait3A_155] : memref<4x32x768xf32, #tpu.memory_space<vmem>> -> memref<1x32x128xf32, #tpu.memory_space<vmem>>
    %dma_wait3A_157 = tpu.memref_squeeze %dma_wait3A_156 : memref<1x32x128xf32, #tpu.memory_space<vmem>> -> memref<32x128xf32, #tpu.memory_space<vmem>>
    %dma_wait3A_158 = arith.constant 0 : i32
    %dma_wait3A_159 = tpu.memref_slice %arg9[%rem3A_139, %dma_wait3A_153, %dma_wait3A_158] : memref<4x6x32xi32, #tpu.memory_space<vmem>> -> memref<1x1x32xi32, #tpu.memory_space<vmem>>
    %dma_wait3A_160 = tpu.memref_squeeze %dma_wait3A_159 : memref<1x1x32xi32, #tpu.memory_space<vmem>> -> memref<32xi32, #tpu.memory_space<vmem>>
    %dma_wait3A_161 = arith.constant 0 : i32
    %dma_wait3A_162 = arith.constant 0 : i32
    %dma_wait3A_163 = tpu.memref_slice %arg7[%dma_wait3A_161, %dma_wait3A_162] : memref<393600x128xf32, #tpu.memory_space<hbm>> -> memref<393600x128xf32, #tpu.memory_space<hbm>>
    %dma_wait3A_164 = tpu.memref_slice %arg15[%rem3A_139] : memref<4x!tpu.dma_semaphore, #tpu.memory_space<semaphore_mem>> -> memref<1x!tpu.dma_semaphore, #tpu.memory_space<semaphore_mem>>
    %dma_wait3A_165 = tpu.memref_squeeze %dma_wait3A_164 : memref<1x!tpu.dma_semaphore, #tpu.memory_space<semaphore_mem>> -> memref<!tpu.dma_semaphore, #tpu.memory_space<semaphore_mem>>
    tpu.wait_indirect_dma semaphore(%dma_wait3A_165 : memref<!tpu.dma_semaphore, #tpu.memory_space<semaphore_mem>>) src(%dma_wait3A_157 : memref<32x128xf32, #tpu.memory_space<vmem>>) dst(%dma_wait3A_163 : memref<393600x128xf32, #tpu.memory_space<hbm>>)
    %dma_wait3A_166 = arith.constant 2 : i32
    %dma_wait3A_167 = arith.constant 0 : i32
    %dma_wait3A_168 = arith.constant 256 : i32
    %dma_wait3A_169 = tpu.memref_slice %arg13[%rem3A_139, %dma_wait3A_167, %dma_wait3A_168] : memref<4x32x768xf32, #tpu.memory_space<vmem>> -> memref<1x32x128xf32, #tpu.memory_space<vmem>>
    %dma_wait3A_170 = tpu.memref_squeeze %dma_wait3A_169 : memref<1x32x128xf32, #tpu.memory_space<vmem>> -> memref<32x128xf32, #tpu.memory_space<vmem>>
    %dma_wait3A_171 = arith.constant 0 : i32
    %dma_wait3A_172 = tpu.memref_slice %arg9[%rem3A_139, %dma_wait3A_166, %dma_wait3A_171] : memref<4x6x32xi32, #tpu.memory_space<vmem>> -> memref<1x1x32xi32, #tpu.memory_space<vmem>>
    %dma_wait3A_173 = tpu.memref_squeeze %dma_wait3A_172 : memref<1x1x32xi32, #tpu.memory_space<vmem>> -> memref<32xi32, #tpu.memory_space<vmem>>
    %dma_wait3A_174 = arith.constant 0 : i32
    %dma_wait3A_175 = arith.constant 0 : i32
    %dma_wait3A_176 = tpu.memref_slice %arg7[%dma_wait3A_174, %dma_wait3A_175] : memref<393600x128xf32, #tpu.memory_space<hbm>> -> memref<393600x128xf32, #tpu.memory_space<hbm>>
    %dma_wait3A_177 = tpu.memref_slice %arg15[%rem3A_139] : memref<4x!tpu.dma_semaphore, #tpu.memory_space<semaphore_mem>> -> memref<1x!tpu.dma_semaphore, #tpu.memory_space<semaphore_mem>>
    %dma_wait3A_178 = tpu.memref_squeeze %dma_wait3A_177 : memref<1x!tpu.dma_semaphore, #tpu.memory_space<semaphore_mem>> -> memref<!tpu.dma_semaphore, #tpu.memory_space<semaphore_mem>>
    tpu.wait_indirect_dma semaphore(%dma_wait3A_178 : memref<!tpu.dma_semaphore, #tpu.memory_space<semaphore_mem>>) src(%dma_wait3A_170 : memref<32x128xf32, #tpu.memory_space<vmem>>) dst(%dma_wait3A_176 : memref<393600x128xf32, #tpu.memory_space<hbm>>)
    %dma_wait3A_179 = arith.constant 3 : i32
    %dma_wait3A_180 = arith.constant 0 : i32
    %dma_wait3A_181 = arith.constant 384 : i32
    %dma_wait3A_182 = tpu.memref_slice %arg13[%rem3A_139, %dma_wait3A_180, %dma_wait3A_181] : memref<4x32x768xf32, #tpu.memory_space<vmem>> -> memref<1x32x128xf32, #tpu.memory_space<vmem>>
    %dma_wait3A_183 = tpu.memref_squeeze %dma_wait3A_182 : memref<1x32x128xf32, #tpu.memory_space<vmem>> -> memref<32x128xf32, #tpu.memory_space<vmem>>
    %dma_wait3A_184 = arith.constant 0 : i32
    %dma_wait3A_185 = tpu.memref_slice %arg9[%rem3A_139, %dma_wait3A_179, %dma_wait3A_184] : memref<4x6x32xi32, #tpu.memory_space<vmem>> -> memref<1x1x32xi32, #tpu.memory_space<vmem>>
    %dma_wait3A_186 = tpu.memref_squeeze %dma_wait3A_185 : memref<1x1x32xi32, #tpu.memory_space<vmem>> -> memref<32xi32, #tpu.memory_space<vmem>>
    %dma_wait3A_187 = arith.constant 0 : i32
    %dma_wait3A_188 = arith.constant 0 : i32
    %dma_wait3A_189 = tpu.memref_slice %arg7[%dma_wait3A_187, %dma_wait3A_188] : memref<393600x128xf32, #tpu.memory_space<hbm>> -> memref<393600x128xf32, #tpu.memory_space<hbm>>
    %dma_wait3A_190 = tpu.memref_slice %arg15[%rem3A_139] : memref<4x!tpu.dma_semaphore, #tpu.memory_space<semaphore_mem>> -> memref<1x!tpu.dma_semaphore, #tpu.memory_space<semaphore_mem>>
    %dma_wait3A_191 = tpu.memref_squeeze %dma_wait3A_190 : memref<1x!tpu.dma_semaphore, #tpu.memory_space<semaphore_mem>> -> memref<!tpu.dma_semaphore, #tpu.memory_space<semaphore_mem>>
    tpu.wait_indirect_dma semaphore(%dma_wait3A_191 : memref<!tpu.dma_semaphore, #tpu.memory_space<semaphore_mem>>) src(%dma_wait3A_183 : memref<32x128xf32, #tpu.memory_space<vmem>>) dst(%dma_wait3A_189 : memref<393600x128xf32, #tpu.memory_space<hbm>>)
    %dma_wait3A_192 = arith.constant 4 : i32
    %dma_wait3A_193 = arith.constant 0 : i32
    %dma_wait3A_194 = arith.constant 512 : i32
    %dma_wait3A_195 = tpu.memref_slice %arg13[%rem3A_139, %dma_wait3A_193, %dma_wait3A_194] : memref<4x32x768xf32, #tpu.memory_space<vmem>> -> memref<1x32x128xf32, #tpu.memory_space<vmem>>
    %dma_wait3A_196 = tpu.memref_squeeze %dma_wait3A_195 : memref<1x32x128xf32, #tpu.memory_space<vmem>> -> memref<32x128xf32, #tpu.memory_space<vmem>>
    %dma_wait3A_197 = arith.constant 0 : i32
    %dma_wait3A_198 = tpu.memref_slice %arg9[%rem3A_139, %dma_wait3A_192, %dma_wait3A_197] : memref<4x6x32xi32, #tpu.memory_space<vmem>> -> memref<1x1x32xi32, #tpu.memory_space<vmem>>
    %dma_wait3A_199 = tpu.memref_squeeze %dma_wait3A_198 : memref<1x1x32xi32, #tpu.memory_space<vmem>> -> memref<32xi32, #tpu.memory_space<vmem>>
    %dma_wait3A_200 = arith.constant 0 : i32
    %dma_wait3A_201 = arith.constant 0 : i32
    %dma_wait3A_202 = tpu.memref_slice %arg7[%dma_wait3A_200, %dma_wait3A_201] : memref<393600x128xf32, #tpu.memory_space<hbm>> -> memref<393600x128xf32, #tpu.memory_space<hbm>>
    %dma_wait3A_203 = tpu.memref_slice %arg15[%rem3A_139] : memref<4x!tpu.dma_semaphore, #tpu.memory_space<semaphore_mem>> -> memref<1x!tpu.dma_semaphore, #tpu.memory_space<semaphore_mem>>
    %dma_wait3A_204 = tpu.memref_squeeze %dma_wait3A_203 : memref<1x!tpu.dma_semaphore, #tpu.memory_space<semaphore_mem>> -> memref<!tpu.dma_semaphore, #tpu.memory_space<semaphore_mem>>
    tpu.wait_indirect_dma semaphore(%dma_wait3A_204 : memref<!tpu.dma_semaphore, #tpu.memory_space<semaphore_mem>>) src(%dma_wait3A_196 : memref<32x128xf32, #tpu.memory_space<vmem>>) dst(%dma_wait3A_202 : memref<393600x128xf32, #tpu.memory_space<hbm>>)
    %dma_wait3A_205 = arith.constant 5 : i32
    %dma_wait3A_206 = arith.constant 0 : i32
    %dma_wait3A_207 = arith.constant 640 : i32
    %dma_wait3A_208 = tpu.memref_slice %arg13[%rem3A_139, %dma_wait3A_206, %dma_wait3A_207] : memref<4x32x768xf32, #tpu.memory_space<vmem>> -> memref<1x32x128xf32, #tpu.memory_space<vmem>>
    %dma_wait3A_209 = tpu.memref_squeeze %dma_wait3A_208 : memref<1x32x128xf32, #tpu.memory_space<vmem>> -> memref<32x128xf32, #tpu.memory_space<vmem>>
    %dma_wait3A_210 = arith.constant 0 : i32
    %dma_wait3A_211 = tpu.memref_slice %arg9[%rem3A_139, %dma_wait3A_205, %dma_wait3A_210] : memref<4x6x32xi32, #tpu.memory_space<vmem>> -> memref<1x1x32xi32, #tpu.memory_space<vmem>>
    %dma_wait3A_212 = tpu.memref_squeeze %dma_wait3A_211 : memref<1x1x32xi32, #tpu.memory_space<vmem>> -> memref<32xi32, #tpu.memory_space<vmem>>
    %dma_wait3A_213 = arith.constant 0 : i32
    %dma_wait3A_214 = arith.constant 0 : i32
    %dma_wait3A_215 = tpu.memref_slice %arg7[%dma_wait3A_213, %dma_wait3A_214] : memref<393600x128xf32, #tpu.memory_space<hbm>> -> memref<393600x128xf32, #tpu.memory_space<hbm>>
    %dma_wait3A_216 = tpu.memref_slice %arg15[%rem3A_139] : memref<4x!tpu.dma_semaphore, #tpu.memory_space<semaphore_mem>> -> memref<1x!tpu.dma_semaphore, #tpu.memory_space<semaphore_mem>>
    %dma_wait3A_217 = tpu.memref_squeeze %dma_wait3A_216 : memref<1x!tpu.dma_semaphore, #tpu.memory_space<semaphore_mem>> -> memref<!tpu.dma_semaphore, #tpu.memory_space<semaphore_mem>>
    tpu.wait_indirect_dma semaphore(%dma_wait3A_217 : memref<!tpu.dma_semaphore, #tpu.memory_space<semaphore_mem>>) src(%dma_wait3A_209 : memref<32x128xf32, #tpu.memory_space<vmem>>) dst(%dma_wait3A_215 : memref<393600x128xf32, #tpu.memory_space<hbm>>)
    %sub3A_218 = arith.constant 4 : i32
    %sub3A_219 = arith.subi %mul3A_4, %sub3A_218 : i32
    %add3A_220 = arith.constant 2 : i32
    %add3A_221 = arith.addi %sub3A_219, %add3A_220 : i32
    %rem3A_222 = arith.constant 4 : i32
    %rem3A_223 = arith.remsi %add3A_221, %rem3A_222 : i32
    %dma_wait3A_224 = arith.constant 0 : i32
    %dma_wait3A_225 = arith.constant 0 : i32
    %dma_wait3A_226 = arith.constant 0 : i32
    %dma_wait3A_227 = tpu.memref_slice %arg13[%rem3A_223, %dma_wait3A_225, %dma_wait3A_226] : memref<4x32x768xf32, #tpu.memory_space<vmem>> -> memref<1x32x128xf32, #tpu.memory_space<vmem>>
    %dma_wait3A_228 = tpu.memref_squeeze %dma_wait3A_227 : memref<1x32x128xf32, #tpu.memory_space<vmem>> -> memref<32x128xf32, #tpu.memory_space<vmem>>
    %dma_wait3A_229 = arith.constant 0 : i32
    %dma_wait3A_230 = tpu.memref_slice %arg9[%rem3A_223, %dma_wait3A_224, %dma_wait3A_229] : memref<4x6x32xi32, #tpu.memory_space<vmem>> -> memref<1x1x32xi32, #tpu.memory_space<vmem>>
    %dma_wait3A_231 = tpu.memref_squeeze %dma_wait3A_230 : memref<1x1x32xi32, #tpu.memory_space<vmem>> -> memref<32xi32, #tpu.memory_space<vmem>>
    %dma_wait3A_232 = arith.constant 0 : i32
    %dma_wait3A_233 = arith.constant 0 : i32
    %dma_wait3A_234 = tpu.memref_slice %arg7[%dma_wait3A_232, %dma_wait3A_233] : memref<393600x128xf32, #tpu.memory_space<hbm>> -> memref<393600x128xf32, #tpu.memory_space<hbm>>
    %dma_wait3A_235 = tpu.memref_slice %arg15[%rem3A_223] : memref<4x!tpu.dma_semaphore, #tpu.memory_space<semaphore_mem>> -> memref<1x!tpu.dma_semaphore, #tpu.memory_space<semaphore_mem>>
    %dma_wait3A_236 = tpu.memref_squeeze %dma_wait3A_235 : memref<1x!tpu.dma_semaphore, #tpu.memory_space<semaphore_mem>> -> memref<!tpu.dma_semaphore, #tpu.memory_space<semaphore_mem>>
    tpu.wait_indirect_dma semaphore(%dma_wait3A_236 : memref<!tpu.dma_semaphore, #tpu.memory_space<semaphore_mem>>) src(%dma_wait3A_228 : memref<32x128xf32, #tpu.memory_space<vmem>>) dst(%dma_wait3A_234 : memref<393600x128xf32, #tpu.memory_space<hbm>>)
    %dma_wait3A_237 = arith.constant 1 : i32
    %dma_wait3A_238 = arith.constant 0 : i32
    %dma_wait3A_239 = arith.constant 128 : i32
    %dma_wait3A_240 = tpu.memref_slice %arg13[%rem3A_223, %dma_wait3A_238, %dma_wait3A_239] : memref<4x32x768xf32, #tpu.memory_space<vmem>> -> memref<1x32x128xf32, #tpu.memory_space<vmem>>
    %dma_wait3A_241 = tpu.memref_squeeze %dma_wait3A_240 : memref<1x32x128xf32, #tpu.memory_space<vmem>> -> memref<32x128xf32, #tpu.memory_space<vmem>>
    %dma_wait3A_242 = arith.constant 0 : i32
    %dma_wait3A_243 = tpu.memref_slice %arg9[%rem3A_223, %dma_wait3A_237, %dma_wait3A_242] : memref<4x6x32xi32, #tpu.memory_space<vmem>> -> memref<1x1x32xi32, #tpu.memory_space<vmem>>
    %dma_wait3A_244 = tpu.memref_squeeze %dma_wait3A_243 : memref<1x1x32xi32, #tpu.memory_space<vmem>> -> memref<32xi32, #tpu.memory_space<vmem>>
    %dma_wait3A_245 = arith.constant 0 : i32
    %dma_wait3A_246 = arith.constant 0 : i32
    %dma_wait3A_247 = tpu.memref_slice %arg7[%dma_wait3A_245, %dma_wait3A_246] : memref<393600x128xf32, #tpu.memory_space<hbm>> -> memref<393600x128xf32, #tpu.memory_space<hbm>>
    %dma_wait3A_248 = tpu.memref_slice %arg15[%rem3A_223] : memref<4x!tpu.dma_semaphore, #tpu.memory_space<semaphore_mem>> -> memref<1x!tpu.dma_semaphore, #tpu.memory_space<semaphore_mem>>
    %dma_wait3A_249 = tpu.memref_squeeze %dma_wait3A_248 : memref<1x!tpu.dma_semaphore, #tpu.memory_space<semaphore_mem>> -> memref<!tpu.dma_semaphore, #tpu.memory_space<semaphore_mem>>
    tpu.wait_indirect_dma semaphore(%dma_wait3A_249 : memref<!tpu.dma_semaphore, #tpu.memory_space<semaphore_mem>>) src(%dma_wait3A_241 : memref<32x128xf32, #tpu.memory_space<vmem>>) dst(%dma_wait3A_247 : memref<393600x128xf32, #tpu.memory_space<hbm>>)
    %dma_wait3A_250 = arith.constant 2 : i32
    %dma_wait3A_251 = arith.constant 0 : i32
    %dma_wait3A_252 = arith.constant 256 : i32
    %dma_wait3A_253 = tpu.memref_slice %arg13[%rem3A_223, %dma_wait3A_251, %dma_wait3A_252] : memref<4x32x768xf32, #tpu.memory_space<vmem>> -> memref<1x32x128xf32, #tpu.memory_space<vmem>>
    %dma_wait3A_254 = tpu.memref_squeeze %dma_wait3A_253 : memref<1x32x128xf32, #tpu.memory_space<vmem>> -> memref<32x128xf32, #tpu.memory_space<vmem>>
    %dma_wait3A_255 = arith.constant 0 : i32
    %dma_wait3A_256 = tpu.memref_slice %arg9[%rem3A_223, %dma_wait3A_250, %dma_wait3A_255] : memref<4x6x32xi32, #tpu.memory_space<vmem>> -> memref<1x1x32xi32, #tpu.memory_space<vmem>>
    %dma_wait3A_257 = tpu.memref_squeeze %dma_wait3A_256 : memref<1x1x32xi32, #tpu.memory_space<vmem>> -> memref<32xi32, #tpu.memory_space<vmem>>
    %dma_wait3A_258 = arith.constant 0 : i32
    %dma_wait3A_259 = arith.constant 0 : i32
    %dma_wait3A_260 = tpu.memref_slice %arg7[%dma_wait3A_258, %dma_wait3A_259] : memref<393600x128xf32, #tpu.memory_space<hbm>> -> memref<393600x128xf32, #tpu.memory_space<hbm>>
    %dma_wait3A_261 = tpu.memref_slice %arg15[%rem3A_223] : memref<4x!tpu.dma_semaphore, #tpu.memory_space<semaphore_mem>> -> memref<1x!tpu.dma_semaphore, #tpu.memory_space<semaphore_mem>>
    %dma_wait3A_262 = tpu.memref_squeeze %dma_wait3A_261 : memref<1x!tpu.dma_semaphore, #tpu.memory_space<semaphore_mem>> -> memref<!tpu.dma_semaphore, #tpu.memory_space<semaphore_mem>>
    tpu.wait_indirect_dma semaphore(%dma_wait3A_262 : memref<!tpu.dma_semaphore, #tpu.memory_space<semaphore_mem>>) src(%dma_wait3A_254 : memref<32x128xf32, #tpu.memory_space<vmem>>) dst(%dma_wait3A_260 : memref<393600x128xf32, #tpu.memory_space<hbm>>)
    %dma_wait3A_263 = arith.constant 3 : i32
    %dma_wait3A_264 = arith.constant 0 : i32
    %dma_wait3A_265 = arith.constant 384 : i32
    %dma_wait3A_266 = tpu.memref_slice %arg13[%rem3A_223, %dma_wait3A_264, %dma_wait3A_265] : memref<4x32x768xf32, #tpu.memory_space<vmem>> -> memref<1x32x128xf32, #tpu.memory_space<vmem>>
    %dma_wait3A_267 = tpu.memref_squeeze %dma_wait3A_266 : memref<1x32x128xf32, #tpu.memory_space<vmem>> -> memref<32x128xf32, #tpu.memory_space<vmem>>
    %dma_wait3A_268 = arith.constant 0 : i32
    %dma_wait3A_269 = tpu.memref_slice %arg9[%rem3A_223, %dma_wait3A_263, %dma_wait3A_268] : memref<4x6x32xi32, #tpu.memory_space<vmem>> -> memref<1x1x32xi32, #tpu.memory_space<vmem>>
    %dma_wait3A_270 = tpu.memref_squeeze %dma_wait3A_269 : memref<1x1x32xi32, #tpu.memory_space<vmem>> -> memref<32xi32, #tpu.memory_space<vmem>>
    %dma_wait3A_271 = arith.constant 0 : i32
    %dma_wait3A_272 = arith.constant 0 : i32
    %dma_wait3A_273 = tpu.memref_slice %arg7[%dma_wait3A_271, %dma_wait3A_272] : memref<393600x128xf32, #tpu.memory_space<hbm>> -> memref<393600x128xf32, #tpu.memory_space<hbm>>
    %dma_wait3A_274 = tpu.memref_slice %arg15[%rem3A_223] : memref<4x!tpu.dma_semaphore, #tpu.memory_space<semaphore_mem>> -> memref<1x!tpu.dma_semaphore, #tpu.memory_space<semaphore_mem>>
    %dma_wait3A_275 = tpu.memref_squeeze %dma_wait3A_274 : memref<1x!tpu.dma_semaphore, #tpu.memory_space<semaphore_mem>> -> memref<!tpu.dma_semaphore, #tpu.memory_space<semaphore_mem>>
    tpu.wait_indirect_dma semaphore(%dma_wait3A_275 : memref<!tpu.dma_semaphore, #tpu.memory_space<semaphore_mem>>) src(%dma_wait3A_267 : memref<32x128xf32, #tpu.memory_space<vmem>>) dst(%dma_wait3A_273 : memref<393600x128xf32, #tpu.memory_space<hbm>>)
    %dma_wait3A_276 = arith.constant 4 : i32
    %dma_wait3A_277 = arith.constant 0 : i32
    %dma_wait3A_278 = arith.constant 512 : i32
    %dma_wait3A_279 = tpu.memref_slice %arg13[%rem3A_223, %dma_wait3A_277, %dma_wait3A_278] : memref<4x32x768xf32, #tpu.memory_space<vmem>> -> memref<1x32x128xf32, #tpu.memory_space<vmem>>
    %dma_wait3A_280 = tpu.memref_squeeze %dma_wait3A_279 : memref<1x32x128xf32, #tpu.memory_space<vmem>> -> memref<32x128xf32, #tpu.memory_space<vmem>>
    %dma_wait3A_281 = arith.constant 0 : i32
    %dma_wait3A_282 = tpu.memref_slice %arg9[%rem3A_223, %dma_wait3A_276, %dma_wait3A_281] : memref<4x6x32xi32, #tpu.memory_space<vmem>> -> memref<1x1x32xi32, #tpu.memory_space<vmem>>
    %dma_wait3A_283 = tpu.memref_squeeze %dma_wait3A_282 : memref<1x1x32xi32, #tpu.memory_space<vmem>> -> memref<32xi32, #tpu.memory_space<vmem>>
    %dma_wait3A_284 = arith.constant 0 : i32
    %dma_wait3A_285 = arith.constant 0 : i32
    %dma_wait3A_286 = tpu.memref_slice %arg7[%dma_wait3A_284, %dma_wait3A_285] : memref<393600x128xf32, #tpu.memory_space<hbm>> -> memref<393600x128xf32, #tpu.memory_space<hbm>>
    %dma_wait3A_287 = tpu.memref_slice %arg15[%rem3A_223] : memref<4x!tpu.dma_semaphore, #tpu.memory_space<semaphore_mem>> -> memref<1x!tpu.dma_semaphore, #tpu.memory_space<semaphore_mem>>
    %dma_wait3A_288 = tpu.memref_squeeze %dma_wait3A_287 : memref<1x!tpu.dma_semaphore, #tpu.memory_space<semaphore_mem>> -> memref<!tpu.dma_semaphore, #tpu.memory_space<semaphore_mem>>
    tpu.wait_indirect_dma semaphore(%dma_wait3A_288 : memref<!tpu.dma_semaphore, #tpu.memory_space<semaphore_mem>>) src(%dma_wait3A_280 : memref<32x128xf32, #tpu.memory_space<vmem>>) dst(%dma_wait3A_286 : memref<393600x128xf32, #tpu.memory_space<hbm>>)
    %dma_wait3A_289 = arith.constant 5 : i32
    %dma_wait3A_290 = arith.constant 0 : i32
    %dma_wait3A_291 = arith.constant 640 : i32
    %dma_wait3A_292 = tpu.memref_slice %arg13[%rem3A_223, %dma_wait3A_290, %dma_wait3A_291] : memref<4x32x768xf32, #tpu.memory_space<vmem>> -> memref<1x32x128xf32, #tpu.memory_space<vmem>>
    %dma_wait3A_293 = tpu.memref_squeeze %dma_wait3A_292 : memref<1x32x128xf32, #tpu.memory_space<vmem>> -> memref<32x128xf32, #tpu.memory_space<vmem>>
    %dma_wait3A_294 = arith.constant 0 : i32
    %dma_wait3A_295 = tpu.memref_slice %arg9[%rem3A_223, %dma_wait3A_289, %dma_wait3A_294] : memref<4x6x32xi32, #tpu.memory_space<vmem>> -> memref<1x1x32xi32, #tpu.memory_space<vmem>>
    %dma_wait3A_296 = tpu.memref_squeeze %dma_wait3A_295 : memref<1x1x32xi32, #tpu.memory_space<vmem>> -> memref<32xi32, #tpu.memory_space<vmem>>
    %dma_wait3A_297 = arith.constant 0 : i32
    %dma_wait3A_298 = arith.constant 0 : i32
    %dma_wait3A_299 = tpu.memref_slice %arg7[%dma_wait3A_297, %dma_wait3A_298] : memref<393600x128xf32, #tpu.memory_space<hbm>> -> memref<393600x128xf32, #tpu.memory_space<hbm>>
    %dma_wait3A_300 = tpu.memref_slice %arg15[%rem3A_223] : memref<4x!tpu.dma_semaphore, #tpu.memory_space<semaphore_mem>> -> memref<1x!tpu.dma_semaphore, #tpu.memory_space<semaphore_mem>>
    %dma_wait3A_301 = tpu.memref_squeeze %dma_wait3A_300 : memref<1x!tpu.dma_semaphore, #tpu.memory_space<semaphore_mem>> -> memref<!tpu.dma_semaphore, #tpu.memory_space<semaphore_mem>>
    tpu.wait_indirect_dma semaphore(%dma_wait3A_301 : memref<!tpu.dma_semaphore, #tpu.memory_space<semaphore_mem>>) src(%dma_wait3A_293 : memref<32x128xf32, #tpu.memory_space<vmem>>) dst(%dma_wait3A_299 : memref<393600x128xf32, #tpu.memory_space<hbm>>)
    %sub3A_302 = arith.constant 4 : i32
    %sub3A_303 = arith.subi %mul3A_4, %sub3A_302 : i32
    %add3A_304 = arith.constant 3 : i32
    %add3A_305 = arith.addi %sub3A_303, %add3A_304 : i32
    %rem3A_306 = arith.constant 4 : i32
    %rem3A_307 = arith.remsi %add3A_305, %rem3A_306 : i32
    %dma_wait3A_308 = arith.constant 0 : i32
    %dma_wait3A_309 = arith.constant 0 : i32
    %dma_wait3A_310 = arith.constant 0 : i32
    %dma_wait3A_311 = tpu.memref_slice %arg13[%rem3A_307, %dma_wait3A_309, %dma_wait3A_310] : memref<4x32x768xf32, #tpu.memory_space<vmem>> -> memref<1x32x128xf32, #tpu.memory_space<vmem>>
    %dma_wait3A_312 = tpu.memref_squeeze %dma_wait3A_311 : memref<1x32x128xf32, #tpu.memory_space<vmem>> -> memref<32x128xf32, #tpu.memory_space<vmem>>
    %dma_wait3A_313 = arith.constant 0 : i32
    %dma_wait3A_314 = tpu.memref_slice %arg9[%rem3A_307, %dma_wait3A_308, %dma_wait3A_313] : memref<4x6x32xi32, #tpu.memory_space<vmem>> -> memref<1x1x32xi32, #tpu.memory_space<vmem>>
    %dma_wait3A_315 = tpu.memref_squeeze %dma_wait3A_314 : memref<1x1x32xi32, #tpu.memory_space<vmem>> -> memref<32xi32, #tpu.memory_space<vmem>>
    %dma_wait3A_316 = arith.constant 0 : i32
    %dma_wait3A_317 = arith.constant 0 : i32
    %dma_wait3A_318 = tpu.memref_slice %arg7[%dma_wait3A_316, %dma_wait3A_317] : memref<393600x128xf32, #tpu.memory_space<hbm>> -> memref<393600x128xf32, #tpu.memory_space<hbm>>
    %dma_wait3A_319 = tpu.memref_slice %arg15[%rem3A_307] : memref<4x!tpu.dma_semaphore, #tpu.memory_space<semaphore_mem>> -> memref<1x!tpu.dma_semaphore, #tpu.memory_space<semaphore_mem>>
    %dma_wait3A_320 = tpu.memref_squeeze %dma_wait3A_319 : memref<1x!tpu.dma_semaphore, #tpu.memory_space<semaphore_mem>> -> memref<!tpu.dma_semaphore, #tpu.memory_space<semaphore_mem>>
    tpu.wait_indirect_dma semaphore(%dma_wait3A_320 : memref<!tpu.dma_semaphore, #tpu.memory_space<semaphore_mem>>) src(%dma_wait3A_312 : memref<32x128xf32, #tpu.memory_space<vmem>>) dst(%dma_wait3A_318 : memref<393600x128xf32, #tpu.memory_space<hbm>>)
    %dma_wait3A_321 = arith.constant 1 : i32
    %dma_wait3A_322 = arith.constant 0 : i32
    %dma_wait3A_323 = arith.constant 128 : i32
    %dma_wait3A_324 = tpu.memref_slice %arg13[%rem3A_307, %dma_wait3A_322, %dma_wait3A_323] : memref<4x32x768xf32, #tpu.memory_space<vmem>> -> memref<1x32x128xf32, #tpu.memory_space<vmem>>
    %dma_wait3A_325 = tpu.memref_squeeze %dma_wait3A_324 : memref<1x32x128xf32, #tpu.memory_space<vmem>> -> memref<32x128xf32, #tpu.memory_space<vmem>>
    %dma_wait3A_326 = arith.constant 0 : i32
    %dma_wait3A_327 = tpu.memref_slice %arg9[%rem3A_307, %dma_wait3A_321, %dma_wait3A_326] : memref<4x6x32xi32, #tpu.memory_space<vmem>> -> memref<1x1x32xi32, #tpu.memory_space<vmem>>
    %dma_wait3A_328 = tpu.memref_squeeze %dma_wait3A_327 : memref<1x1x32xi32, #tpu.memory_space<vmem>> -> memref<32xi32, #tpu.memory_space<vmem>>
    %dma_wait3A_329 = arith.constant 0 : i32
    %dma_wait3A_330 = arith.constant 0 : i32
    %dma_wait3A_331 = tpu.memref_slice %arg7[%dma_wait3A_329, %dma_wait3A_330] : memref<393600x128xf32, #tpu.memory_space<hbm>> -> memref<393600x128xf32, #tpu.memory_space<hbm>>
    %dma_wait3A_332 = tpu.memref_slice %arg15[%rem3A_307] : memref<4x!tpu.dma_semaphore, #tpu.memory_space<semaphore_mem>> -> memref<1x!tpu.dma_semaphore, #tpu.memory_space<semaphore_mem>>
    %dma_wait3A_333 = tpu.memref_squeeze %dma_wait3A_332 : memref<1x!tpu.dma_semaphore, #tpu.memory_space<semaphore_mem>> -> memref<!tpu.dma_semaphore, #tpu.memory_space<semaphore_mem>>
    tpu.wait_indirect_dma semaphore(%dma_wait3A_333 : memref<!tpu.dma_semaphore, #tpu.memory_space<semaphore_mem>>) src(%dma_wait3A_325 : memref<32x128xf32, #tpu.memory_space<vmem>>) dst(%dma_wait3A_331 : memref<393600x128xf32, #tpu.memory_space<hbm>>)
    %dma_wait3A_334 = arith.constant 2 : i32
    %dma_wait3A_335 = arith.constant 0 : i32
    %dma_wait3A_336 = arith.constant 256 : i32
    %dma_wait3A_337 = tpu.memref_slice %arg13[%rem3A_307, %dma_wait3A_335, %dma_wait3A_336] : memref<4x32x768xf32, #tpu.memory_space<vmem>> -> memref<1x32x128xf32, #tpu.memory_space<vmem>>
    %dma_wait3A_338 = tpu.memref_squeeze %dma_wait3A_337 : memref<1x32x128xf32, #tpu.memory_space<vmem>> -> memref<32x128xf32, #tpu.memory_space<vmem>>
    %dma_wait3A_339 = arith.constant 0 : i32
    %dma_wait3A_340 = tpu.memref_slice %arg9[%rem3A_307, %dma_wait3A_334, %dma_wait3A_339] : memref<4x6x32xi32, #tpu.memory_space<vmem>> -> memref<1x1x32xi32, #tpu.memory_space<vmem>>
    %dma_wait3A_341 = tpu.memref_squeeze %dma_wait3A_340 : memref<1x1x32xi32, #tpu.memory_space<vmem>> -> memref<32xi32, #tpu.memory_space<vmem>>
    %dma_wait3A_342 = arith.constant 0 : i32
    %dma_wait3A_343 = arith.constant 0 : i32
    %dma_wait3A_344 = tpu.memref_slice %arg7[%dma_wait3A_342, %dma_wait3A_343] : memref<393600x128xf32, #tpu.memory_space<hbm>> -> memref<393600x128xf32, #tpu.memory_space<hbm>>
    %dma_wait3A_345 = tpu.memref_slice %arg15[%rem3A_307] : memref<4x!tpu.dma_semaphore, #tpu.memory_space<semaphore_mem>> -> memref<1x!tpu.dma_semaphore, #tpu.memory_space<semaphore_mem>>
    %dma_wait3A_346 = tpu.memref_squeeze %dma_wait3A_345 : memref<1x!tpu.dma_semaphore, #tpu.memory_space<semaphore_mem>> -> memref<!tpu.dma_semaphore, #tpu.memory_space<semaphore_mem>>
    tpu.wait_indirect_dma semaphore(%dma_wait3A_346 : memref<!tpu.dma_semaphore, #tpu.memory_space<semaphore_mem>>) src(%dma_wait3A_338 : memref<32x128xf32, #tpu.memory_space<vmem>>) dst(%dma_wait3A_344 : memref<393600x128xf32, #tpu.memory_space<hbm>>)
    %dma_wait3A_347 = arith.constant 3 : i32
    %dma_wait3A_348 = arith.constant 0 : i32
    %dma_wait3A_349 = arith.constant 384 : i32
    %dma_wait3A_350 = tpu.memref_slice %arg13[%rem3A_307, %dma_wait3A_348, %dma_wait3A_349] : memref<4x32x768xf32, #tpu.memory_space<vmem>> -> memref<1x32x128xf32, #tpu.memory_space<vmem>>
    %dma_wait3A_351 = tpu.memref_squeeze %dma_wait3A_350 : memref<1x32x128xf32, #tpu.memory_space<vmem>> -> memref<32x128xf32, #tpu.memory_space<vmem>>
    %dma_wait3A_352 = arith.constant 0 : i32
    %dma_wait3A_353 = tpu.memref_slice %arg9[%rem3A_307, %dma_wait3A_347, %dma_wait3A_352] : memref<4x6x32xi32, #tpu.memory_space<vmem>> -> memref<1x1x32xi32, #tpu.memory_space<vmem>>
    %dma_wait3A_354 = tpu.memref_squeeze %dma_wait3A_353 : memref<1x1x32xi32, #tpu.memory_space<vmem>> -> memref<32xi32, #tpu.memory_space<vmem>>
    %dma_wait3A_355 = arith.constant 0 : i32
    %dma_wait3A_356 = arith.constant 0 : i32
    %dma_wait3A_357 = tpu.memref_slice %arg7[%dma_wait3A_355, %dma_wait3A_356] : memref<393600x128xf32, #tpu.memory_space<hbm>> -> memref<393600x128xf32, #tpu.memory_space<hbm>>
    %dma_wait3A_358 = tpu.memref_slice %arg15[%rem3A_307] : memref<4x!tpu.dma_semaphore, #tpu.memory_space<semaphore_mem>> -> memref<1x!tpu.dma_semaphore, #tpu.memory_space<semaphore_mem>>
    %dma_wait3A_359 = tpu.memref_squeeze %dma_wait3A_358 : memref<1x!tpu.dma_semaphore, #tpu.memory_space<semaphore_mem>> -> memref<!tpu.dma_semaphore, #tpu.memory_space<semaphore_mem>>
    tpu.wait_indirect_dma semaphore(%dma_wait3A_359 : memref<!tpu.dma_semaphore, #tpu.memory_space<semaphore_mem>>) src(%dma_wait3A_351 : memref<32x128xf32, #tpu.memory_space<vmem>>) dst(%dma_wait3A_357 : memref<393600x128xf32, #tpu.memory_space<hbm>>)
    %dma_wait3A_360 = arith.constant 4 : i32
    %dma_wait3A_361 = arith.constant 0 : i32
    %dma_wait3A_362 = arith.constant 512 : i32
    %dma_wait3A_363 = tpu.memref_slice %arg13[%rem3A_307, %dma_wait3A_361, %dma_wait3A_362] : memref<4x32x768xf32, #tpu.memory_space<vmem>> -> memref<1x32x128xf32, #tpu.memory_space<vmem>>
    %dma_wait3A_364 = tpu.memref_squeeze %dma_wait3A_363 : memref<1x32x128xf32, #tpu.memory_space<vmem>> -> memref<32x128xf32, #tpu.memory_space<vmem>>
    %dma_wait3A_365 = arith.constant 0 : i32
    %dma_wait3A_366 = tpu.memref_slice %arg9[%rem3A_307, %dma_wait3A_360, %dma_wait3A_365] : memref<4x6x32xi32, #tpu.memory_space<vmem>> -> memref<1x1x32xi32, #tpu.memory_space<vmem>>
    %dma_wait3A_367 = tpu.memref_squeeze %dma_wait3A_366 : memref<1x1x32xi32, #tpu.memory_space<vmem>> -> memref<32xi32, #tpu.memory_space<vmem>>
    %dma_wait3A_368 = arith.constant 0 : i32
    %dma_wait3A_369 = arith.constant 0 : i32
    %dma_wait3A_370 = tpu.memref_slice %arg7[%dma_wait3A_368, %dma_wait3A_369] : memref<393600x128xf32, #tpu.memory_space<hbm>> -> memref<393600x128xf32, #tpu.memory_space<hbm>>
    %dma_wait3A_371 = tpu.memref_slice %arg15[%rem3A_307] : memref<4x!tpu.dma_semaphore, #tpu.memory_space<semaphore_mem>> -> memref<1x!tpu.dma_semaphore, #tpu.memory_space<semaphore_mem>>
    %dma_wait3A_372 = tpu.memref_squeeze %dma_wait3A_371 : memref<1x!tpu.dma_semaphore, #tpu.memory_space<semaphore_mem>> -> memref<!tpu.dma_semaphore, #tpu.memory_space<semaphore_mem>>
    tpu.wait_indirect_dma semaphore(%dma_wait3A_372 : memref<!tpu.dma_semaphore, #tpu.memory_space<semaphore_mem>>) src(%dma_wait3A_364 : memref<32x128xf32, #tpu.memory_space<vmem>>) dst(%dma_wait3A_370 : memref<393600x128xf32, #tpu.memory_space<hbm>>)
    %dma_wait3A_373 = arith.constant 5 : i32
    %dma_wait3A_374 = arith.constant 0 : i32
    %dma_wait3A_375 = arith.constant 640 : i32
    %dma_wait3A_376 = tpu.memref_slice %arg13[%rem3A_307, %dma_wait3A_374, %dma_wait3A_375] : memref<4x32x768xf32, #tpu.memory_space<vmem>> -> memref<1x32x128xf32, #tpu.memory_space<vmem>>
    %dma_wait3A_377 = tpu.memref_squeeze %dma_wait3A_376 : memref<1x32x128xf32, #tpu.memory_space<vmem>> -> memref<32x128xf32, #tpu.memory_space<vmem>>
    %dma_wait3A_378 = arith.constant 0 : i32
    %dma_wait3A_379 = tpu.memref_slice %arg9[%rem3A_307, %dma_wait3A_373, %dma_wait3A_378] : memref<4x6x32xi32, #tpu.memory_space<vmem>> -> memref<1x1x32xi32, #tpu.memory_space<vmem>>
    %dma_wait3A_380 = tpu.memref_squeeze %dma_wait3A_379 : memref<1x1x32xi32, #tpu.memory_space<vmem>> -> memref<32xi32, #tpu.memory_space<vmem>>
    %dma_wait3A_381 = arith.constant 0 : i32
    %dma_wait3A_382 = arith.constant 0 : i32
    %dma_wait3A_383 = tpu.memref_slice %arg7[%dma_wait3A_381, %dma_wait3A_382] : memref<393600x128xf32, #tpu.memory_space<hbm>> -> memref<393600x128xf32, #tpu.memory_space<hbm>>
    %dma_wait3A_384 = tpu.memref_slice %arg15[%rem3A_307] : memref<4x!tpu.dma_semaphore, #tpu.memory_space<semaphore_mem>> -> memref<1x!tpu.dma_semaphore, #tpu.memory_space<semaphore_mem>>
    %dma_wait3A_385 = tpu.memref_squeeze %dma_wait3A_384 : memref<1x!tpu.dma_semaphore, #tpu.memory_space<semaphore_mem>> -> memref<!tpu.dma_semaphore, #tpu.memory_space<semaphore_mem>>
    tpu.wait_indirect_dma semaphore(%dma_wait3A_385 : memref<!tpu.dma_semaphore, #tpu.memory_space<semaphore_mem>>) src(%dma_wait3A_377 : memref<32x128xf32, #tpu.memory_space<vmem>>) dst(%dma_wait3A_383 : memref<393600x128xf32, #tpu.memory_space<hbm>>)
    return
  }
}

</mosaic_0001>

<sc_bundles>
// kernel: kernel.3.cloned.1.call-start
scs
__scs_entry_jumppad:
0x0: {  	(pc) =	sbr.rel $0x88, $3  }
0x1: {  	(tag) =	ssettag $0x0;
	lr =	simm.s32 $0x1  }
0x2: {  	[smem:$0x3F9C] =	sst lr;
	_ =	strace $0xD0000000  }
0x3: {  	_ = 	snop  }
0x4: {  	_ = 	snop  }
0x5: {  	_ = 	snop  }
0x6: {  	_ = 	snop  }
0x7: {  	_ = 	snop  }
__scs_overlays_trampoline_lowered:
0x8: {  	[smem:$0x3FAB] =	sst s0  }
0x9: {  	[smem:$0x3FAC] =	sst s1  }
0xa: {  	[smem:$0x3FAD] =	sst s2  }
0xb: {  	[smem:$0x3FAE] =	sst s3  }
0xc: {  	[smem:$0x3FAF] =	sst s4  }
0xd: {  	[smem:$0x3FB0] =	sst s5  }
0xe: {  	[smem:$0x3FB1] =	sst s6  }
0xf: {  	[smem:$0x3FB2] =	sst s7  }
0x10: {  	[smem:$0x3FB3] =	sst s8  }
0x11: {  	[smem:$0x3FB4] =	sst s9;
	s0 =	simm.s32 @!p0 $0x0  }
0x12: {  	s1 =	sld [smem:$0x3F9A];
	s0 =	simm.s32 @p0 $0x1  }
0x13: {  	[smem:$0x3FB5] =	sst s0;
	s0 =	simm.s32 @!p1 $0x0  }
0x14: {  	s2 =	sld [smem:$0x3F99];
	s0 =	simm.s32 @p1 $0x1  }
0x15: {  	[smem:$0x3FB6] =	sst s0;
	s0 =	simm.s32 @!p2 $0x0  }
0x16: {  	s3 =	sld [smem:$0x3FDB];
	s0 =	simm.s32 @p2 $0x1  }
0x17: {  	s4 =	simm.s32 $0x1BF5;
	[smem:$0x3FB8] =	sst s0  }
0x18: {  	s0 =	sld [smem:$0x3F9B];
	_ =	swait.ge [sflag:s4], $0x0  }
0x19: {  	s7 =	sld [smem:$0x3F9C]  }
0x1a: {  	s8 =	sadd.s32 $0xFFFFE003, lr  }
0x1b: {  	s9 =	sadd.s32 $0xFFFFFEF7, lr;
	s5 =	simm.s32 $0xFFFFFFFF;
	p2 =	slt.u32 s8, $0xFFFFF086  }
0x1c: {  	p1 =	slt.u32 s9, $0xF7A;
	s5 =	simm.s32 @!p2 $0x0  }
0x1d: {  	s5 =	simm.s32 @p1 $0x1;
	p0 =	seq.s32 s7, s2  }
0x1e: {  	s7 =	smul.u32 @!p0 $0xF7A, s2;
	p2 =	seq.s32 @!p0 s5, $0x0  }
0x1f: {  	s9 =	smul.u32 $0xF7A, s1;
	s8 =	simm.s32 @!p0 $0x1BF5;
	p2 =	por !p2, p0  }
0x20: {  	[sflag:s8] =	ssyncset.s32 @!p0 $0xFFFFF086;
	s6 =	sadd.s32 @!p0 s3, s7;
	s7 =	simm.s32 @!p0 $0x108  }
0x21: {  	s3 =	sadd.s32 s3, s9;
	s6 =	sadd.s32 @!p0 $0x88, s6;
	s7 =	simm.s32 @p2 $0x1082  }
0x22: {  	[simem:s7], [sflag:s8] =	dma.local @!p0 [hbm:s6], $0xF7A  }
0x23: {  	s9 =	sor.u32 $0xD0000000, s2;
	s6 =	simm.s32 $0x108;
	_ =	swait.ge @!p0 [sflag:s8], $0x0  }
0x24: {  	s3 =	sadd.s32 $0x88, s3;
	s6 =	simm.s32 @!p1 $0x1082;
	[sflag:s4] =	ssyncset.s32 $0xFFFFF086  }
0x25: {  	[simem:s6], [sflag:s4] =	dma.local [hbm:s3], $0xF7A  }
0x26: {  	[smem:$0x3F9C] =	sst s1;
	(tag) =	ssettag s2;
	_ =	strace s9  }
0x27: {  	s1 =	sld [smem:$0x3FAC]  }
0x28: {  	s2 =	sld [smem:$0x3FAD]  }
0x29: {  	s4 =	sld [smem:$0x3FAF]  }
0x2a: {  	p0 =	seq.s32 s5, $0x0;
	s5 =	sld [smem:$0x3FB0]  }
0x2b: {  	s6 =	sld [smem:$0x3FB1]  }
0x2c: {  	s7 =	sld [smem:$0x3FB2]  }
0x2d: {  	s3 =	simm.s32 $0x108;
	s8 =	sld [smem:$0x3FB3]  }
0x2e: {  	s3 =	simm.s32 @!p0 $0x1082;
	s9 =	sld [smem:$0x3FB4]  }
0x2f: {  	lr =	sadd.s32 s0, s3;
	s0 =	sld [smem:$0x3FAB]  }
0x30: {  	s3 =	sld [smem:$0x3FAE]  }
0x31: {  	[smem:$0x3FB7] =	sst s10  }
0x32: {  	s10 =	sld [smem:$0x3FB5];
	_ =	sdelay $0x3  }
0x33: {  	p0 =	seq.s32 s10, $0x1;
	s10 =	sld [smem:$0x3FB7];
	_ =	sdelay $0x3  }
0x34: {  	[smem:$0x3FB7] =	sst s10  }
0x35: {  	s10 =	sld [smem:$0x3FB6];
	_ =	sdelay $0x3  }
0x36: {  	p1 =	seq.s32 s10, $0x1;
	s10 =	sld [smem:$0x3FB7];
	_ =	sdelay $0x3  }
0x37: {  	[smem:$0x3FB7] =	sst s10  }
0x38: {  	s10 =	sld [smem:$0x3FB8]  }
0x39: {  	_ = 	snop;
	(pc) =	sbr.ind lr, $3  }
0x3a: {  	_ = 	snop  }
0x3b: {  	_ = 	snop  }
0x3c: {  	p2 =	seq.s32 s10, $0x1;
	s10 =	sld [smem:$0x3FB7]  }
0x3d: {  	_ =	shalt  }
0x3e: {  	_ =	shalt  }
0x3f: {  	_ =	shalt  }
0x40: {  	_ =	shalt  }
0x41: {  	_ =	shalt  }
0x42: {  	_ =	shalt  }
0x43: {  	_ =	shalt  }
0x44: {  	_ =	shalt  }
0x45: {  	_ =	shalt  }
0x46: {  	_ =	shalt  }
0x47: {  	_ =	shalt  }
0x48: {  	_ =	shalt  }
0x49: {  	_ =	shalt  }
0x4a: {  	_ =	shalt  }
0x4b: {  	_ =	shalt  }
0x4c: {  	_ =	shalt  }
0x4d: {  	_ =	shalt  }
0x4e: {  	_ =	shalt  }
0x4f: {  	_ =	shalt  }
0x50: {  	_ =	shalt  }
0x51: {  	_ =	shalt  }
0x52: {  	_ =	shalt  }
0x53: {  	_ =	shalt  }
0x54: {  	_ =	shalt  }
0x55: {  	_ =	shalt  }
0x56: {  	_ =	shalt  }
0x57: {  	_ =	shalt  }
0x58: {  	_ =	shalt  }
0x59: {  	_ =	shalt  }
0x5a: {  	_ =	shalt  }
0x5b: {  	_ =	shalt  }
0x5c: {  	_ =	shalt  }
0x5d: {  	_ =	shalt  }
0x5e: {  	_ =	shalt  }
0x5f: {  	_ =	shalt  }
0x60: {  	_ =	shalt  }
0x61: {  	_ =	shalt  }
0x62: {  	_ =	shalt  }
0x63: {  	_ =	shalt  }
0x64: {  	_ =	shalt  }
0x65: {  	_ =	shalt  }
0x66: {  	_ =	shalt  }
0x67: {  	_ =	shalt  }
0x68: {  	_ =	shalt  }
0x69: {  	_ =	shalt  }
0x6a: {  	_ =	shalt  }
0x6b: {  	_ =	shalt  }
0x6c: {  	_ =	shalt  }
0x6d: {  	_ =	shalt  }
0x6e: {  	_ =	shalt  }
0x6f: {  	_ =	shalt  }
0x70: {  	_ =	shalt  }
0x71: {  	_ =	shalt  }
0x72: {  	_ =	shalt  }
0x73: {  	_ =	shalt  }
0x74: {  	_ =	shalt  }
0x75: {  	_ =	shalt  }
0x76: {  	_ =	shalt  }
0x77: {  	_ =	shalt  }
0x78: {  	_ =	shalt  }
0x79: {  	_ =	shalt  }
0x7a: {  	_ =	shalt  }
0x7b: {  	_ =	shalt  }
0x7c: {  	_ =	shalt  }
0x7d: {  	_ =	shalt  }
0x7e: {  	_ =	shalt  }
0x7f: {  	_ =	shalt  }
0x80: {  	_ =	shalt  }
0x81: {  	_ =	shalt  }
0x82: {  	_ =	shalt  }
0x83: {  	_ =	shalt  }
0x84: {  	_ =	shalt  }
0x85: {  	_ =	shalt  }
0x86: {  	_ =	shalt  }
0x87: {  	_ =	shalt  }
.Lfunc_end0:
.L_simem_size_0:
called_computation_lowered:
.L_overlay_start_0:
0x88: {  	s2 =	sld [smem:$0x3FD9]  }
0x89: {  	s3 =	sld [smem:$0x3FFE];
	_ =	sdelay $0x1  }
0x8a: {  	s1 =	srdreg.scid  }
0x8b: {  	s0 =	sand.u32 $0x1, s1  }
0x8c: {  	s17 =	sshll.u32 s0, $0xA;
	s2 =	sadd.s32 s3, s2  }
0x8d: {  	s2 =	sadd.s32 s2, s17  }
0x8e: {  	[smem:$0x3FC3] =	sst s2  }
0x8f: {  	_ = 	snop  }
0x90: {  	s2 =	sld [smem:$0x3FC8]  }
0x91: {  	s18 =	sld [smem:$0x3FC7]  }
0x92: {  	s4 =	sld [smem:$0x3FC6]  }
0x93: {  	s5 =	sld [smem:$0x3FC5]  }
0x94: {  	s6 =	sld [smem:$0x3FD0];
	(tm) =	ssettm $0x1  }
0x95: {  	s7 =	sld [smem:$0x3FFB];
	_ =	sdelay $0x3  }
0x96: {  	_ =	strace s7  }
0x97: {  	s7 =	sld [smem:$0x3FFC];
	_ =	sdelay $0x3  }
0x98: {  	_ =	strace s7  }
0x99: {  	s7 =	sld [smem:$0x3FFD];
	_ =	sdelay $0x3  }
0x9a: {  	_ =	strace s7  }
0x9b: {  	_ =	strace $0x8FFFFFFF  }
0x9c: {  	s19 =	sld [smem:$0x3FDB];
	_ =	sdelay $0x1  }
0x9d: {  	s8 =	simm.s32 $_scs_section_size  }
0x9e: {  	s9 =	simm.s32 $_size__tile_overlayer_lowered;
	s10 =	simm.s32 $_tile_overlayer_lowered  }
0x9f: {  	s22 =	simm.s32 $0x1BFF;
	s21 =	sshll.u32 s10, $0x1;
	s7 =	sadd.s32 s8, s19  }
0xa0: {  	s11 =	simm.s32 $0x0;
	s20 =	sshll.u32 s9, $0x1;
	s9 =	sadd.s32 s21, s7  }
0xa1: {  	[timem:s11], [sflag:s22] =	dma.local [hbm:s9], s20  }
0xa2: {  	_ =	swait.ge [sflag:s22], s20  }
0xa3: {  	s8 =	ssub.s32 $0x0, s20;
	[sflag:s22] =	ssyncset.done $0x0  }
0xa4: {  	[sflag:s22] =	ssyncadd.s32 s8;
	_ =	sdelay $0x1  }
0xa5: {  	s23 =	simm.s32 $0x1B8B  }
0xa6: {  	_ =	swait.ge [sflag:s23], $0x1  }
0xa7: {  	[sflag:s23] =	ssyncset.done $0x0  }
0xa8: {  	s25 =	simm.s32 $0x1B8E;
	s24 =	sld [smem:$0x3FFE];
	[sflag:s23] =	ssyncadd.s32 $0xFFFFFFFF  }
0xa9: {  	s26 =	simm.s32 $execute0_lowered;
	[smem:$0x3FD2] =	sst s25  }
0xaa: {  	s9 =	sshll.u32 s26, $0x1;
	_ =	strace $0x80000046;
	[dreg:$0x1] =	wrdreg $0xFFFFFFFF  }
0xab: {  	s28 =	simm.s32 $_size_execute0_lowered;
	s7 =	sadd.s32 s7, s9;
	[dreg:$0x0] =	wrdreg $0x0  }
0xac: {  	s9 =	sshll.u32 s28, $0x1;
	[dreg:$0x2] =	wrdreg s7  }
0xad: {  	[dreg:$0x3] =	wrdreg s9  }
0xae: {  	[dreg:$0x4] =	wrdreg $0xC0  }
0xaf: {  	_ =	task [dreg:s11], $0x5FFFF  }
0xb0: {  	[dreg:$0x1] =	wrdreg $0xFFFFFFFF  }
0xb1: {  	[dreg:$0x0] =	wrdreg $0x60  }
0xb2: {  	[dreg:$0x2] =	wrdreg s24  }
0xb3: {  	[dreg:$0x3] =	wrdreg s2  }
0xb4: {  	[dreg:$0x4] =	wrdreg s18  }
0xb5: {  	[dreg:$0x5] =	wrdreg s4  }
0xb6: {  	[dreg:$0x6] =	wrdreg s5  }
0xb7: {  	[dreg:$0x7] =	wrdreg s6  }
0xb8: {  	[dreg:$0x8] =	wrdreg $0x9  }
0xb9: {  	_ =	task.clear_ibuf [dreg:s11], $0x9FFFF;
	_ =	strace $0x90000046  }
0xba: {  	s29 =	simm.s32 $0x9;
	_ =	strace $0x80000048  }
0xbb: {  	_ =	swait.ge [sflag:s29], $0x1  }
0xbc: {  	[sflag:s29] =	ssyncadd.s32 $0xFFFFFFFF  }
0xbd: {  	_ =	strace $0x90000048  }
0xbe: {  	_ =	sfence  }
0xbf: {  	s30 =	sld [smem:$0x0];
	_ =	sdelay $0x2  }
0xc0: {  	s31 =	sshll.u32 s1, $0xD;
	s1 =	sshrl.u32 s1, $0x2  }
0xc1: {  	s3 =	sand.u32 $0x4000, s31;
	s1 =	sadd.s32 s1, s30  }
0xc2: {  	s0 =	sor.u32 s3, s0;
	s1 =	sshll.u32 s1, $0x11  }
0xc3: {  	s0 =	sor.u32 s1, s0  }
0xc4: {  	s0 =	sadd.s32 $0x8F2B, s0  }
0xc5: {  	[sflag:s0] =	ssyncadd.remote.s32 $0x1  }
0xc6: {  	_ =	sfence.sel $0xFFFF  }
0xc7: {  	[dreg:$0x0] =	wrdreg $0xFFFFFFFF;
	(pc) =	sbr.abs _section_cstart, $3  }
0xc8: {  	[dreg:$0x1] =	wrdreg $0xFFFFFFFF  }
0xc9: {  	_ =	task.clear_ibuf [dreg:s11], $0x2FFFF;
	_ =	strace $0x9FFFFFFF  }
0xca: {  	(tm) =	ssettm $0x7FFFFFFF  }
0xcb: {  	_ =	shalt  }
tec
execute0_lowered:
.L_overlay_start_1:
0x0: {  	(tag) =	ssettag $0x1  }
0x1: {  	s1 =	rddreg [dreg:$0x0]  }
0x2: {  	s0 =	rddreg [dreg:$0x1]  }
0x3: {  	s2 =	rddreg [dreg:$0x2]  }
0x4: {  	s3 =	rddreg [dreg:$0x3]  }
0x5: {  	s4 =	rddreg [dreg:$0x4]  }
0x6: {  	s6 =	srdreg.scid;
	s7 =	stileid.u32  }
0x7: {  	s5 =	rddreg [dreg:$0x5];
	s29 =	simm.s32 $0x3D00;
	s30 =	simm.s32 $0x0  }
0x8: {  	s8 =	sand.u32 $0x1, s6;
	s7 =	sshll.u32 s7, $0x1;
	s6 =	simm.s32 $0x0  }
0x9: {  	s26 =	sadd.s32 $0x80, s2;
	s28 =	sadd.s32 $0x100, s2;
	s31 =	sadd.s32 $0x180, s2  }
0xa: {  	s7 =	sor.u32 s8, s7;
	[smem:$0x7FF] =	sst s6;
	s19 =	ssub.s32 $0x2, s8  }
0xb: {  	s8 =	simm.s32 $0x21;
	_ =	strace $0x80000047;
	[dreg:$0xa] =	wrdreg s26  }
0xc: {  	s9 =	smul.u32 $0x480, s7;
	s10 =	sadd.s32 $0x1F, s7;
	[dreg:$0xb] =	wrdreg s28  }
0xd: {  	s11 =	sshrl.u32 s19, $0x1;
	p0 =	seq.s32 s7, $0x0;
	[dreg:$0xc] =	wrdreg s31  }
0xe: {  	s20 =	sand.u32 $0x18, s10;
	s10 =	sshll.u32 s10, $0x7;
	s13 =	ssub.s32 s19, s11  }
0xf: {  	s8 =	simm.s32 @!p0 $0x20;
	s11 =	sadd.s32 $0x100, s0;
	s1 =	sadd.s32 s9, s1  }
0x10: {  	s12 =	sshrl.u32 s20, $0x3;
	s10 =	sand.u32 $0x380, s10;
	s9 =	sshll.u32 s8, $0x1  }
0x11: {  	s25 =	smax.u32 s13, $0x1;
	s12 =	smul.u32 $0x1800, s12;
	s1 =	sadd.s32 $0x400, s1  }
0x12: {  	v0 =	vimm.s32 $0x33323130;
	v2 =	vimm.s32 $0x76543210;
	s22 =	sand.u32 $0x2, s9;
	s23 =	sadd.s32 $0xFFFFFFFF, s9;
	[dreg:$0x9] =	wrdreg s25  }
0x13: {  	v1 =	vimm.s32 $0x37363534;
	v3 =	vlaneseq.u32;
	v2 =	vunpack.c.l.s4.s8 v2;
	[dreg:$0x7] =	wrdreg s1;
	s14 =	sor.u32 $0x5, s22;
	s24 =	sxor.u32 $0x2, s22  }
0x14: {  	vm0 =	vcmask $0x1F10;
	v0 =	vunpack.c.0.s8.s32 v0;
	v1 =	vunpack.c.0.s8.s32 v1;
	s15 =	sadd.s32 $0x6, s22;
	s22 =	sadd.s32 $0x200, s2;
	s21 =	sor.u32 s10, s12  }
0x15: {  	vm1 =	vmmov $0xff;
	v4 =	vshrl.u32 v3, $0x3;
	v6 =	vunpack.c.0.s8.s32 v2;
	s12 =	sadd.s32 $0x200, s0;
	s16 =	sor.u32 $0x5, s24;
	s1 =	sshrl.u32 s21, $0x3  }
0x16: {  	v5 =	vsel vm0, v1, v0;
	v0 =	vand.u32 $0x7, v3;
	v1 =	vmul.u32 $0x8, v4;
	s24 =	simm.s32 $0xB;
	s1 =	sadd.s32 s3, s1;
	s3 =	sand.u32 $0x3, s23  }
0x17: {  	vm0 =	vmmov $0xffff;
	v2 =	vor.u32 $0x8, v3;
	v3 =	vcombine.low v6, v5;
	s23 =	sadd.s32 $0x280, s2;
	[dreg:$0x8] =	wrdreg s1;
	s17 =	sadd.s32 $0x5, s3  }
.LBB2_1:
0x18: {  	s1 =	rddreg [dreg:$0x7]  }
0x19: {  	[tilespmem:s6], [sflag:$0xB] =	stream.linear.gather [hbm4b:s1+s6], $0x2100, $0x38;
	[tilespmem:$0x1C000] =	vst v63  }
0x1a: {  	_ =	swait.ge [sflag:s24], $0x2100  }
0x1b: {  	[sflag:s24] =	ssyncset.done $0x0  }
0x1c: {  	[sflag:s24] =	ssyncadd.s32 $0xFFFFDF00  }
0x1d: {  	v4 =	vld [tilespmem:$0x0];
	_ =	sdelay $0x4  }
0x1e: {  	v5 =	vshrl.u32 v4, $0x3  }
0x1f: {  	v5 =	vmul.u32 $0x30, v5  }
0x20: {  	v4 =	vand.u32 $0x7, v4  }
0x21: {  	v4 =	vor.u32 v4, v5  }
0x22: {  	v5 =	vperm.xlane v4, v0;
	_ =	sdelay $0x1  }
0x23: {  	v5 =	vadd.s32 v1, v5;
	_ =	sdelay $0x3  }
0x24: {  	s20 =	simm.s32 $0x4000;
	v4 =	vperm.xlane v4, v2  }
0x25: {  	[tilespmem:s20], [sflag:$0x1] =	stream.indirect_vreg.gather [hbm4b:s0+s6], $0x80, v5, vm0, $0xb8;
	[tilespmem:$0x1C000] =	vst v63  }
0x26: {  	s21 =	simm.s32 $0x4800;
	v4 =	vadd.s32 v1, v4  }
0x27: {  	[tilespmem:s21], [sflag:$0x1] =	stream.indirect_vreg.gather [hbm4b:s11+s6], $0x80, v5, vm0, $0xb8;
	[tilespmem:$0x1C000] =	vst v63  }
0x28: {  	s25 =	simm.s32 $0x5000  }
0x29: {  	[tilespmem:s25], [sflag:$0x1] =	stream.indirect_vreg.gather [hbm4b:s12+s6], $0x80, v5, vm0, $0xb8;
	[tilespmem:$0x1C000] =	vst v63  }
0x2a: {  	s26 =	simm.s32 $0x5800  }
0x2b: {  	[tilespmem:s26], [sflag:$0x1] =	stream.indirect_vreg.gather [hbm4b:s0+s6], $0x80, v4, vm0, $0xb8;
	[tilespmem:$0x1C000] =	vst v63  }
0x2c: {  	s28 =	simm.s32 $0x6000  }
0x2d: {  	[tilespmem:s28], [sflag:$0x1] =	stream.indirect_vreg.gather [hbm4b:s11+s6], $0x80, v4, vm0, $0xb8;
	[tilespmem:$0x1C000] =	vst v63  }
0x2e: {  	s3 =	simm.s32 $0x6800  }
0x2f: {  	[tilespmem:s3], [sflag:$0x1] =	stream.indirect_vreg.gather [hbm4b:s12+s6], $0x80, v4, vm0, $0xb8;
	[tilespmem:$0x1C000] =	vst v63  }
0x30: {  	v4 =	vld [tilespmem:$0x10];
	_ =	sdelay $0x4  }
0x31: {  	v5 =	vshrl.u32 v4, $0x3  }
0x32: {  	v5 =	vmul.u32 $0x30, v5  }
0x33: {  	v4 =	vand.u32 $0x7, v4  }
0x34: {  	v4 =	vor.u32 v4, v5  }
0x35: {  	v5 =	vperm.xlane v4, v0;
	_ =	sdelay $0x1  }
0x36: {  	v5 =	vadd.s32 v1, v5;
	_ =	sdelay $0x3  }
0x37: {  	s10 =	simm.s32 $0x7000;
	v4 =	vperm.xlane v4, v2  }
0x38: {  	[tilespmem:s10], [sflag:$0x1] =	stream.indirect_vreg.gather [hbm4b:s0+s6], $0x80, v5, vm0, $0xb8;
	[tilespmem:$0x1C000] =	vst v63  }
0x39: {  	s13 =	simm.s32 $0x7800;
	v4 =	vadd.s32 v1, v4  }
0x3a: {  	[tilespmem:s13], [sflag:$0x1] =	stream.indirect_vreg.gather [hbm4b:s11+s6], $0x80, v5, vm0, $0xb8;
	[tilespmem:$0x1C000] =	vst v63  }
0x3b: {  	s18 =	simm.s32 $0x8000  }
0x3c: {  	[tilespmem:s18], [sflag:$0x1] =	stream.indirect_vreg.gather [hbm4b:s12+s6], $0x80, v5, vm0, $0xb8;
	[tilespmem:$0x1C000] =	vst v63  }
0x3d: {  	s19 =	simm.s32 $0x8800  }
0x3e: {  	[tilespmem:s19], [sflag:$0x1] =	stream.indirect_vreg.gather [hbm4b:s0+s6], $0x80, v4, vm0, $0xb8;
	[tilespmem:$0x1C000] =	vst v63  }
0x3f: {  	s20 =	simm.s32 $0x9000  }
0x40: {  	[tilespmem:s20], [sflag:$0x1] =	stream.indirect_vreg.gather [hbm4b:s11+s6], $0x80, v4, vm0, $0xb8;
	[tilespmem:$0x1C000] =	vst v63  }
0x41: {  	s21 =	simm.s32 $0x9800  }
0x42: {  	[tilespmem:s21], [sflag:$0x1] =	stream.indirect_vreg.gather [hbm4b:s12+s6], $0x80, v4, vm0, $0xb8;
	[tilespmem:$0x1C000] =	vst v63  }
0x43: {  	v4 =	vld [tilespmem:$0x80];
	_ =	sdelay $0x4  }
0x44: {  	v5 =	vshrl.u32 v4, $0x3  }
0x45: {  	v5 =	vmul.u32 $0x30, v5  }
0x46: {  	v4 =	vand.u32 $0x7, v4  }
0x47: {  	v4 =	vor.u32 v4, v5  }
0x48: {  	v5 =	vperm.xlane v4, v0;
	_ =	sdelay $0x1  }
0x49: {  	v5 =	vadd.s32 v1, v5;
	_ =	sdelay $0x3  }
0x4a: {  	s25 =	simm.s32 $0xA000;
	v4 =	vperm.xlane v4, v2  }
0x4b: {  	[tilespmem:s25], [sflag:$0x2] =	stream.indirect_vreg.gather [hbm4b:s0+s6], $0x80, v5, vm0, $0xb8;
	[tilespmem:$0x1C000] =	vst v63  }
0x4c: {  	s26 =	simm.s32 $0xA800;
	v4 =	vadd.s32 v1, v4  }
0x4d: {  	[tilespmem:s26], [sflag:$0x2] =	stream.indirect_vreg.gather [hbm4b:s11+s6], $0x80, v5, vm0, $0xb8;
	[tilespmem:$0x1C000] =	vst v63  }
0x4e: {  	s28 =	simm.s32 $0xB000  }
0x4f: {  	[tilespmem:s28], [sflag:$0x2] =	stream.indirect_vreg.gather [hbm4b:s12+s6], $0x80, v5, vm0, $0xb8;
	[tilespmem:$0x1C000] =	vst v63  }
0x50: {  	s3 =	simm.s32 $0xB800  }
0x51: {  	[tilespmem:s3], [sflag:$0x2] =	stream.indirect_vreg.gather [hbm4b:s0+s6], $0x80, v4, vm0, $0xb8;
	[tilespmem:$0x1C000] =	vst v63  }
0x52: {  	s10 =	simm.s32 $0xC000  }
0x53: {  	[tilespmem:s10], [sflag:$0x2] =	stream.indirect_vreg.gather [hbm4b:s11+s6], $0x80, v4, vm0, $0xb8;
	[tilespmem:$0x1C000] =	vst v63  }
0x54: {  	s13 =	simm.s32 $0xC800  }
0x55: {  	[tilespmem:s13], [sflag:$0x2] =	stream.indirect_vreg.gather [hbm4b:s12+s6], $0x80, v4, vm0, $0xb8;
	[tilespmem:$0x1C000] =	vst v63  }
0x56: {  	v4 =	vld [tilespmem:$0x90];
	_ =	sdelay $0x4  }
0x57: {  	v5 =	vshrl.u32 v4, $0x3  }
0x58: {  	v5 =	vmul.u32 $0x30, v5  }
0x59: {  	v4 =	vand.u32 $0x7, v4  }
0x5a: {  	v4 =	vor.u32 v4, v5  }
0x5b: {  	v5 =	vperm.xlane v4, v0;
	_ =	sdelay $0x1  }
0x5c: {  	v5 =	vadd.s32 v1, v5;
	_ =	sdelay $0x3  }
0x5d: {  	s18 =	simm.s32 $0xD000;
	v4 =	vperm.xlane v4, v2  }
0x5e: {  	[tilespmem:s18], [sflag:$0x2] =	stream.indirect_vreg.gather [hbm4b:s0+s6], $0x80, v5, vm0, $0xb8;
	[tilespmem:$0x1C000] =	vst v63  }
0x5f: {  	s19 =	simm.s32 $0xD800;
	v4 =	vadd.s32 v1, v4  }
0x60: {  	[tilespmem:s19], [sflag:$0x2] =	stream.indirect_vreg.gather [hbm4b:s11+s6], $0x80, v5, vm0, $0xb8;
	[tilespmem:$0x1C000] =	vst v63  }
0x61: {  	s20 =	simm.s32 $0xE000  }
0x62: {  	[tilespmem:s20], [sflag:$0x2] =	stream.indirect_vreg.gather [hbm4b:s12+s6], $0x80, v5, vm0, $0xb8;
	[tilespmem:$0x1C000] =	vst v63  }
0x63: {  	s21 =	simm.s32 $0xE800  }
0x64: {  	[tilespmem:s21], [sflag:$0x2] =	stream.indirect_vreg.gather [hbm4b:s0+s6], $0x80, v4, vm0, $0xb8;
	[tilespmem:$0x1C000] =	vst v63  }
0x65: {  	s25 =	simm.s32 $0xF000  }
0x66: {  	[tilespmem:s25], [sflag:$0x2] =	stream.indirect_vreg.gather [hbm4b:s11+s6], $0x80, v4, vm0, $0xb8;
	[tilespmem:$0x1C000] =	vst v63  }
0x67: {  	s26 =	simm.s32 $0xF800;
	s28 =	rddreg [dreg:$0x8]  }
0x68: {  	[tilespmem:s26], [sflag:$0x2] =	stream.indirect_vreg.gather [hbm4b:s12+s6], $0x80, v4, vm0, $0xb8;
	[tilespmem:$0x1C000] =	vst v63  }
0x69: {  	s3 =	simm.s32 $0x80;
	s10 =	simm.s32 $0x400;
	s13 =	simm.s32 $0x3A00  }
0x6a: {  	[tilespmem:s13], [sflag:$0xB] =	stream.strided.gather [hbm4b:s28+s3], $0x300, s10, s3, $0x38;
	[tilespmem:$0x1C000] =	vst v63  }
0x6b: {  	_ =	swait.ge [sflag:s24], $0x300  }
0x6c: {  	[sflag:s24] =	ssyncset.done $0x0  }
0x6d: {  	s1 =	simm.s32 @!p0 $0x0;
	s3 =	simm.s32 @!p0 $0x3400;
	[sflag:s24] =	ssyncadd.s32 $0xFFFFFD00  }
0x6e: {  	[tilespmem:s3], [sflag:$0xB] =	stream.linear.gather @!p0 [hbm4b:s2+s1], $0x80, $0x38;
	[tilespmem:$0x1C000] =	vst v63  }
0x6f: {  	s10 =	rddreg [dreg:$0xa];
	s3 =	simm.s32 @!p0 $0x3500  }
0x70: {  	[tilespmem:s3], [sflag:$0xB] =	stream.linear.gather @!p0 [hbm4b:s10+s1], $0x80, $0x38;
	[tilespmem:$0x1C000] =	vst v63  }
0x71: {  	s3 =	simm.s32 @!p0 $0x3600;
	s10 =	rddreg [dreg:$0xb]  }
0x72: {  	[tilespmem:s3], [sflag:$0xB] =	stream.linear.gather @!p0 [hbm4b:s10+s1], $0x80, $0x38;
	[tilespmem:$0x1C000] =	vst v63  }
0x73: {  	s3 =	simm.s32 @!p0 $0x3700;
	s10 =	rddreg [dreg:$0xc]  }
0x74: {  	[tilespmem:s3], [sflag:$0xB] =	stream.linear.gather @!p0 [hbm4b:s10+s1], $0x80, $0x38;
	[tilespmem:$0x1C000] =	vst v63  }
0x75: {  	s3 =	simm.s32 @!p0 $0x3800  }
0x76: {  	[tilespmem:s3], [sflag:$0xB] =	stream.linear.gather @!p0 [hbm4b:s22+s1], $0x80, $0x38;
	[tilespmem:$0x1C000] =	vst v63  }
0x77: {  	s3 =	simm.s32 @!p0 $0x3900  }
0x78: {  	[tilespmem:s3], [sflag:$0xB] =	stream.linear.gather @!p0 [hbm4b:s23+s1], $0x80, $0x38;
	[tilespmem:$0x1C000] =	vst v63  }
0x79: {  	s1 =	simm.s32 @!p0 $0xB  }
0x7a: {  	_ =	swait.ge @!p0 [sflag:s1], $0x300  }
0x7b: {  	[sflag:s1] =	ssyncset.done @!p0 $0x0  }
0x7c: {  	s31 =	simm.s32 $0x0;
	[sflag:s1] =	ssyncadd.s32 @!p0 $0xFFFFFD00  }
.LBB2_2:
0x7d: {  	s1 =	sadd.s32 $0x2, s31  }
0x7e: {  	p1 =	sge.u32 s1, s9  }
.Ltmp0:
0x7f: {  	_ = 	snop;
	(pc) =	sbr.rel @p1 .LBB2_4-.Ltmp0, $1  }
0x80: {  	_ =	sdelay $0x3  }
0x81: {  	p1 =	slt.u32 s31, $0x2  }
0x82: {  	s3 =	sand.u32 @!p1 $0x3, s1  }
0x83: {  	s10 =	sadd.s32 @!p1 $0x5, s3  }
0x84: {  	_ =	swait.ge @!p1 [sflag:s10], $0x1000  }
0x85: {  	[sflag:s10] =	ssyncset.done @!p1 $0x0  }
0x86: {  	[sflag:s10] =	ssyncadd.s32 @!p1 $0xFFFFF000  }
0x87: {  	_ =	swait.ge @!p1 [sflag:s10], $0x1000  }
0x88: {  	[sflag:s10] =	ssyncset.done @!p1 $0x0  }
0x89: {  	[sflag:s10] =	ssyncadd.s32 @!p1 $0xFFFFF000  }
0x8a: {  	_ =	swait.ge @!p1 [sflag:s10], $0x1000  }
0x8b: {  	[sflag:s10] =	ssyncset.done @!p1 $0x0  }
0x8c: {  	[sflag:s10] =	ssyncadd.s32 @!p1 $0xFFFFF000  }
0x8d: {  	_ =	swait.ge @!p1 [sflag:s10], $0x1000  }
0x8e: {  	[sflag:s10] =	ssyncset.done @!p1 $0x0  }
0x8f: {  	[sflag:s10] =	ssyncadd.s32 @!p1 $0xFFFFF000  }
0x90: {  	_ =	swait.ge @!p1 [sflag:s10], $0x1000  }
0x91: {  	[sflag:s10] =	ssyncset.done @!p1 $0x0  }
0x92: {  	[sflag:s10] =	ssyncadd.s32 @!p1 $0xFFFFF000  }
0x93: {  	_ =	swait.ge @!p1 [sflag:s10], $0x1000  }
0x94: {  	s13 =	sshll.u32 s1, $0x7;
	[sflag:s10] =	ssyncset.done @!p1 $0x0  }
0x95: {  	s20 =	sand.u32 $0x3FFFFF80, s13;
	[sflag:s10] =	ssyncadd.s32 @!p1 $0xFFFFF000  }
0x96: {  	v4 =	vld [tilespmem:s20+$0x0];
	_ =	sdelay $0x4  }
0x97: {  	v5 =	vshrl.u32 v4, $0x3  }
0x98: {  	v5 =	vmul.u32 $0x30, v5  }
0x99: {  	v4 =	vand.u32 $0x7, v4  }
0x9a: {  	v4 =	vor.u32 v4, v5  }
0x9b: {  	v5 =	vperm.xlane v4, v0;
	_ =	sdelay $0x1  }
0x9c: {  	s3 =	smov.u32 @p1 s1;
	v5 =	vadd.s32 v1, v5  }
0x9d: {  	s1 =	smul.u32 $0x18000, s3;
	_ =	sdelay $0x1  }
0x9e: {  	s1 =	sshra.s32 s1, $0x2  }
0x9f: {  	s3 =	sadd.s32 $0x1, s3;
	s21 =	sadd.s32 $0x4000, s1;
	v4 =	vperm.xlane v4, v2  }
0xa0: {  	[tilespmem:s21], [sflag:s3] =	stream.indirect_vreg.gather [hbm4b:s0+s6], $0x80, v5, vm0, $0xb8;
	[tilespmem:$0x1C000] =	vst v63  }
0xa1: {  	s25 =	sadd.s32 $0x4800, s1;
	v4 =	vadd.s32 v1, v4  }
0xa2: {  	[tilespmem:s25], [sflag:s3] =	stream.indirect_vreg.gather [hbm4b:s11+s6], $0x80, v5, vm0, $0xb8;
	[tilespmem:$0x1C000] =	vst v63  }
0xa3: {  	s26 =	sadd.s32 $0x5000, s1  }
0xa4: {  	[tilespmem:s26], [sflag:s3] =	stream.indirect_vreg.gather [hbm4b:s12+s6], $0x80, v5, vm0, $0xb8;
	[tilespmem:$0x1C000] =	vst v63  }
0xa5: {  	s28 =	sadd.s32 $0x5800, s1  }
0xa6: {  	[tilespmem:s28], [sflag:s3] =	stream.indirect_vreg.gather [hbm4b:s0+s6], $0x80, v4, vm0, $0xb8;
	[tilespmem:$0x1C000] =	vst v63  }
0xa7: {  	s18 =	sadd.s32 $0x6000, s1  }
0xa8: {  	[tilespmem:s18], [sflag:s3] =	stream.indirect_vreg.gather [hbm4b:s11+s6], $0x80, v4, vm0, $0xb8;
	[tilespmem:$0x1C000] =	vst v63  }
0xa9: {  	s19 =	sadd.s32 $0x6800, s1  }
0xaa: {  	[tilespmem:s19], [sflag:s3] =	stream.indirect_vreg.gather [hbm4b:s12+s6], $0x80, v4, vm0, $0xb8;
	[tilespmem:$0x1C000] =	vst v63  }
0xab: {  	v4 =	vld [tilespmem:s20+$0x10];
	_ =	sdelay $0x4  }
0xac: {  	v5 =	vshrl.u32 v4, $0x3  }
0xad: {  	v5 =	vmul.u32 $0x30, v5  }
0xae: {  	v4 =	vand.u32 $0x7, v4  }
0xaf: {  	v4 =	vor.u32 v4, v5  }
0xb0: {  	v5 =	vperm.xlane v4, v0;
	_ =	sdelay $0x1  }
0xb1: {  	v5 =	vadd.s32 v1, v5;
	_ =	sdelay $0x3  }
0xb2: {  	s20 =	sadd.s32 $0x7000, s1;
	v4 =	vperm.xlane v4, v2  }
0xb3: {  	[tilespmem:s20], [sflag:s3] =	stream.indirect_vreg.gather [hbm4b:s0+s6], $0x80, v5, vm0, $0xb8;
	[tilespmem:$0x1C000] =	vst v63  }
0xb4: {  	s21 =	sadd.s32 $0x7800, s1;
	v4 =	vadd.s32 v1, v4  }
0xb5: {  	[tilespmem:s21], [sflag:s3] =	stream.indirect_vreg.gather [hbm4b:s11+s6], $0x80, v5, vm0, $0xb8;
	[tilespmem:$0x1C000] =	vst v63  }
0xb6: {  	s25 =	sadd.s32 $0x8000, s1  }
0xb7: {  	[tilespmem:s25], [sflag:s3] =	stream.indirect_vreg.gather [hbm4b:s12+s6], $0x80, v5, vm0, $0xb8;
	[tilespmem:$0x1C000] =	vst v63  }
0xb8: {  	s26 =	sadd.s32 $0x8800, s1  }
0xb9: {  	[tilespmem:s26], [sflag:s3] =	stream.indirect_vreg.gather [hbm4b:s0+s6], $0x80, v4, vm0, $0xb8;
	[tilespmem:$0x1C000] =	vst v63  }
0xba: {  	s28 =	sadd.s32 $0x9000, s1  }
0xbb: {  	[tilespmem:s28], [sflag:s3] =	stream.indirect_vreg.gather [hbm4b:s11+s6], $0x80, v4, vm0, $0xb8;
	[tilespmem:$0x1C000] =	vst v63  }
0xbc: {  	s1 =	sadd.s32 $0x9800, s1  }
0xbd: {  	[tilespmem:s1], [sflag:s3] =	stream.indirect_vreg.gather [hbm4b:s12+s6], $0x80, v4, vm0, $0xb8;
	[tilespmem:$0x1C000] =	vst v63  }
.LBB2_4:
0xbe: {  	s1 =	sand.u32 $0x1, s31  }
0xbf: {  	p1 =	sne.s32 s1, $0x0  }
.Ltmp1:
0xc0: {  	s3 =	sand.u32 $0x3, s31;
	(pc) =	sbr.rel @p1 .LBB2_9-.Ltmp1, $4  }
0xc1: {  	s13 =	sadd.s32 $0x1, s3  }
0xc2: {  	s10 =	sshrl.u32 s31, $0x1;
	_ =	swait.ge [sflag:s13], $0x6000  }
0xc3: {  	s18 =	sshll.u32 s10, $0x5;
	[sflag:s13] =	ssyncset.done $0x0  }
0xc4: {  	s25 =	sor.u32 s7, s18;
	[sflag:s13] =	ssyncadd.s32 $0xFFFFA000  }
0xc5: {  	s13 =	sadd.s32 $0x1, s10  }
0xc6: {  	p1 =	sge.u32 s13, s8  }
0xc7: {  	p2 =	seq.s32 @!p1 s7, $0x0  }
0xc8: {  	s18 =	smov.u32 s10;
	p2 =	por !p2, p1  }
0xc9: {  	s18 =	smov.u32 @p2 s13  }
0xca: {  	s13 =	sshrl.u32 @!p1 s18, $0x3  }
0xcb: {  	s18 =	sshll.u32 @!p1 s18, $0x7;
	s26 =	smul.u32 @!p1 $0x1800, s13  }
0xcc: {  	s13 =	sand.u32 $0x1, s10;
	s18 =	sand.u32 @!p1 $0x380, s18  }
0xcd: {  	s28 =	sxor.u32 @!p1 $0x1, s13;
	s18 =	sor.u32 @!p1 s18, s26  }
0xce: {  	s26 =	sadd.s32 @!p1 $0x9, s28;
	s28 =	sshll.u32 @!p1 s28, $0x7;
	s18 =	sshrl.u32 @!p1 s18, $0x3  }
0xcf: {  	s20 =	simm.s32 @!p1 $0x0;
	s19 =	sor.u32 @!p1 $0x3400, s28;
	s18 =	sadd.s32 @!p1 s2, s18  }
0xd0: {  	[tilespmem:s19], [sflag:s26] =	stream.linear.gather @!p1 [hbm4b:s18+s20], $0x80, $0x38;
	[tilespmem:$0x1C000] =	vst v63  }
0xd1: {  	s21 =	sor.u32 @!p1 $0x3500, s28;
	s19 =	sadd.s32 @!p1 $0x80, s18  }
0xd2: {  	[tilespmem:s21], [sflag:s26] =	stream.linear.gather @!p1 [hbm4b:s19+s20], $0x80, $0x38;
	[tilespmem:$0x1C000] =	vst v63  }
0xd3: {  	s19 =	sadd.s32 @!p1 $0x100, s18;
	s21 =	sor.u32 @!p1 $0x3600, s28  }
0xd4: {  	[tilespmem:s21], [sflag:s26] =	stream.linear.gather @!p1 [hbm4b:s19+s20], $0x80, $0x38;
	[tilespmem:$0x1C000] =	vst v63  }
0xd5: {  	s19 =	sadd.s32 @!p1 $0x180, s18;
	s21 =	sor.u32 @!p1 $0x3700, s28  }
0xd6: {  	[tilespmem:s21], [sflag:s26] =	stream.linear.gather @!p1 [hbm4b:s19+s20], $0x80, $0x38;
	[tilespmem:$0x1C000] =	vst v63  }
0xd7: {  	s19 =	sadd.s32 @!p1 $0x200, s18;
	s21 =	sor.u32 @!p1 $0x3800, s28  }
0xd8: {  	[tilespmem:s21], [sflag:s26] =	stream.linear.gather @!p1 [hbm4b:s19+s20], $0x80, $0x38;
	[tilespmem:$0x1C000] =	vst v63  }
0xd9: {  	p2 =	sne.s32 s25, $0x0;
	s18 =	sadd.s32 @!p1 $0x280, s18;
	s19 =	sor.u32 @!p1 $0x3900, s28  }
0xda: {  	[tilespmem:s19], [sflag:s26] =	stream.linear.gather @!p1 [hbm4b:s18+s20], $0x80, $0x38;
	[tilespmem:$0x1C000] =	vst v63  }
.Ltmp2:
0xdb: {  	p1 =	seq.s32 s10, $0x0;
	(pc) =	sbr.rel @!p2 .LBB2_6-.Ltmp2, $4  }
0xdc: {  	s10 =	sadd.s32 @!p1 $0x9, s13  }
0xdd: {  	_ =	swait.ge @!p1 [sflag:s10], $0x300  }
0xde: {  	[sflag:s10] =	ssyncset.done @!p1 $0x0  }
0xdf: {  	[sflag:s10] =	ssyncadd.s32 @!p1 $0xFFFFFD00  }
0xe0: {  	p1 =	slt.s32 s25, $0x1  }
.Ltmp3:
0xe1: {  	_ = 	snop;
	(pc) =	sbr.rel @p1 .LBB2_9-.Ltmp3, $1  }
0xe2: {  	_ =	sdelay $0x3  }
0xe3: {  	s26 =	sshll.u32 s13, $0x7;
	v5 =	vld [tilespmem:$0x3A00]  }
0xe4: {  	v4 =	vld [tilespmem:s26+$0x3400];
	_ =	sdelay $0x4  }
0xe5: {  	v4 =	vadd.f32 v5, v4;
	_ =	sdelay $0x1  }
0xe6: {  	v5 =	vld [tilespmem:$0x3A10];
	[tilespmem:$0x3D00] =	vst v4  }
0xe7: {  	v4 =	vld [tilespmem:s26+$0x3410];
	_ =	sdelay $0x4  }
0xe8: {  	v4 =	vadd.f32 v5, v4;
	_ =	sdelay $0x1  }
0xe9: {  	v5 =	vld [tilespmem:$0x3A20];
	[tilespmem:$0x3D10] =	vst v4  }
0xea: {  	v4 =	vld [tilespmem:s26+$0x3420];
	_ =	sdelay $0x4  }
0xeb: {  	v4 =	vadd.f32 v5, v4;
	_ =	sdelay $0x1  }
0xec: {  	v5 =	vld [tilespmem:$0x3A30];
	[tilespmem:$0x3D20] =	vst v4  }
0xed: {  	v4 =	vld [tilespmem:s26+$0x3430];
	_ =	sdelay $0x4  }
0xee: {  	v4 =	vadd.f32 v5, v4;
	_ =	sdelay $0x1  }
0xef: {  	v5 =	vld [tilespmem:$0x3A40];
	[tilespmem:$0x3D30] =	vst v4  }
0xf0: {  	v4 =	vld [tilespmem:s26+$0x3440];
	_ =	sdelay $0x4  }
0xf1: {  	v4 =	vadd.f32 v5, v4;
	_ =	sdelay $0x1  }
0xf2: {  	v5 =	vld [tilespmem:$0x3A50];
	[tilespmem:$0x3D40] =	vst v4  }
0xf3: {  	v4 =	vld [tilespmem:s26+$0x3450];
	_ =	sdelay $0x4  }
0xf4: {  	v4 =	vadd.f32 v5, v4;
	_ =	sdelay $0x1  }
0xf5: {  	v5 =	vld [tilespmem:$0x3A60];
	[tilespmem:$0x3D50] =	vst v4  }
0xf6: {  	v4 =	vld [tilespmem:s26+$0x3460];
	_ =	sdelay $0x4  }
0xf7: {  	v4 =	vadd.f32 v5, v4;
	_ =	sdelay $0x1  }
0xf8: {  	v5 =	vld [tilespmem:$0x3A70];
	[tilespmem:$0x3D60] =	vst v4  }
0xf9: {  	v4 =	vld [tilespmem:s26+$0x3470];
	_ =	sdelay $0x4  }
0xfa: {  	v4 =	vadd.f32 v5, v4;
	_ =	sdelay $0x1  }
0xfb: {  	v5 =	vld [tilespmem:$0x3A80];
	[tilespmem:$0x3D70] =	vst v4  }
0xfc: {  	v4 =	vld [tilespmem:s26+$0x3500];
	_ =	sdelay $0x4  }
0xfd: {  	v4 =	vadd.f32 v5, v4;
	_ =	sdelay $0x1  }
0xfe: {  	v5 =	vld [tilespmem:$0x3A90];
	[tilespmem:$0x3D80] =	vst v4  }
0xff: {  	v4 =	vld [tilespmem:s26+$0x3510];
	_ =	sdelay $0x4  }
0x100: {  	v4 =	vadd.f32 v5, v4;
	_ =	sdelay $0x1  }
0x101: {  	v5 =	vld [tilespmem:$0x3AA0];
	[tilespmem:$0x3D90] =	vst v4  }
0x102: {  	v4 =	vld [tilespmem:s26+$0x3520];
	_ =	sdelay $0x4  }
0x103: {  	v4 =	vadd.f32 v5, v4;
	_ =	sdelay $0x1  }
0x104: {  	v5 =	vld [tilespmem:$0x3AB0];
	[tilespmem:$0x3DA0] =	vst v4  }
0x105: {  	v4 =	vld [tilespmem:s26+$0x3530];
	_ =	sdelay $0x4  }
0x106: {  	v4 =	vadd.f32 v5, v4;
	_ =	sdelay $0x1  }
0x107: {  	v5 =	vld [tilespmem:$0x3AC0];
	[tilespmem:$0x3DB0] =	vst v4  }
0x108: {  	v4 =	vld [tilespmem:s26+$0x3540];
	_ =	sdelay $0x4  }
0x109: {  	v4 =	vadd.f32 v5, v4;
	_ =	sdelay $0x1  }
0x10a: {  	v5 =	vld [tilespmem:$0x3AD0];
	[tilespmem:$0x3DC0] =	vst v4  }
0x10b: {  	v4 =	vld [tilespmem:s26+$0x3550];
	_ =	sdelay $0x4  }
0x10c: {  	v4 =	vadd.f32 v5, v4;
	_ =	sdelay $0x1  }
0x10d: {  	v5 =	vld [tilespmem:$0x3AE0];
	[tilespmem:$0x3DD0] =	vst v4  }
0x10e: {  	v4 =	vld [tilespmem:s26+$0x3560];
	_ =	sdelay $0x4  }
0x10f: {  	v4 =	vadd.f32 v5, v4;
	_ =	sdelay $0x1  }
0x110: {  	v5 =	vld [tilespmem:$0x3AF0];
	[tilespmem:$0x3DE0] =	vst v4  }
0x111: {  	v4 =	vld [tilespmem:s26+$0x3570];
	_ =	sdelay $0x4  }
0x112: {  	v4 =	vadd.f32 v5, v4;
	_ =	sdelay $0x1  }
0x113: {  	v5 =	vld [tilespmem:$0x3B00];
	[tilespmem:$0x3DF0] =	vst v4  }
0x114: {  	v4 =	vld [tilespmem:s26+$0x3600];
	_ =	sdelay $0x4  }
0x115: {  	v4 =	vadd.f32 v5, v4;
	_ =	sdelay $0x1  }
0x116: {  	v5 =	vld [tilespmem:$0x3B10];
	[tilespmem:$0x3E00] =	vst v4  }
0x117: {  	v4 =	vld [tilespmem:s26+$0x3610];
	_ =	sdelay $0x4  }
0x118: {  	v4 =	vadd.f32 v5, v4;
	_ =	sdelay $0x1  }
0x119: {  	v5 =	vld [tilespmem:$0x3B20];
	[tilespmem:$0x3E10] =	vst v4  }
0x11a: {  	v4 =	vld [tilespmem:s26+$0x3620];
	_ =	sdelay $0x4  }
0x11b: {  	v4 =	vadd.f32 v5, v4;
	_ =	sdelay $0x1  }
0x11c: {  	v5 =	vld [tilespmem:$0x3B30];
	[tilespmem:$0x3E20] =	vst v4  }
0x11d: {  	v4 =	vld [tilespmem:s26+$0x3630];
	_ =	sdelay $0x4  }
0x11e: {  	v4 =	vadd.f32 v5, v4;
	_ =	sdelay $0x1  }
0x11f: {  	v5 =	vld [tilespmem:$0x3B40];
	[tilespmem:$0x3E30] =	vst v4  }
0x120: {  	v4 =	vld [tilespmem:s26+$0x3640];
	_ =	sdelay $0x4  }
0x121: {  	v4 =	vadd.f32 v5, v4;
	_ =	sdelay $0x1  }
0x122: {  	v5 =	vld [tilespmem:$0x3B50];
	[tilespmem:$0x3E40] =	vst v4  }
0x123: {  	v4 =	vld [tilespmem:s26+$0x3650];
	_ =	sdelay $0x4  }
0x124: {  	v4 =	vadd.f32 v5, v4;
	_ =	sdelay $0x1  }
0x125: {  	v5 =	vld [tilespmem:$0x3B60];
	[tilespmem:$0x3E50] =	vst v4  }
0x126: {  	v4 =	vld [tilespmem:s26+$0x3660];
	_ =	sdelay $0x4  }
0x127: {  	v4 =	vadd.f32 v5, v4;
	_ =	sdelay $0x1  }
0x128: {  	v5 =	vld [tilespmem:$0x3B70];
	[tilespmem:$0x3E60] =	vst v4  }
0x129: {  	v4 =	vld [tilespmem:s26+$0x3670];
	_ =	sdelay $0x4  }
0x12a: {  	v4 =	vadd.f32 v5, v4;
	_ =	sdelay $0x1  }
0x12b: {  	v5 =	vld [tilespmem:$0x3B80];
	[tilespmem:$0x3E70] =	vst v4  }
0x12c: {  	v4 =	vld [tilespmem:s26+$0x3700];
	_ =	sdelay $0x4  }
0x12d: {  	v4 =	vadd.f32 v5, v4;
	_ =	sdelay $0x1  }
0x12e: {  	v5 =	vld [tilespmem:$0x3B90];
	[tilespmem:$0x3E80] =	vst v4  }
0x12f: {  	v4 =	vld [tilespmem:s26+$0x3710];
	_ =	sdelay $0x4  }
0x130: {  	v4 =	vadd.f32 v5, v4;
	_ =	sdelay $0x1  }
0x131: {  	v5 =	vld [tilespmem:$0x3BA0];
	[tilespmem:$0x3E90] =	vst v4  }
0x132: {  	v4 =	vld [tilespmem:s26+$0x3720];
	_ =	sdelay $0x4  }
0x133: {  	v4 =	vadd.f32 v5, v4;
	_ =	sdelay $0x1  }
0x134: {  	v5 =	vld [tilespmem:$0x3BB0];
	[tilespmem:$0x3EA0] =	vst v4  }
0x135: {  	v4 =	vld [tilespmem:s26+$0x3730];
	_ =	sdelay $0x4  }
0x136: {  	v4 =	vadd.f32 v5, v4;
	_ =	sdelay $0x1  }
0x137: {  	v5 =	vld [tilespmem:$0x3BC0];
	[tilespmem:$0x3EB0] =	vst v4  }
0x138: {  	v4 =	vld [tilespmem:s26+$0x3740];
	_ =	sdelay $0x4  }
0x139: {  	v4 =	vadd.f32 v5, v4;
	_ =	sdelay $0x1  }
0x13a: {  	v5 =	vld [tilespmem:$0x3BD0];
	[tilespmem:$0x3EC0] =	vst v4  }
0x13b: {  	v4 =	vld [tilespmem:s26+$0x3750];
	_ =	sdelay $0x4  }
0x13c: {  	v4 =	vadd.f32 v5, v4;
	_ =	sdelay $0x1  }
0x13d: {  	v5 =	vld [tilespmem:$0x3BE0];
	[tilespmem:$0x3ED0] =	vst v4  }
0x13e: {  	v4 =	vld [tilespmem:s26+$0x3760];
	_ =	sdelay $0x4  }
0x13f: {  	v4 =	vadd.f32 v5, v4;
	_ =	sdelay $0x1  }
0x140: {  	v5 =	vld [tilespmem:$0x3BF0];
	[tilespmem:$0x3EE0] =	vst v4  }
0x141: {  	v4 =	vld [tilespmem:s26+$0x3770];
	_ =	sdelay $0x4  }
0x142: {  	v4 =	vadd.f32 v5, v4;
	_ =	sdelay $0x1  }
0x143: {  	v5 =	vld [tilespmem:$0x3C00];
	[tilespmem:$0x3EF0] =	vst v4  }
0x144: {  	v4 =	vld [tilespmem:s26+$0x3800];
	_ =	sdelay $0x4  }
0x145: {  	v4 =	vadd.f32 v5, v4;
	_ =	sdelay $0x1  }
0x146: {  	v5 =	vld [tilespmem:$0x3C10];
	[tilespmem:$0x3F00] =	vst v4  }
0x147: {  	v4 =	vld [tilespmem:s26+$0x3810];
	_ =	sdelay $0x4  }
0x148: {  	v4 =	vadd.f32 v5, v4;
	_ =	sdelay $0x1  }
0x149: {  	v5 =	vld [tilespmem:$0x3C20];
	[tilespmem:$0x3F10] =	vst v4  }
0x14a: {  	v4 =	vld [tilespmem:s26+$0x3820];
	_ =	sdelay $0x4  }
0x14b: {  	v4 =	vadd.f32 v5, v4;
	_ =	sdelay $0x1  }
0x14c: {  	v5 =	vld [tilespmem:$0x3C30];
	[tilespmem:$0x3F20] =	vst v4  }
0x14d: {  	v4 =	vld [tilespmem:s26+$0x3830];
	_ =	sdelay $0x4  }
0x14e: {  	v4 =	vadd.f32 v5, v4;
	_ =	sdelay $0x1  }
0x14f: {  	v5 =	vld [tilespmem:$0x3C40];
	[tilespmem:$0x3F30] =	vst v4  }
0x150: {  	v4 =	vld [tilespmem:s26+$0x3840];
	_ =	sdelay $0x4  }
0x151: {  	v4 =	vadd.f32 v5, v4;
	_ =	sdelay $0x1  }
0x152: {  	v5 =	vld [tilespmem:$0x3C50];
	[tilespmem:$0x3F40] =	vst v4  }
0x153: {  	v4 =	vld [tilespmem:s26+$0x3850];
	_ =	sdelay $0x4  }
0x154: {  	v4 =	vadd.f32 v5, v4;
	_ =	sdelay $0x1  }
0x155: {  	v5 =	vld [tilespmem:$0x3C60];
	[tilespmem:$0x3F50] =	vst v4  }
0x156: {  	v4 =	vld [tilespmem:s26+$0x3860];
	_ =	sdelay $0x4  }
0x157: {  	v4 =	vadd.f32 v5, v4;
	_ =	sdelay $0x1  }
0x158: {  	v5 =	vld [tilespmem:$0x3C70];
	[tilespmem:$0x3F60] =	vst v4  }
0x159: {  	v4 =	vld [tilespmem:s26+$0x3870];
	_ =	sdelay $0x4  }
0x15a: {  	v4 =	vadd.f32 v5, v4;
	_ =	sdelay $0x1  }
0x15b: {  	v5 =	vld [tilespmem:$0x3C80];
	[tilespmem:$0x3F70] =	vst v4  }
0x15c: {  	v4 =	vld [tilespmem:s26+$0x3900];
	_ =	sdelay $0x4  }
0x15d: {  	v4 =	vadd.f32 v5, v4;
	_ =	sdelay $0x1  }
0x15e: {  	v5 =	vld [tilespmem:$0x3C90];
	[tilespmem:$0x3F80] =	vst v4  }
0x15f: {  	v4 =	vld [tilespmem:s26+$0x3910];
	_ =	sdelay $0x4  }
0x160: {  	v4 =	vadd.f32 v5, v4;
	_ =	sdelay $0x1  }
0x161: {  	v5 =	vld [tilespmem:$0x3CA0];
	[tilespmem:$0x3F90] =	vst v4  }
0x162: {  	v4 =	vld [tilespmem:s26+$0x3920];
	_ =	sdelay $0x4  }
0x163: {  	v4 =	vadd.f32 v5, v4;
	_ =	sdelay $0x1  }
0x164: {  	v5 =	vld [tilespmem:$0x3CB0];
	[tilespmem:$0x3FA0] =	vst v4  }
0x165: {  	v4 =	vld [tilespmem:s26+$0x3930];
	_ =	sdelay $0x4  }
0x166: {  	v4 =	vadd.f32 v5, v4;
	_ =	sdelay $0x1  }
0x167: {  	v5 =	vld [tilespmem:$0x3CC0];
	[tilespmem:$0x3FB0] =	vst v4  }
0x168: {  	v4 =	vld [tilespmem:s26+$0x3940];
	_ =	sdelay $0x4  }
0x169: {  	v4 =	vadd.f32 v5, v4;
	_ =	sdelay $0x1  }
0x16a: {  	v5 =	vld [tilespmem:$0x3CD0];
	[tilespmem:$0x3FC0] =	vst v4  }
0x16b: {  	v4 =	vld [tilespmem:s26+$0x3950];
	_ =	sdelay $0x4  }
0x16c: {  	v4 =	vadd.f32 v5, v4;
	_ =	sdelay $0x1  }
0x16d: {  	v5 =	vld [tilespmem:$0x3CE0];
	[tilespmem:$0x3FD0] =	vst v4  }
0x16e: {  	v4 =	vld [tilespmem:s26+$0x3960];
	_ =	sdelay $0x4  }
0x16f: {  	v4 =	vadd.f32 v5, v4;
	_ =	sdelay $0x1  }
0x170: {  	v5 =	vld [tilespmem:$0x3CF0];
	[tilespmem:$0x3FE0] =	vst v4  }
0x171: {  	v4 =	vld [tilespmem:s26+$0x3970];
	_ =	sdelay $0x2  }
.Ltmp4:
0x172: {  	_ = 	snop;
	(pc) =	sbr.rel .LBB2_9-.Ltmp4, $3  }
0x173: {  	_ = 	snop  }
0x174: {  	v4 =	vadd.f32 v5, v4;
	_ =	sdelay $0x1  }
0x175: {  	[tilespmem:$0x3FF0] =	vst v4  }
.LBB2_6:
0x176: {  	[tilespmem:s29], [sflag:$0xB] =	stream.linear.gather [hbm4b:s4+s6], $0x300, $0x38;
	[tilespmem:$0x1C000] =	vst v63  }
0x177: {  	_ =	swait.ge [sflag:s24], $0x300  }
0x178: {  	[sflag:s24] =	ssyncset.done $0x0  }
0x179: {  	[sflag:s24] =	ssyncadd.s32 $0xFFFFFD00  }
.LBB2_9:
0x17a: {  	s10 =	smul.u32 $0x180, s25  }
0x17b: {  	s1 =	smul.u32 $0xC0, s1;
	_ =	sdelay $0x1  }
0x17c: {  	s10 =	sadd.s32 s1, s10  }
0x17d: {  	s1 =	sshll.u32 s3, $0xA;
	v4 =	vor.u32 s10, v3;
	s13 =	sadd.s32 $0x60, s10  }
0x17e: {  	s19 =	sor.u32 $0x8, s10;
	[tilespmem:s1+$0x2400] =	vst v4;
	v4 =	vadd.s32 s13, v3  }
0x17f: {  	s20 =	sadd.s32 $0x68, s10;
	[tilespmem:s1+$0x2410] =	vst v4;
	v4 =	vor.u32 s19, v3  }
0x180: {  	s21 =	sor.u32 $0x10, s10;
	[tilespmem:s1+$0x2480] =	vst v4;
	v4 =	vadd.s32 s20, v3  }
0x181: {  	s25 =	sadd.s32 $0x70, s10;
	[tilespmem:s1+$0x2490] =	vst v4;
	v4 =	vadd.s32 s21, v3  }
0x182: {  	s26 =	sor.u32 $0x18, s10;
	[tilespmem:s1+$0x2500] =	vst v4;
	v4 =	vadd.s32 s25, v3  }
0x183: {  	s18 =	sadd.s32 $0x78, s10;
	[tilespmem:s1+$0x2510] =	vst v4;
	v4 =	vadd.s32 s26, v3  }
0x184: {  	s19 =	sor.u32 $0x20, s10;
	[tilespmem:s1+$0x2580] =	vst v4;
	v4 =	vadd.s32 s18, v3  }
0x185: {  	s20 =	sadd.s32 $0x80, s10;
	[tilespmem:s1+$0x2590] =	vst v4;
	v4 =	vadd.s32 s19, v3  }
0x186: {  	s21 =	sor.u32 $0x28, s10;
	[tilespmem:s1+$0x2600] =	vst v4;
	v4 =	vor.u32 s20, v3  }
0x187: {  	s10 =	sadd.s32 $0x88, s10;
	[tilespmem:s1+$0x2610] =	vst v4;
	v4 =	vadd.s32 s21, v3  }
0x188: {  	[tilespmem:s1+$0x2680] =	vst v4;
	v4 =	vor.u32 s10, v3  }
0x189: {  	[tilespmem:s1+$0x2690] =	vst v4  }
0x18a: {  	v18 =	vld [tilespmem:$0x3D00]  }
0x18b: {  	v17 =	vld [tilespmem:$0x3D10]  }
0x18c: {  	v16 =	vld [tilespmem:$0x3D20]  }
0x18d: {  	v15 =	vld [tilespmem:$0x3D30]  }
0x18e: {  	v14 =	vld [tilespmem:$0x3D40]  }
0x18f: {  	v13 =	vld [tilespmem:$0x3D50]  }
0x190: {  	v12 =	vld [tilespmem:$0x3D60]  }
0x191: {  	v11 =	vld [tilespmem:$0x3D70]  }
0x192: {  	v10 =	vld [tilespmem:$0x3D80]  }
0x193: {  	v8 =	vld [tilespmem:$0x3D90]  }
0x194: {  	s25 =	smul.u32 $0x18000, s3;
	s26 =	simm.s32 $0x0;
	v4 =	vld [tilespmem:$0x3DA0]  }
0x195: {  	s13 =	smul.u32 $0x6000, s26;
	v5 =	vld [tilespmem:$0x3DB0]  }
0x196: {  	s25 =	sshrl.u32 s25, $0x2;
	v6 =	vld [tilespmem:$0x3DC0]  }
0x197: {  	s26 =	sadd.s32 $0x4000, s25;
	s13 =	sshra.s32 s13, $0x2;
	s10 =	simm.s32 $0x0;
	v7 =	vld [tilespmem:$0x3DD0]  }
0x198: {  	s13 =	sadd.s32 s13, s26;
	s18 =	sand.u32 $0x380, s10;
	v9 =	vld [tilespmem:$0x3DE0]  }
0x199: {  	v19 =	vld [tilespmem:$0x3DF0];
	s28 =	sadd.s32 s18, s13  }
0x19a: {  	v20 =	vld [tilespmem:s28+$0x470]  }
0x19b: {  	v21 =	vld [tilespmem:s28+$0x0]  }
0x19c: {  	v24 =	vld [tilespmem:s28+$0x10]  }
0x19d: {  	v25 =	vld [tilespmem:s28+$0x20]  }
0x19e: {  	v26 =	vld [tilespmem:s28+$0x30]  }
0x19f: {  	v27 =	vld [tilespmem:s28+$0x40];
	v20 =	vadd.f32 v20, v19  }
0x1a0: {  	v22 =	vld [tilespmem:s28+$0x50];
	v21 =	vadd.f32 v21, v18  }
0x1a1: {  	v23 =	vld [tilespmem:s28+$0x60];
	[tilespmem:s28+$0x470] =	vst v20;
	v20 =	vadd.f32 v24, v17  }
0x1a2: {  	[tilespmem:s28+$0x0] =	vst v21;
	v24 =	vld [tilespmem:s28+$0x70];
	v21 =	vadd.f32 v25, v16  }
0x1a3: {  	v25 =	vadd.f32 v26, v15;
	[tilespmem:s28+$0x10] =	vst v20;
	v20 =	vld [tilespmem:s28+$0x400]  }
0x1a4: {  	s18 =	simm.s32 $0x0;
	s13 =	simm.s32 $0x2;
	v26 =	vadd.f32 v27, v14;
	[tilespmem:s28+$0x20] =	vst v21;
	v21 =	vld [tilespmem:s28+$0x410]  }
.LBB2_10:
0x1a5: {  	p1 =	sne.s32 s13, $0x1F;
	s18 =	smul.u32 $0x6000, s18;
	[tilespmem:s28+$0x30] =	vst v25;
	v22 =	vadd.f32 v22, v13;
	v25 =	vld [tilespmem:s28+$0x420]  }
0x1a6: {  	[tilespmem:s28+$0x40] =	vst v26;
	v23 =	vadd.f32 v23, v12;
	v26 =	vld [tilespmem:s28+$0x430]  }
0x1a7: {  	s10 =	sadd.s32 $0x80, s10;
	s18 =	sshra.s32 s18, $0x2;
	[tilespmem:s28+$0x50] =	vst v22;
	v22 =	vadd.f32 v24, v11;
	v24 =	vld [tilespmem:s28+$0x440]  }
0x1a8: {  	s19 =	sand.u32 $0x380, s10;
	s18 =	sadd.s32 s18, s26;
	[tilespmem:s28+$0x60] =	vst v23;
	v20 =	vadd.f32 v20, v10;
	v23 =	vld [tilespmem:s28+$0x450]  }
0x1a9: {  	s18 =	sadd.s32 s19, s18;
	[tilespmem:s28+$0x70] =	vst v22;
	v21 =	vadd.f32 v21, v8;
	v22 =	vld [tilespmem:s28+$0x460]  }
0x1aa: {  	v27 =	vld [tilespmem:s18+$0x470];
	[tilespmem:s28+$0x400] =	vst v20;
	v20 =	vadd.f32 v25, v4  }
0x1ab: {  	v25 =	vld [tilespmem:s18+$0x0];
	[tilespmem:s28+$0x410] =	vst v21;
	v21 =	vadd.f32 v26, v5  }
0x1ac: {  	v26 =	vld [tilespmem:s18+$0x10];
	[tilespmem:s28+$0x420] =	vst v20;
	v20 =	vadd.f32 v24, v6  }
0x1ad: {  	v24 =	vld [tilespmem:s18+$0x20];
	[tilespmem:s28+$0x430] =	vst v21;
	v21 =	vadd.f32 v23, v7  }
0x1ae: {  	v28 =	vld [tilespmem:s18+$0x30];
	[tilespmem:s28+$0x440] =	vst v20;
	v20 =	vadd.f32 v22, v9  }
0x1af: {  	v29 =	vld [tilespmem:s18+$0x40];
	v27 =	vadd.f32 v27, v19;
	[tilespmem:s28+$0x450] =	vst v21  }
.Ltmp5:
0x1b0: {  	v21 =	vadd.f32 v25, v18;
	v22 =	vld [tilespmem:s18+$0x50];
	[tilespmem:s28+$0x460] =	vst v20;
	s28 =	smov.u32 s18;
	(pc) =	sbr.rel @p1 .LBB2_10-.Ltmp5, $4  }
0x1b1: {  	v20 =	vadd.f32 v26, v17;
	v23 =	vld [tilespmem:s28+$0x60];
	[tilespmem:s28+$0x470] =	vst v27  }
0x1b2: {  	[tilespmem:s28+$0x0] =	vst v21;
	v21 =	vadd.f32 v24, v16;
	v24 =	vld [tilespmem:s28+$0x70]  }
0x1b3: {  	[tilespmem:s28+$0x10] =	vst v20;
	v25 =	vadd.f32 v28, v15;
	v20 =	vld [tilespmem:s28+$0x400]  }
0x1b4: {  	s18 =	sshrl.u32 s13, $0x3;
	s13 =	sadd.s32 $0x1, s13;
	[tilespmem:s28+$0x20] =	vst v21;
	v26 =	vadd.f32 v29, v14;
	v21 =	vld [tilespmem:s28+$0x410]  }
0x1b5: {  	[tilespmem:s28+$0x30] =	vst v25;
	v25 =	vld [tilespmem:s28+$0x420];
	v22 =	vadd.f32 v22, v13;
	s13 =	smul.u32 $0x6000, s18  }
0x1b6: {  	[tilespmem:s28+$0x40] =	vst v26;
	v26 =	vld [tilespmem:s28+$0x430];
	v23 =	vadd.f32 v23, v12  }
0x1b7: {  	s10 =	sadd.s32 $0x80, s10;
	[tilespmem:s28+$0x50] =	vst v22;
	v22 =	vld [tilespmem:s28+$0x440];
	v24 =	vadd.f32 v24, v11;
	s13 =	sshra.s32 s13, $0x2  }
0x1b8: {  	s10 =	sand.u32 $0x380, s10;
	[tilespmem:s28+$0x60] =	vst v23;
	v23 =	vld [tilespmem:s28+$0x450];
	s13 =	sadd.s32 s13, s26;
	v20 =	vadd.f32 v20, v10  }
0x1b9: {  	[tilespmem:s28+$0x70] =	vst v24;
	s10 =	sadd.s32 s10, s13;
	v21 =	vadd.f32 v21, v8;
	v24 =	vld [tilespmem:s28+$0x460]  }
0x1ba: {  	v27 =	vld [tilespmem:s10+$0x470];
	[tilespmem:s28+$0x400] =	vst v20;
	v20 =	vadd.f32 v25, v4  }
0x1bb: {  	v25 =	vld [tilespmem:s10+$0x0];
	[tilespmem:s28+$0x410] =	vst v21;
	v21 =	vadd.f32 v26, v5  }
0x1bc: {  	v26 =	vld [tilespmem:s10+$0x10];
	[tilespmem:s28+$0x420] =	vst v20;
	v20 =	vadd.f32 v22, v6  }
0x1bd: {  	v22 =	vld [tilespmem:s10+$0x20];
	[tilespmem:s28+$0x430] =	vst v21;
	v21 =	vadd.f32 v23, v7  }
0x1be: {  	v23 =	vld [tilespmem:s10+$0x30];
	[tilespmem:s28+$0x440] =	vst v20;
	v20 =	vadd.f32 v24, v9  }
0x1bf: {  	v24 =	vld [tilespmem:s10+$0x40];
	v19 =	vadd.f32 v27, v19;
	[tilespmem:s28+$0x450] =	vst v21  }
0x1c0: {  	v18 =	vadd.f32 v25, v18;
	v21 =	vld [tilespmem:s10+$0x50];
	[tilespmem:s28+$0x460] =	vst v20  }
0x1c1: {  	v17 =	vadd.f32 v26, v17;
	v20 =	vld [tilespmem:s10+$0x60];
	[tilespmem:s10+$0x470] =	vst v19  }
0x1c2: {  	[tilespmem:s10+$0x0] =	vst v18;
	v16 =	vadd.f32 v22, v16;
	v18 =	vld [tilespmem:s10+$0x70]  }
0x1c3: {  	[tilespmem:s10+$0x10] =	vst v17;
	v15 =	vadd.f32 v23, v15;
	v17 =	vld [tilespmem:s10+$0x400]  }
0x1c4: {  	[tilespmem:s10+$0x20] =	vst v16;
	v14 =	vadd.f32 v24, v14;
	v16 =	vld [tilespmem:s10+$0x410]  }
0x1c5: {  	[tilespmem:s10+$0x30] =	vst v15;
	v13 =	vadd.f32 v21, v13;
	v15 =	vld [tilespmem:s10+$0x420]  }
0x1c6: {  	[tilespmem:s10+$0x40] =	vst v14;
	v12 =	vadd.f32 v20, v12;
	v14 =	vld [tilespmem:s10+$0x430]  }
0x1c7: {  	[tilespmem:s10+$0x50] =	vst v13;
	v11 =	vadd.f32 v18, v11;
	v13 =	vld [tilespmem:s10+$0x440]  }
0x1c8: {  	[tilespmem:s10+$0x60] =	vst v12;
	v10 =	vadd.f32 v17, v10;
	v12 =	vld [tilespmem:s10+$0x450]  }
0x1c9: {  	[tilespmem:s10+$0x70] =	vst v11;
	v8 =	vadd.f32 v16, v8;
	v11 =	vld [tilespmem:s10+$0x460]  }
0x1ca: {  	[tilespmem:s10+$0x400] =	vst v10;
	v4 =	vadd.f32 v15, v4  }
0x1cb: {  	[tilespmem:s10+$0x410] =	vst v8;
	v5 =	vadd.f32 v14, v5  }
0x1cc: {  	[tilespmem:s10+$0x420] =	vst v4;
	v4 =	vadd.f32 v13, v6  }
0x1cd: {  	[tilespmem:s10+$0x430] =	vst v5;
	v5 =	vadd.f32 v12, v7  }
0x1ce: {  	[tilespmem:s10+$0x440] =	vst v4;
	v4 =	vadd.f32 v11, v9  }
0x1cf: {  	[tilespmem:s10+$0x450] =	vst v5  }
0x1d0: {  	[tilespmem:s10+$0x460] =	vst v4  }
0x1d1: {  	v18 =	vld [tilespmem:$0x3E00]  }
0x1d2: {  	v17 =	vld [tilespmem:$0x3E10]  }
0x1d3: {  	v16 =	vld [tilespmem:$0x3E20]  }
0x1d4: {  	v15 =	vld [tilespmem:$0x3E30]  }
0x1d5: {  	v14 =	vld [tilespmem:$0x3E40]  }
0x1d6: {  	v13 =	vld [tilespmem:$0x3E50]  }
0x1d7: {  	v12 =	vld [tilespmem:$0x3E60]  }
0x1d8: {  	v11 =	vld [tilespmem:$0x3E70]  }
0x1d9: {  	v10 =	vld [tilespmem:$0x3E80]  }
0x1da: {  	v9 =	vld [tilespmem:$0x3E90]  }
0x1db: {  	s19 =	simm.s32 $0x0;
	v5 =	vld [tilespmem:$0x3EA0]  }
0x1dc: {  	s20 =	smul.u32 $0x6000, s19;
	v6 =	vld [tilespmem:$0x3EB0]  }
0x1dd: {  	v7 =	vld [tilespmem:$0x3EC0]  }
0x1de: {  	s13 =	sshra.s32 s20, $0x2;
	s10 =	simm.s32 $0x0;
	v4 =	vld [tilespmem:$0x3ED0]  }
0x1df: {  	s13 =	sadd.s32 s13, s26;
	v8 =	vld [tilespmem:$0x3EE0];
	s21 =	sand.u32 $0x380, s10  }
0x1e0: {  	v19 =	vld [tilespmem:$0x3EF0];
	s28 =	sadd.s32 s21, s13  }
0x1e1: {  	v20 =	vld [tilespmem:s28+$0xC70]  }
0x1e2: {  	v21 =	vld [tilespmem:s28+$0x800]  }
0x1e3: {  	v24 =	vld [tilespmem:s28+$0x810]  }
0x1e4: {  	v25 =	vld [tilespmem:s28+$0x820]  }
0x1e5: {  	v26 =	vld [tilespmem:s28+$0x830]  }
0x1e6: {  	v27 =	vld [tilespmem:s28+$0x840];
	v20 =	vadd.f32 v20, v19  }
0x1e7: {  	v22 =	vld [tilespmem:s28+$0x850];
	v21 =	vadd.f32 v21, v18  }
0x1e8: {  	v23 =	vld [tilespmem:s28+$0x860];
	[tilespmem:s28+$0xC70] =	vst v20;
	v20 =	vadd.f32 v24, v17  }
0x1e9: {  	[tilespmem:s28+$0x800] =	vst v21;
	v24 =	vld [tilespmem:s28+$0x870];
	v21 =	vadd.f32 v25, v16  }
0x1ea: {  	v25 =	vadd.f32 v26, v15;
	[tilespmem:s28+$0x810] =	vst v20;
	v20 =	vld [tilespmem:s28+$0xC00]  }
0x1eb: {  	s18 =	simm.s32 $0x0;
	s13 =	simm.s32 $0x2;
	v26 =	vadd.f32 v27, v14;
	[tilespmem:s28+$0x820] =	vst v21;
	v21 =	vld [tilespmem:s28+$0xC10]  }
.LBB2_12:
0x1ec: {  	p1 =	sne.s32 s13, $0x1F;
	s18 =	smul.u32 $0x6000, s18;
	[tilespmem:s28+$0x830] =	vst v25;
	v22 =	vadd.f32 v22, v13;
	v25 =	vld [tilespmem:s28+$0xC20]  }
0x1ed: {  	[tilespmem:s28+$0x840] =	vst v26;
	v23 =	vadd.f32 v23, v12;
	v26 =	vld [tilespmem:s28+$0xC30]  }
0x1ee: {  	s10 =	sadd.s32 $0x80, s10;
	s18 =	sshra.s32 s18, $0x2;
	[tilespmem:s28+$0x850] =	vst v22;
	v22 =	vadd.f32 v24, v11;
	v24 =	vld [tilespmem:s28+$0xC40]  }
0x1ef: {  	s19 =	sand.u32 $0x380, s10;
	s18 =	sadd.s32 s18, s26;
	[tilespmem:s28+$0x860] =	vst v23;
	v20 =	vadd.f32 v20, v10;
	v23 =	vld [tilespmem:s28+$0xC50]  }
0x1f0: {  	s18 =	sadd.s32 s19, s18;
	[tilespmem:s28+$0x870] =	vst v22;
	v21 =	vadd.f32 v21, v9;
	v22 =	vld [tilespmem:s28+$0xC60]  }
0x1f1: {  	v27 =	vld [tilespmem:s18+$0xC70];
	[tilespmem:s28+$0xC00] =	vst v20;
	v20 =	vadd.f32 v25, v5  }
0x1f2: {  	v25 =	vld [tilespmem:s18+$0x800];
	[tilespmem:s28+$0xC10] =	vst v21;
	v21 =	vadd.f32 v26, v6  }
0x1f3: {  	v26 =	vld [tilespmem:s18+$0x810];
	[tilespmem:s28+$0xC20] =	vst v20;
	v20 =	vadd.f32 v24, v7  }
0x1f4: {  	v24 =	vld [tilespmem:s18+$0x820];
	[tilespmem:s28+$0xC30] =	vst v21;
	v21 =	vadd.f32 v23, v4  }
0x1f5: {  	v28 =	vld [tilespmem:s18+$0x830];
	[tilespmem:s28+$0xC40] =	vst v20;
	v20 =	vadd.f32 v22, v8  }
0x1f6: {  	v29 =	vld [tilespmem:s18+$0x840];
	v27 =	vadd.f32 v27, v19;
	[tilespmem:s28+$0xC50] =	vst v21  }
.Ltmp6:
0x1f7: {  	v21 =	vadd.f32 v25, v18;
	v22 =	vld [tilespmem:s18+$0x850];
	[tilespmem:s28+$0xC60] =	vst v20;
	s28 =	smov.u32 s18;
	(pc) =	sbr.rel @p1 .LBB2_12-.Ltmp6, $4  }
0x1f8: {  	v20 =	vadd.f32 v26, v17;
	v23 =	vld [tilespmem:s28+$0x860];
	[tilespmem:s28+$0xC70] =	vst v27  }
0x1f9: {  	[tilespmem:s28+$0x800] =	vst v21;
	v21 =	vadd.f32 v24, v16;
	v24 =	vld [tilespmem:s28+$0x870]  }
0x1fa: {  	[tilespmem:s28+$0x810] =	vst v20;
	v25 =	vadd.f32 v28, v15;
	v20 =	vld [tilespmem:s28+$0xC00]  }
0x1fb: {  	s18 =	sshrl.u32 s13, $0x3;
	s13 =	sadd.s32 $0x1, s13;
	[tilespmem:s28+$0x820] =	vst v21;
	v26 =	vadd.f32 v29, v14;
	v21 =	vld [tilespmem:s28+$0xC10]  }
0x1fc: {  	[tilespmem:s28+$0x830] =	vst v25;
	v25 =	vld [tilespmem:s28+$0xC20];
	v22 =	vadd.f32 v22, v13;
	s13 =	smul.u32 $0x6000, s18  }
0x1fd: {  	[tilespmem:s28+$0x840] =	vst v26;
	v26 =	vld [tilespmem:s28+$0xC30];
	v23 =	vadd.f32 v23, v12  }
0x1fe: {  	s10 =	sadd.s32 $0x80, s10;
	[tilespmem:s28+$0x850] =	vst v22;
	v22 =	vld [tilespmem:s28+$0xC40];
	v24 =	vadd.f32 v24, v11;
	s13 =	sshra.s32 s13, $0x2  }
0x1ff: {  	s10 =	sand.u32 $0x380, s10;
	[tilespmem:s28+$0x860] =	vst v23;
	v23 =	vld [tilespmem:s28+$0xC50];
	s13 =	sadd.s32 s13, s26;
	v20 =	vadd.f32 v20, v10  }
0x200: {  	[tilespmem:s28+$0x870] =	vst v24;
	s10 =	sadd.s32 s10, s13;
	v21 =	vadd.f32 v21, v9;
	v24 =	vld [tilespmem:s28+$0xC60]  }
0x201: {  	v27 =	vld [tilespmem:s10+$0xC70];
	[tilespmem:s28+$0xC00] =	vst v20;
	v20 =	vadd.f32 v25, v5  }
0x202: {  	v25 =	vld [tilespmem:s10+$0x800];
	[tilespmem:s28+$0xC10] =	vst v21;
	v21 =	vadd.f32 v26, v6  }
0x203: {  	v26 =	vld [tilespmem:s10+$0x810];
	[tilespmem:s28+$0xC20] =	vst v20;
	v20 =	vadd.f32 v22, v7  }
0x204: {  	v22 =	vld [tilespmem:s10+$0x820];
	[tilespmem:s28+$0xC30] =	vst v21;
	v21 =	vadd.f32 v23, v4  }
0x205: {  	v23 =	vld [tilespmem:s10+$0x830];
	[tilespmem:s28+$0xC40] =	vst v20;
	v20 =	vadd.f32 v24, v8  }
0x206: {  	v24 =	vld [tilespmem:s10+$0x840];
	v19 =	vadd.f32 v27, v19;
	[tilespmem:s28+$0xC50] =	vst v21  }
0x207: {  	v18 =	vadd.f32 v25, v18;
	v21 =	vld [tilespmem:s10+$0x850];
	[tilespmem:s28+$0xC60] =	vst v20  }
0x208: {  	v17 =	vadd.f32 v26, v17;
	v20 =	vld [tilespmem:s10+$0x860];
	[tilespmem:s10+$0xC70] =	vst v19  }
0x209: {  	[tilespmem:s10+$0x800] =	vst v18;
	v16 =	vadd.f32 v22, v16;
	v18 =	vld [tilespmem:s10+$0x870]  }
0x20a: {  	[tilespmem:s10+$0x810] =	vst v17;
	v15 =	vadd.f32 v23, v15;
	v17 =	vld [tilespmem:s10+$0xC00]  }
0x20b: {  	[tilespmem:s10+$0x820] =	vst v16;
	v14 =	vadd.f32 v24, v14;
	v16 =	vld [tilespmem:s10+$0xC10]  }
0x20c: {  	[tilespmem:s10+$0x830] =	vst v15;
	v13 =	vadd.f32 v21, v13;
	v15 =	vld [tilespmem:s10+$0xC20]  }
0x20d: {  	[tilespmem:s10+$0x840] =	vst v14;
	v12 =	vadd.f32 v20, v12;
	v14 =	vld [tilespmem:s10+$0xC30]  }
0x20e: {  	[tilespmem:s10+$0x850] =	vst v13;
	v11 =	vadd.f32 v18, v11;
	v13 =	vld [tilespmem:s10+$0xC40]  }
0x20f: {  	[tilespmem:s10+$0x860] =	vst v12;
	v10 =	vadd.f32 v17, v10;
	v12 =	vld [tilespmem:s10+$0xC50]  }
0x210: {  	[tilespmem:s10+$0x870] =	vst v11;
	v9 =	vadd.f32 v16, v9;
	v11 =	vld [tilespmem:s10+$0xC60]  }
0x211: {  	[tilespmem:s10+$0xC00] =	vst v10;
	v5 =	vadd.f32 v15, v5  }
0x212: {  	[tilespmem:s10+$0xC10] =	vst v9;
	v6 =	vadd.f32 v14, v6  }
0x213: {  	[tilespmem:s10+$0xC20] =	vst v5;
	v5 =	vadd.f32 v13, v7  }
0x214: {  	[tilespmem:s10+$0xC30] =	vst v6;
	v4 =	vadd.f32 v12, v4  }
0x215: {  	[tilespmem:s10+$0xC40] =	vst v5;
	v5 =	vadd.f32 v11, v8  }
0x216: {  	[tilespmem:s10+$0xC50] =	vst v4  }
0x217: {  	[tilespmem:s10+$0xC60] =	vst v5  }
0x218: {  	v18 =	vld [tilespmem:$0x3F00]  }
0x219: {  	v17 =	vld [tilespmem:$0x3F10]  }
0x21a: {  	v16 =	vld [tilespmem:$0x3F20]  }
0x21b: {  	v15 =	vld [tilespmem:$0x3F30]  }
0x21c: {  	v14 =	vld [tilespmem:$0x3F40]  }
0x21d: {  	v13 =	vld [tilespmem:$0x3F50]  }
0x21e: {  	v12 =	vld [tilespmem:$0x3F60]  }
0x21f: {  	v11 =	vld [tilespmem:$0x3F70]  }
0x220: {  	v10 =	vld [tilespmem:$0x3F80]  }
0x221: {  	v9 =	vld [tilespmem:$0x3F90]  }
0x222: {  	s19 =	simm.s32 $0x0;
	v5 =	vld [tilespmem:$0x3FA0]  }
0x223: {  	s20 =	smul.u32 $0x6000, s19;
	v6 =	vld [tilespmem:$0x3FB0]  }
0x224: {  	v7 =	vld [tilespmem:$0x3FC0]  }
0x225: {  	s13 =	sshra.s32 s20, $0x2;
	s10 =	simm.s32 $0x0;
	v4 =	vld [tilespmem:$0x3FD0]  }
0x226: {  	s13 =	sadd.s32 s13, s26;
	v8 =	vld [tilespmem:$0x3FE0];
	s21 =	sand.u32 $0x380, s10  }
0x227: {  	v19 =	vld [tilespmem:$0x3FF0];
	s28 =	sadd.s32 s21, s13  }
0x228: {  	v20 =	vld [tilespmem:s28+$0x1470]  }
0x229: {  	v21 =	vld [tilespmem:s28+$0x1000]  }
0x22a: {  	v24 =	vld [tilespmem:s28+$0x1010]  }
0x22b: {  	v25 =	vld [tilespmem:s28+$0x1020]  }
0x22c: {  	v26 =	vld [tilespmem:s28+$0x1030]  }
0x22d: {  	v27 =	vld [tilespmem:s28+$0x1040];
	v20 =	vadd.f32 v20, v19  }
0x22e: {  	v22 =	vld [tilespmem:s28+$0x1050];
	v21 =	vadd.f32 v21, v18  }
0x22f: {  	v23 =	vld [tilespmem:s28+$0x1060];
	[tilespmem:s28+$0x1470] =	vst v20;
	v20 =	vadd.f32 v24, v17  }
0x230: {  	[tilespmem:s28+$0x1000] =	vst v21;
	v24 =	vld [tilespmem:s28+$0x1070];
	v21 =	vadd.f32 v25, v16  }
0x231: {  	v25 =	vadd.f32 v26, v15;
	[tilespmem:s28+$0x1010] =	vst v20;
	v20 =	vld [tilespmem:s28+$0x1400]  }
0x232: {  	s18 =	simm.s32 $0x0;
	s13 =	simm.s32 $0x2;
	v26 =	vadd.f32 v27, v14;
	[tilespmem:s28+$0x1020] =	vst v21;
	v21 =	vld [tilespmem:s28+$0x1410]  }
.LBB2_14:
0x233: {  	p1 =	sne.s32 s13, $0x1F;
	s18 =	smul.u32 $0x6000, s18;
	[tilespmem:s28+$0x1030] =	vst v25;
	v22 =	vadd.f32 v22, v13;
	v25 =	vld [tilespmem:s28+$0x1420]  }
0x234: {  	[tilespmem:s28+$0x1040] =	vst v26;
	v23 =	vadd.f32 v23, v12;
	v26 =	vld [tilespmem:s28+$0x1430]  }
0x235: {  	s10 =	sadd.s32 $0x80, s10;
	s18 =	sshra.s32 s18, $0x2;
	[tilespmem:s28+$0x1050] =	vst v22;
	v22 =	vadd.f32 v24, v11;
	v24 =	vld [tilespmem:s28+$0x1440]  }
0x236: {  	s19 =	sand.u32 $0x380, s10;
	s18 =	sadd.s32 s18, s26;
	[tilespmem:s28+$0x1060] =	vst v23;
	v20 =	vadd.f32 v20, v10;
	v23 =	vld [tilespmem:s28+$0x1450]  }
0x237: {  	s18 =	sadd.s32 s19, s18;
	[tilespmem:s28+$0x1070] =	vst v22;
	v21 =	vadd.f32 v21, v9;
	v22 =	vld [tilespmem:s28+$0x1460]  }
0x238: {  	v27 =	vld [tilespmem:s18+$0x1470];
	[tilespmem:s28+$0x1400] =	vst v20;
	v20 =	vadd.f32 v25, v5  }
0x239: {  	v25 =	vld [tilespmem:s18+$0x1000];
	[tilespmem:s28+$0x1410] =	vst v21;
	v21 =	vadd.f32 v26, v6  }
0x23a: {  	v26 =	vld [tilespmem:s18+$0x1010];
	[tilespmem:s28+$0x1420] =	vst v20;
	v20 =	vadd.f32 v24, v7  }
0x23b: {  	v24 =	vld [tilespmem:s18+$0x1020];
	[tilespmem:s28+$0x1430] =	vst v21;
	v21 =	vadd.f32 v23, v4  }
0x23c: {  	v28 =	vld [tilespmem:s18+$0x1030];
	[tilespmem:s28+$0x1440] =	vst v20;
	v20 =	vadd.f32 v22, v8  }
0x23d: {  	v29 =	vld [tilespmem:s18+$0x1040];
	v27 =	vadd.f32 v27, v19;
	[tilespmem:s28+$0x1450] =	vst v21  }
.Ltmp7:
0x23e: {  	v21 =	vadd.f32 v25, v18;
	v22 =	vld [tilespmem:s18+$0x1050];
	[tilespmem:s28+$0x1460] =	vst v20;
	s28 =	smov.u32 s18;
	(pc) =	sbr.rel @p1 .LBB2_14-.Ltmp7, $4  }
0x23f: {  	v20 =	vadd.f32 v26, v17;
	v23 =	vld [tilespmem:s28+$0x1060];
	[tilespmem:s28+$0x1470] =	vst v27  }
0x240: {  	[tilespmem:s28+$0x1000] =	vst v21;
	v21 =	vadd.f32 v24, v16;
	v24 =	vld [tilespmem:s28+$0x1070]  }
0x241: {  	[tilespmem:s28+$0x1010] =	vst v20;
	v25 =	vadd.f32 v28, v15;
	v20 =	vld [tilespmem:s28+$0x1400]  }
0x242: {  	s18 =	sshrl.u32 s13, $0x3;
	s13 =	sadd.s32 $0x1, s13;
	[tilespmem:s28+$0x1020] =	vst v21;
	v26 =	vadd.f32 v29, v14;
	v21 =	vld [tilespmem:s28+$0x1410]  }
0x243: {  	[tilespmem:s28+$0x1030] =	vst v25;
	v33 =	vld [tilespmem:s28+$0x1420];
	v22 =	vadd.f32 v22, v13;
	s13 =	smul.u32 $0x6000, s18  }
0x244: {  	v34 =	vld [tilespmem:s28+$0x1430];
	[tilespmem:s28+$0x1040] =	vst v26;
	v23 =	vadd.f32 v23, v12  }
0x245: {  	v35 =	vld [tilespmem:s28+$0x1440];
	s10 =	sadd.s32 $0x80, s10;
	[tilespmem:s28+$0x1050] =	vst v22;
	v24 =	vadd.f32 v24, v11;
	s13 =	sshra.s32 s13, $0x2  }
0x246: {  	v36 =	vld [tilespmem:s28+$0x1450];
	s10 =	sand.u32 $0x380, s10;
	[tilespmem:s28+$0x1060] =	vst v23;
	s13 =	sadd.s32 s13, s26;
	v20 =	vadd.f32 v20, v10  }
0x247: {  	v37 =	vld [tilespmem:s28+$0x1460];
	[tilespmem:s28+$0x1070] =	vst v24;
	s10 =	sadd.s32 s10, s13;
	v21 =	vadd.f32 v21, v9  }
0x248: {  	v27 =	vld [tilespmem:s10+$0x1470];
	[tilespmem:s28+$0x1400] =	vst v20;
	v38 =	vadd.f32 v33, v5  }
0x249: {  	v39 =	vld [tilespmem:s10+$0x1000];
	v40 =	vadd.f32 v34, v6;
	[tilespmem:s28+$0x1410] =	vst v21  }
0x24a: {  	v41 =	vld [tilespmem:s10+$0x1010];
	v42 =	vadd.f32 v35, v7;
	[tilespmem:s28+$0x1420] =	vst v38  }
0x24b: {  	v43 =	vld [tilespmem:s10+$0x1020];
	v44 =	vadd.f32 v36, v4;
	[tilespmem:s28+$0x1430] =	vst v40  }
0x24c: {  	v45 =	vld [tilespmem:s10+$0x1030];
	v46 =	vadd.f32 v37, v8;
	[tilespmem:s28+$0x1440] =	vst v42  }
0x24d: {  	v47 =	vld [tilespmem:s10+$0x1040];
	[tilespmem:s28+$0x1450] =	vst v44;
	v19 =	vadd.f32 v27, v19  }
0x24e: {  	v48 =	vld [tilespmem:s10+$0x1050];
	[tilespmem:s28+$0x1460] =	vst v46;
	v18 =	vadd.f32 v39, v18  }
0x24f: {  	v49 =	vld [tilespmem:s10+$0x1060];
	v17 =	vadd.f32 v41, v17;
	[tilespmem:s10+$0x1470] =	vst v19  }
0x250: {  	v50 =	vld [tilespmem:s10+$0x1070];
	v16 =	vadd.f32 v43, v16;
	[tilespmem:s10+$0x1000] =	vst v18  }
0x251: {  	v51 =	vld [tilespmem:s10+$0x1400];
	v15 =	vadd.f32 v45, v15;
	[tilespmem:s10+$0x1010] =	vst v17  }
0x252: {  	v52 =	vld [tilespmem:s10+$0x1410];
	v14 =	vadd.f32 v47, v14;
	[tilespmem:s10+$0x1020] =	vst v16  }
0x253: {  	v54 =	vld [tilespmem:s10+$0x1420];
	v53 =	vadd.f32 v48, v13;
	[tilespmem:s10+$0x1030] =	vst v15  }
0x254: {  	v56 =	vld [tilespmem:s10+$0x1430];
	v55 =	vadd.f32 v49, v12;
	[tilespmem:s10+$0x1040] =	vst v14  }
0x255: {  	v58 =	vld [tilespmem:s10+$0x1440];
	v57 =	vadd.f32 v50, v11;
	[tilespmem:s10+$0x1050] =	vst v53  }
0x256: {  	v60 =	vld [tilespmem:s10+$0x1450];
	v59 =	vadd.f32 v51, v10;
	[tilespmem:s10+$0x1060] =	vst v55  }
0x257: {  	v62 =	vld [tilespmem:s10+$0x1460];
	v61 =	vadd.f32 v52, v9;
	[tilespmem:s10+$0x1070] =	vst v57  }
0x258: {  	v5 =	vadd.f32 v54, v5;
	[tilespmem:s10+$0x1400] =	vst v59  }
0x259: {  	v63 =	vadd.f32 v56, v6;
	[tilespmem:s10+$0x1410] =	vst v61  }
0x25a: {  	[tilespmem:s10+$0x1420] =	vst v5;
	v5 =	vadd.f32 v58, v7  }
0x25b: {  	v4 =	vadd.f32 v60, v4;
	[tilespmem:s10+$0x1430] =	vst v63  }
0x25c: {  	[tilespmem:s10+$0x1440] =	vst v5;
	v5 =	vadd.f32 v62, v8  }
0x25d: {  	[tilespmem:s10+$0x1450] =	vst v4  }
0x25e: {  	[tilespmem:s10+$0x1460] =	vst v5  }
0x25f: {  	v4 =	vld [tilespmem:s1+$0x2400];
	_ =	sdelay $0x4  }
0x260: {  	v5 =	vperm.xlane v4, v0;
	_ =	sdelay $0x1  }
0x261: {  	v4 =	vperm.xlane v4, v2;
	v5 =	vadd.s32 v1, v5;
	_ =	sdelay $0x1  }
0x262: {  	v4 =	vadd.s32 v1, v4;
	_ =	sdelay $0x1  }
0x263: {  	s3 =	sadd.s32 $0x5, s3  }
0x264: {  	[hbm4b:s5+s6] =	stream.indirect_vreg.scatter [tilespmem:s26], [sflag:s3], $0x80, v5, vm1, $0xb8;
	[tilespmem:$0x1C000] =	vst v63  }
0x265: {  	s26 =	sadd.s32 $0x5800, s25  }
0x266: {  	[hbm4b:s5+s6] =	stream.indirect_vreg.scatter [tilespmem:s26], [sflag:s3], $0x80, v4, vm1, $0xb8;
	[tilespmem:$0x1C000] =	vst v63  }
0x267: {  	v4 =	vld [tilespmem:s1+$0x2410];
	_ =	sdelay $0x4  }
0x268: {  	v5 =	vperm.xlane v4, v0;
	_ =	sdelay $0x1  }
0x269: {  	v4 =	vperm.xlane v4, v2;
	v5 =	vadd.s32 v1, v5;
	_ =	sdelay $0x1  }
0x26a: {  	v4 =	vadd.s32 v1, v4;
	_ =	sdelay $0x1  }
0x26b: {  	s28 =	sadd.s32 $0x7000, s25  }
0x26c: {  	[hbm4b:s5+s6] =	stream.indirect_vreg.scatter [tilespmem:s28], [sflag:s3], $0x80, v5, vm1, $0xb8;
	[tilespmem:$0x1C000] =	vst v63  }
0x26d: {  	s13 =	sadd.s32 $0x8800, s25  }
0x26e: {  	[hbm4b:s5+s6] =	stream.indirect_vreg.scatter [tilespmem:s13], [sflag:s3], $0x80, v4, vm1, $0xb8;
	[tilespmem:$0x1C000] =	vst v63  }
0x26f: {  	v4 =	vld [tilespmem:s1+$0x2480];
	_ =	sdelay $0x4  }
0x270: {  	v5 =	vperm.xlane v4, v0;
	_ =	sdelay $0x1  }
0x271: {  	v4 =	vperm.xlane v4, v2;
	v5 =	vadd.s32 v1, v5;
	_ =	sdelay $0x1  }
0x272: {  	v4 =	vadd.s32 v1, v4;
	_ =	sdelay $0x1  }
0x273: {  	s18 =	sadd.s32 $0x4400, s25  }
0x274: {  	[hbm4b:s5+s6] =	stream.indirect_vreg.scatter [tilespmem:s18], [sflag:s3], $0x80, v5, vm1, $0xb8;
	[tilespmem:$0x1C000] =	vst v63  }
0x275: {  	s19 =	sadd.s32 $0x5C00, s25  }
0x276: {  	[hbm4b:s5+s6] =	stream.indirect_vreg.scatter [tilespmem:s19], [sflag:s3], $0x80, v4, vm1, $0xb8;
	[tilespmem:$0x1C000] =	vst v63  }
0x277: {  	v4 =	vld [tilespmem:s1+$0x2490];
	_ =	sdelay $0x4  }
0x278: {  	v5 =	vperm.xlane v4, v0;
	_ =	sdelay $0x1  }
0x279: {  	v4 =	vperm.xlane v4, v2;
	v5 =	vadd.s32 v1, v5;
	_ =	sdelay $0x1  }
0x27a: {  	v4 =	vadd.s32 v1, v4;
	_ =	sdelay $0x1  }
0x27b: {  	s20 =	sadd.s32 $0x7400, s25  }
0x27c: {  	[hbm4b:s5+s6] =	stream.indirect_vreg.scatter [tilespmem:s20], [sflag:s3], $0x80, v5, vm1, $0xb8;
	[tilespmem:$0x1C000] =	vst v63  }
0x27d: {  	s21 =	sadd.s32 $0x8C00, s25  }
0x27e: {  	[hbm4b:s5+s6] =	stream.indirect_vreg.scatter [tilespmem:s21], [sflag:s3], $0x80, v4, vm1, $0xb8;
	[tilespmem:$0x1C000] =	vst v63  }
0x27f: {  	v4 =	vld [tilespmem:s1+$0x2500];
	_ =	sdelay $0x4  }
0x280: {  	v5 =	vperm.xlane v4, v0;
	_ =	sdelay $0x1  }
0x281: {  	v4 =	vperm.xlane v4, v2;
	v5 =	vadd.s32 v1, v5;
	_ =	sdelay $0x1  }
0x282: {  	v4 =	vadd.s32 v1, v4;
	_ =	sdelay $0x1  }
0x283: {  	s26 =	sadd.s32 $0x4800, s25  }
0x284: {  	[hbm4b:s5+s6] =	stream.indirect_vreg.scatter [tilespmem:s26], [sflag:s3], $0x80, v5, vm1, $0xb8;
	[tilespmem:$0x1C000] =	vst v63  }
0x285: {  	s28 =	sadd.s32 $0x6000, s25  }
0x286: {  	[hbm4b:s5+s6] =	stream.indirect_vreg.scatter [tilespmem:s28], [sflag:s3], $0x80, v4, vm1, $0xb8;
	[tilespmem:$0x1C000] =	vst v63  }
0x287: {  	v4 =	vld [tilespmem:s1+$0x2510];
	_ =	sdelay $0x4  }
0x288: {  	v5 =	vperm.xlane v4, v0;
	_ =	sdelay $0x1  }
0x289: {  	v4 =	vperm.xlane v4, v2;
	v5 =	vadd.s32 v1, v5;
	_ =	sdelay $0x1  }
0x28a: {  	v4 =	vadd.s32 v1, v4;
	_ =	sdelay $0x1  }
0x28b: {  	s13 =	sadd.s32 $0x7800, s25  }
0x28c: {  	[hbm4b:s5+s6] =	stream.indirect_vreg.scatter [tilespmem:s13], [sflag:s3], $0x80, v5, vm1, $0xb8;
	[tilespmem:$0x1C000] =	vst v63  }
0x28d: {  	s18 =	sadd.s32 $0x9000, s25  }
0x28e: {  	[hbm4b:s5+s6] =	stream.indirect_vreg.scatter [tilespmem:s18], [sflag:s3], $0x80, v4, vm1, $0xb8;
	[tilespmem:$0x1C000] =	vst v63  }
0x28f: {  	v4 =	vld [tilespmem:s1+$0x2580];
	_ =	sdelay $0x4  }
0x290: {  	v5 =	vperm.xlane v4, v0;
	_ =	sdelay $0x1  }
0x291: {  	v4 =	vperm.xlane v4, v2;
	v5 =	vadd.s32 v1, v5;
	_ =	sdelay $0x1  }
0x292: {  	v4 =	vadd.s32 v1, v4;
	_ =	sdelay $0x1  }
0x293: {  	s19 =	sadd.s32 $0x4C00, s25  }
0x294: {  	[hbm4b:s5+s6] =	stream.indirect_vreg.scatter [tilespmem:s19], [sflag:s3], $0x80, v5, vm1, $0xb8;
	[tilespmem:$0x1C000] =	vst v63  }
0x295: {  	s20 =	sadd.s32 $0x6400, s25  }
0x296: {  	[hbm4b:s5+s6] =	stream.indirect_vreg.scatter [tilespmem:s20], [sflag:s3], $0x80, v4, vm1, $0xb8;
	[tilespmem:$0x1C000] =	vst v63  }
0x297: {  	v4 =	vld [tilespmem:s1+$0x2590];
	_ =	sdelay $0x4  }
0x298: {  	v5 =	vperm.xlane v4, v0;
	_ =	sdelay $0x1  }
0x299: {  	v4 =	vperm.xlane v4, v2;
	v5 =	vadd.s32 v1, v5;
	_ =	sdelay $0x1  }
0x29a: {  	v4 =	vadd.s32 v1, v4;
	_ =	sdelay $0x1  }
0x29b: {  	s21 =	sadd.s32 $0x7C00, s25  }
0x29c: {  	[hbm4b:s5+s6] =	stream.indirect_vreg.scatter [tilespmem:s21], [sflag:s3], $0x80, v5, vm1, $0xb8;
	[tilespmem:$0x1C000] =	vst v63  }
0x29d: {  	s26 =	sadd.s32 $0x9400, s25  }
0x29e: {  	[hbm4b:s5+s6] =	stream.indirect_vreg.scatter [tilespmem:s26], [sflag:s3], $0x80, v4, vm1, $0xb8;
	[tilespmem:$0x1C000] =	vst v63  }
0x29f: {  	v4 =	vld [tilespmem:s1+$0x2600];
	_ =	sdelay $0x4  }
0x2a0: {  	v5 =	vperm.xlane v4, v0;
	_ =	sdelay $0x1  }
0x2a1: {  	v4 =	vperm.xlane v4, v2;
	v5 =	vadd.s32 v1, v5;
	_ =	sdelay $0x1  }
0x2a2: {  	v4 =	vadd.s32 v1, v4;
	_ =	sdelay $0x1  }
0x2a3: {  	s28 =	sadd.s32 $0x5000, s25  }
0x2a4: {  	[hbm4b:s5+s6] =	stream.indirect_vreg.scatter [tilespmem:s28], [sflag:s3], $0x80, v5, vm1, $0xb8;
	[tilespmem:$0x1C000] =	vst v63  }
0x2a5: {  	s13 =	sadd.s32 $0x6800, s25  }
0x2a6: {  	[hbm4b:s5+s6] =	stream.indirect_vreg.scatter [tilespmem:s13], [sflag:s3], $0x80, v4, vm1, $0xb8;
	[tilespmem:$0x1C000] =	vst v63  }
0x2a7: {  	v4 =	vld [tilespmem:s1+$0x2610];
	_ =	sdelay $0x4  }
0x2a8: {  	v5 =	vperm.xlane v4, v0;
	_ =	sdelay $0x1  }
0x2a9: {  	v4 =	vperm.xlane v4, v2;
	v5 =	vadd.s32 v1, v5;
	_ =	sdelay $0x1  }
0x2aa: {  	v4 =	vadd.s32 v1, v4;
	_ =	sdelay $0x1  }
0x2ab: {  	s18 =	sadd.s32 $0x8000, s25  }
0x2ac: {  	[hbm4b:s5+s6] =	stream.indirect_vreg.scatter [tilespmem:s18], [sflag:s3], $0x80, v5, vm1, $0xb8;
	[tilespmem:$0x1C000] =	vst v63  }
0x2ad: {  	s19 =	sadd.s32 $0x9800, s25  }
0x2ae: {  	[hbm4b:s5+s6] =	stream.indirect_vreg.scatter [tilespmem:s19], [sflag:s3], $0x80, v4, vm1, $0xb8;
	[tilespmem:$0x1C000] =	vst v63  }
0x2af: {  	v4 =	vld [tilespmem:s1+$0x2680];
	_ =	sdelay $0x4  }
0x2b0: {  	v5 =	vperm.xlane v4, v0;
	_ =	sdelay $0x1  }
0x2b1: {  	v4 =	vperm.xlane v4, v2;
	v5 =	vadd.s32 v1, v5;
	_ =	sdelay $0x1  }
0x2b2: {  	v4 =	vadd.s32 v1, v4;
	_ =	sdelay $0x1  }
0x2b3: {  	s20 =	sadd.s32 $0x5400, s25  }
0x2b4: {  	[hbm4b:s5+s6] =	stream.indirect_vreg.scatter [tilespmem:s20], [sflag:s3], $0x80, v5, vm1, $0xb8;
	[tilespmem:$0x1C000] =	vst v63  }
0x2b5: {  	s21 =	sadd.s32 $0x6C00, s25  }
0x2b6: {  	[hbm4b:s5+s6] =	stream.indirect_vreg.scatter [tilespmem:s21], [sflag:s3], $0x80, v4, vm1, $0xb8;
	[tilespmem:$0x1C000] =	vst v63  }
0x2b7: {  	v4 =	vld [tilespmem:s1+$0x2690];
	_ =	sdelay $0x4  }
0x2b8: {  	v5 =	vperm.xlane v4, v0;
	_ =	sdelay $0x1  }
0x2b9: {  	v4 =	vperm.xlane v4, v2;
	v5 =	vadd.s32 v1, v5  }
0x2ba: {  	s31 =	sadd.s32 $0x1, s31  }
0x2bb: {  	p1 =	sne.s32 s31, s9;
	v4 =	vadd.s32 v1, v4  }
.Ltmp8:
0x2bc: {  	_ = 	snop;
	(pc) =	sbr.rel @p1 .LBB2_2-.Ltmp8, $4  }
0x2bd: {  	s26 =	sadd.s32 $0x8400, s25  }
0x2be: {  	[hbm4b:s5+s6] =	stream.indirect_vreg.scatter [tilespmem:s26], [sflag:s3], $0x80, v5, vm1, $0xb8;
	[tilespmem:$0x1C000] =	vst v63  }
0x2bf: {  	s28 =	sadd.s32 $0x9C00, s25  }
0x2c0: {  	[hbm4b:s5+s6] =	stream.indirect_vreg.scatter [tilespmem:s28], [sflag:s3], $0x80, v4, vm1, $0xb8;
	[tilespmem:$0x1C000] =	vst v63  }
0x2c1: {  	_ =	swait.ge [sflag:s14], $0x1000  }
0x2c2: {  	[sflag:s14] =	ssyncset.done $0x0  }
0x2c3: {  	[sflag:s14] =	ssyncadd.s32 $0xFFFFF000  }
0x2c4: {  	_ =	swait.ge [sflag:s14], $0x1000  }
0x2c5: {  	[sflag:s14] =	ssyncset.done $0x0  }
0x2c6: {  	[sflag:s14] =	ssyncadd.s32 $0xFFFFF000  }
0x2c7: {  	_ =	swait.ge [sflag:s14], $0x1000  }
0x2c8: {  	[sflag:s14] =	ssyncset.done $0x0  }
0x2c9: {  	[sflag:s14] =	ssyncadd.s32 $0xFFFFF000  }
0x2ca: {  	_ =	swait.ge [sflag:s14], $0x1000  }
0x2cb: {  	[sflag:s14] =	ssyncset.done $0x0  }
0x2cc: {  	[sflag:s14] =	ssyncadd.s32 $0xFFFFF000  }
0x2cd: {  	_ =	swait.ge [sflag:s14], $0x1000  }
0x2ce: {  	[sflag:s14] =	ssyncset.done $0x0  }
0x2cf: {  	[sflag:s14] =	ssyncadd.s32 $0xFFFFF000  }
0x2d0: {  	_ =	swait.ge [sflag:s14], $0x1000  }
0x2d1: {  	[sflag:s14] =	ssyncset.done $0x0  }
0x2d2: {  	[sflag:s14] =	ssyncadd.s32 $0xFFFFF000  }
0x2d3: {  	_ =	swait.ge [sflag:s15], $0x1000  }
0x2d4: {  	[sflag:s15] =	ssyncset.done $0x0  }
0x2d5: {  	[sflag:s15] =	ssyncadd.s32 $0xFFFFF000  }
0x2d6: {  	_ =	swait.ge [sflag:s15], $0x1000  }
0x2d7: {  	[sflag:s15] =	ssyncset.done $0x0  }
0x2d8: {  	[sflag:s15] =	ssyncadd.s32 $0xFFFFF000  }
0x2d9: {  	_ =	swait.ge [sflag:s15], $0x1000  }
0x2da: {  	[sflag:s15] =	ssyncset.done $0x0  }
0x2db: {  	[sflag:s15] =	ssyncadd.s32 $0xFFFFF000  }
0x2dc: {  	_ =	swait.ge [sflag:s15], $0x1000  }
0x2dd: {  	[sflag:s15] =	ssyncset.done $0x0  }
0x2de: {  	[sflag:s15] =	ssyncadd.s32 $0xFFFFF000  }
0x2df: {  	_ =	swait.ge [sflag:s15], $0x1000  }
0x2e0: {  	[sflag:s15] =	ssyncset.done $0x0  }
0x2e1: {  	[sflag:s15] =	ssyncadd.s32 $0xFFFFF000  }
0x2e2: {  	_ =	swait.ge [sflag:s15], $0x1000  }
0x2e3: {  	[sflag:s15] =	ssyncset.done $0x0  }
0x2e4: {  	[sflag:s15] =	ssyncadd.s32 $0xFFFFF000  }
0x2e5: {  	_ =	swait.ge [sflag:s16], $0x1000  }
0x2e6: {  	[sflag:s16] =	ssyncset.done $0x0  }
0x2e7: {  	[sflag:s16] =	ssyncadd.s32 $0xFFFFF000  }
0x2e8: {  	_ =	swait.ge [sflag:s16], $0x1000  }
0x2e9: {  	[sflag:s16] =	ssyncset.done $0x0  }
0x2ea: {  	[sflag:s16] =	ssyncadd.s32 $0xFFFFF000  }
0x2eb: {  	_ =	swait.ge [sflag:s16], $0x1000  }
0x2ec: {  	[sflag:s16] =	ssyncset.done $0x0  }
0x2ed: {  	[sflag:s16] =	ssyncadd.s32 $0xFFFFF000  }
0x2ee: {  	_ =	swait.ge [sflag:s16], $0x1000  }
0x2ef: {  	[sflag:s16] =	ssyncset.done $0x0  }
0x2f0: {  	[sflag:s16] =	ssyncadd.s32 $0xFFFFF000  }
0x2f1: {  	_ =	swait.ge [sflag:s16], $0x1000  }
0x2f2: {  	[sflag:s16] =	ssyncset.done $0x0  }
0x2f3: {  	[sflag:s16] =	ssyncadd.s32 $0xFFFFF000  }
0x2f4: {  	_ =	swait.ge [sflag:s16], $0x1000  }
0x2f5: {  	[sflag:s16] =	ssyncset.done $0x0  }
0x2f6: {  	[sflag:s16] =	ssyncadd.s32 $0xFFFFF000  }
0x2f7: {  	_ =	swait.ge [sflag:s17], $0x1000  }
0x2f8: {  	[sflag:s17] =	ssyncset.done $0x0  }
0x2f9: {  	[sflag:s17] =	ssyncadd.s32 $0xFFFFF000  }
0x2fa: {  	_ =	swait.ge [sflag:s17], $0x1000  }
0x2fb: {  	[sflag:s17] =	ssyncset.done $0x0  }
0x2fc: {  	[sflag:s17] =	ssyncadd.s32 $0xFFFFF000  }
0x2fd: {  	_ =	swait.ge [sflag:s17], $0x1000  }
0x2fe: {  	[sflag:s17] =	ssyncset.done $0x0  }
0x2ff: {  	[sflag:s17] =	ssyncadd.s32 $0xFFFFF000  }
0x300: {  	_ =	swait.ge [sflag:s17], $0x1000  }
0x301: {  	[sflag:s17] =	ssyncset.done $0x0  }
0x302: {  	[sflag:s17] =	ssyncadd.s32 $0xFFFFF000  }
0x303: {  	_ =	swait.ge [sflag:s17], $0x1000  }
0x304: {  	[sflag:s17] =	ssyncset.done $0x0  }
0x305: {  	[sflag:s17] =	ssyncadd.s32 $0xFFFFF000  }
0x306: {  	_ =	swait.ge [sflag:s17], $0x1000  }
0x307: {  	s30 =	sadd.s32 $0x1, s30;
	s1 =	rddreg [dreg:$0x9]  }
0x308: {  	p1 =	sne.s32 s30, s1  }
.Ltmp9:
0x309: {  	_ = 	snop;
	(pc) =	sbr.rel @p1 .LBB2_1-.Ltmp9, $3  }
0x30a: {  	_ =	sdelay $0x1  }
0x30b: {  	[sflag:s17] =	ssyncset.done $0x0  }
0x30c: {  	[sflag:s17] =	ssyncadd.s32 $0xFFFFF000  }
0x30d: {  	_ =	sfence.sel $0x180000  }
0x30e: {  	[bflag:$0x0] =	sbarrier.arrive $0xFFFF  }
0x30f: {  	_ =	strace $0x90000047  }
0x310: {  	s0 =	stileid.u32;
	[bflag:$0x2] =	sbarrier.arrive $0xFFFF  }
0x311: {  	p0 =	sne.s32 s0, $0x0;
	s0 =	rddreg [dreg:$0x6]  }
0x312: {  	s0 =	sadd.s32 @!p0 $0x100000, s0  }
0x313: {  	[sflag:s0] =	ssyncadd.tile.s32 @!p0 $0x1;
	_ =	shalt  }
.Lfunc_end2:
_tile_overlayer_lowered:
.L_overlay_start_2:
0x314: {  	(tag) =	ssettag $0x2  }
0x315: {  	s0 =	rddreg [dreg:$0x0];
	s2 =	stileid.u32  }
0x316: {  	s1 =	rddreg [dreg:$0x1];
	p0 =	sne.s32 s2, $0x0  }
0x317: {  	s3 =	rddreg [dreg:$0x2];
	[bflag:$0x3] =	sbarrier.arrive $0xFFFF;
	s2 =	simm.s32 @!p0 $0x1C0B  }
0x318: {  	[timem:s3], [sflag:s2] =	dma.local @!p0 [hbm:s0], s1  }
0x319: {  	s0 =	simm.s32 @!p0 $0xB  }
0x31a: {  	_ =	swait.ge @!p0 [sflag:s0], s1  }
0x31b: {  	s1 =	ssub.s32 @!p0 $0x0, s1;
	[sflag:s0] =	ssyncset.done @!p0 $0x0  }
0x31c: {  	[sflag:s0] =	ssyncadd.s32 @!p0 s1  }
0x31d: {  	[bflag:$0x3] =	sbarrier.arrive $0xFFFF  }
0x31e: {  	_ =	shalt  }

</sc_bundles>
